<compile_context>
chip_gen: v7x
topology: tpu7x:2x2x1
jax: 0.10.2.dev20260603
libtpu: 0.0.44.dev20260713+nightly
codegen_flags: <defaults>
</compile_context>

<pallas_src>
import functools

import jax
import jax.numpy as jnp
from jax import lax
from jax.experimental import pallas as pl
from jax.experimental.pallas import tpu as pltpu
from jax.experimental.pallas import tpu_sc as plsc

N = 10000
NPAD = 10240
E = 320000
NC = 2
NS = 16
NT = NC * NS
EPT = E // NT
K = 80
STEPS = EPT // K
HALF = (STEPS - 1) // 2
RPT = NPAD // NS
DW = 128


def _edge_pass(width):
    mesh = plsc.VectorSubcoreMesh(core_axis_name="c", subcore_axis_name="s")

    @functools.partial(
        pl.kernel,
        mesh=mesh,
        out_type=jax.ShapeDtypeStruct((NC, NPAD, width), jnp.float32),
        scratch_types=(
            [pltpu.VMEM((K,), jnp.int32)] * 16
            + [pltpu.VMEM((K, width), jnp.float32)] * 4
            + [pltpu.VMEM_SHARED((NPAD, width), jnp.float32)]
            + [pltpu.SemaphoreType.DMA] * 12
        ),
    )
    def k(g_hbm, src_hbm, dst_hbm, zeros_hbm, out_hbm,
          s0, d0, s1, d1, s2, d2, s3, d3, s4, d4, s5, d5, s6, d6, s7, d7,
          r0, r1, r2, r3, acc,
          g0, g1, g2, g3, i0, i1, i2, i3, i4, i5, i6, i7):
        c = lax.axis_index("c")
        s = lax.axis_index("s")
        tid = c * NS + s
        ebase = pl.multiple_of(tid * EPT, 16)
        pltpu.sync_copy(zeros_hbm, acc.at[pl.ds(s * RPT, RPT)])
        plsc.subcore_barrier()

        def eslice(i):
            return pl.ds(pl.multiple_of(ebase + i * K, 16), K)

        def load_idx(i, sv, dv, sem):
            pltpu.async_copy(src_hbm.at[eslice(i)], sv, sem)
            pltpu.async_copy(dst_hbm.at[eslice(i)], dv, sem)

        def wait_idx(i, sv, dv, sem):
            pltpu.make_async_copy(src_hbm.at[eslice(i)], sv, sem).wait()
            pltpu.make_async_copy(dst_hbm.at[eslice(i)], dv, sem).wait()

        idx = [(s0, d0, i0), (s1, d1, i1), (s2, d2, i2), (s3, d3, i3),
               (s4, d4, i4), (s5, d5, i5), (s6, d6, i6), (s7, d7, i7)]
        rows = [(r0, g0), (r1, g1), (r2, g2), (r3, g3)]

        for cch in range(8):
            sv, dv, sem = idx[cch]
            load_idx(cch, sv, dv, sem)
        for cch in range(4):
            sv, dv, sem = idx[cch]
            rv, gsem = rows[cch]
            wait_idx(cch, sv, dv, sem)
            pltpu.async_copy(g_hbm.at[sv], rv, gsem)

        def step(i, r8):
            sv, dv, sem = idx[r8]
            rv, gsem = rows[r8 % 4]
            svn, dvn, semn = idx[(r8 + 4) % 8]
            pltpu.make_async_copy(g_hbm.at[sv], rv, gsem).wait()
            pltpu.sync_copy(rv, acc.at[dv], add=True)

            @pl.when(i < STEPS - 4)
            def _():
                wait_idx(i + 4, svn, dvn, semn)
                pltpu.async_copy(g_hbm.at[svn], rv, gsem)

            @pl.when(i < STEPS - 8)
            def _():
                load_idx(i + 8, sv, dv, sem)

        def body(i, carry):
            for r8 in range(8):
                @pl.when(lax.rem(i, 8) == r8)
                def _(r8=r8):
                    step(i, r8)
            return carry

        lax.fori_loop(0, STEPS, body, 0)

        plsc.subcore_barrier()
        pltpu.sync_copy(acc.at[pl.ds(s * RPT, RPT)],
                        out_hbm.at[c, pl.ds(s * RPT, RPT)])

    return k


def _deg_pass():
    mesh = plsc.VectorSubcoreMesh(core_axis_name="c", subcore_axis_name="s")

    @functools.partial(
        pl.kernel,
        mesh=mesh,
        out_type=jax.ShapeDtypeStruct((NC, NPAD, DW), jnp.float32),
        scratch_types=(
            [pltpu.VMEM((K,), jnp.int32)] * 8
            + [pltpu.VMEM((K, DW), jnp.float32)]
            + [pltpu.VMEM_SHARED((NPAD, DW), jnp.float32)]
            + [pltpu.SemaphoreType.DMA] * 8
        ),
    )
    def k(dst_hbm, ones_hbm, zeros_hbm, out_hbm,
          d0, d1, d2, d3, d4, d5, d6, d7, ones_v, acc,
          i0, i1, i2, i3, i4, i5, i6, i7):
        c = lax.axis_index("c")
        s = lax.axis_index("s")
        tid = c * NS + s
        ebase = pl.multiple_of(tid * EPT, 16)
        pltpu.sync_copy(zeros_hbm, acc.at[pl.ds(s * RPT, RPT)])
        pltpu.sync_copy(ones_hbm, ones_v)
        plsc.subcore_barrier()

        def eslice(i):
            return pl.ds(pl.multiple_of(ebase + i * K, 16), K)

        idx = [(d0, i0), (d1, i1), (d2, i2), (d3, i3),
               (d4, i4), (d5, i5), (d6, i6), (d7, i7)]

        for cch in range(8):
            dv, sem = idx[cch]
            pltpu.async_copy(dst_hbm.at[eslice(cch)], dv, sem)

        def step(i, r8):
            dv, sem = idx[r8]
            pltpu.make_async_copy(dst_hbm.at[eslice(i)], dv, sem).wait()
            pltpu.sync_copy(ones_v, acc.at[dv], add=True)

            @pl.when(i < STEPS - 8)
            def _():
                pltpu.async_copy(dst_hbm.at[eslice(i + 8)], dv, sem)

        def body(i, carry):
            for r8 in range(8):
                @pl.when(lax.rem(i, 8) == r8)
                def _(r8=r8):
                    step(i, r8)
            return carry

        lax.fori_loop(0, STEPS, body, 0)
        plsc.subcore_barrier()
        pltpu.sync_copy(acc.at[pl.ds(s * RPT, RPT)],
                        out_hbm.at[c, pl.ds(s * RPT, RPT)])

    return k


def _dinv_from(dp_ref):
    deg = dp_ref[0, :, 0] + dp_ref[1, :, 0] + 1.0
    return lax.rsqrt(deg)[:, None]


BS = 1024
GRID = NPAD // BS


def _stage1(x, W1, dp):
    def body(x_ref, w_ref, dp_ref, g_ref, dinv_ref):
        dinv = _dinv_from(dp_ref)
        h = jnp.dot(x_ref[...], w_ref[...], preferred_element_type=jnp.float32)
        g_ref[...] = dinv * h
        dinv_ref[...] = jnp.broadcast_to(dinv, (BS, 128))

    return pl.pallas_call(
        body,
        grid=(GRID,),
        in_specs=[
            pl.BlockSpec((BS, 128), lambda i: (i, 0)),
            pl.BlockSpec((128, 128), lambda i: (0, 0)),
            pl.BlockSpec((2, BS, DW), lambda i: (0, i, 0)),
        ],
        out_specs=[
            pl.BlockSpec((BS, 128), lambda i: (i, 0)),
            pl.BlockSpec((BS, 128), lambda i: (i, 0)),
        ],
        out_shape=[
            jax.ShapeDtypeStruct((NPAD, 128), jnp.float32),
            jax.ShapeDtypeStruct((NPAD, 128), jnp.float32),
        ],
    )(x, W1, dp)


def _stage2(s1, g1, dinv, b1, W2p):
    def body(s_ref, g_ref, dinv_ref, b_ref, w_ref, o_ref):
        dinv_b = dinv_ref[...]
        pre = dinv_b * (s_ref[0] + s_ref[1] + g_ref[...]) + b_ref[...][None, :]
        a = jnp.maximum(pre, 0.0)
        o_ref[...] = dinv_b * jnp.dot(a, w_ref[...],
                                      preferred_element_type=jnp.float32)

    return pl.pallas_call(
        body,
        grid=(GRID,),
        in_specs=[
            pl.BlockSpec((2, BS, 128), lambda i: (0, i, 0)),
            pl.BlockSpec((BS, 128), lambda i: (i, 0)),
            pl.BlockSpec((BS, 128), lambda i: (i, 0)),
            pl.BlockSpec((128,), lambda i: (0,)),
            pl.BlockSpec((128, 128), lambda i: (0, 0)),
        ],
        out_specs=pl.BlockSpec((BS, 128), lambda i: (i, 0)),
        out_shape=jax.ShapeDtypeStruct((NPAD, 128), jnp.float32),
    )(s1, g1, dinv, b1, W2p)


def _stage3(s2, g2, dinv, b2p):
    def body(s_ref, g_ref, dinv_ref, b_ref, o_ref):
        pre = (dinv_ref[...] * (s_ref[0] + s_ref[1] + g_ref[...])
               + b_ref[...][None, :])
        o_ref[...] = jnp.maximum(pre[:, :64], 0.0)

    return pl.pallas_call(
        body,
        grid=(GRID,),
        in_specs=[
            pl.BlockSpec((2, BS, 128), lambda i: (0, i, 0)),
            pl.BlockSpec((BS, 128), lambda i: (i, 0)),
            pl.BlockSpec((BS, 128), lambda i: (i, 0)),
            pl.BlockSpec((128,), lambda i: (0,)),
        ],
        out_specs=pl.BlockSpec((BS, 64), lambda i: (i, 0)),
        out_shape=jax.ShapeDtypeStruct((N, 64), jnp.float32),
    )(s2, g2, dinv, b2p)


def kernel(x, ei, W1, b1, W2, b2):
    src = ei[0]
    dst = ei[1]
    xp = jnp.zeros((NPAD, 128), jnp.float32).at[:N].set(x)

    zeros128 = jnp.zeros((RPT, 128), jnp.float32)
    ones_dw = jnp.ones((K, DW), jnp.float32)
    dp = _deg_pass()(dst, ones_dw, zeros128)

    W2p = jnp.zeros((128, 128), jnp.float32).at[:, :64].set(W2)
    b2p = jnp.zeros((128,), jnp.float32).at[:64].set(b2)

    g1, dinv = _stage1(xp, W1, dp)
    s1 = _edge_pass(128)(g1, src, dst, zeros128)
    g2 = _stage2(s1, g1, dinv, b1, W2p)
    s2 = _edge_pass(128)(g2, src, dst, zeros128)
    return _stage3(s2, g2, dinv, b2p)

# --- scband reference (transcript-rebuilt; emitter-appended) ---
"""Pipeline reference for scband-encoder-44135083933971 (READ-ONLY COPY).

The authoritative reference and input builder live on the scoring server;
editing this copy changes nothing except your own understanding.
"""

import jax, jax.numpy as jnp
import numpy as np

N_NODES = 10000
N_EDGES = 320000
IN_DIM = 128
HID = 128
OUT = 64


def setup_inputs(seed: int = 0) -> dict:
    key = jax.random.key(seed)
    k1, k2, k3, k4, k5, k6 = jax.random.split(key, 6)
    x = jax.random.normal(k1, (N_NODES, IN_DIM), dtype=jnp.float32)
    ei = jax.random.randint(k2, (2, N_EDGES), 0, N_NODES, dtype=jnp.int64 if jax.config.jax_enable_x64 else jnp.int32).astype(jnp.int32)
    # GCNConv layer params (glorot-ish init)
    W1 = jax.random.normal(k3, (IN_DIM, HID), dtype=jnp.float32) * (1.0 / np.sqrt(IN_DIM))
    b1 = jnp.zeros((HID,), dtype=jnp.float32)
    W2 = jax.random.normal(k4, (HID, OUT), dtype=jnp.float32) * (1.0 / np.sqrt(HID))
    b2 = jnp.zeros((OUT,), dtype=jnp.float32)
    return {"x": x, "ei": ei, "W1": W1, "b1": b1, "W2": W2, "b2": b2}


def _gcn_conv(x, ei, W, b):
    # PyG GCNConv: add self-loops, symmetric normalization, linear, scatter-add, bias
    n = x.shape[0]
    loop = jnp.arange(n, dtype=ei.dtype)
    src = jnp.concatenate([ei[0], loop])
    dst = jnp.concatenate([ei[1], loop])
    deg = jnp.zeros((n,), dtype=x.dtype).at[dst].add(1.0)
    dinv = jnp.where(deg > 0, jax.lax.rsqrt(deg), 0.0)
    norm = dinv[src] * dinv[dst]
    h = x @ W
    msg = jnp.take(h, src, axis=0) * norm[:, None]
    out = jnp.zeros((n, W.shape[1]), dtype=x.dtype).at[dst].add(msg)
    return out + b


def reference(x, ei, W1, b1, W2, b2):
    h = jax.nn.relu(_gcn_conv(x, ei, W1, b1))
    out = jax.nn.relu(_gcn_conv(h, ei, W2, b2))
    return out

if __name__ == "__main__":
    import jax
    _d = setup_inputs()
    print(jax.jit(kernel)(*tuple(_d.values())))

</pallas_src>

<mosaic_0001>
#map = affine_map<(d0, d1) -> (0, 0)>
#map1 = affine_map<(d0, d1) -> (0)>
#map2 = affine_map<(d0, d1) -> (0, 0, 0)>
module attributes {stable_mosaic.version = 14 : i64} {
  func.func @k(%arg0: i32, %arg1: i32, %arg2: memref<10240x128xf32, #tpu.memory_space<hbm>>, %arg3: memref<320000xi32, #tpu.memory_space<hbm>>, %arg4: memref<320000xi32, #tpu.memory_space<hbm>>, %arg5: memref<640x128xf32, #tpu.memory_space<hbm>>, %arg6: memref<2x10240x128xf32, #tpu.memory_space<hbm>>, %arg7: memref<80xi32, #tpu.memory_space<vmem>>, %arg8: memref<80xi32, #tpu.memory_space<vmem>>, %arg9: memref<80xi32, #tpu.memory_space<vmem>>, %arg10: memref<80xi32, #tpu.memory_space<vmem>>, %arg11: memref<80xi32, #tpu.memory_space<vmem>>, %arg12: memref<80xi32, #tpu.memory_space<vmem>>, %arg13: memref<80xi32, #tpu.memory_space<vmem>>, %arg14: memref<80xi32, #tpu.memory_space<vmem>>, %arg15: memref<80xi32, #tpu.memory_space<vmem>>, %arg16: memref<80xi32, #tpu.memory_space<vmem>>, %arg17: memref<80xi32, #tpu.memory_space<vmem>>, %arg18: memref<80xi32, #tpu.memory_space<vmem>>, %arg19: memref<80xi32, #tpu.memory_space<vmem>>, %arg20: memref<80xi32, #tpu.memory_space<vmem>>, %arg21: memref<80xi32, #tpu.memory_space<vmem>>, %arg22: memref<80xi32, #tpu.memory_space<vmem>>, %arg23: memref<80x128xf32, #tpu.memory_space<vmem>>, %arg24: memref<80x128xf32, #tpu.memory_space<vmem>>, %arg25: memref<80x128xf32, #tpu.memory_space<vmem>>, %arg26: memref<80x128xf32, #tpu.memory_space<vmem>>, %arg27: memref<10240x128xf32, #tpu.memory_space<vmem_shared>>, %arg28: memref<!tpu.dma_semaphore, #tpu.memory_space<semaphore_mem>>, %arg29: memref<!tpu.dma_semaphore, #tpu.memory_space<semaphore_mem>>, %arg30: memref<!tpu.dma_semaphore, #tpu.memory_space<semaphore_mem>>, %arg31: memref<!tpu.dma_semaphore, #tpu.memory_space<semaphore_mem>>, %arg32: memref<!tpu.dma_semaphore, #tpu.memory_space<semaphore_mem>>, %arg33: memref<!tpu.dma_semaphore, #tpu.memory_space<semaphore_mem>>, %arg34: memref<!tpu.dma_semaphore, #tpu.memory_space<semaphore_mem>>, %arg35: memref<!tpu.dma_semaphore, #tpu.memory_space<semaphore_mem>>, %arg36: memref<!tpu.dma_semaphore, #tpu.memory_space<semaphore_mem>>, %arg37: memref<!tpu.dma_semaphore, #tpu.memory_space<semaphore_mem>>, %arg38: memref<!tpu.dma_semaphore, #tpu.memory_space<semaphore_mem>>, %arg39: memref<!tpu.dma_semaphore, #tpu.memory_space<semaphore_mem>>) attributes {dimension_semantics = [#tpu.dimension_semantics<core_parallel>, #tpu.dimension_semantics<subcore_parallel>], iteration_bounds = array<i64: 2, 16>, scalar_prefetch = 0 : i64, scratch_operands = 33 : i64, tpu.core_type = #tpu.core_type<sc_vector_subcore>, window_params = [{transform_indices = #map}, {transform_indices = #map1}, {transform_indices = #map1}, {transform_indices = #map}, {transform_indices = #map2}]} {
    %mul3A = arith.constant 16 : i32
    %mul3A_0 = arith.muli %arg0, %mul3A : i32
    %add3A = arith.addi %mul3A_0, %arg1 : i32
    %mul3A_1 = arith.constant 10000 : i32
    %mul3A_2 = arith.muli %add3A, %mul3A_1 : i32
    %multiple_of3A = tpu.assume_multiple %mul3A_2, 16 : i32
    %mul3A_3 = arith.constant 640 : i32
    %mul3A_4 = arith.muli %arg1, %mul3A_3 : i32
    "tpu.region"() ({
      %run_scoped3A = tpu.sem_alloc : memref<!tpu.dma_semaphore, #tpu.memory_space<semaphore_mem>>
      %dma_start3A_145 = arith.constant 0 : i32
      %dma_start3A_146 = tpu.memref_slice %arg27[%mul3A_4, %dma_start3A_145] : memref<10240x128xf32, #tpu.memory_space<vmem_shared>> -> memref<640x128xf32, #tpu.memory_space<vmem_shared>>
      tpu.enqueue_dma source(%arg5 : memref<640x128xf32, #tpu.memory_space<hbm>>) target(%dma_start3A_146 : memref<640x128xf32, #tpu.memory_space<vmem_shared>>) target_semaphore(%run_scoped3A : memref<!tpu.dma_semaphore, #tpu.memory_space<semaphore_mem>>)
      %dma_wait3A_147 = arith.constant 0 : i32
      %dma_wait3A_148 = tpu.memref_slice %arg27[%mul3A_4, %dma_wait3A_147] : memref<10240x128xf32, #tpu.memory_space<vmem_shared>> -> memref<640x128xf32, #tpu.memory_space<vmem_shared>>
      tpu.wait_dma2 semaphore(%run_scoped3A : memref<!tpu.dma_semaphore, #tpu.memory_space<semaphore_mem>>) src(%arg5 : memref<640x128xf32, #tpu.memory_space<hbm>>) dst(%dma_wait3A_148 : memref<640x128xf32, #tpu.memory_space<vmem_shared>>)
      tpu.yield
    }) : () -> ()
    %barrier3A = arith.constant 0 : index
    tpu.barrier barrier_id(%barrier3A)
    %add3A_5 = arith.constant 0 : i32
    %add3A_6 = arith.addi %multiple_of3A, %add3A_5 : i32
    %multiple_of3A_7 = tpu.assume_multiple %add3A_6, 16 : i32
    %dma_start3A = tpu.memref_slice %arg3[%multiple_of3A_7] : memref<320000xi32, #tpu.memory_space<hbm>> -> memref<80xi32, #tpu.memory_space<hbm>>
    %dma_start3A_8 = tpu.memref_slice %arg3[%multiple_of3A_7] : memref<320000xi32, #tpu.memory_space<hbm>> -> memref<80xi32, #tpu.memory_space<hbm>>
    tpu.enqueue_dma source(%dma_start3A_8 : memref<80xi32, #tpu.memory_space<hbm>>) target(%arg7 : memref<80xi32, #tpu.memory_space<vmem>>) target_semaphore(%arg32 : memref<!tpu.dma_semaphore, #tpu.memory_space<semaphore_mem>>)
    %add3A_9 = arith.constant 0 : i32
    %add3A_10 = arith.addi %multiple_of3A, %add3A_9 : i32
    %multiple_of3A_11 = tpu.assume_multiple %add3A_10, 16 : i32
    %dma_start3A_12 = tpu.memref_slice %arg4[%multiple_of3A_11] : memref<320000xi32, #tpu.memory_space<hbm>> -> memref<80xi32, #tpu.memory_space<hbm>>
    %dma_start3A_13 = tpu.memref_slice %arg4[%multiple_of3A_11] : memref<320000xi32, #tpu.memory_space<hbm>> -> memref<80xi32, #tpu.memory_space<hbm>>
    tpu.enqueue_dma source(%dma_start3A_13 : memref<80xi32, #tpu.memory_space<hbm>>) target(%arg8 : memref<80xi32, #tpu.memory_space<vmem>>) target_semaphore(%arg32 : memref<!tpu.dma_semaphore, #tpu.memory_space<semaphore_mem>>)
    %add3A_14 = arith.constant 80 : i32
    %add3A_15 = arith.addi %multiple_of3A, %add3A_14 : i32
    %multiple_of3A_16 = tpu.assume_multiple %add3A_15, 16 : i32
    %dma_start3A_17 = tpu.memref_slice %arg3[%multiple_of3A_16] : memref<320000xi32, #tpu.memory_space<hbm>> -> memref<80xi32, #tpu.memory_space<hbm>>
    %dma_start3A_18 = tpu.memref_slice %arg3[%multiple_of3A_16] : memref<320000xi32, #tpu.memory_space<hbm>> -> memref<80xi32, #tpu.memory_space<hbm>>
    tpu.enqueue_dma source(%dma_start3A_18 : memref<80xi32, #tpu.memory_space<hbm>>) target(%arg9 : memref<80xi32, #tpu.memory_space<vmem>>) target_semaphore(%arg33 : memref<!tpu.dma_semaphore, #tpu.memory_space<semaphore_mem>>)
    %add3A_19 = arith.constant 80 : i32
    %add3A_20 = arith.addi %multiple_of3A, %add3A_19 : i32
    %multiple_of3A_21 = tpu.assume_multiple %add3A_20, 16 : i32
    %dma_start3A_22 = tpu.memref_slice %arg4[%multiple_of3A_21] : memref<320000xi32, #tpu.memory_space<hbm>> -> memref<80xi32, #tpu.memory_space<hbm>>
    %dma_start3A_23 = tpu.memref_slice %arg4[%multiple_of3A_21] : memref<320000xi32, #tpu.memory_space<hbm>> -> memref<80xi32, #tpu.memory_space<hbm>>
    tpu.enqueue_dma source(%dma_start3A_23 : memref<80xi32, #tpu.memory_space<hbm>>) target(%arg10 : memref<80xi32, #tpu.memory_space<vmem>>) target_semaphore(%arg33 : memref<!tpu.dma_semaphore, #tpu.memory_space<semaphore_mem>>)
    %add3A_24 = arith.constant 160 : i32
    %add3A_25 = arith.addi %multiple_of3A, %add3A_24 : i32
    %multiple_of3A_26 = tpu.assume_multiple %add3A_25, 16 : i32
    %dma_start3A_27 = tpu.memref_slice %arg3[%multiple_of3A_26] : memref<320000xi32, #tpu.memory_space<hbm>> -> memref<80xi32, #tpu.memory_space<hbm>>
    %dma_start3A_28 = tpu.memref_slice %arg3[%multiple_of3A_26] : memref<320000xi32, #tpu.memory_space<hbm>> -> memref<80xi32, #tpu.memory_space<hbm>>
    tpu.enqueue_dma source(%dma_start3A_28 : memref<80xi32, #tpu.memory_space<hbm>>) target(%arg11 : memref<80xi32, #tpu.memory_space<vmem>>) target_semaphore(%arg34 : memref<!tpu.dma_semaphore, #tpu.memory_space<semaphore_mem>>)
    %add3A_29 = arith.constant 160 : i32
    %add3A_30 = arith.addi %multiple_of3A, %add3A_29 : i32
    %multiple_of3A_31 = tpu.assume_multiple %add3A_30, 16 : i32
    %dma_start3A_32 = tpu.memref_slice %arg4[%multiple_of3A_31] : memref<320000xi32, #tpu.memory_space<hbm>> -> memref<80xi32, #tpu.memory_space<hbm>>
    %dma_start3A_33 = tpu.memref_slice %arg4[%multiple_of3A_31] : memref<320000xi32, #tpu.memory_space<hbm>> -> memref<80xi32, #tpu.memory_space<hbm>>
    tpu.enqueue_dma source(%dma_start3A_33 : memref<80xi32, #tpu.memory_space<hbm>>) target(%arg12 : memref<80xi32, #tpu.memory_space<vmem>>) target_semaphore(%arg34 : memref<!tpu.dma_semaphore, #tpu.memory_space<semaphore_mem>>)
    %add3A_34 = arith.constant 240 : i32
    %add3A_35 = arith.addi %multiple_of3A, %add3A_34 : i32
    %multiple_of3A_36 = tpu.assume_multiple %add3A_35, 16 : i32
    %dma_start3A_37 = tpu.memref_slice %arg3[%multiple_of3A_36] : memref<320000xi32, #tpu.memory_space<hbm>> -> memref<80xi32, #tpu.memory_space<hbm>>
    %dma_start3A_38 = tpu.memref_slice %arg3[%multiple_of3A_36] : memref<320000xi32, #tpu.memory_space<hbm>> -> memref<80xi32, #tpu.memory_space<hbm>>
    tpu.enqueue_dma source(%dma_start3A_38 : memref<80xi32, #tpu.memory_space<hbm>>) target(%arg13 : memref<80xi32, #tpu.memory_space<vmem>>) target_semaphore(%arg35 : memref<!tpu.dma_semaphore, #tpu.memory_space<semaphore_mem>>)
    %add3A_39 = arith.constant 240 : i32
    %add3A_40 = arith.addi %multiple_of3A, %add3A_39 : i32
    %multiple_of3A_41 = tpu.assume_multiple %add3A_40, 16 : i32
    %dma_start3A_42 = tpu.memref_slice %arg4[%multiple_of3A_41] : memref<320000xi32, #tpu.memory_space<hbm>> -> memref<80xi32, #tpu.memory_space<hbm>>
    %dma_start3A_43 = tpu.memref_slice %arg4[%multiple_of3A_41] : memref<320000xi32, #tpu.memory_space<hbm>> -> memref<80xi32, #tpu.memory_space<hbm>>
    tpu.enqueue_dma source(%dma_start3A_43 : memref<80xi32, #tpu.memory_space<hbm>>) target(%arg14 : memref<80xi32, #tpu.memory_space<vmem>>) target_semaphore(%arg35 : memref<!tpu.dma_semaphore, #tpu.memory_space<semaphore_mem>>)
    %add3A_44 = arith.constant 320 : i32
    %add3A_45 = arith.addi %multiple_of3A, %add3A_44 : i32
    %multiple_of3A_46 = tpu.assume_multiple %add3A_45, 16 : i32
    %dma_start3A_47 = tpu.memref_slice %arg3[%multiple_of3A_46] : memref<320000xi32, #tpu.memory_space<hbm>> -> memref<80xi32, #tpu.memory_space<hbm>>
    %dma_start3A_48 = tpu.memref_slice %arg3[%multiple_of3A_46] : memref<320000xi32, #tpu.memory_space<hbm>> -> memref<80xi32, #tpu.memory_space<hbm>>
    tpu.enqueue_dma source(%dma_start3A_48 : memref<80xi32, #tpu.memory_space<hbm>>) target(%arg15 : memref<80xi32, #tpu.memory_space<vmem>>) target_semaphore(%arg36 : memref<!tpu.dma_semaphore, #tpu.memory_space<semaphore_mem>>)
    %add3A_49 = arith.constant 320 : i32
    %add3A_50 = arith.addi %multiple_of3A, %add3A_49 : i32
    %multiple_of3A_51 = tpu.assume_multiple %add3A_50, 16 : i32
    %dma_start3A_52 = tpu.memref_slice %arg4[%multiple_of3A_51] : memref<320000xi32, #tpu.memory_space<hbm>> -> memref<80xi32, #tpu.memory_space<hbm>>
    %dma_start3A_53 = tpu.memref_slice %arg4[%multiple_of3A_51] : memref<320000xi32, #tpu.memory_space<hbm>> -> memref<80xi32, #tpu.memory_space<hbm>>
    tpu.enqueue_dma source(%dma_start3A_53 : memref<80xi32, #tpu.memory_space<hbm>>) target(%arg16 : memref<80xi32, #tpu.memory_space<vmem>>) target_semaphore(%arg36 : memref<!tpu.dma_semaphore, #tpu.memory_space<semaphore_mem>>)
    %add3A_54 = arith.constant 400 : i32
    %add3A_55 = arith.addi %multiple_of3A, %add3A_54 : i32
    %multiple_of3A_56 = tpu.assume_multiple %add3A_55, 16 : i32
    %dma_start3A_57 = tpu.memref_slice %arg3[%multiple_of3A_56] : memref<320000xi32, #tpu.memory_space<hbm>> -> memref<80xi32, #tpu.memory_space<hbm>>
    %dma_start3A_58 = tpu.memref_slice %arg3[%multiple_of3A_56] : memref<320000xi32, #tpu.memory_space<hbm>> -> memref<80xi32, #tpu.memory_space<hbm>>
    tpu.enqueue_dma source(%dma_start3A_58 : memref<80xi32, #tpu.memory_space<hbm>>) target(%arg17 : memref<80xi32, #tpu.memory_space<vmem>>) target_semaphore(%arg37 : memref<!tpu.dma_semaphore, #tpu.memory_space<semaphore_mem>>)
    %add3A_59 = arith.constant 400 : i32
    %add3A_60 = arith.addi %multiple_of3A, %add3A_59 : i32
    %multiple_of3A_61 = tpu.assume_multiple %add3A_60, 16 : i32
    %dma_start3A_62 = tpu.memref_slice %arg4[%multiple_of3A_61] : memref<320000xi32, #tpu.memory_space<hbm>> -> memref<80xi32, #tpu.memory_space<hbm>>
    %dma_start3A_63 = tpu.memref_slice %arg4[%multiple_of3A_61] : memref<320000xi32, #tpu.memory_space<hbm>> -> memref<80xi32, #tpu.memory_space<hbm>>
    tpu.enqueue_dma source(%dma_start3A_63 : memref<80xi32, #tpu.memory_space<hbm>>) target(%arg18 : memref<80xi32, #tpu.memory_space<vmem>>) target_semaphore(%arg37 : memref<!tpu.dma_semaphore, #tpu.memory_space<semaphore_mem>>)
    %add3A_64 = arith.constant 480 : i32
    %add3A_65 = arith.addi %multiple_of3A, %add3A_64 : i32
    %multiple_of3A_66 = tpu.assume_multiple %add3A_65, 16 : i32
    %dma_start3A_67 = tpu.memref_slice %arg3[%multiple_of3A_66] : memref<320000xi32, #tpu.memory_space<hbm>> -> memref<80xi32, #tpu.memory_space<hbm>>
    %dma_start3A_68 = tpu.memref_slice %arg3[%multiple_of3A_66] : memref<320000xi32, #tpu.memory_space<hbm>> -> memref<80xi32, #tpu.memory_space<hbm>>
    tpu.enqueue_dma source(%dma_start3A_68 : memref<80xi32, #tpu.memory_space<hbm>>) target(%arg19 : memref<80xi32, #tpu.memory_space<vmem>>) target_semaphore(%arg38 : memref<!tpu.dma_semaphore, #tpu.memory_space<semaphore_mem>>)
    %add3A_69 = arith.constant 480 : i32
    %add3A_70 = arith.addi %multiple_of3A, %add3A_69 : i32
    %multiple_of3A_71 = tpu.assume_multiple %add3A_70, 16 : i32
    %dma_start3A_72 = tpu.memref_slice %arg4[%multiple_of3A_71] : memref<320000xi32, #tpu.memory_space<hbm>> -> memref<80xi32, #tpu.memory_space<hbm>>
    %dma_start3A_73 = tpu.memref_slice %arg4[%multiple_of3A_71] : memref<320000xi32, #tpu.memory_space<hbm>> -> memref<80xi32, #tpu.memory_space<hbm>>
    tpu.enqueue_dma source(%dma_start3A_73 : memref<80xi32, #tpu.memory_space<hbm>>) target(%arg20 : memref<80xi32, #tpu.memory_space<vmem>>) target_semaphore(%arg38 : memref<!tpu.dma_semaphore, #tpu.memory_space<semaphore_mem>>)
    %add3A_74 = arith.constant 560 : i32
    %add3A_75 = arith.addi %multiple_of3A, %add3A_74 : i32
    %multiple_of3A_76 = tpu.assume_multiple %add3A_75, 16 : i32
    %dma_start3A_77 = tpu.memref_slice %arg3[%multiple_of3A_76] : memref<320000xi32, #tpu.memory_space<hbm>> -> memref<80xi32, #tpu.memory_space<hbm>>
    %dma_start3A_78 = tpu.memref_slice %arg3[%multiple_of3A_76] : memref<320000xi32, #tpu.memory_space<hbm>> -> memref<80xi32, #tpu.memory_space<hbm>>
    tpu.enqueue_dma source(%dma_start3A_78 : memref<80xi32, #tpu.memory_space<hbm>>) target(%arg21 : memref<80xi32, #tpu.memory_space<vmem>>) target_semaphore(%arg39 : memref<!tpu.dma_semaphore, #tpu.memory_space<semaphore_mem>>)
    %add3A_79 = arith.constant 560 : i32
    %add3A_80 = arith.addi %multiple_of3A, %add3A_79 : i32
    %multiple_of3A_81 = tpu.assume_multiple %add3A_80, 16 : i32
    %dma_start3A_82 = tpu.memref_slice %arg4[%multiple_of3A_81] : memref<320000xi32, #tpu.memory_space<hbm>> -> memref<80xi32, #tpu.memory_space<hbm>>
    %dma_start3A_83 = tpu.memref_slice %arg4[%multiple_of3A_81] : memref<320000xi32, #tpu.memory_space<hbm>> -> memref<80xi32, #tpu.memory_space<hbm>>
    tpu.enqueue_dma source(%dma_start3A_83 : memref<80xi32, #tpu.memory_space<hbm>>) target(%arg22 : memref<80xi32, #tpu.memory_space<vmem>>) target_semaphore(%arg39 : memref<!tpu.dma_semaphore, #tpu.memory_space<semaphore_mem>>)
    %add3A_84 = arith.constant 0 : i32
    %add3A_85 = arith.addi %multiple_of3A, %add3A_84 : i32
    %multiple_of3A_86 = tpu.assume_multiple %add3A_85, 16 : i32
    %dma_wait3A = tpu.memref_slice %arg3[%multiple_of3A_86] : memref<320000xi32, #tpu.memory_space<hbm>> -> memref<80xi32, #tpu.memory_space<hbm>>
    %dma_wait3A_87 = tpu.memref_slice %arg3[%multiple_of3A_86] : memref<320000xi32, #tpu.memory_space<hbm>> -> memref<80xi32, #tpu.memory_space<hbm>>
    tpu.wait_dma2 semaphore(%arg32 : memref<!tpu.dma_semaphore, #tpu.memory_space<semaphore_mem>>) src(%dma_wait3A_87 : memref<80xi32, #tpu.memory_space<hbm>>) dst(%arg7 : memref<80xi32, #tpu.memory_space<vmem>>)
    %add3A_88 = arith.constant 0 : i32
    %add3A_89 = arith.addi %multiple_of3A, %add3A_88 : i32
    %multiple_of3A_90 = tpu.assume_multiple %add3A_89, 16 : i32
    %dma_wait3A_91 = tpu.memref_slice %arg4[%multiple_of3A_90] : memref<320000xi32, #tpu.memory_space<hbm>> -> memref<80xi32, #tpu.memory_space<hbm>>
    %dma_wait3A_92 = tpu.memref_slice %arg4[%multiple_of3A_90] : memref<320000xi32, #tpu.memory_space<hbm>> -> memref<80xi32, #tpu.memory_space<hbm>>
    tpu.wait_dma2 semaphore(%arg32 : memref<!tpu.dma_semaphore, #tpu.memory_space<semaphore_mem>>) src(%dma_wait3A_92 : memref<80xi32, #tpu.memory_space<hbm>>) dst(%arg8 : memref<80xi32, #tpu.memory_space<vmem>>)
    %dma_start3A_93 = arith.constant 0 : i32
    %dma_start3A_94 = arith.constant 0 : i32
    %dma_start3A_95 = tpu.memref_slice %arg2[%dma_start3A_93, %dma_start3A_94] : memref<10240x128xf32, #tpu.memory_space<hbm>> -> memref<10240x128xf32, #tpu.memory_space<hbm>>
    tpu.enqueue_indirect_dma source(%dma_start3A_95 : memref<10240x128xf32, #tpu.memory_space<hbm>>) target(%arg23 : memref<80x128xf32, #tpu.memory_space<vmem>>) offsets(%arg7 : memref<80xi32, #tpu.memory_space<vmem>>) semaphore(%arg28 : memref<!tpu.dma_semaphore, #tpu.memory_space<semaphore_mem>>)
    %add3A_96 = arith.constant 80 : i32
    %add3A_97 = arith.addi %multiple_of3A, %add3A_96 : i32
    %multiple_of3A_98 = tpu.assume_multiple %add3A_97, 16 : i32
    %dma_wait3A_99 = tpu.memref_slice %arg3[%multiple_of3A_98] : memref<320000xi32, #tpu.memory_space<hbm>> -> memref<80xi32, #tpu.memory_space<hbm>>
    %dma_wait3A_100 = tpu.memref_slice %arg3[%multiple_of3A_98] : memref<320000xi32, #tpu.memory_space<hbm>> -> memref<80xi32, #tpu.memory_space<hbm>>
    tpu.wait_dma2 semaphore(%arg33 : memref<!tpu.dma_semaphore, #tpu.memory_space<semaphore_mem>>) src(%dma_wait3A_100 : memref<80xi32, #tpu.memory_space<hbm>>) dst(%arg9 : memref<80xi32, #tpu.memory_space<vmem>>)
    %add3A_101 = arith.constant 80 : i32
    %add3A_102 = arith.addi %multiple_of3A, %add3A_101 : i32
    %multiple_of3A_103 = tpu.assume_multiple %add3A_102, 16 : i32
    %dma_wait3A_104 = tpu.memref_slice %arg4[%multiple_of3A_103] : memref<320000xi32, #tpu.memory_space<hbm>> -> memref<80xi32, #tpu.memory_space<hbm>>
    %dma_wait3A_105 = tpu.memref_slice %arg4[%multiple_of3A_103] : memref<320000xi32, #tpu.memory_space<hbm>> -> memref<80xi32, #tpu.memory_space<hbm>>
    tpu.wait_dma2 semaphore(%arg33 : memref<!tpu.dma_semaphore, #tpu.memory_space<semaphore_mem>>) src(%dma_wait3A_105 : memref<80xi32, #tpu.memory_space<hbm>>) dst(%arg10 : memref<80xi32, #tpu.memory_space<vmem>>)
    %dma_start3A_106 = arith.constant 0 : i32
    %dma_start3A_107 = arith.constant 0 : i32
    %dma_start3A_108 = tpu.memref_slice %arg2[%dma_start3A_106, %dma_start3A_107] : memref<10240x128xf32, #tpu.memory_space<hbm>> -> memref<10240x128xf32, #tpu.memory_space<hbm>>
    tpu.enqueue_indirect_dma source(%dma_start3A_108 : memref<10240x128xf32, #tpu.memory_space<hbm>>) target(%arg24 : memref<80x128xf32, #tpu.memory_space<vmem>>) offsets(%arg9 : memref<80xi32, #tpu.memory_space<vmem>>) semaphore(%arg29 : memref<!tpu.dma_semaphore, #tpu.memory_space<semaphore_mem>>)
    %add3A_109 = arith.constant 160 : i32
    %add3A_110 = arith.addi %multiple_of3A, %add3A_109 : i32
    %multiple_of3A_111 = tpu.assume_multiple %add3A_110, 16 : i32
    %dma_wait3A_112 = tpu.memref_slice %arg3[%multiple_of3A_111] : memref<320000xi32, #tpu.memory_space<hbm>> -> memref<80xi32, #tpu.memory_space<hbm>>
    %dma_wait3A_113 = tpu.memref_slice %arg3[%multiple_of3A_111] : memref<320000xi32, #tpu.memory_space<hbm>> -> memref<80xi32, #tpu.memory_space<hbm>>
    tpu.wait_dma2 semaphore(%arg34 : memref<!tpu.dma_semaphore, #tpu.memory_space<semaphore_mem>>) src(%dma_wait3A_113 : memref<80xi32, #tpu.memory_space<hbm>>) dst(%arg11 : memref<80xi32, #tpu.memory_space<vmem>>)
    %add3A_114 = arith.constant 160 : i32
    %add3A_115 = arith.addi %multiple_of3A, %add3A_114 : i32
    %multiple_of3A_116 = tpu.assume_multiple %add3A_115, 16 : i32
    %dma_wait3A_117 = tpu.memref_slice %arg4[%multiple_of3A_116] : memref<320000xi32, #tpu.memory_space<hbm>> -> memref<80xi32, #tpu.memory_space<hbm>>
    %dma_wait3A_118 = tpu.memref_slice %arg4[%multiple_of3A_116] : memref<320000xi32, #tpu.memory_space<hbm>> -> memref<80xi32, #tpu.memory_space<hbm>>
    tpu.wait_dma2 semaphore(%arg34 : memref<!tpu.dma_semaphore, #tpu.memory_space<semaphore_mem>>) src(%dma_wait3A_118 : memref<80xi32, #tpu.memory_space<hbm>>) dst(%arg12 : memref<80xi32, #tpu.memory_space<vmem>>)
    %dma_start3A_119 = arith.constant 0 : i32
    %dma_start3A_120 = arith.constant 0 : i32
    %dma_start3A_121 = tpu.memref_slice %arg2[%dma_start3A_119, %dma_start3A_120] : memref<10240x128xf32, #tpu.memory_space<hbm>> -> memref<10240x128xf32, #tpu.memory_space<hbm>>
    tpu.enqueue_indirect_dma source(%dma_start3A_121 : memref<10240x128xf32, #tpu.memory_space<hbm>>) target(%arg25 : memref<80x128xf32, #tpu.memory_space<vmem>>) offsets(%arg11 : memref<80xi32, #tpu.memory_space<vmem>>) semaphore(%arg30 : memref<!tpu.dma_semaphore, #tpu.memory_space<semaphore_mem>>)
    %add3A_122 = arith.constant 240 : i32
    %add3A_123 = arith.addi %multiple_of3A, %add3A_122 : i32
    %multiple_of3A_124 = tpu.assume_multiple %add3A_123, 16 : i32
    %dma_wait3A_125 = tpu.memref_slice %arg3[%multiple_of3A_124] : memref<320000xi32, #tpu.memory_space<hbm>> -> memref<80xi32, #tpu.memory_space<hbm>>
    %dma_wait3A_126 = tpu.memref_slice %arg3[%multiple_of3A_124] : memref<320000xi32, #tpu.memory_space<hbm>> -> memref<80xi32, #tpu.memory_space<hbm>>
    tpu.wait_dma2 semaphore(%arg35 : memref<!tpu.dma_semaphore, #tpu.memory_space<semaphore_mem>>) src(%dma_wait3A_126 : memref<80xi32, #tpu.memory_space<hbm>>) dst(%arg13 : memref<80xi32, #tpu.memory_space<vmem>>)
    %add3A_127 = arith.constant 240 : i32
    %add3A_128 = arith.addi %multiple_of3A, %add3A_127 : i32
    %multiple_of3A_129 = tpu.assume_multiple %add3A_128, 16 : i32
    %dma_wait3A_130 = tpu.memref_slice %arg4[%multiple_of3A_129] : memref<320000xi32, #tpu.memory_space<hbm>> -> memref<80xi32, #tpu.memory_space<hbm>>
    %dma_wait3A_131 = tpu.memref_slice %arg4[%multiple_of3A_129] : memref<320000xi32, #tpu.memory_space<hbm>> -> memref<80xi32, #tpu.memory_space<hbm>>
    tpu.wait_dma2 semaphore(%arg35 : memref<!tpu.dma_semaphore, #tpu.memory_space<semaphore_mem>>) src(%dma_wait3A_131 : memref<80xi32, #tpu.memory_space<hbm>>) dst(%arg14 : memref<80xi32, #tpu.memory_space<vmem>>)
    %dma_start3A_132 = arith.constant 0 : i32
    %dma_start3A_133 = arith.constant 0 : i32
    %dma_start3A_134 = tpu.memref_slice %arg2[%dma_start3A_132, %dma_start3A_133] : memref<10240x128xf32, #tpu.memory_space<hbm>> -> memref<10240x128xf32, #tpu.memory_space<hbm>>
    tpu.enqueue_indirect_dma source(%dma_start3A_134 : memref<10240x128xf32, #tpu.memory_space<hbm>>) target(%arg26 : memref<80x128xf32, #tpu.memory_space<vmem>>) offsets(%arg13 : memref<80xi32, #tpu.memory_space<vmem>>) semaphore(%arg31 : memref<!tpu.dma_semaphore, #tpu.memory_space<semaphore_mem>>)
    %scan3A = arith.constant 0 : i32
    %scan3A_135 = arith.constant 0 : i32
    %scan3A_136 = arith.constant 125 : i32
    %scan3A_137 = arith.addi %scan3A_135, %scan3A_136 : i32
    %scan3A_138 = arith.constant 1 : i32
    scf.for %scan3A_145 = %scan3A_135 to %scan3A_137 step %scan3A_138  : i32 {
      %rem3A = arith.constant 8 : i32
      %rem3A_146 = arith.remsi %scan3A_145, %rem3A : i32
      %eq3A = arith.constant 0 : i32
      %eq3A_147 = arith.cmpi eq, %rem3A_146, %eq3A : i32
      %convert_element_type3A = arith.extui %eq3A_147 : i1 to i32
      %cond3A = arith.constant 0 : i32
      %cond3A_148 = arith.cmpi ne, %convert_element_type3A, %cond3A : i32
      scf.if %cond3A_148 {
        %dma_wait3A_198 = arith.constant 0 : i32
        %dma_wait3A_199 = arith.constant 0 : i32
        %dma_wait3A_200 = tpu.memref_slice %arg2[%dma_wait3A_198, %dma_wait3A_199] : memref<10240x128xf32, #tpu.memory_space<hbm>> -> memref<10240x128xf32, #tpu.memory_space<hbm>>
        tpu.wait_indirect_dma semaphore(%arg28 : memref<!tpu.dma_semaphore, #tpu.memory_space<semaphore_mem>>) src(%dma_wait3A_200 : memref<10240x128xf32, #tpu.memory_space<hbm>>) dst(%arg23 : memref<80x128xf32, #tpu.memory_space<vmem>>)
        "tpu.region"() ({
          %run_scoped3A = tpu.sem_alloc : memref<!tpu.dma_semaphore, #tpu.memory_space<semaphore_mem>>
          %dma_start3A_210 = arith.constant 0 : i32
          %dma_start3A_211 = arith.constant 0 : i32
          %dma_start3A_212 = tpu.memref_slice %arg27[%dma_start3A_210, %dma_start3A_211] : memref<10240x128xf32, #tpu.memory_space<vmem_shared>> -> memref<10240x128xf32, #tpu.memory_space<vmem_shared>>
          tpu.enqueue_indirect_dma source(%arg23 : memref<80x128xf32, #tpu.memory_space<vmem>>) target(%dma_start3A_212 : memref<10240x128xf32, #tpu.memory_space<vmem_shared>>) offsets(%arg8 : memref<80xi32, #tpu.memory_space<vmem>>) semaphore(%run_scoped3A : memref<!tpu.dma_semaphore, #tpu.memory_space<semaphore_mem>>) {add = true}
          %dma_wait3A_213 = arith.constant 0 : i32
          %dma_wait3A_214 = arith.constant 0 : i32
          %dma_wait3A_215 = tpu.memref_slice %arg27[%dma_wait3A_213, %dma_wait3A_214] : memref<10240x128xf32, #tpu.memory_space<vmem_shared>> -> memref<10240x128xf32, #tpu.memory_space<vmem_shared>>
          tpu.wait_indirect_dma semaphore(%run_scoped3A : memref<!tpu.dma_semaphore, #tpu.memory_space<semaphore_mem>>) src(%arg23 : memref<80x128xf32, #tpu.memory_space<vmem>>) dst(%dma_wait3A_215 : memref<10240x128xf32, #tpu.memory_space<vmem_shared>>)
          tpu.yield
        }) : () -> ()
        %lt3A = arith.constant 121 : i32
        %lt3A_201 = arith.cmpi slt, %scan3A_145, %lt3A : i32
        %convert_element_type3A_202 = arith.extui %lt3A_201 : i1 to i32
        %cond3A_203 = arith.constant 0 : i32
        %cond3A_204 = arith.cmpi ne, %convert_element_type3A_202, %cond3A_203 : i32
        scf.if %cond3A_204 {
          %add3A_210 = arith.constant 4 : i32
          %add3A_211 = arith.addi %scan3A_145, %add3A_210 : i32
          %mul3A_212 = arith.constant 80 : i32
          %mul3A_213 = arith.muli %add3A_211, %mul3A_212 : i32
          %add3A_214 = arith.addi %multiple_of3A, %mul3A_213 : i32
          %multiple_of3A_215 = tpu.assume_multiple %add3A_214, 16 : i32
          %dma_wait3A_216 = tpu.memref_slice %arg3[%multiple_of3A_215] : memref<320000xi32, #tpu.memory_space<hbm>> -> memref<80xi32, #tpu.memory_space<hbm>>
          %dma_wait3A_217 = tpu.memref_slice %arg3[%multiple_of3A_215] : memref<320000xi32, #tpu.memory_space<hbm>> -> memref<80xi32, #tpu.memory_space<hbm>>
          tpu.wait_dma2 semaphore(%arg36 : memref<!tpu.dma_semaphore, #tpu.memory_space<semaphore_mem>>) src(%dma_wait3A_217 : memref<80xi32, #tpu.memory_space<hbm>>) dst(%arg15 : memref<80xi32, #tpu.memory_space<vmem>>)
          %mul3A_218 = arith.constant 80 : i32
          %mul3A_219 = arith.muli %add3A_211, %mul3A_218 : i32
          %add3A_220 = arith.addi %multiple_of3A, %mul3A_219 : i32
          %multiple_of3A_221 = tpu.assume_multiple %add3A_220, 16 : i32
          %dma_wait3A_222 = tpu.memref_slice %arg4[%multiple_of3A_221] : memref<320000xi32, #tpu.memory_space<hbm>> -> memref<80xi32, #tpu.memory_space<hbm>>
          %dma_wait3A_223 = tpu.memref_slice %arg4[%multiple_of3A_221] : memref<320000xi32, #tpu.memory_space<hbm>> -> memref<80xi32, #tpu.memory_space<hbm>>
          tpu.wait_dma2 semaphore(%arg36 : memref<!tpu.dma_semaphore, #tpu.memory_space<semaphore_mem>>) src(%dma_wait3A_223 : memref<80xi32, #tpu.memory_space<hbm>>) dst(%arg16 : memref<80xi32, #tpu.memory_space<vmem>>)
          %dma_start3A_224 = arith.constant 0 : i32
          %dma_start3A_225 = arith.constant 0 : i32
          %dma_start3A_226 = tpu.memref_slice %arg2[%dma_start3A_224, %dma_start3A_225] : memref<10240x128xf32, #tpu.memory_space<hbm>> -> memref<10240x128xf32, #tpu.memory_space<hbm>>
          tpu.enqueue_indirect_dma source(%dma_start3A_226 : memref<10240x128xf32, #tpu.memory_space<hbm>>) target(%arg23 : memref<80x128xf32, #tpu.memory_space<vmem>>) offsets(%arg15 : memref<80xi32, #tpu.memory_space<vmem>>) semaphore(%arg28 : memref<!tpu.dma_semaphore, #tpu.memory_space<semaphore_mem>>)
        } else {
        }
        %lt3A_205 = arith.constant 117 : i32
        %lt3A_206 = arith.cmpi slt, %scan3A_145, %lt3A_205 : i32
        %convert_element_type3A_207 = arith.extui %lt3A_206 : i1 to i32
        %cond3A_208 = arith.constant 0 : i32
        %cond3A_209 = arith.cmpi ne, %convert_element_type3A_207, %cond3A_208 : i32
        scf.if %cond3A_209 {
          %add3A_210 = arith.constant 8 : i32
          %add3A_211 = arith.addi %scan3A_145, %add3A_210 : i32
          %mul3A_212 = arith.constant 80 : i32
          %mul3A_213 = arith.muli %add3A_211, %mul3A_212 : i32
          %add3A_214 = arith.addi %multiple_of3A, %mul3A_213 : i32
          %multiple_of3A_215 = tpu.assume_multiple %add3A_214, 16 : i32
          %dma_start3A_216 = tpu.memref_slice %arg3[%multiple_of3A_215] : memref<320000xi32, #tpu.memory_space<hbm>> -> memref<80xi32, #tpu.memory_space<hbm>>
          %dma_start3A_217 = tpu.memref_slice %arg3[%multiple_of3A_215] : memref<320000xi32, #tpu.memory_space<hbm>> -> memref<80xi32, #tpu.memory_space<hbm>>
          tpu.enqueue_dma source(%dma_start3A_217 : memref<80xi32, #tpu.memory_space<hbm>>) target(%arg7 : memref<80xi32, #tpu.memory_space<vmem>>) target_semaphore(%arg32 : memref<!tpu.dma_semaphore, #tpu.memory_space<semaphore_mem>>)
          %mul3A_218 = arith.constant 80 : i32
          %mul3A_219 = arith.muli %add3A_211, %mul3A_218 : i32
          %add3A_220 = arith.addi %multiple_of3A, %mul3A_219 : i32
          %multiple_of3A_221 = tpu.assume_multiple %add3A_220, 16 : i32
          %dma_start3A_222 = tpu.memref_slice %arg4[%multiple_of3A_221] : memref<320000xi32, #tpu.memory_space<hbm>> -> memref<80xi32, #tpu.memory_space<hbm>>
          %dma_start3A_223 = tpu.memref_slice %arg4[%multiple_of3A_221] : memref<320000xi32, #tpu.memory_space<hbm>> -> memref<80xi32, #tpu.memory_space<hbm>>
          tpu.enqueue_dma source(%dma_start3A_223 : memref<80xi32, #tpu.memory_space<hbm>>) target(%arg8 : memref<80xi32, #tpu.memory_space<vmem>>) target_semaphore(%arg32 : memref<!tpu.dma_semaphore, #tpu.memory_space<semaphore_mem>>)
        } else {
        }
      } else {
      }
      %rem3A_149 = arith.constant 8 : i32
      %rem3A_150 = arith.remsi %scan3A_145, %rem3A_149 : i32
      %eq3A_151 = arith.constant 1 : i32
      %eq3A_152 = arith.cmpi eq, %rem3A_150, %eq3A_151 : i32
      %convert_element_type3A_153 = arith.extui %eq3A_152 : i1 to i32
      %cond3A_154 = arith.constant 0 : i32
      %cond3A_155 = arith.cmpi ne, %convert_element_type3A_153, %cond3A_154 : i32
      scf.if %cond3A_155 {
        %dma_wait3A_198 = arith.constant 0 : i32
        %dma_wait3A_199 = arith.constant 0 : i32
        %dma_wait3A_200 = tpu.memref_slice %arg2[%dma_wait3A_198, %dma_wait3A_199] : memref<10240x128xf32, #tpu.memory_space<hbm>> -> memref<10240x128xf32, #tpu.memory_space<hbm>>
        tpu.wait_indirect_dma semaphore(%arg29 : memref<!tpu.dma_semaphore, #tpu.memory_space<semaphore_mem>>) src(%dma_wait3A_200 : memref<10240x128xf32, #tpu.memory_space<hbm>>) dst(%arg24 : memref<80x128xf32, #tpu.memory_space<vmem>>)
        "tpu.region"() ({
          %run_scoped3A = tpu.sem_alloc : memref<!tpu.dma_semaphore, #tpu.memory_space<semaphore_mem>>
          %dma_start3A_210 = arith.constant 0 : i32
          %dma_start3A_211 = arith.constant 0 : i32
          %dma_start3A_212 = tpu.memref_slice %arg27[%dma_start3A_210, %dma_start3A_211] : memref<10240x128xf32, #tpu.memory_space<vmem_shared>> -> memref<10240x128xf32, #tpu.memory_space<vmem_shared>>
          tpu.enqueue_indirect_dma source(%arg24 : memref<80x128xf32, #tpu.memory_space<vmem>>) target(%dma_start3A_212 : memref<10240x128xf32, #tpu.memory_space<vmem_shared>>) offsets(%arg10 : memref<80xi32, #tpu.memory_space<vmem>>) semaphore(%run_scoped3A : memref<!tpu.dma_semaphore, #tpu.memory_space<semaphore_mem>>) {add = true}
          %dma_wait3A_213 = arith.constant 0 : i32
          %dma_wait3A_214 = arith.constant 0 : i32
          %dma_wait3A_215 = tpu.memref_slice %arg27[%dma_wait3A_213, %dma_wait3A_214] : memref<10240x128xf32, #tpu.memory_space<vmem_shared>> -> memref<10240x128xf32, #tpu.memory_space<vmem_shared>>
          tpu.wait_indirect_dma semaphore(%run_scoped3A : memref<!tpu.dma_semaphore, #tpu.memory_space<semaphore_mem>>) src(%arg24 : memref<80x128xf32, #tpu.memory_space<vmem>>) dst(%dma_wait3A_215 : memref<10240x128xf32, #tpu.memory_space<vmem_shared>>)
          tpu.yield
        }) : () -> ()
        %lt3A = arith.constant 121 : i32
        %lt3A_201 = arith.cmpi slt, %scan3A_145, %lt3A : i32
        %convert_element_type3A_202 = arith.extui %lt3A_201 : i1 to i32
        %cond3A_203 = arith.constant 0 : i32
        %cond3A_204 = arith.cmpi ne, %convert_element_type3A_202, %cond3A_203 : i32
        scf.if %cond3A_204 {
          %add3A_210 = arith.constant 4 : i32
          %add3A_211 = arith.addi %scan3A_145, %add3A_210 : i32
          %mul3A_212 = arith.constant 80 : i32
          %mul3A_213 = arith.muli %add3A_211, %mul3A_212 : i32
          %add3A_214 = arith.addi %multiple_of3A, %mul3A_213 : i32
          %multiple_of3A_215 = tpu.assume_multiple %add3A_214, 16 : i32
          %dma_wait3A_216 = tpu.memref_slice %arg3[%multiple_of3A_215] : memref<320000xi32, #tpu.memory_space<hbm>> -> memref<80xi32, #tpu.memory_space<hbm>>
          %dma_wait3A_217 = tpu.memref_slice %arg3[%multiple_of3A_215] : memref<320000xi32, #tpu.memory_space<hbm>> -> memref<80xi32, #tpu.memory_space<hbm>>
          tpu.wait_dma2 semaphore(%arg37 : memref<!tpu.dma_semaphore, #tpu.memory_space<semaphore_mem>>) src(%dma_wait3A_217 : memref<80xi32, #tpu.memory_space<hbm>>) dst(%arg17 : memref<80xi32, #tpu.memory_space<vmem>>)
          %mul3A_218 = arith.constant 80 : i32
          %mul3A_219 = arith.muli %add3A_211, %mul3A_218 : i32
          %add3A_220 = arith.addi %multiple_of3A, %mul3A_219 : i32
          %multiple_of3A_221 = tpu.assume_multiple %add3A_220, 16 : i32
          %dma_wait3A_222 = tpu.memref_slice %arg4[%multiple_of3A_221] : memref<320000xi32, #tpu.memory_space<hbm>> -> memref<80xi32, #tpu.memory_space<hbm>>
          %dma_wait3A_223 = tpu.memref_slice %arg4[%multiple_of3A_221] : memref<320000xi32, #tpu.memory_space<hbm>> -> memref<80xi32, #tpu.memory_space<hbm>>
          tpu.wait_dma2 semaphore(%arg37 : memref<!tpu.dma_semaphore, #tpu.memory_space<semaphore_mem>>) src(%dma_wait3A_223 : memref<80xi32, #tpu.memory_space<hbm>>) dst(%arg18 : memref<80xi32, #tpu.memory_space<vmem>>)
          %dma_start3A_224 = arith.constant 0 : i32
          %dma_start3A_225 = arith.constant 0 : i32
          %dma_start3A_226 = tpu.memref_slice %arg2[%dma_start3A_224, %dma_start3A_225] : memref<10240x128xf32, #tpu.memory_space<hbm>> -> memref<10240x128xf32, #tpu.memory_space<hbm>>
          tpu.enqueue_indirect_dma source(%dma_start3A_226 : memref<10240x128xf32, #tpu.memory_space<hbm>>) target(%arg24 : memref<80x128xf32, #tpu.memory_space<vmem>>) offsets(%arg17 : memref<80xi32, #tpu.memory_space<vmem>>) semaphore(%arg29 : memref<!tpu.dma_semaphore, #tpu.memory_space<semaphore_mem>>)
        } else {
        }
        %lt3A_205 = arith.constant 117 : i32
        %lt3A_206 = arith.cmpi slt, %scan3A_145, %lt3A_205 : i32
        %convert_element_type3A_207 = arith.extui %lt3A_206 : i1 to i32
        %cond3A_208 = arith.constant 0 : i32
        %cond3A_209 = arith.cmpi ne, %convert_element_type3A_207, %cond3A_208 : i32
        scf.if %cond3A_209 {
          %add3A_210 = arith.constant 8 : i32
          %add3A_211 = arith.addi %scan3A_145, %add3A_210 : i32
          %mul3A_212 = arith.constant 80 : i32
          %mul3A_213 = arith.muli %add3A_211, %mul3A_212 : i32
          %add3A_214 = arith.addi %multiple_of3A, %mul3A_213 : i32
          %multiple_of3A_215 = tpu.assume_multiple %add3A_214, 16 : i32
          %dma_start3A_216 = tpu.memref_slice %arg3[%multiple_of3A_215] : memref<320000xi32, #tpu.memory_space<hbm>> -> memref<80xi32, #tpu.memory_space<hbm>>
          %dma_start3A_217 = tpu.memref_slice %arg3[%multiple_of3A_215] : memref<320000xi32, #tpu.memory_space<hbm>> -> memref<80xi32, #tpu.memory_space<hbm>>
          tpu.enqueue_dma source(%dma_start3A_217 : memref<80xi32, #tpu.memory_space<hbm>>) target(%arg9 : memref<80xi32, #tpu.memory_space<vmem>>) target_semaphore(%arg33 : memref<!tpu.dma_semaphore, #tpu.memory_space<semaphore_mem>>)
          %mul3A_218 = arith.constant 80 : i32
          %mul3A_219 = arith.muli %add3A_211, %mul3A_218 : i32
          %add3A_220 = arith.addi %multiple_of3A, %mul3A_219 : i32
          %multiple_of3A_221 = tpu.assume_multiple %add3A_220, 16 : i32
          %dma_start3A_222 = tpu.memref_slice %arg4[%multiple_of3A_221] : memref<320000xi32, #tpu.memory_space<hbm>> -> memref<80xi32, #tpu.memory_space<hbm>>
          %dma_start3A_223 = tpu.memref_slice %arg4[%multiple_of3A_221] : memref<320000xi32, #tpu.memory_space<hbm>> -> memref<80xi32, #tpu.memory_space<hbm>>
          tpu.enqueue_dma source(%dma_start3A_223 : memref<80xi32, #tpu.memory_space<hbm>>) target(%arg10 : memref<80xi32, #tpu.memory_space<vmem>>) target_semaphore(%arg33 : memref<!tpu.dma_semaphore, #tpu.memory_space<semaphore_mem>>)
        } else {
        }
      } else {
      }
      %rem3A_156 = arith.constant 8 : i32
      %rem3A_157 = arith.remsi %scan3A_145, %rem3A_156 : i32
      %eq3A_158 = arith.constant 2 : i32
      %eq3A_159 = arith.cmpi eq, %rem3A_157, %eq3A_158 : i32
      %convert_element_type3A_160 = arith.extui %eq3A_159 : i1 to i32
      %cond3A_161 = arith.constant 0 : i32
      %cond3A_162 = arith.cmpi ne, %convert_element_type3A_160, %cond3A_161 : i32
      scf.if %cond3A_162 {
        %dma_wait3A_198 = arith.constant 0 : i32
        %dma_wait3A_199 = arith.constant 0 : i32
        %dma_wait3A_200 = tpu.memref_slice %arg2[%dma_wait3A_198, %dma_wait3A_199] : memref<10240x128xf32, #tpu.memory_space<hbm>> -> memref<10240x128xf32, #tpu.memory_space<hbm>>
        tpu.wait_indirect_dma semaphore(%arg30 : memref<!tpu.dma_semaphore, #tpu.memory_space<semaphore_mem>>) src(%dma_wait3A_200 : memref<10240x128xf32, #tpu.memory_space<hbm>>) dst(%arg25 : memref<80x128xf32, #tpu.memory_space<vmem>>)
        "tpu.region"() ({
          %run_scoped3A = tpu.sem_alloc : memref<!tpu.dma_semaphore, #tpu.memory_space<semaphore_mem>>
          %dma_start3A_210 = arith.constant 0 : i32
          %dma_start3A_211 = arith.constant 0 : i32
          %dma_start3A_212 = tpu.memref_slice %arg27[%dma_start3A_210, %dma_start3A_211] : memref<10240x128xf32, #tpu.memory_space<vmem_shared>> -> memref<10240x128xf32, #tpu.memory_space<vmem_shared>>
          tpu.enqueue_indirect_dma source(%arg25 : memref<80x128xf32, #tpu.memory_space<vmem>>) target(%dma_start3A_212 : memref<10240x128xf32, #tpu.memory_space<vmem_shared>>) offsets(%arg12 : memref<80xi32, #tpu.memory_space<vmem>>) semaphore(%run_scoped3A : memref<!tpu.dma_semaphore, #tpu.memory_space<semaphore_mem>>) {add = true}
          %dma_wait3A_213 = arith.constant 0 : i32
          %dma_wait3A_214 = arith.constant 0 : i32
          %dma_wait3A_215 = tpu.memref_slice %arg27[%dma_wait3A_213, %dma_wait3A_214] : memref<10240x128xf32, #tpu.memory_space<vmem_shared>> -> memref<10240x128xf32, #tpu.memory_space<vmem_shared>>
          tpu.wait_indirect_dma semaphore(%run_scoped3A : memref<!tpu.dma_semaphore, #tpu.memory_space<semaphore_mem>>) src(%arg25 : memref<80x128xf32, #tpu.memory_space<vmem>>) dst(%dma_wait3A_215 : memref<10240x128xf32, #tpu.memory_space<vmem_shared>>)
          tpu.yield
        }) : () -> ()
        %lt3A = arith.constant 121 : i32
        %lt3A_201 = arith.cmpi slt, %scan3A_145, %lt3A : i32
        %convert_element_type3A_202 = arith.extui %lt3A_201 : i1 to i32
        %cond3A_203 = arith.constant 0 : i32
        %cond3A_204 = arith.cmpi ne, %convert_element_type3A_202, %cond3A_203 : i32
        scf.if %cond3A_204 {
          %add3A_210 = arith.constant 4 : i32
          %add3A_211 = arith.addi %scan3A_145, %add3A_210 : i32
          %mul3A_212 = arith.constant 80 : i32
          %mul3A_213 = arith.muli %add3A_211, %mul3A_212 : i32
          %add3A_214 = arith.addi %multiple_of3A, %mul3A_213 : i32
          %multiple_of3A_215 = tpu.assume_multiple %add3A_214, 16 : i32
          %dma_wait3A_216 = tpu.memref_slice %arg3[%multiple_of3A_215] : memref<320000xi32, #tpu.memory_space<hbm>> -> memref<80xi32, #tpu.memory_space<hbm>>
          %dma_wait3A_217 = tpu.memref_slice %arg3[%multiple_of3A_215] : memref<320000xi32, #tpu.memory_space<hbm>> -> memref<80xi32, #tpu.memory_space<hbm>>
          tpu.wait_dma2 semaphore(%arg38 : memref<!tpu.dma_semaphore, #tpu.memory_space<semaphore_mem>>) src(%dma_wait3A_217 : memref<80xi32, #tpu.memory_space<hbm>>) dst(%arg19 : memref<80xi32, #tpu.memory_space<vmem>>)
          %mul3A_218 = arith.constant 80 : i32
          %mul3A_219 = arith.muli %add3A_211, %mul3A_218 : i32
          %add3A_220 = arith.addi %multiple_of3A, %mul3A_219 : i32
          %multiple_of3A_221 = tpu.assume_multiple %add3A_220, 16 : i32
          %dma_wait3A_222 = tpu.memref_slice %arg4[%multiple_of3A_221] : memref<320000xi32, #tpu.memory_space<hbm>> -> memref<80xi32, #tpu.memory_space<hbm>>
          %dma_wait3A_223 = tpu.memref_slice %arg4[%multiple_of3A_221] : memref<320000xi32, #tpu.memory_space<hbm>> -> memref<80xi32, #tpu.memory_space<hbm>>
          tpu.wait_dma2 semaphore(%arg38 : memref<!tpu.dma_semaphore, #tpu.memory_space<semaphore_mem>>) src(%dma_wait3A_223 : memref<80xi32, #tpu.memory_space<hbm>>) dst(%arg20 : memref<80xi32, #tpu.memory_space<vmem>>)
          %dma_start3A_224 = arith.constant 0 : i32
          %dma_start3A_225 = arith.constant 0 : i32
          %dma_start3A_226 = tpu.memref_slice %arg2[%dma_start3A_224, %dma_start3A_225] : memref<10240x128xf32, #tpu.memory_space<hbm>> -> memref<10240x128xf32, #tpu.memory_space<hbm>>
          tpu.enqueue_indirect_dma source(%dma_start3A_226 : memref<10240x128xf32, #tpu.memory_space<hbm>>) target(%arg25 : memref<80x128xf32, #tpu.memory_space<vmem>>) offsets(%arg19 : memref<80xi32, #tpu.memory_space<vmem>>) semaphore(%arg30 : memref<!tpu.dma_semaphore, #tpu.memory_space<semaphore_mem>>)
        } else {
        }
        %lt3A_205 = arith.constant 117 : i32
        %lt3A_206 = arith.cmpi slt, %scan3A_145, %lt3A_205 : i32
        %convert_element_type3A_207 = arith.extui %lt3A_206 : i1 to i32
        %cond3A_208 = arith.constant 0 : i32
        %cond3A_209 = arith.cmpi ne, %convert_element_type3A_207, %cond3A_208 : i32
        scf.if %cond3A_209 {
          %add3A_210 = arith.constant 8 : i32
          %add3A_211 = arith.addi %scan3A_145, %add3A_210 : i32
          %mul3A_212 = arith.constant 80 : i32
          %mul3A_213 = arith.muli %add3A_211, %mul3A_212 : i32
          %add3A_214 = arith.addi %multiple_of3A, %mul3A_213 : i32
          %multiple_of3A_215 = tpu.assume_multiple %add3A_214, 16 : i32
          %dma_start3A_216 = tpu.memref_slice %arg3[%multiple_of3A_215] : memref<320000xi32, #tpu.memory_space<hbm>> -> memref<80xi32, #tpu.memory_space<hbm>>
          %dma_start3A_217 = tpu.memref_slice %arg3[%multiple_of3A_215] : memref<320000xi32, #tpu.memory_space<hbm>> -> memref<80xi32, #tpu.memory_space<hbm>>
          tpu.enqueue_dma source(%dma_start3A_217 : memref<80xi32, #tpu.memory_space<hbm>>) target(%arg11 : memref<80xi32, #tpu.memory_space<vmem>>) target_semaphore(%arg34 : memref<!tpu.dma_semaphore, #tpu.memory_space<semaphore_mem>>)
          %mul3A_218 = arith.constant 80 : i32
          %mul3A_219 = arith.muli %add3A_211, %mul3A_218 : i32
          %add3A_220 = arith.addi %multiple_of3A, %mul3A_219 : i32
          %multiple_of3A_221 = tpu.assume_multiple %add3A_220, 16 : i32
          %dma_start3A_222 = tpu.memref_slice %arg4[%multiple_of3A_221] : memref<320000xi32, #tpu.memory_space<hbm>> -> memref<80xi32, #tpu.memory_space<hbm>>
          %dma_start3A_223 = tpu.memref_slice %arg4[%multiple_of3A_221] : memref<320000xi32, #tpu.memory_space<hbm>> -> memref<80xi32, #tpu.memory_space<hbm>>
          tpu.enqueue_dma source(%dma_start3A_223 : memref<80xi32, #tpu.memory_space<hbm>>) target(%arg12 : memref<80xi32, #tpu.memory_space<vmem>>) target_semaphore(%arg34 : memref<!tpu.dma_semaphore, #tpu.memory_space<semaphore_mem>>)
        } else {
        }
      } else {
      }
      %rem3A_163 = arith.constant 8 : i32
      %rem3A_164 = arith.remsi %scan3A_145, %rem3A_163 : i32
      %eq3A_165 = arith.constant 3 : i32
      %eq3A_166 = arith.cmpi eq, %rem3A_164, %eq3A_165 : i32
      %convert_element_type3A_167 = arith.extui %eq3A_166 : i1 to i32
      %cond3A_168 = arith.constant 0 : i32
      %cond3A_169 = arith.cmpi ne, %convert_element_type3A_167, %cond3A_168 : i32
      scf.if %cond3A_169 {
        %dma_wait3A_198 = arith.constant 0 : i32
        %dma_wait3A_199 = arith.constant 0 : i32
        %dma_wait3A_200 = tpu.memref_slice %arg2[%dma_wait3A_198, %dma_wait3A_199] : memref<10240x128xf32, #tpu.memory_space<hbm>> -> memref<10240x128xf32, #tpu.memory_space<hbm>>
        tpu.wait_indirect_dma semaphore(%arg31 : memref<!tpu.dma_semaphore, #tpu.memory_space<semaphore_mem>>) src(%dma_wait3A_200 : memref<10240x128xf32, #tpu.memory_space<hbm>>) dst(%arg26 : memref<80x128xf32, #tpu.memory_space<vmem>>)
        "tpu.region"() ({
          %run_scoped3A = tpu.sem_alloc : memref<!tpu.dma_semaphore, #tpu.memory_space<semaphore_mem>>
          %dma_start3A_210 = arith.constant 0 : i32
          %dma_start3A_211 = arith.constant 0 : i32
          %dma_start3A_212 = tpu.memref_slice %arg27[%dma_start3A_210, %dma_start3A_211] : memref<10240x128xf32, #tpu.memory_space<vmem_shared>> -> memref<10240x128xf32, #tpu.memory_space<vmem_shared>>
          tpu.enqueue_indirect_dma source(%arg26 : memref<80x128xf32, #tpu.memory_space<vmem>>) target(%dma_start3A_212 : memref<10240x128xf32, #tpu.memory_space<vmem_shared>>) offsets(%arg14 : memref<80xi32, #tpu.memory_space<vmem>>) semaphore(%run_scoped3A : memref<!tpu.dma_semaphore, #tpu.memory_space<semaphore_mem>>) {add = true}
          %dma_wait3A_213 = arith.constant 0 : i32
          %dma_wait3A_214 = arith.constant 0 : i32
          %dma_wait3A_215 = tpu.memref_slice %arg27[%dma_wait3A_213, %dma_wait3A_214] : memref<10240x128xf32, #tpu.memory_space<vmem_shared>> -> memref<10240x128xf32, #tpu.memory_space<vmem_shared>>
          tpu.wait_indirect_dma semaphore(%run_scoped3A : memref<!tpu.dma_semaphore, #tpu.memory_space<semaphore_mem>>) src(%arg26 : memref<80x128xf32, #tpu.memory_space<vmem>>) dst(%dma_wait3A_215 : memref<10240x128xf32, #tpu.memory_space<vmem_shared>>)
          tpu.yield
        }) : () -> ()
        %lt3A = arith.constant 121 : i32
        %lt3A_201 = arith.cmpi slt, %scan3A_145, %lt3A : i32
        %convert_element_type3A_202 = arith.extui %lt3A_201 : i1 to i32
        %cond3A_203 = arith.constant 0 : i32
        %cond3A_204 = arith.cmpi ne, %convert_element_type3A_202, %cond3A_203 : i32
        scf.if %cond3A_204 {
          %add3A_210 = arith.constant 4 : i32
          %add3A_211 = arith.addi %scan3A_145, %add3A_210 : i32
          %mul3A_212 = arith.constant 80 : i32
          %mul3A_213 = arith.muli %add3A_211, %mul3A_212 : i32
          %add3A_214 = arith.addi %multiple_of3A, %mul3A_213 : i32
          %multiple_of3A_215 = tpu.assume_multiple %add3A_214, 16 : i32
          %dma_wait3A_216 = tpu.memref_slice %arg3[%multiple_of3A_215] : memref<320000xi32, #tpu.memory_space<hbm>> -> memref<80xi32, #tpu.memory_space<hbm>>
          %dma_wait3A_217 = tpu.memref_slice %arg3[%multiple_of3A_215] : memref<320000xi32, #tpu.memory_space<hbm>> -> memref<80xi32, #tpu.memory_space<hbm>>
          tpu.wait_dma2 semaphore(%arg39 : memref<!tpu.dma_semaphore, #tpu.memory_space<semaphore_mem>>) src(%dma_wait3A_217 : memref<80xi32, #tpu.memory_space<hbm>>) dst(%arg21 : memref<80xi32, #tpu.memory_space<vmem>>)
          %mul3A_218 = arith.constant 80 : i32
          %mul3A_219 = arith.muli %add3A_211, %mul3A_218 : i32
          %add3A_220 = arith.addi %multiple_of3A, %mul3A_219 : i32
          %multiple_of3A_221 = tpu.assume_multiple %add3A_220, 16 : i32
          %dma_wait3A_222 = tpu.memref_slice %arg4[%multiple_of3A_221] : memref<320000xi32, #tpu.memory_space<hbm>> -> memref<80xi32, #tpu.memory_space<hbm>>
          %dma_wait3A_223 = tpu.memref_slice %arg4[%multiple_of3A_221] : memref<320000xi32, #tpu.memory_space<hbm>> -> memref<80xi32, #tpu.memory_space<hbm>>
          tpu.wait_dma2 semaphore(%arg39 : memref<!tpu.dma_semaphore, #tpu.memory_space<semaphore_mem>>) src(%dma_wait3A_223 : memref<80xi32, #tpu.memory_space<hbm>>) dst(%arg22 : memref<80xi32, #tpu.memory_space<vmem>>)
          %dma_start3A_224 = arith.constant 0 : i32
          %dma_start3A_225 = arith.constant 0 : i32
          %dma_start3A_226 = tpu.memref_slice %arg2[%dma_start3A_224, %dma_start3A_225] : memref<10240x128xf32, #tpu.memory_space<hbm>> -> memref<10240x128xf32, #tpu.memory_space<hbm>>
          tpu.enqueue_indirect_dma source(%dma_start3A_226 : memref<10240x128xf32, #tpu.memory_space<hbm>>) target(%arg26 : memref<80x128xf32, #tpu.memory_space<vmem>>) offsets(%arg21 : memref<80xi32, #tpu.memory_space<vmem>>) semaphore(%arg31 : memref<!tpu.dma_semaphore, #tpu.memory_space<semaphore_mem>>)
        } else {
        }
        %lt3A_205 = arith.constant 117 : i32
        %lt3A_206 = arith.cmpi slt, %scan3A_145, %lt3A_205 : i32
        %convert_element_type3A_207 = arith.extui %lt3A_206 : i1 to i32
        %cond3A_208 = arith.constant 0 : i32
        %cond3A_209 = arith.cmpi ne, %convert_element_type3A_207, %cond3A_208 : i32
        scf.if %cond3A_209 {
          %add3A_210 = arith.constant 8 : i32
          %add3A_211 = arith.addi %scan3A_145, %add3A_210 : i32
          %mul3A_212 = arith.constant 80 : i32
          %mul3A_213 = arith.muli %add3A_211, %mul3A_212 : i32
          %add3A_214 = arith.addi %multiple_of3A, %mul3A_213 : i32
          %multiple_of3A_215 = tpu.assume_multiple %add3A_214, 16 : i32
          %dma_start3A_216 = tpu.memref_slice %arg3[%multiple_of3A_215] : memref<320000xi32, #tpu.memory_space<hbm>> -> memref<80xi32, #tpu.memory_space<hbm>>
          %dma_start3A_217 = tpu.memref_slice %arg3[%multiple_of3A_215] : memref<320000xi32, #tpu.memory_space<hbm>> -> memref<80xi32, #tpu.memory_space<hbm>>
          tpu.enqueue_dma source(%dma_start3A_217 : memref<80xi32, #tpu.memory_space<hbm>>) target(%arg13 : memref<80xi32, #tpu.memory_space<vmem>>) target_semaphore(%arg35 : memref<!tpu.dma_semaphore, #tpu.memory_space<semaphore_mem>>)
          %mul3A_218 = arith.constant 80 : i32
          %mul3A_219 = arith.muli %add3A_211, %mul3A_218 : i32
          %add3A_220 = arith.addi %multiple_of3A, %mul3A_219 : i32
          %multiple_of3A_221 = tpu.assume_multiple %add3A_220, 16 : i32
          %dma_start3A_222 = tpu.memref_slice %arg4[%multiple_of3A_221] : memref<320000xi32, #tpu.memory_space<hbm>> -> memref<80xi32, #tpu.memory_space<hbm>>
          %dma_start3A_223 = tpu.memref_slice %arg4[%multiple_of3A_221] : memref<320000xi32, #tpu.memory_space<hbm>> -> memref<80xi32, #tpu.memory_space<hbm>>
          tpu.enqueue_dma source(%dma_start3A_223 : memref<80xi32, #tpu.memory_space<hbm>>) target(%arg14 : memref<80xi32, #tpu.memory_space<vmem>>) target_semaphore(%arg35 : memref<!tpu.dma_semaphore, #tpu.memory_space<semaphore_mem>>)
        } else {
        }
      } else {
      }
      %rem3A_170 = arith.constant 8 : i32
      %rem3A_171 = arith.remsi %scan3A_145, %rem3A_170 : i32
      %eq3A_172 = arith.constant 4 : i32
      %eq3A_173 = arith.cmpi eq, %rem3A_171, %eq3A_172 : i32
      %convert_element_type3A_174 = arith.extui %eq3A_173 : i1 to i32
      %cond3A_175 = arith.constant 0 : i32
      %cond3A_176 = arith.cmpi ne, %convert_element_type3A_174, %cond3A_175 : i32
      scf.if %cond3A_176 {
        %dma_wait3A_198 = arith.constant 0 : i32
        %dma_wait3A_199 = arith.constant 0 : i32
        %dma_wait3A_200 = tpu.memref_slice %arg2[%dma_wait3A_198, %dma_wait3A_199] : memref<10240x128xf32, #tpu.memory_space<hbm>> -> memref<10240x128xf32, #tpu.memory_space<hbm>>
        tpu.wait_indirect_dma semaphore(%arg28 : memref<!tpu.dma_semaphore, #tpu.memory_space<semaphore_mem>>) src(%dma_wait3A_200 : memref<10240x128xf32, #tpu.memory_space<hbm>>) dst(%arg23 : memref<80x128xf32, #tpu.memory_space<vmem>>)
        "tpu.region"() ({
          %run_scoped3A = tpu.sem_alloc : memref<!tpu.dma_semaphore, #tpu.memory_space<semaphore_mem>>
          %dma_start3A_210 = arith.constant 0 : i32
          %dma_start3A_211 = arith.constant 0 : i32
          %dma_start3A_212 = tpu.memref_slice %arg27[%dma_start3A_210, %dma_start3A_211] : memref<10240x128xf32, #tpu.memory_space<vmem_shared>> -> memref<10240x128xf32, #tpu.memory_space<vmem_shared>>
          tpu.enqueue_indirect_dma source(%arg23 : memref<80x128xf32, #tpu.memory_space<vmem>>) target(%dma_start3A_212 : memref<10240x128xf32, #tpu.memory_space<vmem_shared>>) offsets(%arg16 : memref<80xi32, #tpu.memory_space<vmem>>) semaphore(%run_scoped3A : memref<!tpu.dma_semaphore, #tpu.memory_space<semaphore_mem>>) {add = true}
          %dma_wait3A_213 = arith.constant 0 : i32
          %dma_wait3A_214 = arith.constant 0 : i32
          %dma_wait3A_215 = tpu.memref_slice %arg27[%dma_wait3A_213, %dma_wait3A_214] : memref<10240x128xf32, #tpu.memory_space<vmem_shared>> -> memref<10240x128xf32, #tpu.memory_space<vmem_shared>>
          tpu.wait_indirect_dma semaphore(%run_scoped3A : memref<!tpu.dma_semaphore, #tpu.memory_space<semaphore_mem>>) src(%arg23 : memref<80x128xf32, #tpu.memory_space<vmem>>) dst(%dma_wait3A_215 : memref<10240x128xf32, #tpu.memory_space<vmem_shared>>)
          tpu.yield
        }) : () -> ()
        %lt3A = arith.constant 121 : i32
        %lt3A_201 = arith.cmpi slt, %scan3A_145, %lt3A : i32
        %convert_element_type3A_202 = arith.extui %lt3A_201 : i1 to i32
        %cond3A_203 = arith.constant 0 : i32
        %cond3A_204 = arith.cmpi ne, %convert_element_type3A_202, %cond3A_203 : i32
        scf.if %cond3A_204 {
          %add3A_210 = arith.constant 4 : i32
          %add3A_211 = arith.addi %scan3A_145, %add3A_210 : i32
          %mul3A_212 = arith.constant 80 : i32
          %mul3A_213 = arith.muli %add3A_211, %mul3A_212 : i32
          %add3A_214 = arith.addi %multiple_of3A, %mul3A_213 : i32
          %multiple_of3A_215 = tpu.assume_multiple %add3A_214, 16 : i32
          %dma_wait3A_216 = tpu.memref_slice %arg3[%multiple_of3A_215] : memref<320000xi32, #tpu.memory_space<hbm>> -> memref<80xi32, #tpu.memory_space<hbm>>
          %dma_wait3A_217 = tpu.memref_slice %arg3[%multiple_of3A_215] : memref<320000xi32, #tpu.memory_space<hbm>> -> memref<80xi32, #tpu.memory_space<hbm>>
          tpu.wait_dma2 semaphore(%arg32 : memref<!tpu.dma_semaphore, #tpu.memory_space<semaphore_mem>>) src(%dma_wait3A_217 : memref<80xi32, #tpu.memory_space<hbm>>) dst(%arg7 : memref<80xi32, #tpu.memory_space<vmem>>)
          %mul3A_218 = arith.constant 80 : i32
          %mul3A_219 = arith.muli %add3A_211, %mul3A_218 : i32
          %add3A_220 = arith.addi %multiple_of3A, %mul3A_219 : i32
          %multiple_of3A_221 = tpu.assume_multiple %add3A_220, 16 : i32
          %dma_wait3A_222 = tpu.memref_slice %arg4[%multiple_of3A_221] : memref<320000xi32, #tpu.memory_space<hbm>> -> memref<80xi32, #tpu.memory_space<hbm>>
          %dma_wait3A_223 = tpu.memref_slice %arg4[%multiple_of3A_221] : memref<320000xi32, #tpu.memory_space<hbm>> -> memref<80xi32, #tpu.memory_space<hbm>>
          tpu.wait_dma2 semaphore(%arg32 : memref<!tpu.dma_semaphore, #tpu.memory_space<semaphore_mem>>) src(%dma_wait3A_223 : memref<80xi32, #tpu.memory_space<hbm>>) dst(%arg8 : memref<80xi32, #tpu.memory_space<vmem>>)
          %dma_start3A_224 = arith.constant 0 : i32
          %dma_start3A_225 = arith.constant 0 : i32
          %dma_start3A_226 = tpu.memref_slice %arg2[%dma_start3A_224, %dma_start3A_225] : memref<10240x128xf32, #tpu.memory_space<hbm>> -> memref<10240x128xf32, #tpu.memory_space<hbm>>
          tpu.enqueue_indirect_dma source(%dma_start3A_226 : memref<10240x128xf32, #tpu.memory_space<hbm>>) target(%arg23 : memref<80x128xf32, #tpu.memory_space<vmem>>) offsets(%arg7 : memref<80xi32, #tpu.memory_space<vmem>>) semaphore(%arg28 : memref<!tpu.dma_semaphore, #tpu.memory_space<semaphore_mem>>)
        } else {
        }
        %lt3A_205 = arith.constant 117 : i32
        %lt3A_206 = arith.cmpi slt, %scan3A_145, %lt3A_205 : i32
        %convert_element_type3A_207 = arith.extui %lt3A_206 : i1 to i32
        %cond3A_208 = arith.constant 0 : i32
        %cond3A_209 = arith.cmpi ne, %convert_element_type3A_207, %cond3A_208 : i32
        scf.if %cond3A_209 {
          %add3A_210 = arith.constant 8 : i32
          %add3A_211 = arith.addi %scan3A_145, %add3A_210 : i32
          %mul3A_212 = arith.constant 80 : i32
          %mul3A_213 = arith.muli %add3A_211, %mul3A_212 : i32
          %add3A_214 = arith.addi %multiple_of3A, %mul3A_213 : i32
          %multiple_of3A_215 = tpu.assume_multiple %add3A_214, 16 : i32
          %dma_start3A_216 = tpu.memref_slice %arg3[%multiple_of3A_215] : memref<320000xi32, #tpu.memory_space<hbm>> -> memref<80xi32, #tpu.memory_space<hbm>>
          %dma_start3A_217 = tpu.memref_slice %arg3[%multiple_of3A_215] : memref<320000xi32, #tpu.memory_space<hbm>> -> memref<80xi32, #tpu.memory_space<hbm>>
          tpu.enqueue_dma source(%dma_start3A_217 : memref<80xi32, #tpu.memory_space<hbm>>) target(%arg15 : memref<80xi32, #tpu.memory_space<vmem>>) target_semaphore(%arg36 : memref<!tpu.dma_semaphore, #tpu.memory_space<semaphore_mem>>)
          %mul3A_218 = arith.constant 80 : i32
          %mul3A_219 = arith.muli %add3A_211, %mul3A_218 : i32
          %add3A_220 = arith.addi %multiple_of3A, %mul3A_219 : i32
          %multiple_of3A_221 = tpu.assume_multiple %add3A_220, 16 : i32
          %dma_start3A_222 = tpu.memref_slice %arg4[%multiple_of3A_221] : memref<320000xi32, #tpu.memory_space<hbm>> -> memref<80xi32, #tpu.memory_space<hbm>>
          %dma_start3A_223 = tpu.memref_slice %arg4[%multiple_of3A_221] : memref<320000xi32, #tpu.memory_space<hbm>> -> memref<80xi32, #tpu.memory_space<hbm>>
          tpu.enqueue_dma source(%dma_start3A_223 : memref<80xi32, #tpu.memory_space<hbm>>) target(%arg16 : memref<80xi32, #tpu.memory_space<vmem>>) target_semaphore(%arg36 : memref<!tpu.dma_semaphore, #tpu.memory_space<semaphore_mem>>)
        } else {
        }
      } else {
      }
      %rem3A_177 = arith.constant 8 : i32
      %rem3A_178 = arith.remsi %scan3A_145, %rem3A_177 : i32
      %eq3A_179 = arith.constant 5 : i32
      %eq3A_180 = arith.cmpi eq, %rem3A_178, %eq3A_179 : i32
      %convert_element_type3A_181 = arith.extui %eq3A_180 : i1 to i32
      %cond3A_182 = arith.constant 0 : i32
      %cond3A_183 = arith.cmpi ne, %convert_element_type3A_181, %cond3A_182 : i32
      scf.if %cond3A_183 {
        %dma_wait3A_198 = arith.constant 0 : i32
        %dma_wait3A_199 = arith.constant 0 : i32
        %dma_wait3A_200 = tpu.memref_slice %arg2[%dma_wait3A_198, %dma_wait3A_199] : memref<10240x128xf32, #tpu.memory_space<hbm>> -> memref<10240x128xf32, #tpu.memory_space<hbm>>
        tpu.wait_indirect_dma semaphore(%arg29 : memref<!tpu.dma_semaphore, #tpu.memory_space<semaphore_mem>>) src(%dma_wait3A_200 : memref<10240x128xf32, #tpu.memory_space<hbm>>) dst(%arg24 : memref<80x128xf32, #tpu.memory_space<vmem>>)
        "tpu.region"() ({
          %run_scoped3A = tpu.sem_alloc : memref<!tpu.dma_semaphore, #tpu.memory_space<semaphore_mem>>
          %dma_start3A_210 = arith.constant 0 : i32
          %dma_start3A_211 = arith.constant 0 : i32
          %dma_start3A_212 = tpu.memref_slice %arg27[%dma_start3A_210, %dma_start3A_211] : memref<10240x128xf32, #tpu.memory_space<vmem_shared>> -> memref<10240x128xf32, #tpu.memory_space<vmem_shared>>
          tpu.enqueue_indirect_dma source(%arg24 : memref<80x128xf32, #tpu.memory_space<vmem>>) target(%dma_start3A_212 : memref<10240x128xf32, #tpu.memory_space<vmem_shared>>) offsets(%arg18 : memref<80xi32, #tpu.memory_space<vmem>>) semaphore(%run_scoped3A : memref<!tpu.dma_semaphore, #tpu.memory_space<semaphore_mem>>) {add = true}
          %dma_wait3A_213 = arith.constant 0 : i32
          %dma_wait3A_214 = arith.constant 0 : i32
          %dma_wait3A_215 = tpu.memref_slice %arg27[%dma_wait3A_213, %dma_wait3A_214] : memref<10240x128xf32, #tpu.memory_space<vmem_shared>> -> memref<10240x128xf32, #tpu.memory_space<vmem_shared>>
          tpu.wait_indirect_dma semaphore(%run_scoped3A : memref<!tpu.dma_semaphore, #tpu.memory_space<semaphore_mem>>) src(%arg24 : memref<80x128xf32, #tpu.memory_space<vmem>>) dst(%dma_wait3A_215 : memref<10240x128xf32, #tpu.memory_space<vmem_shared>>)
          tpu.yield
        }) : () -> ()
        %lt3A = arith.constant 121 : i32
        %lt3A_201 = arith.cmpi slt, %scan3A_145, %lt3A : i32
        %convert_element_type3A_202 = arith.extui %lt3A_201 : i1 to i32
        %cond3A_203 = arith.constant 0 : i32
        %cond3A_204 = arith.cmpi ne, %convert_element_type3A_202, %cond3A_203 : i32
        scf.if %cond3A_204 {
          %add3A_210 = arith.constant 4 : i32
          %add3A_211 = arith.addi %scan3A_145, %add3A_210 : i32
          %mul3A_212 = arith.constant 80 : i32
          %mul3A_213 = arith.muli %add3A_211, %mul3A_212 : i32
          %add3A_214 = arith.addi %multiple_of3A, %mul3A_213 : i32
          %multiple_of3A_215 = tpu.assume_multiple %add3A_214, 16 : i32
          %dma_wait3A_216 = tpu.memref_slice %arg3[%multiple_of3A_215] : memref<320000xi32, #tpu.memory_space<hbm>> -> memref<80xi32, #tpu.memory_space<hbm>>
          %dma_wait3A_217 = tpu.memref_slice %arg3[%multiple_of3A_215] : memref<320000xi32, #tpu.memory_space<hbm>> -> memref<80xi32, #tpu.memory_space<hbm>>
          tpu.wait_dma2 semaphore(%arg33 : memref<!tpu.dma_semaphore, #tpu.memory_space<semaphore_mem>>) src(%dma_wait3A_217 : memref<80xi32, #tpu.memory_space<hbm>>) dst(%arg9 : memref<80xi32, #tpu.memory_space<vmem>>)
          %mul3A_218 = arith.constant 80 : i32
          %mul3A_219 = arith.muli %add3A_211, %mul3A_218 : i32
          %add3A_220 = arith.addi %multiple_of3A, %mul3A_219 : i32
          %multiple_of3A_221 = tpu.assume_multiple %add3A_220, 16 : i32
          %dma_wait3A_222 = tpu.memref_slice %arg4[%multiple_of3A_221] : memref<320000xi32, #tpu.memory_space<hbm>> -> memref<80xi32, #tpu.memory_space<hbm>>
          %dma_wait3A_223 = tpu.memref_slice %arg4[%multiple_of3A_221] : memref<320000xi32, #tpu.memory_space<hbm>> -> memref<80xi32, #tpu.memory_space<hbm>>
          tpu.wait_dma2 semaphore(%arg33 : memref<!tpu.dma_semaphore, #tpu.memory_space<semaphore_mem>>) src(%dma_wait3A_223 : memref<80xi32, #tpu.memory_space<hbm>>) dst(%arg10 : memref<80xi32, #tpu.memory_space<vmem>>)
          %dma_start3A_224 = arith.constant 0 : i32
          %dma_start3A_225 = arith.constant 0 : i32
          %dma_start3A_226 = tpu.memref_slice %arg2[%dma_start3A_224, %dma_start3A_225] : memref<10240x128xf32, #tpu.memory_space<hbm>> -> memref<10240x128xf32, #tpu.memory_space<hbm>>
          tpu.enqueue_indirect_dma source(%dma_start3A_226 : memref<10240x128xf32, #tpu.memory_space<hbm>>) target(%arg24 : memref<80x128xf32, #tpu.memory_space<vmem>>) offsets(%arg9 : memref<80xi32, #tpu.memory_space<vmem>>) semaphore(%arg29 : memref<!tpu.dma_semaphore, #tpu.memory_space<semaphore_mem>>)
        } else {
        }
        %lt3A_205 = arith.constant 117 : i32
        %lt3A_206 = arith.cmpi slt, %scan3A_145, %lt3A_205 : i32
        %convert_element_type3A_207 = arith.extui %lt3A_206 : i1 to i32
        %cond3A_208 = arith.constant 0 : i32
        %cond3A_209 = arith.cmpi ne, %convert_element_type3A_207, %cond3A_208 : i32
        scf.if %cond3A_209 {
          %add3A_210 = arith.constant 8 : i32
          %add3A_211 = arith.addi %scan3A_145, %add3A_210 : i32
          %mul3A_212 = arith.constant 80 : i32
          %mul3A_213 = arith.muli %add3A_211, %mul3A_212 : i32
          %add3A_214 = arith.addi %multiple_of3A, %mul3A_213 : i32
          %multiple_of3A_215 = tpu.assume_multiple %add3A_214, 16 : i32
          %dma_start3A_216 = tpu.memref_slice %arg3[%multiple_of3A_215] : memref<320000xi32, #tpu.memory_space<hbm>> -> memref<80xi32, #tpu.memory_space<hbm>>
          %dma_start3A_217 = tpu.memref_slice %arg3[%multiple_of3A_215] : memref<320000xi32, #tpu.memory_space<hbm>> -> memref<80xi32, #tpu.memory_space<hbm>>
          tpu.enqueue_dma source(%dma_start3A_217 : memref<80xi32, #tpu.memory_space<hbm>>) target(%arg17 : memref<80xi32, #tpu.memory_space<vmem>>) target_semaphore(%arg37 : memref<!tpu.dma_semaphore, #tpu.memory_space<semaphore_mem>>)
          %mul3A_218 = arith.constant 80 : i32
          %mul3A_219 = arith.muli %add3A_211, %mul3A_218 : i32
          %add3A_220 = arith.addi %multiple_of3A, %mul3A_219 : i32
          %multiple_of3A_221 = tpu.assume_multiple %add3A_220, 16 : i32
          %dma_start3A_222 = tpu.memref_slice %arg4[%multiple_of3A_221] : memref<320000xi32, #tpu.memory_space<hbm>> -> memref<80xi32, #tpu.memory_space<hbm>>
          %dma_start3A_223 = tpu.memref_slice %arg4[%multiple_of3A_221] : memref<320000xi32, #tpu.memory_space<hbm>> -> memref<80xi32, #tpu.memory_space<hbm>>
          tpu.enqueue_dma source(%dma_start3A_223 : memref<80xi32, #tpu.memory_space<hbm>>) target(%arg18 : memref<80xi32, #tpu.memory_space<vmem>>) target_semaphore(%arg37 : memref<!tpu.dma_semaphore, #tpu.memory_space<semaphore_mem>>)
        } else {
        }
      } else {
      }
      %rem3A_184 = arith.constant 8 : i32
      %rem3A_185 = arith.remsi %scan3A_145, %rem3A_184 : i32
      %eq3A_186 = arith.constant 6 : i32
      %eq3A_187 = arith.cmpi eq, %rem3A_185, %eq3A_186 : i32
      %convert_element_type3A_188 = arith.extui %eq3A_187 : i1 to i32
      %cond3A_189 = arith.constant 0 : i32
      %cond3A_190 = arith.cmpi ne, %convert_element_type3A_188, %cond3A_189 : i32
      scf.if %cond3A_190 {
        %dma_wait3A_198 = arith.constant 0 : i32
        %dma_wait3A_199 = arith.constant 0 : i32
        %dma_wait3A_200 = tpu.memref_slice %arg2[%dma_wait3A_198, %dma_wait3A_199] : memref<10240x128xf32, #tpu.memory_space<hbm>> -> memref<10240x128xf32, #tpu.memory_space<hbm>>
        tpu.wait_indirect_dma semaphore(%arg30 : memref<!tpu.dma_semaphore, #tpu.memory_space<semaphore_mem>>) src(%dma_wait3A_200 : memref<10240x128xf32, #tpu.memory_space<hbm>>) dst(%arg25 : memref<80x128xf32, #tpu.memory_space<vmem>>)
        "tpu.region"() ({
          %run_scoped3A = tpu.sem_alloc : memref<!tpu.dma_semaphore, #tpu.memory_space<semaphore_mem>>
          %dma_start3A_210 = arith.constant 0 : i32
          %dma_start3A_211 = arith.constant 0 : i32
          %dma_start3A_212 = tpu.memref_slice %arg27[%dma_start3A_210, %dma_start3A_211] : memref<10240x128xf32, #tpu.memory_space<vmem_shared>> -> memref<10240x128xf32, #tpu.memory_space<vmem_shared>>
          tpu.enqueue_indirect_dma source(%arg25 : memref<80x128xf32, #tpu.memory_space<vmem>>) target(%dma_start3A_212 : memref<10240x128xf32, #tpu.memory_space<vmem_shared>>) offsets(%arg20 : memref<80xi32, #tpu.memory_space<vmem>>) semaphore(%run_scoped3A : memref<!tpu.dma_semaphore, #tpu.memory_space<semaphore_mem>>) {add = true}
          %dma_wait3A_213 = arith.constant 0 : i32
          %dma_wait3A_214 = arith.constant 0 : i32
          %dma_wait3A_215 = tpu.memref_slice %arg27[%dma_wait3A_213, %dma_wait3A_214] : memref<10240x128xf32, #tpu.memory_space<vmem_shared>> -> memref<10240x128xf32, #tpu.memory_space<vmem_shared>>
          tpu.wait_indirect_dma semaphore(%run_scoped3A : memref<!tpu.dma_semaphore, #tpu.memory_space<semaphore_mem>>) src(%arg25 : memref<80x128xf32, #tpu.memory_space<vmem>>) dst(%dma_wait3A_215 : memref<10240x128xf32, #tpu.memory_space<vmem_shared>>)
          tpu.yield
        }) : () -> ()
        %lt3A = arith.constant 121 : i32
        %lt3A_201 = arith.cmpi slt, %scan3A_145, %lt3A : i32
        %convert_element_type3A_202 = arith.extui %lt3A_201 : i1 to i32
        %cond3A_203 = arith.constant 0 : i32
        %cond3A_204 = arith.cmpi ne, %convert_element_type3A_202, %cond3A_203 : i32
        scf.if %cond3A_204 {
          %add3A_210 = arith.constant 4 : i32
          %add3A_211 = arith.addi %scan3A_145, %add3A_210 : i32
          %mul3A_212 = arith.constant 80 : i32
          %mul3A_213 = arith.muli %add3A_211, %mul3A_212 : i32
          %add3A_214 = arith.addi %multiple_of3A, %mul3A_213 : i32
          %multiple_of3A_215 = tpu.assume_multiple %add3A_214, 16 : i32
          %dma_wait3A_216 = tpu.memref_slice %arg3[%multiple_of3A_215] : memref<320000xi32, #tpu.memory_space<hbm>> -> memref<80xi32, #tpu.memory_space<hbm>>
          %dma_wait3A_217 = tpu.memref_slice %arg3[%multiple_of3A_215] : memref<320000xi32, #tpu.memory_space<hbm>> -> memref<80xi32, #tpu.memory_space<hbm>>
          tpu.wait_dma2 semaphore(%arg34 : memref<!tpu.dma_semaphore, #tpu.memory_space<semaphore_mem>>) src(%dma_wait3A_217 : memref<80xi32, #tpu.memory_space<hbm>>) dst(%arg11 : memref<80xi32, #tpu.memory_space<vmem>>)
          %mul3A_218 = arith.constant 80 : i32
          %mul3A_219 = arith.muli %add3A_211, %mul3A_218 : i32
          %add3A_220 = arith.addi %multiple_of3A, %mul3A_219 : i32
          %multiple_of3A_221 = tpu.assume_multiple %add3A_220, 16 : i32
          %dma_wait3A_222 = tpu.memref_slice %arg4[%multiple_of3A_221] : memref<320000xi32, #tpu.memory_space<hbm>> -> memref<80xi32, #tpu.memory_space<hbm>>
          %dma_wait3A_223 = tpu.memref_slice %arg4[%multiple_of3A_221] : memref<320000xi32, #tpu.memory_space<hbm>> -> memref<80xi32, #tpu.memory_space<hbm>>
          tpu.wait_dma2 semaphore(%arg34 : memref<!tpu.dma_semaphore, #tpu.memory_space<semaphore_mem>>) src(%dma_wait3A_223 : memref<80xi32, #tpu.memory_space<hbm>>) dst(%arg12 : memref<80xi32, #tpu.memory_space<vmem>>)
          %dma_start3A_224 = arith.constant 0 : i32
          %dma_start3A_225 = arith.constant 0 : i32
          %dma_start3A_226 = tpu.memref_slice %arg2[%dma_start3A_224, %dma_start3A_225] : memref<10240x128xf32, #tpu.memory_space<hbm>> -> memref<10240x128xf32, #tpu.memory_space<hbm>>
          tpu.enqueue_indirect_dma source(%dma_start3A_226 : memref<10240x128xf32, #tpu.memory_space<hbm>>) target(%arg25 : memref<80x128xf32, #tpu.memory_space<vmem>>) offsets(%arg11 : memref<80xi32, #tpu.memory_space<vmem>>) semaphore(%arg30 : memref<!tpu.dma_semaphore, #tpu.memory_space<semaphore_mem>>)
        } else {
        }
        %lt3A_205 = arith.constant 117 : i32
        %lt3A_206 = arith.cmpi slt, %scan3A_145, %lt3A_205 : i32
        %convert_element_type3A_207 = arith.extui %lt3A_206 : i1 to i32
        %cond3A_208 = arith.constant 0 : i32
        %cond3A_209 = arith.cmpi ne, %convert_element_type3A_207, %cond3A_208 : i32
        scf.if %cond3A_209 {
          %add3A_210 = arith.constant 8 : i32
          %add3A_211 = arith.addi %scan3A_145, %add3A_210 : i32
          %mul3A_212 = arith.constant 80 : i32
          %mul3A_213 = arith.muli %add3A_211, %mul3A_212 : i32
          %add3A_214 = arith.addi %multiple_of3A, %mul3A_213 : i32
          %multiple_of3A_215 = tpu.assume_multiple %add3A_214, 16 : i32
          %dma_start3A_216 = tpu.memref_slice %arg3[%multiple_of3A_215] : memref<320000xi32, #tpu.memory_space<hbm>> -> memref<80xi32, #tpu.memory_space<hbm>>
          %dma_start3A_217 = tpu.memref_slice %arg3[%multiple_of3A_215] : memref<320000xi32, #tpu.memory_space<hbm>> -> memref<80xi32, #tpu.memory_space<hbm>>
          tpu.enqueue_dma source(%dma_start3A_217 : memref<80xi32, #tpu.memory_space<hbm>>) target(%arg19 : memref<80xi32, #tpu.memory_space<vmem>>) target_semaphore(%arg38 : memref<!tpu.dma_semaphore, #tpu.memory_space<semaphore_mem>>)
          %mul3A_218 = arith.constant 80 : i32
          %mul3A_219 = arith.muli %add3A_211, %mul3A_218 : i32
          %add3A_220 = arith.addi %multiple_of3A, %mul3A_219 : i32
          %multiple_of3A_221 = tpu.assume_multiple %add3A_220, 16 : i32
          %dma_start3A_222 = tpu.memref_slice %arg4[%multiple_of3A_221] : memref<320000xi32, #tpu.memory_space<hbm>> -> memref<80xi32, #tpu.memory_space<hbm>>
          %dma_start3A_223 = tpu.memref_slice %arg4[%multiple_of3A_221] : memref<320000xi32, #tpu.memory_space<hbm>> -> memref<80xi32, #tpu.memory_space<hbm>>
          tpu.enqueue_dma source(%dma_start3A_223 : memref<80xi32, #tpu.memory_space<hbm>>) target(%arg20 : memref<80xi32, #tpu.memory_space<vmem>>) target_semaphore(%arg38 : memref<!tpu.dma_semaphore, #tpu.memory_space<semaphore_mem>>)
        } else {
        }
      } else {
      }
      %rem3A_191 = arith.constant 8 : i32
      %rem3A_192 = arith.remsi %scan3A_145, %rem3A_191 : i32
      %eq3A_193 = arith.constant 7 : i32
      %eq3A_194 = arith.cmpi eq, %rem3A_192, %eq3A_193 : i32
      %convert_element_type3A_195 = arith.extui %eq3A_194 : i1 to i32
      %cond3A_196 = arith.constant 0 : i32
      %cond3A_197 = arith.cmpi ne, %convert_element_type3A_195, %cond3A_196 : i32
      scf.if %cond3A_197 {
        %dma_wait3A_198 = arith.constant 0 : i32
        %dma_wait3A_199 = arith.constant 0 : i32
        %dma_wait3A_200 = tpu.memref_slice %arg2[%dma_wait3A_198, %dma_wait3A_199] : memref<10240x128xf32, #tpu.memory_space<hbm>> -> memref<10240x128xf32, #tpu.memory_space<hbm>>
        tpu.wait_indirect_dma semaphore(%arg31 : memref<!tpu.dma_semaphore, #tpu.memory_space<semaphore_mem>>) src(%dma_wait3A_200 : memref<10240x128xf32, #tpu.memory_space<hbm>>) dst(%arg26 : memref<80x128xf32, #tpu.memory_space<vmem>>)
        "tpu.region"() ({
          %run_scoped3A = tpu.sem_alloc : memref<!tpu.dma_semaphore, #tpu.memory_space<semaphore_mem>>
          %dma_start3A_210 = arith.constant 0 : i32
          %dma_start3A_211 = arith.constant 0 : i32
          %dma_start3A_212 = tpu.memref_slice %arg27[%dma_start3A_210, %dma_start3A_211] : memref<10240x128xf32, #tpu.memory_space<vmem_shared>> -> memref<10240x128xf32, #tpu.memory_space<vmem_shared>>
          tpu.enqueue_indirect_dma source(%arg26 : memref<80x128xf32, #tpu.memory_space<vmem>>) target(%dma_start3A_212 : memref<10240x128xf32, #tpu.memory_space<vmem_shared>>) offsets(%arg22 : memref<80xi32, #tpu.memory_space<vmem>>) semaphore(%run_scoped3A : memref<!tpu.dma_semaphore, #tpu.memory_space<semaphore_mem>>) {add = true}
          %dma_wait3A_213 = arith.constant 0 : i32
          %dma_wait3A_214 = arith.constant 0 : i32
          %dma_wait3A_215 = tpu.memref_slice %arg27[%dma_wait3A_213, %dma_wait3A_214] : memref<10240x128xf32, #tpu.memory_space<vmem_shared>> -> memref<10240x128xf32, #tpu.memory_space<vmem_shared>>
          tpu.wait_indirect_dma semaphore(%run_scoped3A : memref<!tpu.dma_semaphore, #tpu.memory_space<semaphore_mem>>) src(%arg26 : memref<80x128xf32, #tpu.memory_space<vmem>>) dst(%dma_wait3A_215 : memref<10240x128xf32, #tpu.memory_space<vmem_shared>>)
          tpu.yield
        }) : () -> ()
        %lt3A = arith.constant 121 : i32
        %lt3A_201 = arith.cmpi slt, %scan3A_145, %lt3A : i32
        %convert_element_type3A_202 = arith.extui %lt3A_201 : i1 to i32
        %cond3A_203 = arith.constant 0 : i32
        %cond3A_204 = arith.cmpi ne, %convert_element_type3A_202, %cond3A_203 : i32
        scf.if %cond3A_204 {
          %add3A_210 = arith.constant 4 : i32
          %add3A_211 = arith.addi %scan3A_145, %add3A_210 : i32
          %mul3A_212 = arith.constant 80 : i32
          %mul3A_213 = arith.muli %add3A_211, %mul3A_212 : i32
          %add3A_214 = arith.addi %multiple_of3A, %mul3A_213 : i32
          %multiple_of3A_215 = tpu.assume_multiple %add3A_214, 16 : i32
          %dma_wait3A_216 = tpu.memref_slice %arg3[%multiple_of3A_215] : memref<320000xi32, #tpu.memory_space<hbm>> -> memref<80xi32, #tpu.memory_space<hbm>>
          %dma_wait3A_217 = tpu.memref_slice %arg3[%multiple_of3A_215] : memref<320000xi32, #tpu.memory_space<hbm>> -> memref<80xi32, #tpu.memory_space<hbm>>
          tpu.wait_dma2 semaphore(%arg35 : memref<!tpu.dma_semaphore, #tpu.memory_space<semaphore_mem>>) src(%dma_wait3A_217 : memref<80xi32, #tpu.memory_space<hbm>>) dst(%arg13 : memref<80xi32, #tpu.memory_space<vmem>>)
          %mul3A_218 = arith.constant 80 : i32
          %mul3A_219 = arith.muli %add3A_211, %mul3A_218 : i32
          %add3A_220 = arith.addi %multiple_of3A, %mul3A_219 : i32
          %multiple_of3A_221 = tpu.assume_multiple %add3A_220, 16 : i32
          %dma_wait3A_222 = tpu.memref_slice %arg4[%multiple_of3A_221] : memref<320000xi32, #tpu.memory_space<hbm>> -> memref<80xi32, #tpu.memory_space<hbm>>
          %dma_wait3A_223 = tpu.memref_slice %arg4[%multiple_of3A_221] : memref<320000xi32, #tpu.memory_space<hbm>> -> memref<80xi32, #tpu.memory_space<hbm>>
          tpu.wait_dma2 semaphore(%arg35 : memref<!tpu.dma_semaphore, #tpu.memory_space<semaphore_mem>>) src(%dma_wait3A_223 : memref<80xi32, #tpu.memory_space<hbm>>) dst(%arg14 : memref<80xi32, #tpu.memory_space<vmem>>)
          %dma_start3A_224 = arith.constant 0 : i32
          %dma_start3A_225 = arith.constant 0 : i32
          %dma_start3A_226 = tpu.memref_slice %arg2[%dma_start3A_224, %dma_start3A_225] : memref<10240x128xf32, #tpu.memory_space<hbm>> -> memref<10240x128xf32, #tpu.memory_space<hbm>>
          tpu.enqueue_indirect_dma source(%dma_start3A_226 : memref<10240x128xf32, #tpu.memory_space<hbm>>) target(%arg26 : memref<80x128xf32, #tpu.memory_space<vmem>>) offsets(%arg13 : memref<80xi32, #tpu.memory_space<vmem>>) semaphore(%arg31 : memref<!tpu.dma_semaphore, #tpu.memory_space<semaphore_mem>>)
        } else {
        }
        %lt3A_205 = arith.constant 117 : i32
        %lt3A_206 = arith.cmpi slt, %scan3A_145, %lt3A_205 : i32
        %convert_element_type3A_207 = arith.extui %lt3A_206 : i1 to i32
        %cond3A_208 = arith.constant 0 : i32
        %cond3A_209 = arith.cmpi ne, %convert_element_type3A_207, %cond3A_208 : i32
        scf.if %cond3A_209 {
          %add3A_210 = arith.constant 8 : i32
          %add3A_211 = arith.addi %scan3A_145, %add3A_210 : i32
          %mul3A_212 = arith.constant 80 : i32
          %mul3A_213 = arith.muli %add3A_211, %mul3A_212 : i32
          %add3A_214 = arith.addi %multiple_of3A, %mul3A_213 : i32
          %multiple_of3A_215 = tpu.assume_multiple %add3A_214, 16 : i32
          %dma_start3A_216 = tpu.memref_slice %arg3[%multiple_of3A_215] : memref<320000xi32, #tpu.memory_space<hbm>> -> memref<80xi32, #tpu.memory_space<hbm>>
          %dma_start3A_217 = tpu.memref_slice %arg3[%multiple_of3A_215] : memref<320000xi32, #tpu.memory_space<hbm>> -> memref<80xi32, #tpu.memory_space<hbm>>
          tpu.enqueue_dma source(%dma_start3A_217 : memref<80xi32, #tpu.memory_space<hbm>>) target(%arg21 : memref<80xi32, #tpu.memory_space<vmem>>) target_semaphore(%arg39 : memref<!tpu.dma_semaphore, #tpu.memory_space<semaphore_mem>>)
          %mul3A_218 = arith.constant 80 : i32
          %mul3A_219 = arith.muli %add3A_211, %mul3A_218 : i32
          %add3A_220 = arith.addi %multiple_of3A, %mul3A_219 : i32
          %multiple_of3A_221 = tpu.assume_multiple %add3A_220, 16 : i32
          %dma_start3A_222 = tpu.memref_slice %arg4[%multiple_of3A_221] : memref<320000xi32, #tpu.memory_space<hbm>> -> memref<80xi32, #tpu.memory_space<hbm>>
          %dma_start3A_223 = tpu.memref_slice %arg4[%multiple_of3A_221] : memref<320000xi32, #tpu.memory_space<hbm>> -> memref<80xi32, #tpu.memory_space<hbm>>
          tpu.enqueue_dma source(%dma_start3A_223 : memref<80xi32, #tpu.memory_space<hbm>>) target(%arg22 : memref<80xi32, #tpu.memory_space<vmem>>) target_semaphore(%arg39 : memref<!tpu.dma_semaphore, #tpu.memory_space<semaphore_mem>>)
        } else {
        }
      } else {
      }
    }
    %scan3A_139 = arith.constant 125 : i32
    %barrier3A_140 = arith.constant 0 : index
    tpu.barrier barrier_id(%barrier3A_140)
    %mul3A_141 = arith.constant 640 : i32
    %mul3A_142 = arith.muli %arg1, %mul3A_141 : i32
    %mul3A_143 = arith.constant 640 : i32
    %mul3A_144 = arith.muli %arg1, %mul3A_143 : i32
    "tpu.region"() ({
      %run_scoped3A = tpu.sem_alloc : memref<!tpu.dma_semaphore, #tpu.memory_space<semaphore_mem>>
      %dma_start3A_145 = arith.constant 0 : i32
      %dma_start3A_146 = tpu.memref_slice %arg6[%arg0, %mul3A_144, %dma_start3A_145] : memref<2x10240x128xf32, #tpu.memory_space<hbm>> -> memref<1x640x128xf32, #tpu.memory_space<hbm>>
      %dma_start3A_147 = tpu.memref_squeeze %dma_start3A_146 : memref<1x640x128xf32, #tpu.memory_space<hbm>> -> memref<640x128xf32, #tpu.memory_space<hbm>>
      %dma_start3A_148 = arith.constant 0 : i32
      %dma_start3A_149 = tpu.memref_slice %arg27[%mul3A_142, %dma_start3A_148] : memref<10240x128xf32, #tpu.memory_space<vmem_shared>> -> memref<640x128xf32, #tpu.memory_space<vmem_shared>>
      tpu.enqueue_dma source(%dma_start3A_149 : memref<640x128xf32, #tpu.memory_space<vmem_shared>>) target(%dma_start3A_147 : memref<640x128xf32, #tpu.memory_space<hbm>>) target_semaphore(%run_scoped3A : memref<!tpu.dma_semaphore, #tpu.memory_space<semaphore_mem>>)
      %dma_wait3A_150 = arith.constant 0 : i32
      %dma_wait3A_151 = tpu.memref_slice %arg6[%arg0, %mul3A_144, %dma_wait3A_150] : memref<2x10240x128xf32, #tpu.memory_space<hbm>> -> memref<1x640x128xf32, #tpu.memory_space<hbm>>
      %dma_wait3A_152 = tpu.memref_squeeze %dma_wait3A_151 : memref<1x640x128xf32, #tpu.memory_space<hbm>> -> memref<640x128xf32, #tpu.memory_space<hbm>>
      %dma_wait3A_153 = arith.constant 0 : i32
      %dma_wait3A_154 = tpu.memref_slice %arg27[%mul3A_142, %dma_wait3A_153] : memref<10240x128xf32, #tpu.memory_space<vmem_shared>> -> memref<640x128xf32, #tpu.memory_space<vmem_shared>>
      tpu.wait_dma2 semaphore(%run_scoped3A : memref<!tpu.dma_semaphore, #tpu.memory_space<semaphore_mem>>) src(%dma_wait3A_154 : memref<640x128xf32, #tpu.memory_space<vmem_shared>>) dst(%dma_wait3A_152 : memref<640x128xf32, #tpu.memory_space<hbm>>)
      tpu.yield
    }) : () -> ()
    return
  }
}

#map = affine_map<(d0, d1) -> (0)>
#map1 = affine_map<(d0, d1) -> (0, 0)>
#map2 = affine_map<(d0, d1) -> (0, 0, 0)>
module attributes {stable_mosaic.version = 14 : i64} {
  func.func @k(%arg0: i32, %arg1: i32, %arg2: memref<320000xi32, #tpu.memory_space<hbm>>, %arg3: memref<80x128xf32, #tpu.memory_space<hbm>>, %arg4: memref<640x128xf32, #tpu.memory_space<hbm>>, %arg5: memref<2x10240x128xf32, #tpu.memory_space<hbm>>, %arg6: memref<80xi32, #tpu.memory_space<vmem>>, %arg7: memref<80xi32, #tpu.memory_space<vmem>>, %arg8: memref<80xi32, #tpu.memory_space<vmem>>, %arg9: memref<80xi32, #tpu.memory_space<vmem>>, %arg10: memref<80xi32, #tpu.memory_space<vmem>>, %arg11: memref<80xi32, #tpu.memory_space<vmem>>, %arg12: memref<80xi32, #tpu.memory_space<vmem>>, %arg13: memref<80xi32, #tpu.memory_space<vmem>>, %arg14: memref<80x128xf32, #tpu.memory_space<vmem>>, %arg15: memref<10240x128xf32, #tpu.memory_space<vmem_shared>>, %arg16: memref<!tpu.dma_semaphore, #tpu.memory_space<semaphore_mem>>, %arg17: memref<!tpu.dma_semaphore, #tpu.memory_space<semaphore_mem>>, %arg18: memref<!tpu.dma_semaphore, #tpu.memory_space<semaphore_mem>>, %arg19: memref<!tpu.dma_semaphore, #tpu.memory_space<semaphore_mem>>, %arg20: memref<!tpu.dma_semaphore, #tpu.memory_space<semaphore_mem>>, %arg21: memref<!tpu.dma_semaphore, #tpu.memory_space<semaphore_mem>>, %arg22: memref<!tpu.dma_semaphore, #tpu.memory_space<semaphore_mem>>, %arg23: memref<!tpu.dma_semaphore, #tpu.memory_space<semaphore_mem>>) attributes {dimension_semantics = [#tpu.dimension_semantics<core_parallel>, #tpu.dimension_semantics<subcore_parallel>], iteration_bounds = array<i64: 2, 16>, scalar_prefetch = 0 : i64, scratch_operands = 18 : i64, tpu.core_type = #tpu.core_type<sc_vector_subcore>, window_params = [{transform_indices = #map}, {transform_indices = #map1}, {transform_indices = #map1}, {transform_indices = #map2}]} {
    %mul3A = arith.constant 16 : i32
    %mul3A_0 = arith.muli %arg0, %mul3A : i32
    %add3A = arith.addi %mul3A_0, %arg1 : i32
    %mul3A_1 = arith.constant 10000 : i32
    %mul3A_2 = arith.muli %add3A, %mul3A_1 : i32
    %multiple_of3A = tpu.assume_multiple %mul3A_2, 16 : i32
    %mul3A_3 = arith.constant 640 : i32
    %mul3A_4 = arith.muli %arg1, %mul3A_3 : i32
    "tpu.region"() ({
      %run_scoped3A = tpu.sem_alloc : memref<!tpu.dma_semaphore, #tpu.memory_space<semaphore_mem>>
      %dma_start3A_54 = arith.constant 0 : i32
      %dma_start3A_55 = tpu.memref_slice %arg15[%mul3A_4, %dma_start3A_54] : memref<10240x128xf32, #tpu.memory_space<vmem_shared>> -> memref<640x128xf32, #tpu.memory_space<vmem_shared>>
      tpu.enqueue_dma source(%arg4 : memref<640x128xf32, #tpu.memory_space<hbm>>) target(%dma_start3A_55 : memref<640x128xf32, #tpu.memory_space<vmem_shared>>) target_semaphore(%run_scoped3A : memref<!tpu.dma_semaphore, #tpu.memory_space<semaphore_mem>>)
      %dma_wait3A = arith.constant 0 : i32
      %dma_wait3A_56 = tpu.memref_slice %arg15[%mul3A_4, %dma_wait3A] : memref<10240x128xf32, #tpu.memory_space<vmem_shared>> -> memref<640x128xf32, #tpu.memory_space<vmem_shared>>
      tpu.wait_dma2 semaphore(%run_scoped3A : memref<!tpu.dma_semaphore, #tpu.memory_space<semaphore_mem>>) src(%arg4 : memref<640x128xf32, #tpu.memory_space<hbm>>) dst(%dma_wait3A_56 : memref<640x128xf32, #tpu.memory_space<vmem_shared>>)
      tpu.yield
    }) : () -> ()
    "tpu.region"() ({
      %run_scoped3A = tpu.sem_alloc : memref<!tpu.dma_semaphore, #tpu.memory_space<semaphore_mem>>
      tpu.enqueue_dma source(%arg3 : memref<80x128xf32, #tpu.memory_space<hbm>>) target(%arg14 : memref<80x128xf32, #tpu.memory_space<vmem>>) target_semaphore(%run_scoped3A : memref<!tpu.dma_semaphore, #tpu.memory_space<semaphore_mem>>)
      tpu.wait_dma2 semaphore(%run_scoped3A : memref<!tpu.dma_semaphore, #tpu.memory_space<semaphore_mem>>) src(%arg3 : memref<80x128xf32, #tpu.memory_space<hbm>>) dst(%arg14 : memref<80x128xf32, #tpu.memory_space<vmem>>)
      tpu.yield
    }) : () -> ()
    %barrier3A = arith.constant 0 : index
    tpu.barrier barrier_id(%barrier3A)
    %add3A_5 = arith.constant 0 : i32
    %add3A_6 = arith.addi %multiple_of3A, %add3A_5 : i32
    %multiple_of3A_7 = tpu.assume_multiple %add3A_6, 16 : i32
    %dma_start3A = tpu.memref_slice %arg2[%multiple_of3A_7] : memref<320000xi32, #tpu.memory_space<hbm>> -> memref<80xi32, #tpu.memory_space<hbm>>
    %dma_start3A_8 = tpu.memref_slice %arg2[%multiple_of3A_7] : memref<320000xi32, #tpu.memory_space<hbm>> -> memref<80xi32, #tpu.memory_space<hbm>>
    tpu.enqueue_dma source(%dma_start3A_8 : memref<80xi32, #tpu.memory_space<hbm>>) target(%arg6 : memref<80xi32, #tpu.memory_space<vmem>>) target_semaphore(%arg16 : memref<!tpu.dma_semaphore, #tpu.memory_space<semaphore_mem>>)
    %add3A_9 = arith.constant 80 : i32
    %add3A_10 = arith.addi %multiple_of3A, %add3A_9 : i32
    %multiple_of3A_11 = tpu.assume_multiple %add3A_10, 16 : i32
    %dma_start3A_12 = tpu.memref_slice %arg2[%multiple_of3A_11] : memref<320000xi32, #tpu.memory_space<hbm>> -> memref<80xi32, #tpu.memory_space<hbm>>
    %dma_start3A_13 = tpu.memref_slice %arg2[%multiple_of3A_11] : memref<320000xi32, #tpu.memory_space<hbm>> -> memref<80xi32, #tpu.memory_space<hbm>>
    tpu.enqueue_dma source(%dma_start3A_13 : memref<80xi32, #tpu.memory_space<hbm>>) target(%arg7 : memref<80xi32, #tpu.memory_space<vmem>>) target_semaphore(%arg17 : memref<!tpu.dma_semaphore, #tpu.memory_space<semaphore_mem>>)
    %add3A_14 = arith.constant 160 : i32
    %add3A_15 = arith.addi %multiple_of3A, %add3A_14 : i32
    %multiple_of3A_16 = tpu.assume_multiple %add3A_15, 16 : i32
    %dma_start3A_17 = tpu.memref_slice %arg2[%multiple_of3A_16] : memref<320000xi32, #tpu.memory_space<hbm>> -> memref<80xi32, #tpu.memory_space<hbm>>
    %dma_start3A_18 = tpu.memref_slice %arg2[%multiple_of3A_16] : memref<320000xi32, #tpu.memory_space<hbm>> -> memref<80xi32, #tpu.memory_space<hbm>>
    tpu.enqueue_dma source(%dma_start3A_18 : memref<80xi32, #tpu.memory_space<hbm>>) target(%arg8 : memref<80xi32, #tpu.memory_space<vmem>>) target_semaphore(%arg18 : memref<!tpu.dma_semaphore, #tpu.memory_space<semaphore_mem>>)
    %add3A_19 = arith.constant 240 : i32
    %add3A_20 = arith.addi %multiple_of3A, %add3A_19 : i32
    %multiple_of3A_21 = tpu.assume_multiple %add3A_20, 16 : i32
    %dma_start3A_22 = tpu.memref_slice %arg2[%multiple_of3A_21] : memref<320000xi32, #tpu.memory_space<hbm>> -> memref<80xi32, #tpu.memory_space<hbm>>
    %dma_start3A_23 = tpu.memref_slice %arg2[%multiple_of3A_21] : memref<320000xi32, #tpu.memory_space<hbm>> -> memref<80xi32, #tpu.memory_space<hbm>>
    tpu.enqueue_dma source(%dma_start3A_23 : memref<80xi32, #tpu.memory_space<hbm>>) target(%arg9 : memref<80xi32, #tpu.memory_space<vmem>>) target_semaphore(%arg19 : memref<!tpu.dma_semaphore, #tpu.memory_space<semaphore_mem>>)
    %add3A_24 = arith.constant 320 : i32
    %add3A_25 = arith.addi %multiple_of3A, %add3A_24 : i32
    %multiple_of3A_26 = tpu.assume_multiple %add3A_25, 16 : i32
    %dma_start3A_27 = tpu.memref_slice %arg2[%multiple_of3A_26] : memref<320000xi32, #tpu.memory_space<hbm>> -> memref<80xi32, #tpu.memory_space<hbm>>
    %dma_start3A_28 = tpu.memref_slice %arg2[%multiple_of3A_26] : memref<320000xi32, #tpu.memory_space<hbm>> -> memref<80xi32, #tpu.memory_space<hbm>>
    tpu.enqueue_dma source(%dma_start3A_28 : memref<80xi32, #tpu.memory_space<hbm>>) target(%arg10 : memref<80xi32, #tpu.memory_space<vmem>>) target_semaphore(%arg20 : memref<!tpu.dma_semaphore, #tpu.memory_space<semaphore_mem>>)
    %add3A_29 = arith.constant 400 : i32
    %add3A_30 = arith.addi %multiple_of3A, %add3A_29 : i32
    %multiple_of3A_31 = tpu.assume_multiple %add3A_30, 16 : i32
    %dma_start3A_32 = tpu.memref_slice %arg2[%multiple_of3A_31] : memref<320000xi32, #tpu.memory_space<hbm>> -> memref<80xi32, #tpu.memory_space<hbm>>
    %dma_start3A_33 = tpu.memref_slice %arg2[%multiple_of3A_31] : memref<320000xi32, #tpu.memory_space<hbm>> -> memref<80xi32, #tpu.memory_space<hbm>>
    tpu.enqueue_dma source(%dma_start3A_33 : memref<80xi32, #tpu.memory_space<hbm>>) target(%arg11 : memref<80xi32, #tpu.memory_space<vmem>>) target_semaphore(%arg21 : memref<!tpu.dma_semaphore, #tpu.memory_space<semaphore_mem>>)
    %add3A_34 = arith.constant 480 : i32
    %add3A_35 = arith.addi %multiple_of3A, %add3A_34 : i32
    %multiple_of3A_36 = tpu.assume_multiple %add3A_35, 16 : i32
    %dma_start3A_37 = tpu.memref_slice %arg2[%multiple_of3A_36] : memref<320000xi32, #tpu.memory_space<hbm>> -> memref<80xi32, #tpu.memory_space<hbm>>
    %dma_start3A_38 = tpu.memref_slice %arg2[%multiple_of3A_36] : memref<320000xi32, #tpu.memory_space<hbm>> -> memref<80xi32, #tpu.memory_space<hbm>>
    tpu.enqueue_dma source(%dma_start3A_38 : memref<80xi32, #tpu.memory_space<hbm>>) target(%arg12 : memref<80xi32, #tpu.memory_space<vmem>>) target_semaphore(%arg22 : memref<!tpu.dma_semaphore, #tpu.memory_space<semaphore_mem>>)
    %add3A_39 = arith.constant 560 : i32
    %add3A_40 = arith.addi %multiple_of3A, %add3A_39 : i32
    %multiple_of3A_41 = tpu.assume_multiple %add3A_40, 16 : i32
    %dma_start3A_42 = tpu.memref_slice %arg2[%multiple_of3A_41] : memref<320000xi32, #tpu.memory_space<hbm>> -> memref<80xi32, #tpu.memory_space<hbm>>
    %dma_start3A_43 = tpu.memref_slice %arg2[%multiple_of3A_41] : memref<320000xi32, #tpu.memory_space<hbm>> -> memref<80xi32, #tpu.memory_space<hbm>>
    tpu.enqueue_dma source(%dma_start3A_43 : memref<80xi32, #tpu.memory_space<hbm>>) target(%arg13 : memref<80xi32, #tpu.memory_space<vmem>>) target_semaphore(%arg23 : memref<!tpu.dma_semaphore, #tpu.memory_space<semaphore_mem>>)
    %scan3A = arith.constant 0 : i32
    %scan3A_44 = arith.constant 0 : i32
    %scan3A_45 = arith.constant 125 : i32
    %scan3A_46 = arith.addi %scan3A_44, %scan3A_45 : i32
    %scan3A_47 = arith.constant 1 : i32
    scf.for %scan3A_54 = %scan3A_44 to %scan3A_46 step %scan3A_47  : i32 {
      %rem3A = arith.constant 8 : i32
      %rem3A_55 = arith.remsi %scan3A_54, %rem3A : i32
      %eq3A = arith.constant 0 : i32
      %eq3A_56 = arith.cmpi eq, %rem3A_55, %eq3A : i32
      %convert_element_type3A = arith.extui %eq3A_56 : i1 to i32
      %cond3A = arith.constant 0 : i32
      %cond3A_57 = arith.cmpi ne, %convert_element_type3A, %cond3A : i32
      scf.if %cond3A_57 {
        %mul3A_107 = arith.constant 80 : i32
        %mul3A_108 = arith.muli %scan3A_54, %mul3A_107 : i32
        %add3A_109 = arith.addi %multiple_of3A, %mul3A_108 : i32
        %multiple_of3A_110 = tpu.assume_multiple %add3A_109, 16 : i32
        %dma_wait3A = tpu.memref_slice %arg2[%multiple_of3A_110] : memref<320000xi32, #tpu.memory_space<hbm>> -> memref<80xi32, #tpu.memory_space<hbm>>
        %dma_wait3A_111 = tpu.memref_slice %arg2[%multiple_of3A_110] : memref<320000xi32, #tpu.memory_space<hbm>> -> memref<80xi32, #tpu.memory_space<hbm>>
        tpu.wait_dma2 semaphore(%arg16 : memref<!tpu.dma_semaphore, #tpu.memory_space<semaphore_mem>>) src(%dma_wait3A_111 : memref<80xi32, #tpu.memory_space<hbm>>) dst(%arg6 : memref<80xi32, #tpu.memory_space<vmem>>)
        "tpu.region"() ({
          %run_scoped3A = tpu.sem_alloc : memref<!tpu.dma_semaphore, #tpu.memory_space<semaphore_mem>>
          %dma_start3A_116 = arith.constant 0 : i32
          %dma_start3A_117 = arith.constant 0 : i32
          %dma_start3A_118 = tpu.memref_slice %arg15[%dma_start3A_116, %dma_start3A_117] : memref<10240x128xf32, #tpu.memory_space<vmem_shared>> -> memref<10240x128xf32, #tpu.memory_space<vmem_shared>>
          tpu.enqueue_indirect_dma source(%arg14 : memref<80x128xf32, #tpu.memory_space<vmem>>) target(%dma_start3A_118 : memref<10240x128xf32, #tpu.memory_space<vmem_shared>>) offsets(%arg6 : memref<80xi32, #tpu.memory_space<vmem>>) semaphore(%run_scoped3A : memref<!tpu.dma_semaphore, #tpu.memory_space<semaphore_mem>>) {add = true}
          %dma_wait3A_119 = arith.constant 0 : i32
          %dma_wait3A_120 = arith.constant 0 : i32
          %dma_wait3A_121 = tpu.memref_slice %arg15[%dma_wait3A_119, %dma_wait3A_120] : memref<10240x128xf32, #tpu.memory_space<vmem_shared>> -> memref<10240x128xf32, #tpu.memory_space<vmem_shared>>
          tpu.wait_indirect_dma semaphore(%run_scoped3A : memref<!tpu.dma_semaphore, #tpu.memory_space<semaphore_mem>>) src(%arg14 : memref<80x128xf32, #tpu.memory_space<vmem>>) dst(%dma_wait3A_121 : memref<10240x128xf32, #tpu.memory_space<vmem_shared>>)
          tpu.yield
        }) : () -> ()
        %lt3A = arith.constant 117 : i32
        %lt3A_112 = arith.cmpi slt, %scan3A_54, %lt3A : i32
        %convert_element_type3A_113 = arith.extui %lt3A_112 : i1 to i32
        %cond3A_114 = arith.constant 0 : i32
        %cond3A_115 = arith.cmpi ne, %convert_element_type3A_113, %cond3A_114 : i32
        scf.if %cond3A_115 {
          %add3A_116 = arith.constant 8 : i32
          %add3A_117 = arith.addi %scan3A_54, %add3A_116 : i32
          %mul3A_118 = arith.constant 80 : i32
          %mul3A_119 = arith.muli %add3A_117, %mul3A_118 : i32
          %add3A_120 = arith.addi %multiple_of3A, %mul3A_119 : i32
          %multiple_of3A_121 = tpu.assume_multiple %add3A_120, 16 : i32
          %dma_start3A_122 = tpu.memref_slice %arg2[%multiple_of3A_121] : memref<320000xi32, #tpu.memory_space<hbm>> -> memref<80xi32, #tpu.memory_space<hbm>>
          %dma_start3A_123 = tpu.memref_slice %arg2[%multiple_of3A_121] : memref<320000xi32, #tpu.memory_space<hbm>> -> memref<80xi32, #tpu.memory_space<hbm>>
          tpu.enqueue_dma source(%dma_start3A_123 : memref<80xi32, #tpu.memory_space<hbm>>) target(%arg6 : memref<80xi32, #tpu.memory_space<vmem>>) target_semaphore(%arg16 : memref<!tpu.dma_semaphore, #tpu.memory_space<semaphore_mem>>)
        } else {
        }
      } else {
      }
      %rem3A_58 = arith.constant 8 : i32
      %rem3A_59 = arith.remsi %scan3A_54, %rem3A_58 : i32
      %eq3A_60 = arith.constant 1 : i32
      %eq3A_61 = arith.cmpi eq, %rem3A_59, %eq3A_60 : i32
      %convert_element_type3A_62 = arith.extui %eq3A_61 : i1 to i32
      %cond3A_63 = arith.constant 0 : i32
      %cond3A_64 = arith.cmpi ne, %convert_element_type3A_62, %cond3A_63 : i32
      scf.if %cond3A_64 {
        %mul3A_107 = arith.constant 80 : i32
        %mul3A_108 = arith.muli %scan3A_54, %mul3A_107 : i32
        %add3A_109 = arith.addi %multiple_of3A, %mul3A_108 : i32
        %multiple_of3A_110 = tpu.assume_multiple %add3A_109, 16 : i32
        %dma_wait3A = tpu.memref_slice %arg2[%multiple_of3A_110] : memref<320000xi32, #tpu.memory_space<hbm>> -> memref<80xi32, #tpu.memory_space<hbm>>
        %dma_wait3A_111 = tpu.memref_slice %arg2[%multiple_of3A_110] : memref<320000xi32, #tpu.memory_space<hbm>> -> memref<80xi32, #tpu.memory_space<hbm>>
        tpu.wait_dma2 semaphore(%arg17 : memref<!tpu.dma_semaphore, #tpu.memory_space<semaphore_mem>>) src(%dma_wait3A_111 : memref<80xi32, #tpu.memory_space<hbm>>) dst(%arg7 : memref<80xi32, #tpu.memory_space<vmem>>)
        "tpu.region"() ({
          %run_scoped3A = tpu.sem_alloc : memref<!tpu.dma_semaphore, #tpu.memory_space<semaphore_mem>>
          %dma_start3A_116 = arith.constant 0 : i32
          %dma_start3A_117 = arith.constant 0 : i32
          %dma_start3A_118 = tpu.memref_slice %arg15[%dma_start3A_116, %dma_start3A_117] : memref<10240x128xf32, #tpu.memory_space<vmem_shared>> -> memref<10240x128xf32, #tpu.memory_space<vmem_shared>>
          tpu.enqueue_indirect_dma source(%arg14 : memref<80x128xf32, #tpu.memory_space<vmem>>) target(%dma_start3A_118 : memref<10240x128xf32, #tpu.memory_space<vmem_shared>>) offsets(%arg7 : memref<80xi32, #tpu.memory_space<vmem>>) semaphore(%run_scoped3A : memref<!tpu.dma_semaphore, #tpu.memory_space<semaphore_mem>>) {add = true}
          %dma_wait3A_119 = arith.constant 0 : i32
          %dma_wait3A_120 = arith.constant 0 : i32
          %dma_wait3A_121 = tpu.memref_slice %arg15[%dma_wait3A_119, %dma_wait3A_120] : memref<10240x128xf32, #tpu.memory_space<vmem_shared>> -> memref<10240x128xf32, #tpu.memory_space<vmem_shared>>
          tpu.wait_indirect_dma semaphore(%run_scoped3A : memref<!tpu.dma_semaphore, #tpu.memory_space<semaphore_mem>>) src(%arg14 : memref<80x128xf32, #tpu.memory_space<vmem>>) dst(%dma_wait3A_121 : memref<10240x128xf32, #tpu.memory_space<vmem_shared>>)
          tpu.yield
        }) : () -> ()
        %lt3A = arith.constant 117 : i32
        %lt3A_112 = arith.cmpi slt, %scan3A_54, %lt3A : i32
        %convert_element_type3A_113 = arith.extui %lt3A_112 : i1 to i32
        %cond3A_114 = arith.constant 0 : i32
        %cond3A_115 = arith.cmpi ne, %convert_element_type3A_113, %cond3A_114 : i32
        scf.if %cond3A_115 {
          %add3A_116 = arith.constant 8 : i32
          %add3A_117 = arith.addi %scan3A_54, %add3A_116 : i32
          %mul3A_118 = arith.constant 80 : i32
          %mul3A_119 = arith.muli %add3A_117, %mul3A_118 : i32
          %add3A_120 = arith.addi %multiple_of3A, %mul3A_119 : i32
          %multiple_of3A_121 = tpu.assume_multiple %add3A_120, 16 : i32
          %dma_start3A_122 = tpu.memref_slice %arg2[%multiple_of3A_121] : memref<320000xi32, #tpu.memory_space<hbm>> -> memref<80xi32, #tpu.memory_space<hbm>>
          %dma_start3A_123 = tpu.memref_slice %arg2[%multiple_of3A_121] : memref<320000xi32, #tpu.memory_space<hbm>> -> memref<80xi32, #tpu.memory_space<hbm>>
          tpu.enqueue_dma source(%dma_start3A_123 : memref<80xi32, #tpu.memory_space<hbm>>) target(%arg7 : memref<80xi32, #tpu.memory_space<vmem>>) target_semaphore(%arg17 : memref<!tpu.dma_semaphore, #tpu.memory_space<semaphore_mem>>)
        } else {
        }
      } else {
      }
      %rem3A_65 = arith.constant 8 : i32
      %rem3A_66 = arith.remsi %scan3A_54, %rem3A_65 : i32
      %eq3A_67 = arith.constant 2 : i32
      %eq3A_68 = arith.cmpi eq, %rem3A_66, %eq3A_67 : i32
      %convert_element_type3A_69 = arith.extui %eq3A_68 : i1 to i32
      %cond3A_70 = arith.constant 0 : i32
      %cond3A_71 = arith.cmpi ne, %convert_element_type3A_69, %cond3A_70 : i32
      scf.if %cond3A_71 {
        %mul3A_107 = arith.constant 80 : i32
        %mul3A_108 = arith.muli %scan3A_54, %mul3A_107 : i32
        %add3A_109 = arith.addi %multiple_of3A, %mul3A_108 : i32
        %multiple_of3A_110 = tpu.assume_multiple %add3A_109, 16 : i32
        %dma_wait3A = tpu.memref_slice %arg2[%multiple_of3A_110] : memref<320000xi32, #tpu.memory_space<hbm>> -> memref<80xi32, #tpu.memory_space<hbm>>
        %dma_wait3A_111 = tpu.memref_slice %arg2[%multiple_of3A_110] : memref<320000xi32, #tpu.memory_space<hbm>> -> memref<80xi32, #tpu.memory_space<hbm>>
        tpu.wait_dma2 semaphore(%arg18 : memref<!tpu.dma_semaphore, #tpu.memory_space<semaphore_mem>>) src(%dma_wait3A_111 : memref<80xi32, #tpu.memory_space<hbm>>) dst(%arg8 : memref<80xi32, #tpu.memory_space<vmem>>)
        "tpu.region"() ({
          %run_scoped3A = tpu.sem_alloc : memref<!tpu.dma_semaphore, #tpu.memory_space<semaphore_mem>>
          %dma_start3A_116 = arith.constant 0 : i32
          %dma_start3A_117 = arith.constant 0 : i32
          %dma_start3A_118 = tpu.memref_slice %arg15[%dma_start3A_116, %dma_start3A_117] : memref<10240x128xf32, #tpu.memory_space<vmem_shared>> -> memref<10240x128xf32, #tpu.memory_space<vmem_shared>>
          tpu.enqueue_indirect_dma source(%arg14 : memref<80x128xf32, #tpu.memory_space<vmem>>) target(%dma_start3A_118 : memref<10240x128xf32, #tpu.memory_space<vmem_shared>>) offsets(%arg8 : memref<80xi32, #tpu.memory_space<vmem>>) semaphore(%run_scoped3A : memref<!tpu.dma_semaphore, #tpu.memory_space<semaphore_mem>>) {add = true}
          %dma_wait3A_119 = arith.constant 0 : i32
          %dma_wait3A_120 = arith.constant 0 : i32
          %dma_wait3A_121 = tpu.memref_slice %arg15[%dma_wait3A_119, %dma_wait3A_120] : memref<10240x128xf32, #tpu.memory_space<vmem_shared>> -> memref<10240x128xf32, #tpu.memory_space<vmem_shared>>
          tpu.wait_indirect_dma semaphore(%run_scoped3A : memref<!tpu.dma_semaphore, #tpu.memory_space<semaphore_mem>>) src(%arg14 : memref<80x128xf32, #tpu.memory_space<vmem>>) dst(%dma_wait3A_121 : memref<10240x128xf32, #tpu.memory_space<vmem_shared>>)
          tpu.yield
        }) : () -> ()
        %lt3A = arith.constant 117 : i32
        %lt3A_112 = arith.cmpi slt, %scan3A_54, %lt3A : i32
        %convert_element_type3A_113 = arith.extui %lt3A_112 : i1 to i32
        %cond3A_114 = arith.constant 0 : i32
        %cond3A_115 = arith.cmpi ne, %convert_element_type3A_113, %cond3A_114 : i32
        scf.if %cond3A_115 {
          %add3A_116 = arith.constant 8 : i32
          %add3A_117 = arith.addi %scan3A_54, %add3A_116 : i32
          %mul3A_118 = arith.constant 80 : i32
          %mul3A_119 = arith.muli %add3A_117, %mul3A_118 : i32
          %add3A_120 = arith.addi %multiple_of3A, %mul3A_119 : i32
          %multiple_of3A_121 = tpu.assume_multiple %add3A_120, 16 : i32
          %dma_start3A_122 = tpu.memref_slice %arg2[%multiple_of3A_121] : memref<320000xi32, #tpu.memory_space<hbm>> -> memref<80xi32, #tpu.memory_space<hbm>>
          %dma_start3A_123 = tpu.memref_slice %arg2[%multiple_of3A_121] : memref<320000xi32, #tpu.memory_space<hbm>> -> memref<80xi32, #tpu.memory_space<hbm>>
          tpu.enqueue_dma source(%dma_start3A_123 : memref<80xi32, #tpu.memory_space<hbm>>) target(%arg8 : memref<80xi32, #tpu.memory_space<vmem>>) target_semaphore(%arg18 : memref<!tpu.dma_semaphore, #tpu.memory_space<semaphore_mem>>)
        } else {
        }
      } else {
      }
      %rem3A_72 = arith.constant 8 : i32
      %rem3A_73 = arith.remsi %scan3A_54, %rem3A_72 : i32
      %eq3A_74 = arith.constant 3 : i32
      %eq3A_75 = arith.cmpi eq, %rem3A_73, %eq3A_74 : i32
      %convert_element_type3A_76 = arith.extui %eq3A_75 : i1 to i32
      %cond3A_77 = arith.constant 0 : i32
      %cond3A_78 = arith.cmpi ne, %convert_element_type3A_76, %cond3A_77 : i32
      scf.if %cond3A_78 {
        %mul3A_107 = arith.constant 80 : i32
        %mul3A_108 = arith.muli %scan3A_54, %mul3A_107 : i32
        %add3A_109 = arith.addi %multiple_of3A, %mul3A_108 : i32
        %multiple_of3A_110 = tpu.assume_multiple %add3A_109, 16 : i32
        %dma_wait3A = tpu.memref_slice %arg2[%multiple_of3A_110] : memref<320000xi32, #tpu.memory_space<hbm>> -> memref<80xi32, #tpu.memory_space<hbm>>
        %dma_wait3A_111 = tpu.memref_slice %arg2[%multiple_of3A_110] : memref<320000xi32, #tpu.memory_space<hbm>> -> memref<80xi32, #tpu.memory_space<hbm>>
        tpu.wait_dma2 semaphore(%arg19 : memref<!tpu.dma_semaphore, #tpu.memory_space<semaphore_mem>>) src(%dma_wait3A_111 : memref<80xi32, #tpu.memory_space<hbm>>) dst(%arg9 : memref<80xi32, #tpu.memory_space<vmem>>)
        "tpu.region"() ({
          %run_scoped3A = tpu.sem_alloc : memref<!tpu.dma_semaphore, #tpu.memory_space<semaphore_mem>>
          %dma_start3A_116 = arith.constant 0 : i32
          %dma_start3A_117 = arith.constant 0 : i32
          %dma_start3A_118 = tpu.memref_slice %arg15[%dma_start3A_116, %dma_start3A_117] : memref<10240x128xf32, #tpu.memory_space<vmem_shared>> -> memref<10240x128xf32, #tpu.memory_space<vmem_shared>>
          tpu.enqueue_indirect_dma source(%arg14 : memref<80x128xf32, #tpu.memory_space<vmem>>) target(%dma_start3A_118 : memref<10240x128xf32, #tpu.memory_space<vmem_shared>>) offsets(%arg9 : memref<80xi32, #tpu.memory_space<vmem>>) semaphore(%run_scoped3A : memref<!tpu.dma_semaphore, #tpu.memory_space<semaphore_mem>>) {add = true}
          %dma_wait3A_119 = arith.constant 0 : i32
          %dma_wait3A_120 = arith.constant 0 : i32
          %dma_wait3A_121 = tpu.memref_slice %arg15[%dma_wait3A_119, %dma_wait3A_120] : memref<10240x128xf32, #tpu.memory_space<vmem_shared>> -> memref<10240x128xf32, #tpu.memory_space<vmem_shared>>
          tpu.wait_indirect_dma semaphore(%run_scoped3A : memref<!tpu.dma_semaphore, #tpu.memory_space<semaphore_mem>>) src(%arg14 : memref<80x128xf32, #tpu.memory_space<vmem>>) dst(%dma_wait3A_121 : memref<10240x128xf32, #tpu.memory_space<vmem_shared>>)
          tpu.yield
        }) : () -> ()
        %lt3A = arith.constant 117 : i32
        %lt3A_112 = arith.cmpi slt, %scan3A_54, %lt3A : i32
        %convert_element_type3A_113 = arith.extui %lt3A_112 : i1 to i32
        %cond3A_114 = arith.constant 0 : i32
        %cond3A_115 = arith.cmpi ne, %convert_element_type3A_113, %cond3A_114 : i32
        scf.if %cond3A_115 {
          %add3A_116 = arith.constant 8 : i32
          %add3A_117 = arith.addi %scan3A_54, %add3A_116 : i32
          %mul3A_118 = arith.constant 80 : i32
          %mul3A_119 = arith.muli %add3A_117, %mul3A_118 : i32
          %add3A_120 = arith.addi %multiple_of3A, %mul3A_119 : i32
          %multiple_of3A_121 = tpu.assume_multiple %add3A_120, 16 : i32
          %dma_start3A_122 = tpu.memref_slice %arg2[%multiple_of3A_121] : memref<320000xi32, #tpu.memory_space<hbm>> -> memref<80xi32, #tpu.memory_space<hbm>>
          %dma_start3A_123 = tpu.memref_slice %arg2[%multiple_of3A_121] : memref<320000xi32, #tpu.memory_space<hbm>> -> memref<80xi32, #tpu.memory_space<hbm>>
          tpu.enqueue_dma source(%dma_start3A_123 : memref<80xi32, #tpu.memory_space<hbm>>) target(%arg9 : memref<80xi32, #tpu.memory_space<vmem>>) target_semaphore(%arg19 : memref<!tpu.dma_semaphore, #tpu.memory_space<semaphore_mem>>)
        } else {
        }
      } else {
      }
      %rem3A_79 = arith.constant 8 : i32
      %rem3A_80 = arith.remsi %scan3A_54, %rem3A_79 : i32
      %eq3A_81 = arith.constant 4 : i32
      %eq3A_82 = arith.cmpi eq, %rem3A_80, %eq3A_81 : i32
      %convert_element_type3A_83 = arith.extui %eq3A_82 : i1 to i32
      %cond3A_84 = arith.constant 0 : i32
      %cond3A_85 = arith.cmpi ne, %convert_element_type3A_83, %cond3A_84 : i32
      scf.if %cond3A_85 {
        %mul3A_107 = arith.constant 80 : i32
        %mul3A_108 = arith.muli %scan3A_54, %mul3A_107 : i32
        %add3A_109 = arith.addi %multiple_of3A, %mul3A_108 : i32
        %multiple_of3A_110 = tpu.assume_multiple %add3A_109, 16 : i32
        %dma_wait3A = tpu.memref_slice %arg2[%multiple_of3A_110] : memref<320000xi32, #tpu.memory_space<hbm>> -> memref<80xi32, #tpu.memory_space<hbm>>
        %dma_wait3A_111 = tpu.memref_slice %arg2[%multiple_of3A_110] : memref<320000xi32, #tpu.memory_space<hbm>> -> memref<80xi32, #tpu.memory_space<hbm>>
        tpu.wait_dma2 semaphore(%arg20 : memref<!tpu.dma_semaphore, #tpu.memory_space<semaphore_mem>>) src(%dma_wait3A_111 : memref<80xi32, #tpu.memory_space<hbm>>) dst(%arg10 : memref<80xi32, #tpu.memory_space<vmem>>)
        "tpu.region"() ({
          %run_scoped3A = tpu.sem_alloc : memref<!tpu.dma_semaphore, #tpu.memory_space<semaphore_mem>>
          %dma_start3A_116 = arith.constant 0 : i32
          %dma_start3A_117 = arith.constant 0 : i32
          %dma_start3A_118 = tpu.memref_slice %arg15[%dma_start3A_116, %dma_start3A_117] : memref<10240x128xf32, #tpu.memory_space<vmem_shared>> -> memref<10240x128xf32, #tpu.memory_space<vmem_shared>>
          tpu.enqueue_indirect_dma source(%arg14 : memref<80x128xf32, #tpu.memory_space<vmem>>) target(%dma_start3A_118 : memref<10240x128xf32, #tpu.memory_space<vmem_shared>>) offsets(%arg10 : memref<80xi32, #tpu.memory_space<vmem>>) semaphore(%run_scoped3A : memref<!tpu.dma_semaphore, #tpu.memory_space<semaphore_mem>>) {add = true}
          %dma_wait3A_119 = arith.constant 0 : i32
          %dma_wait3A_120 = arith.constant 0 : i32
          %dma_wait3A_121 = tpu.memref_slice %arg15[%dma_wait3A_119, %dma_wait3A_120] : memref<10240x128xf32, #tpu.memory_space<vmem_shared>> -> memref<10240x128xf32, #tpu.memory_space<vmem_shared>>
          tpu.wait_indirect_dma semaphore(%run_scoped3A : memref<!tpu.dma_semaphore, #tpu.memory_space<semaphore_mem>>) src(%arg14 : memref<80x128xf32, #tpu.memory_space<vmem>>) dst(%dma_wait3A_121 : memref<10240x128xf32, #tpu.memory_space<vmem_shared>>)
          tpu.yield
        }) : () -> ()
        %lt3A = arith.constant 117 : i32
        %lt3A_112 = arith.cmpi slt, %scan3A_54, %lt3A : i32
        %convert_element_type3A_113 = arith.extui %lt3A_112 : i1 to i32
        %cond3A_114 = arith.constant 0 : i32
        %cond3A_115 = arith.cmpi ne, %convert_element_type3A_113, %cond3A_114 : i32
        scf.if %cond3A_115 {
          %add3A_116 = arith.constant 8 : i32
          %add3A_117 = arith.addi %scan3A_54, %add3A_116 : i32
          %mul3A_118 = arith.constant 80 : i32
          %mul3A_119 = arith.muli %add3A_117, %mul3A_118 : i32
          %add3A_120 = arith.addi %multiple_of3A, %mul3A_119 : i32
          %multiple_of3A_121 = tpu.assume_multiple %add3A_120, 16 : i32
          %dma_start3A_122 = tpu.memref_slice %arg2[%multiple_of3A_121] : memref<320000xi32, #tpu.memory_space<hbm>> -> memref<80xi32, #tpu.memory_space<hbm>>
          %dma_start3A_123 = tpu.memref_slice %arg2[%multiple_of3A_121] : memref<320000xi32, #tpu.memory_space<hbm>> -> memref<80xi32, #tpu.memory_space<hbm>>
          tpu.enqueue_dma source(%dma_start3A_123 : memref<80xi32, #tpu.memory_space<hbm>>) target(%arg10 : memref<80xi32, #tpu.memory_space<vmem>>) target_semaphore(%arg20 : memref<!tpu.dma_semaphore, #tpu.memory_space<semaphore_mem>>)
        } else {
        }
      } else {
      }
      %rem3A_86 = arith.constant 8 : i32
      %rem3A_87 = arith.remsi %scan3A_54, %rem3A_86 : i32
      %eq3A_88 = arith.constant 5 : i32
      %eq3A_89 = arith.cmpi eq, %rem3A_87, %eq3A_88 : i32
      %convert_element_type3A_90 = arith.extui %eq3A_89 : i1 to i32
      %cond3A_91 = arith.constant 0 : i32
      %cond3A_92 = arith.cmpi ne, %convert_element_type3A_90, %cond3A_91 : i32
      scf.if %cond3A_92 {
        %mul3A_107 = arith.constant 80 : i32
        %mul3A_108 = arith.muli %scan3A_54, %mul3A_107 : i32
        %add3A_109 = arith.addi %multiple_of3A, %mul3A_108 : i32
        %multiple_of3A_110 = tpu.assume_multiple %add3A_109, 16 : i32
        %dma_wait3A = tpu.memref_slice %arg2[%multiple_of3A_110] : memref<320000xi32, #tpu.memory_space<hbm>> -> memref<80xi32, #tpu.memory_space<hbm>>
        %dma_wait3A_111 = tpu.memref_slice %arg2[%multiple_of3A_110] : memref<320000xi32, #tpu.memory_space<hbm>> -> memref<80xi32, #tpu.memory_space<hbm>>
        tpu.wait_dma2 semaphore(%arg21 : memref<!tpu.dma_semaphore, #tpu.memory_space<semaphore_mem>>) src(%dma_wait3A_111 : memref<80xi32, #tpu.memory_space<hbm>>) dst(%arg11 : memref<80xi32, #tpu.memory_space<vmem>>)
        "tpu.region"() ({
          %run_scoped3A = tpu.sem_alloc : memref<!tpu.dma_semaphore, #tpu.memory_space<semaphore_mem>>
          %dma_start3A_116 = arith.constant 0 : i32
          %dma_start3A_117 = arith.constant 0 : i32
          %dma_start3A_118 = tpu.memref_slice %arg15[%dma_start3A_116, %dma_start3A_117] : memref<10240x128xf32, #tpu.memory_space<vmem_shared>> -> memref<10240x128xf32, #tpu.memory_space<vmem_shared>>
          tpu.enqueue_indirect_dma source(%arg14 : memref<80x128xf32, #tpu.memory_space<vmem>>) target(%dma_start3A_118 : memref<10240x128xf32, #tpu.memory_space<vmem_shared>>) offsets(%arg11 : memref<80xi32, #tpu.memory_space<vmem>>) semaphore(%run_scoped3A : memref<!tpu.dma_semaphore, #tpu.memory_space<semaphore_mem>>) {add = true}
          %dma_wait3A_119 = arith.constant 0 : i32
          %dma_wait3A_120 = arith.constant 0 : i32
          %dma_wait3A_121 = tpu.memref_slice %arg15[%dma_wait3A_119, %dma_wait3A_120] : memref<10240x128xf32, #tpu.memory_space<vmem_shared>> -> memref<10240x128xf32, #tpu.memory_space<vmem_shared>>
          tpu.wait_indirect_dma semaphore(%run_scoped3A : memref<!tpu.dma_semaphore, #tpu.memory_space<semaphore_mem>>) src(%arg14 : memref<80x128xf32, #tpu.memory_space<vmem>>) dst(%dma_wait3A_121 : memref<10240x128xf32, #tpu.memory_space<vmem_shared>>)
          tpu.yield
        }) : () -> ()
        %lt3A = arith.constant 117 : i32
        %lt3A_112 = arith.cmpi slt, %scan3A_54, %lt3A : i32
        %convert_element_type3A_113 = arith.extui %lt3A_112 : i1 to i32
        %cond3A_114 = arith.constant 0 : i32
        %cond3A_115 = arith.cmpi ne, %convert_element_type3A_113, %cond3A_114 : i32
        scf.if %cond3A_115 {
          %add3A_116 = arith.constant 8 : i32
          %add3A_117 = arith.addi %scan3A_54, %add3A_116 : i32
          %mul3A_118 = arith.constant 80 : i32
          %mul3A_119 = arith.muli %add3A_117, %mul3A_118 : i32
          %add3A_120 = arith.addi %multiple_of3A, %mul3A_119 : i32
          %multiple_of3A_121 = tpu.assume_multiple %add3A_120, 16 : i32
          %dma_start3A_122 = tpu.memref_slice %arg2[%multiple_of3A_121] : memref<320000xi32, #tpu.memory_space<hbm>> -> memref<80xi32, #tpu.memory_space<hbm>>
          %dma_start3A_123 = tpu.memref_slice %arg2[%multiple_of3A_121] : memref<320000xi32, #tpu.memory_space<hbm>> -> memref<80xi32, #tpu.memory_space<hbm>>
          tpu.enqueue_dma source(%dma_start3A_123 : memref<80xi32, #tpu.memory_space<hbm>>) target(%arg11 : memref<80xi32, #tpu.memory_space<vmem>>) target_semaphore(%arg21 : memref<!tpu.dma_semaphore, #tpu.memory_space<semaphore_mem>>)
        } else {
        }
      } else {
      }
      %rem3A_93 = arith.constant 8 : i32
      %rem3A_94 = arith.remsi %scan3A_54, %rem3A_93 : i32
      %eq3A_95 = arith.constant 6 : i32
      %eq3A_96 = arith.cmpi eq, %rem3A_94, %eq3A_95 : i32
      %convert_element_type3A_97 = arith.extui %eq3A_96 : i1 to i32
      %cond3A_98 = arith.constant 0 : i32
      %cond3A_99 = arith.cmpi ne, %convert_element_type3A_97, %cond3A_98 : i32
      scf.if %cond3A_99 {
        %mul3A_107 = arith.constant 80 : i32
        %mul3A_108 = arith.muli %scan3A_54, %mul3A_107 : i32
        %add3A_109 = arith.addi %multiple_of3A, %mul3A_108 : i32
        %multiple_of3A_110 = tpu.assume_multiple %add3A_109, 16 : i32
        %dma_wait3A = tpu.memref_slice %arg2[%multiple_of3A_110] : memref<320000xi32, #tpu.memory_space<hbm>> -> memref<80xi32, #tpu.memory_space<hbm>>
        %dma_wait3A_111 = tpu.memref_slice %arg2[%multiple_of3A_110] : memref<320000xi32, #tpu.memory_space<hbm>> -> memref<80xi32, #tpu.memory_space<hbm>>
        tpu.wait_dma2 semaphore(%arg22 : memref<!tpu.dma_semaphore, #tpu.memory_space<semaphore_mem>>) src(%dma_wait3A_111 : memref<80xi32, #tpu.memory_space<hbm>>) dst(%arg12 : memref<80xi32, #tpu.memory_space<vmem>>)
        "tpu.region"() ({
          %run_scoped3A = tpu.sem_alloc : memref<!tpu.dma_semaphore, #tpu.memory_space<semaphore_mem>>
          %dma_start3A_116 = arith.constant 0 : i32
          %dma_start3A_117 = arith.constant 0 : i32
          %dma_start3A_118 = tpu.memref_slice %arg15[%dma_start3A_116, %dma_start3A_117] : memref<10240x128xf32, #tpu.memory_space<vmem_shared>> -> memref<10240x128xf32, #tpu.memory_space<vmem_shared>>
          tpu.enqueue_indirect_dma source(%arg14 : memref<80x128xf32, #tpu.memory_space<vmem>>) target(%dma_start3A_118 : memref<10240x128xf32, #tpu.memory_space<vmem_shared>>) offsets(%arg12 : memref<80xi32, #tpu.memory_space<vmem>>) semaphore(%run_scoped3A : memref<!tpu.dma_semaphore, #tpu.memory_space<semaphore_mem>>) {add = true}
          %dma_wait3A_119 = arith.constant 0 : i32
          %dma_wait3A_120 = arith.constant 0 : i32
          %dma_wait3A_121 = tpu.memref_slice %arg15[%dma_wait3A_119, %dma_wait3A_120] : memref<10240x128xf32, #tpu.memory_space<vmem_shared>> -> memref<10240x128xf32, #tpu.memory_space<vmem_shared>>
          tpu.wait_indirect_dma semaphore(%run_scoped3A : memref<!tpu.dma_semaphore, #tpu.memory_space<semaphore_mem>>) src(%arg14 : memref<80x128xf32, #tpu.memory_space<vmem>>) dst(%dma_wait3A_121 : memref<10240x128xf32, #tpu.memory_space<vmem_shared>>)
          tpu.yield
        }) : () -> ()
        %lt3A = arith.constant 117 : i32
        %lt3A_112 = arith.cmpi slt, %scan3A_54, %lt3A : i32
        %convert_element_type3A_113 = arith.extui %lt3A_112 : i1 to i32
        %cond3A_114 = arith.constant 0 : i32
        %cond3A_115 = arith.cmpi ne, %convert_element_type3A_113, %cond3A_114 : i32
        scf.if %cond3A_115 {
          %add3A_116 = arith.constant 8 : i32
          %add3A_117 = arith.addi %scan3A_54, %add3A_116 : i32
          %mul3A_118 = arith.constant 80 : i32
          %mul3A_119 = arith.muli %add3A_117, %mul3A_118 : i32
          %add3A_120 = arith.addi %multiple_of3A, %mul3A_119 : i32
          %multiple_of3A_121 = tpu.assume_multiple %add3A_120, 16 : i32
          %dma_start3A_122 = tpu.memref_slice %arg2[%multiple_of3A_121] : memref<320000xi32, #tpu.memory_space<hbm>> -> memref<80xi32, #tpu.memory_space<hbm>>
          %dma_start3A_123 = tpu.memref_slice %arg2[%multiple_of3A_121] : memref<320000xi32, #tpu.memory_space<hbm>> -> memref<80xi32, #tpu.memory_space<hbm>>
          tpu.enqueue_dma source(%dma_start3A_123 : memref<80xi32, #tpu.memory_space<hbm>>) target(%arg12 : memref<80xi32, #tpu.memory_space<vmem>>) target_semaphore(%arg22 : memref<!tpu.dma_semaphore, #tpu.memory_space<semaphore_mem>>)
        } else {
        }
      } else {
      }
      %rem3A_100 = arith.constant 8 : i32
      %rem3A_101 = arith.remsi %scan3A_54, %rem3A_100 : i32
      %eq3A_102 = arith.constant 7 : i32
      %eq3A_103 = arith.cmpi eq, %rem3A_101, %eq3A_102 : i32
      %convert_element_type3A_104 = arith.extui %eq3A_103 : i1 to i32
      %cond3A_105 = arith.constant 0 : i32
      %cond3A_106 = arith.cmpi ne, %convert_element_type3A_104, %cond3A_105 : i32
      scf.if %cond3A_106 {
        %mul3A_107 = arith.constant 80 : i32
        %mul3A_108 = arith.muli %scan3A_54, %mul3A_107 : i32
        %add3A_109 = arith.addi %multiple_of3A, %mul3A_108 : i32
        %multiple_of3A_110 = tpu.assume_multiple %add3A_109, 16 : i32
        %dma_wait3A = tpu.memref_slice %arg2[%multiple_of3A_110] : memref<320000xi32, #tpu.memory_space<hbm>> -> memref<80xi32, #tpu.memory_space<hbm>>
        %dma_wait3A_111 = tpu.memref_slice %arg2[%multiple_of3A_110] : memref<320000xi32, #tpu.memory_space<hbm>> -> memref<80xi32, #tpu.memory_space<hbm>>
        tpu.wait_dma2 semaphore(%arg23 : memref<!tpu.dma_semaphore, #tpu.memory_space<semaphore_mem>>) src(%dma_wait3A_111 : memref<80xi32, #tpu.memory_space<hbm>>) dst(%arg13 : memref<80xi32, #tpu.memory_space<vmem>>)
        "tpu.region"() ({
          %run_scoped3A = tpu.sem_alloc : memref<!tpu.dma_semaphore, #tpu.memory_space<semaphore_mem>>
          %dma_start3A_116 = arith.constant 0 : i32
          %dma_start3A_117 = arith.constant 0 : i32
          %dma_start3A_118 = tpu.memref_slice %arg15[%dma_start3A_116, %dma_start3A_117] : memref<10240x128xf32, #tpu.memory_space<vmem_shared>> -> memref<10240x128xf32, #tpu.memory_space<vmem_shared>>
          tpu.enqueue_indirect_dma source(%arg14 : memref<80x128xf32, #tpu.memory_space<vmem>>) target(%dma_start3A_118 : memref<10240x128xf32, #tpu.memory_space<vmem_shared>>) offsets(%arg13 : memref<80xi32, #tpu.memory_space<vmem>>) semaphore(%run_scoped3A : memref<!tpu.dma_semaphore, #tpu.memory_space<semaphore_mem>>) {add = true}
          %dma_wait3A_119 = arith.constant 0 : i32
          %dma_wait3A_120 = arith.constant 0 : i32
          %dma_wait3A_121 = tpu.memref_slice %arg15[%dma_wait3A_119, %dma_wait3A_120] : memref<10240x128xf32, #tpu.memory_space<vmem_shared>> -> memref<10240x128xf32, #tpu.memory_space<vmem_shared>>
          tpu.wait_indirect_dma semaphore(%run_scoped3A : memref<!tpu.dma_semaphore, #tpu.memory_space<semaphore_mem>>) src(%arg14 : memref<80x128xf32, #tpu.memory_space<vmem>>) dst(%dma_wait3A_121 : memref<10240x128xf32, #tpu.memory_space<vmem_shared>>)
          tpu.yield
        }) : () -> ()
        %lt3A = arith.constant 117 : i32
        %lt3A_112 = arith.cmpi slt, %scan3A_54, %lt3A : i32
        %convert_element_type3A_113 = arith.extui %lt3A_112 : i1 to i32
        %cond3A_114 = arith.constant 0 : i32
        %cond3A_115 = arith.cmpi ne, %convert_element_type3A_113, %cond3A_114 : i32
        scf.if %cond3A_115 {
          %add3A_116 = arith.constant 8 : i32
          %add3A_117 = arith.addi %scan3A_54, %add3A_116 : i32
          %mul3A_118 = arith.constant 80 : i32
          %mul3A_119 = arith.muli %add3A_117, %mul3A_118 : i32
          %add3A_120 = arith.addi %multiple_of3A, %mul3A_119 : i32
          %multiple_of3A_121 = tpu.assume_multiple %add3A_120, 16 : i32
          %dma_start3A_122 = tpu.memref_slice %arg2[%multiple_of3A_121] : memref<320000xi32, #tpu.memory_space<hbm>> -> memref<80xi32, #tpu.memory_space<hbm>>
          %dma_start3A_123 = tpu.memref_slice %arg2[%multiple_of3A_121] : memref<320000xi32, #tpu.memory_space<hbm>> -> memref<80xi32, #tpu.memory_space<hbm>>
          tpu.enqueue_dma source(%dma_start3A_123 : memref<80xi32, #tpu.memory_space<hbm>>) target(%arg13 : memref<80xi32, #tpu.memory_space<vmem>>) target_semaphore(%arg23 : memref<!tpu.dma_semaphore, #tpu.memory_space<semaphore_mem>>)
        } else {
        }
      } else {
      }
    }
    %scan3A_48 = arith.constant 125 : i32
    %barrier3A_49 = arith.constant 0 : index
    tpu.barrier barrier_id(%barrier3A_49)
    %mul3A_50 = arith.constant 640 : i32
    %mul3A_51 = arith.muli %arg1, %mul3A_50 : i32
    %mul3A_52 = arith.constant 640 : i32
    %mul3A_53 = arith.muli %arg1, %mul3A_52 : i32
    "tpu.region"() ({
      %run_scoped3A = tpu.sem_alloc : memref<!tpu.dma_semaphore, #tpu.memory_space<semaphore_mem>>
      %dma_start3A_54 = arith.constant 0 : i32
      %dma_start3A_55 = tpu.memref_slice %arg5[%arg0, %mul3A_53, %dma_start3A_54] : memref<2x10240x128xf32, #tpu.memory_space<hbm>> -> memref<1x640x128xf32, #tpu.memory_space<hbm>>
      %dma_start3A_56 = tpu.memref_squeeze %dma_start3A_55 : memref<1x640x128xf32, #tpu.memory_space<hbm>> -> memref<640x128xf32, #tpu.memory_space<hbm>>
      %dma_start3A_57 = arith.constant 0 : i32
      %dma_start3A_58 = tpu.memref_slice %arg15[%mul3A_51, %dma_start3A_57] : memref<10240x128xf32, #tpu.memory_space<vmem_shared>> -> memref<640x128xf32, #tpu.memory_space<vmem_shared>>
      tpu.enqueue_dma source(%dma_start3A_58 : memref<640x128xf32, #tpu.memory_space<vmem_shared>>) target(%dma_start3A_56 : memref<640x128xf32, #tpu.memory_space<hbm>>) target_semaphore(%run_scoped3A : memref<!tpu.dma_semaphore, #tpu.memory_space<semaphore_mem>>)
      %dma_wait3A = arith.constant 0 : i32
      %dma_wait3A_59 = tpu.memref_slice %arg5[%arg0, %mul3A_53, %dma_wait3A] : memref<2x10240x128xf32, #tpu.memory_space<hbm>> -> memref<1x640x128xf32, #tpu.memory_space<hbm>>
      %dma_wait3A_60 = tpu.memref_squeeze %dma_wait3A_59 : memref<1x640x128xf32, #tpu.memory_space<hbm>> -> memref<640x128xf32, #tpu.memory_space<hbm>>
      %dma_wait3A_61 = arith.constant 0 : i32
      %dma_wait3A_62 = tpu.memref_slice %arg15[%mul3A_51, %dma_wait3A_61] : memref<10240x128xf32, #tpu.memory_space<vmem_shared>> -> memref<640x128xf32, #tpu.memory_space<vmem_shared>>
      tpu.wait_dma2 semaphore(%run_scoped3A : memref<!tpu.dma_semaphore, #tpu.memory_space<semaphore_mem>>) src(%dma_wait3A_62 : memref<640x128xf32, #tpu.memory_space<vmem_shared>>) dst(%dma_wait3A_60 : memref<640x128xf32, #tpu.memory_space<hbm>>)
      tpu.yield
    }) : () -> ()
    return
  }
}

#map = affine_map<(d0, d1) -> (0, 0)>
#map1 = affine_map<(d0, d1) -> (0)>
#map2 = affine_map<(d0, d1) -> (0, 0, 0)>
module attributes {stable_mosaic.version = 14 : i64} {
  func.func @k(%arg0: i32, %arg1: i32, %arg2: memref<10240x128xf32, #tpu.memory_space<hbm>>, %arg3: memref<320000xi32, #tpu.memory_space<hbm>>, %arg4: memref<320000xi32, #tpu.memory_space<hbm>>, %arg5: memref<640x128xf32, #tpu.memory_space<hbm>>, %arg6: memref<2x10240x128xf32, #tpu.memory_space<hbm>>, %arg7: memref<80xi32, #tpu.memory_space<vmem>>, %arg8: memref<80xi32, #tpu.memory_space<vmem>>, %arg9: memref<80xi32, #tpu.memory_space<vmem>>, %arg10: memref<80xi32, #tpu.memory_space<vmem>>, %arg11: memref<80xi32, #tpu.memory_space<vmem>>, %arg12: memref<80xi32, #tpu.memory_space<vmem>>, %arg13: memref<80xi32, #tpu.memory_space<vmem>>, %arg14: memref<80xi32, #tpu.memory_space<vmem>>, %arg15: memref<80xi32, #tpu.memory_space<vmem>>, %arg16: memref<80xi32, #tpu.memory_space<vmem>>, %arg17: memref<80xi32, #tpu.memory_space<vmem>>, %arg18: memref<80xi32, #tpu.memory_space<vmem>>, %arg19: memref<80xi32, #tpu.memory_space<vmem>>, %arg20: memref<80xi32, #tpu.memory_space<vmem>>, %arg21: memref<80xi32, #tpu.memory_space<vmem>>, %arg22: memref<80xi32, #tpu.memory_space<vmem>>, %arg23: memref<80x128xf32, #tpu.memory_space<vmem>>, %arg24: memref<80x128xf32, #tpu.memory_space<vmem>>, %arg25: memref<80x128xf32, #tpu.memory_space<vmem>>, %arg26: memref<80x128xf32, #tpu.memory_space<vmem>>, %arg27: memref<10240x128xf32, #tpu.memory_space<vmem_shared>>, %arg28: memref<!tpu.dma_semaphore, #tpu.memory_space<semaphore_mem>>, %arg29: memref<!tpu.dma_semaphore, #tpu.memory_space<semaphore_mem>>, %arg30: memref<!tpu.dma_semaphore, #tpu.memory_space<semaphore_mem>>, %arg31: memref<!tpu.dma_semaphore, #tpu.memory_space<semaphore_mem>>, %arg32: memref<!tpu.dma_semaphore, #tpu.memory_space<semaphore_mem>>, %arg33: memref<!tpu.dma_semaphore, #tpu.memory_space<semaphore_mem>>, %arg34: memref<!tpu.dma_semaphore, #tpu.memory_space<semaphore_mem>>, %arg35: memref<!tpu.dma_semaphore, #tpu.memory_space<semaphore_mem>>, %arg36: memref<!tpu.dma_semaphore, #tpu.memory_space<semaphore_mem>>, %arg37: memref<!tpu.dma_semaphore, #tpu.memory_space<semaphore_mem>>, %arg38: memref<!tpu.dma_semaphore, #tpu.memory_space<semaphore_mem>>, %arg39: memref<!tpu.dma_semaphore, #tpu.memory_space<semaphore_mem>>) attributes {dimension_semantics = [#tpu.dimension_semantics<core_parallel>, #tpu.dimension_semantics<subcore_parallel>], iteration_bounds = array<i64: 2, 16>, scalar_prefetch = 0 : i64, scratch_operands = 33 : i64, tpu.core_type = #tpu.core_type<sc_vector_subcore>, window_params = [{transform_indices = #map}, {transform_indices = #map1}, {transform_indices = #map1}, {transform_indices = #map}, {transform_indices = #map2}]} {
    %mul3A = arith.constant 16 : i32
    %mul3A_0 = arith.muli %arg0, %mul3A : i32
    %add3A = arith.addi %mul3A_0, %arg1 : i32
    %mul3A_1 = arith.constant 10000 : i32
    %mul3A_2 = arith.muli %add3A, %mul3A_1 : i32
    %multiple_of3A = tpu.assume_multiple %mul3A_2, 16 : i32
    %mul3A_3 = arith.constant 640 : i32
    %mul3A_4 = arith.muli %arg1, %mul3A_3 : i32
    "tpu.region"() ({
      %run_scoped3A = tpu.sem_alloc : memref<!tpu.dma_semaphore, #tpu.memory_space<semaphore_mem>>
      %dma_start3A_145 = arith.constant 0 : i32
      %dma_start3A_146 = tpu.memref_slice %arg27[%mul3A_4, %dma_start3A_145] : memref<10240x128xf32, #tpu.memory_space<vmem_shared>> -> memref<640x128xf32, #tpu.memory_space<vmem_shared>>
      tpu.enqueue_dma source(%arg5 : memref<640x128xf32, #tpu.memory_space<hbm>>) target(%dma_start3A_146 : memref<640x128xf32, #tpu.memory_space<vmem_shared>>) target_semaphore(%run_scoped3A : memref<!tpu.dma_semaphore, #tpu.memory_space<semaphore_mem>>)
      %dma_wait3A_147 = arith.constant 0 : i32
      %dma_wait3A_148 = tpu.memref_slice %arg27[%mul3A_4, %dma_wait3A_147] : memref<10240x128xf32, #tpu.memory_space<vmem_shared>> -> memref<640x128xf32, #tpu.memory_space<vmem_shared>>
      tpu.wait_dma2 semaphore(%run_scoped3A : memref<!tpu.dma_semaphore, #tpu.memory_space<semaphore_mem>>) src(%arg5 : memref<640x128xf32, #tpu.memory_space<hbm>>) dst(%dma_wait3A_148 : memref<640x128xf32, #tpu.memory_space<vmem_shared>>)
      tpu.yield
    }) : () -> ()
    %barrier3A = arith.constant 0 : index
    tpu.barrier barrier_id(%barrier3A)
    %add3A_5 = arith.constant 0 : i32
    %add3A_6 = arith.addi %multiple_of3A, %add3A_5 : i32
    %multiple_of3A_7 = tpu.assume_multiple %add3A_6, 16 : i32
    %dma_start3A = tpu.memref_slice %arg3[%multiple_of3A_7] : memref<320000xi32, #tpu.memory_space<hbm>> -> memref<80xi32, #tpu.memory_space<hbm>>
    %dma_start3A_8 = tpu.memref_slice %arg3[%multiple_of3A_7] : memref<320000xi32, #tpu.memory_space<hbm>> -> memref<80xi32, #tpu.memory_space<hbm>>
    tpu.enqueue_dma source(%dma_start3A_8 : memref<80xi32, #tpu.memory_space<hbm>>) target(%arg7 : memref<80xi32, #tpu.memory_space<vmem>>) target_semaphore(%arg32 : memref<!tpu.dma_semaphore, #tpu.memory_space<semaphore_mem>>)
    %add3A_9 = arith.constant 0 : i32
    %add3A_10 = arith.addi %multiple_of3A, %add3A_9 : i32
    %multiple_of3A_11 = tpu.assume_multiple %add3A_10, 16 : i32
    %dma_start3A_12 = tpu.memref_slice %arg4[%multiple_of3A_11] : memref<320000xi32, #tpu.memory_space<hbm>> -> memref<80xi32, #tpu.memory_space<hbm>>
    %dma_start3A_13 = tpu.memref_slice %arg4[%multiple_of3A_11] : memref<320000xi32, #tpu.memory_space<hbm>> -> memref<80xi32, #tpu.memory_space<hbm>>
    tpu.enqueue_dma source(%dma_start3A_13 : memref<80xi32, #tpu.memory_space<hbm>>) target(%arg8 : memref<80xi32, #tpu.memory_space<vmem>>) target_semaphore(%arg32 : memref<!tpu.dma_semaphore, #tpu.memory_space<semaphore_mem>>)
    %add3A_14 = arith.constant 80 : i32
    %add3A_15 = arith.addi %multiple_of3A, %add3A_14 : i32
    %multiple_of3A_16 = tpu.assume_multiple %add3A_15, 16 : i32
    %dma_start3A_17 = tpu.memref_slice %arg3[%multiple_of3A_16] : memref<320000xi32, #tpu.memory_space<hbm>> -> memref<80xi32, #tpu.memory_space<hbm>>
    %dma_start3A_18 = tpu.memref_slice %arg3[%multiple_of3A_16] : memref<320000xi32, #tpu.memory_space<hbm>> -> memref<80xi32, #tpu.memory_space<hbm>>
    tpu.enqueue_dma source(%dma_start3A_18 : memref<80xi32, #tpu.memory_space<hbm>>) target(%arg9 : memref<80xi32, #tpu.memory_space<vmem>>) target_semaphore(%arg33 : memref<!tpu.dma_semaphore, #tpu.memory_space<semaphore_mem>>)
    %add3A_19 = arith.constant 80 : i32
    %add3A_20 = arith.addi %multiple_of3A, %add3A_19 : i32
    %multiple_of3A_21 = tpu.assume_multiple %add3A_20, 16 : i32
    %dma_start3A_22 = tpu.memref_slice %arg4[%multiple_of3A_21] : memref<320000xi32, #tpu.memory_space<hbm>> -> memref<80xi32, #tpu.memory_space<hbm>>
    %dma_start3A_23 = tpu.memref_slice %arg4[%multiple_of3A_21] : memref<320000xi32, #tpu.memory_space<hbm>> -> memref<80xi32, #tpu.memory_space<hbm>>
    tpu.enqueue_dma source(%dma_start3A_23 : memref<80xi32, #tpu.memory_space<hbm>>) target(%arg10 : memref<80xi32, #tpu.memory_space<vmem>>) target_semaphore(%arg33 : memref<!tpu.dma_semaphore, #tpu.memory_space<semaphore_mem>>)
    %add3A_24 = arith.constant 160 : i32
    %add3A_25 = arith.addi %multiple_of3A, %add3A_24 : i32
    %multiple_of3A_26 = tpu.assume_multiple %add3A_25, 16 : i32
    %dma_start3A_27 = tpu.memref_slice %arg3[%multiple_of3A_26] : memref<320000xi32, #tpu.memory_space<hbm>> -> memref<80xi32, #tpu.memory_space<hbm>>
    %dma_start3A_28 = tpu.memref_slice %arg3[%multiple_of3A_26] : memref<320000xi32, #tpu.memory_space<hbm>> -> memref<80xi32, #tpu.memory_space<hbm>>
    tpu.enqueue_dma source(%dma_start3A_28 : memref<80xi32, #tpu.memory_space<hbm>>) target(%arg11 : memref<80xi32, #tpu.memory_space<vmem>>) target_semaphore(%arg34 : memref<!tpu.dma_semaphore, #tpu.memory_space<semaphore_mem>>)
    %add3A_29 = arith.constant 160 : i32
    %add3A_30 = arith.addi %multiple_of3A, %add3A_29 : i32
    %multiple_of3A_31 = tpu.assume_multiple %add3A_30, 16 : i32
    %dma_start3A_32 = tpu.memref_slice %arg4[%multiple_of3A_31] : memref<320000xi32, #tpu.memory_space<hbm>> -> memref<80xi32, #tpu.memory_space<hbm>>
    %dma_start3A_33 = tpu.memref_slice %arg4[%multiple_of3A_31] : memref<320000xi32, #tpu.memory_space<hbm>> -> memref<80xi32, #tpu.memory_space<hbm>>
    tpu.enqueue_dma source(%dma_start3A_33 : memref<80xi32, #tpu.memory_space<hbm>>) target(%arg12 : memref<80xi32, #tpu.memory_space<vmem>>) target_semaphore(%arg34 : memref<!tpu.dma_semaphore, #tpu.memory_space<semaphore_mem>>)
    %add3A_34 = arith.constant 240 : i32
    %add3A_35 = arith.addi %multiple_of3A, %add3A_34 : i32
    %multiple_of3A_36 = tpu.assume_multiple %add3A_35, 16 : i32
    %dma_start3A_37 = tpu.memref_slice %arg3[%multiple_of3A_36] : memref<320000xi32, #tpu.memory_space<hbm>> -> memref<80xi32, #tpu.memory_space<hbm>>
    %dma_start3A_38 = tpu.memref_slice %arg3[%multiple_of3A_36] : memref<320000xi32, #tpu.memory_space<hbm>> -> memref<80xi32, #tpu.memory_space<hbm>>
    tpu.enqueue_dma source(%dma_start3A_38 : memref<80xi32, #tpu.memory_space<hbm>>) target(%arg13 : memref<80xi32, #tpu.memory_space<vmem>>) target_semaphore(%arg35 : memref<!tpu.dma_semaphore, #tpu.memory_space<semaphore_mem>>)
    %add3A_39 = arith.constant 240 : i32
    %add3A_40 = arith.addi %multiple_of3A, %add3A_39 : i32
    %multiple_of3A_41 = tpu.assume_multiple %add3A_40, 16 : i32
    %dma_start3A_42 = tpu.memref_slice %arg4[%multiple_of3A_41] : memref<320000xi32, #tpu.memory_space<hbm>> -> memref<80xi32, #tpu.memory_space<hbm>>
    %dma_start3A_43 = tpu.memref_slice %arg4[%multiple_of3A_41] : memref<320000xi32, #tpu.memory_space<hbm>> -> memref<80xi32, #tpu.memory_space<hbm>>
    tpu.enqueue_dma source(%dma_start3A_43 : memref<80xi32, #tpu.memory_space<hbm>>) target(%arg14 : memref<80xi32, #tpu.memory_space<vmem>>) target_semaphore(%arg35 : memref<!tpu.dma_semaphore, #tpu.memory_space<semaphore_mem>>)
    %add3A_44 = arith.constant 320 : i32
    %add3A_45 = arith.addi %multiple_of3A, %add3A_44 : i32
    %multiple_of3A_46 = tpu.assume_multiple %add3A_45, 16 : i32
    %dma_start3A_47 = tpu.memref_slice %arg3[%multiple_of3A_46] : memref<320000xi32, #tpu.memory_space<hbm>> -> memref<80xi32, #tpu.memory_space<hbm>>
    %dma_start3A_48 = tpu.memref_slice %arg3[%multiple_of3A_46] : memref<320000xi32, #tpu.memory_space<hbm>> -> memref<80xi32, #tpu.memory_space<hbm>>
    tpu.enqueue_dma source(%dma_start3A_48 : memref<80xi32, #tpu.memory_space<hbm>>) target(%arg15 : memref<80xi32, #tpu.memory_space<vmem>>) target_semaphore(%arg36 : memref<!tpu.dma_semaphore, #tpu.memory_space<semaphore_mem>>)
    %add3A_49 = arith.constant 320 : i32
    %add3A_50 = arith.addi %multiple_of3A, %add3A_49 : i32
    %multiple_of3A_51 = tpu.assume_multiple %add3A_50, 16 : i32
    %dma_start3A_52 = tpu.memref_slice %arg4[%multiple_of3A_51] : memref<320000xi32, #tpu.memory_space<hbm>> -> memref<80xi32, #tpu.memory_space<hbm>>
    %dma_start3A_53 = tpu.memref_slice %arg4[%multiple_of3A_51] : memref<320000xi32, #tpu.memory_space<hbm>> -> memref<80xi32, #tpu.memory_space<hbm>>
    tpu.enqueue_dma source(%dma_start3A_53 : memref<80xi32, #tpu.memory_space<hbm>>) target(%arg16 : memref<80xi32, #tpu.memory_space<vmem>>) target_semaphore(%arg36 : memref<!tpu.dma_semaphore, #tpu.memory_space<semaphore_mem>>)
    %add3A_54 = arith.constant 400 : i32
    %add3A_55 = arith.addi %multiple_of3A, %add3A_54 : i32
    %multiple_of3A_56 = tpu.assume_multiple %add3A_55, 16 : i32
    %dma_start3A_57 = tpu.memref_slice %arg3[%multiple_of3A_56] : memref<320000xi32, #tpu.memory_space<hbm>> -> memref<80xi32, #tpu.memory_space<hbm>>
    %dma_start3A_58 = tpu.memref_slice %arg3[%multiple_of3A_56] : memref<320000xi32, #tpu.memory_space<hbm>> -> memref<80xi32, #tpu.memory_space<hbm>>
    tpu.enqueue_dma source(%dma_start3A_58 : memref<80xi32, #tpu.memory_space<hbm>>) target(%arg17 : memref<80xi32, #tpu.memory_space<vmem>>) target_semaphore(%arg37 : memref<!tpu.dma_semaphore, #tpu.memory_space<semaphore_mem>>)
    %add3A_59 = arith.constant 400 : i32
    %add3A_60 = arith.addi %multiple_of3A, %add3A_59 : i32
    %multiple_of3A_61 = tpu.assume_multiple %add3A_60, 16 : i32
    %dma_start3A_62 = tpu.memref_slice %arg4[%multiple_of3A_61] : memref<320000xi32, #tpu.memory_space<hbm>> -> memref<80xi32, #tpu.memory_space<hbm>>
    %dma_start3A_63 = tpu.memref_slice %arg4[%multiple_of3A_61] : memref<320000xi32, #tpu.memory_space<hbm>> -> memref<80xi32, #tpu.memory_space<hbm>>
    tpu.enqueue_dma source(%dma_start3A_63 : memref<80xi32, #tpu.memory_space<hbm>>) target(%arg18 : memref<80xi32, #tpu.memory_space<vmem>>) target_semaphore(%arg37 : memref<!tpu.dma_semaphore, #tpu.memory_space<semaphore_mem>>)
    %add3A_64 = arith.constant 480 : i32
    %add3A_65 = arith.addi %multiple_of3A, %add3A_64 : i32
    %multiple_of3A_66 = tpu.assume_multiple %add3A_65, 16 : i32
    %dma_start3A_67 = tpu.memref_slice %arg3[%multiple_of3A_66] : memref<320000xi32, #tpu.memory_space<hbm>> -> memref<80xi32, #tpu.memory_space<hbm>>
    %dma_start3A_68 = tpu.memref_slice %arg3[%multiple_of3A_66] : memref<320000xi32, #tpu.memory_space<hbm>> -> memref<80xi32, #tpu.memory_space<hbm>>
    tpu.enqueue_dma source(%dma_start3A_68 : memref<80xi32, #tpu.memory_space<hbm>>) target(%arg19 : memref<80xi32, #tpu.memory_space<vmem>>) target_semaphore(%arg38 : memref<!tpu.dma_semaphore, #tpu.memory_space<semaphore_mem>>)
    %add3A_69 = arith.constant 480 : i32
    %add3A_70 = arith.addi %multiple_of3A, %add3A_69 : i32
    %multiple_of3A_71 = tpu.assume_multiple %add3A_70, 16 : i32
    %dma_start3A_72 = tpu.memref_slice %arg4[%multiple_of3A_71] : memref<320000xi32, #tpu.memory_space<hbm>> -> memref<80xi32, #tpu.memory_space<hbm>>
    %dma_start3A_73 = tpu.memref_slice %arg4[%multiple_of3A_71] : memref<320000xi32, #tpu.memory_space<hbm>> -> memref<80xi32, #tpu.memory_space<hbm>>
    tpu.enqueue_dma source(%dma_start3A_73 : memref<80xi32, #tpu.memory_space<hbm>>) target(%arg20 : memref<80xi32, #tpu.memory_space<vmem>>) target_semaphore(%arg38 : memref<!tpu.dma_semaphore, #tpu.memory_space<semaphore_mem>>)
    %add3A_74 = arith.constant 560 : i32
    %add3A_75 = arith.addi %multiple_of3A, %add3A_74 : i32
    %multiple_of3A_76 = tpu.assume_multiple %add3A_75, 16 : i32
    %dma_start3A_77 = tpu.memref_slice %arg3[%multiple_of3A_76] : memref<320000xi32, #tpu.memory_space<hbm>> -> memref<80xi32, #tpu.memory_space<hbm>>
    %dma_start3A_78 = tpu.memref_slice %arg3[%multiple_of3A_76] : memref<320000xi32, #tpu.memory_space<hbm>> -> memref<80xi32, #tpu.memory_space<hbm>>
    tpu.enqueue_dma source(%dma_start3A_78 : memref<80xi32, #tpu.memory_space<hbm>>) target(%arg21 : memref<80xi32, #tpu.memory_space<vmem>>) target_semaphore(%arg39 : memref<!tpu.dma_semaphore, #tpu.memory_space<semaphore_mem>>)
    %add3A_79 = arith.constant 560 : i32
    %add3A_80 = arith.addi %multiple_of3A, %add3A_79 : i32
    %multiple_of3A_81 = tpu.assume_multiple %add3A_80, 16 : i32
    %dma_start3A_82 = tpu.memref_slice %arg4[%multiple_of3A_81] : memref<320000xi32, #tpu.memory_space<hbm>> -> memref<80xi32, #tpu.memory_space<hbm>>
    %dma_start3A_83 = tpu.memref_slice %arg4[%multiple_of3A_81] : memref<320000xi32, #tpu.memory_space<hbm>> -> memref<80xi32, #tpu.memory_space<hbm>>
    tpu.enqueue_dma source(%dma_start3A_83 : memref<80xi32, #tpu.memory_space<hbm>>) target(%arg22 : memref<80xi32, #tpu.memory_space<vmem>>) target_semaphore(%arg39 : memref<!tpu.dma_semaphore, #tpu.memory_space<semaphore_mem>>)
    %add3A_84 = arith.constant 0 : i32
    %add3A_85 = arith.addi %multiple_of3A, %add3A_84 : i32
    %multiple_of3A_86 = tpu.assume_multiple %add3A_85, 16 : i32
    %dma_wait3A = tpu.memref_slice %arg3[%multiple_of3A_86] : memref<320000xi32, #tpu.memory_space<hbm>> -> memref<80xi32, #tpu.memory_space<hbm>>
    %dma_wait3A_87 = tpu.memref_slice %arg3[%multiple_of3A_86] : memref<320000xi32, #tpu.memory_space<hbm>> -> memref<80xi32, #tpu.memory_space<hbm>>
    tpu.wait_dma2 semaphore(%arg32 : memref<!tpu.dma_semaphore, #tpu.memory_space<semaphore_mem>>) src(%dma_wait3A_87 : memref<80xi32, #tpu.memory_space<hbm>>) dst(%arg7 : memref<80xi32, #tpu.memory_space<vmem>>)
    %add3A_88 = arith.constant 0 : i32
    %add3A_89 = arith.addi %multiple_of3A, %add3A_88 : i32
    %multiple_of3A_90 = tpu.assume_multiple %add3A_89, 16 : i32
    %dma_wait3A_91 = tpu.memref_slice %arg4[%multiple_of3A_90] : memref<320000xi32, #tpu.memory_space<hbm>> -> memref<80xi32, #tpu.memory_space<hbm>>
    %dma_wait3A_92 = tpu.memref_slice %arg4[%multiple_of3A_90] : memref<320000xi32, #tpu.memory_space<hbm>> -> memref<80xi32, #tpu.memory_space<hbm>>
    tpu.wait_dma2 semaphore(%arg32 : memref<!tpu.dma_semaphore, #tpu.memory_space<semaphore_mem>>) src(%dma_wait3A_92 : memref<80xi32, #tpu.memory_space<hbm>>) dst(%arg8 : memref<80xi32, #tpu.memory_space<vmem>>)
    %dma_start3A_93 = arith.constant 0 : i32
    %dma_start3A_94 = arith.constant 0 : i32
    %dma_start3A_95 = tpu.memref_slice %arg2[%dma_start3A_93, %dma_start3A_94] : memref<10240x128xf32, #tpu.memory_space<hbm>> -> memref<10240x128xf32, #tpu.memory_space<hbm>>
    tpu.enqueue_indirect_dma source(%dma_start3A_95 : memref<10240x128xf32, #tpu.memory_space<hbm>>) target(%arg23 : memref<80x128xf32, #tpu.memory_space<vmem>>) offsets(%arg7 : memref<80xi32, #tpu.memory_space<vmem>>) semaphore(%arg28 : memref<!tpu.dma_semaphore, #tpu.memory_space<semaphore_mem>>)
    %add3A_96 = arith.constant 80 : i32
    %add3A_97 = arith.addi %multiple_of3A, %add3A_96 : i32
    %multiple_of3A_98 = tpu.assume_multiple %add3A_97, 16 : i32
    %dma_wait3A_99 = tpu.memref_slice %arg3[%multiple_of3A_98] : memref<320000xi32, #tpu.memory_space<hbm>> -> memref<80xi32, #tpu.memory_space<hbm>>
    %dma_wait3A_100 = tpu.memref_slice %arg3[%multiple_of3A_98] : memref<320000xi32, #tpu.memory_space<hbm>> -> memref<80xi32, #tpu.memory_space<hbm>>
    tpu.wait_dma2 semaphore(%arg33 : memref<!tpu.dma_semaphore, #tpu.memory_space<semaphore_mem>>) src(%dma_wait3A_100 : memref<80xi32, #tpu.memory_space<hbm>>) dst(%arg9 : memref<80xi32, #tpu.memory_space<vmem>>)
    %add3A_101 = arith.constant 80 : i32
    %add3A_102 = arith.addi %multiple_of3A, %add3A_101 : i32
    %multiple_of3A_103 = tpu.assume_multiple %add3A_102, 16 : i32
    %dma_wait3A_104 = tpu.memref_slice %arg4[%multiple_of3A_103] : memref<320000xi32, #tpu.memory_space<hbm>> -> memref<80xi32, #tpu.memory_space<hbm>>
    %dma_wait3A_105 = tpu.memref_slice %arg4[%multiple_of3A_103] : memref<320000xi32, #tpu.memory_space<hbm>> -> memref<80xi32, #tpu.memory_space<hbm>>
    tpu.wait_dma2 semaphore(%arg33 : memref<!tpu.dma_semaphore, #tpu.memory_space<semaphore_mem>>) src(%dma_wait3A_105 : memref<80xi32, #tpu.memory_space<hbm>>) dst(%arg10 : memref<80xi32, #tpu.memory_space<vmem>>)
    %dma_start3A_106 = arith.constant 0 : i32
    %dma_start3A_107 = arith.constant 0 : i32
    %dma_start3A_108 = tpu.memref_slice %arg2[%dma_start3A_106, %dma_start3A_107] : memref<10240x128xf32, #tpu.memory_space<hbm>> -> memref<10240x128xf32, #tpu.memory_space<hbm>>
    tpu.enqueue_indirect_dma source(%dma_start3A_108 : memref<10240x128xf32, #tpu.memory_space<hbm>>) target(%arg24 : memref<80x128xf32, #tpu.memory_space<vmem>>) offsets(%arg9 : memref<80xi32, #tpu.memory_space<vmem>>) semaphore(%arg29 : memref<!tpu.dma_semaphore, #tpu.memory_space<semaphore_mem>>)
    %add3A_109 = arith.constant 160 : i32
    %add3A_110 = arith.addi %multiple_of3A, %add3A_109 : i32
    %multiple_of3A_111 = tpu.assume_multiple %add3A_110, 16 : i32
    %dma_wait3A_112 = tpu.memref_slice %arg3[%multiple_of3A_111] : memref<320000xi32, #tpu.memory_space<hbm>> -> memref<80xi32, #tpu.memory_space<hbm>>
    %dma_wait3A_113 = tpu.memref_slice %arg3[%multiple_of3A_111] : memref<320000xi32, #tpu.memory_space<hbm>> -> memref<80xi32, #tpu.memory_space<hbm>>
    tpu.wait_dma2 semaphore(%arg34 : memref<!tpu.dma_semaphore, #tpu.memory_space<semaphore_mem>>) src(%dma_wait3A_113 : memref<80xi32, #tpu.memory_space<hbm>>) dst(%arg11 : memref<80xi32, #tpu.memory_space<vmem>>)
    %add3A_114 = arith.constant 160 : i32
    %add3A_115 = arith.addi %multiple_of3A, %add3A_114 : i32
    %multiple_of3A_116 = tpu.assume_multiple %add3A_115, 16 : i32
    %dma_wait3A_117 = tpu.memref_slice %arg4[%multiple_of3A_116] : memref<320000xi32, #tpu.memory_space<hbm>> -> memref<80xi32, #tpu.memory_space<hbm>>
    %dma_wait3A_118 = tpu.memref_slice %arg4[%multiple_of3A_116] : memref<320000xi32, #tpu.memory_space<hbm>> -> memref<80xi32, #tpu.memory_space<hbm>>
    tpu.wait_dma2 semaphore(%arg34 : memref<!tpu.dma_semaphore, #tpu.memory_space<semaphore_mem>>) src(%dma_wait3A_118 : memref<80xi32, #tpu.memory_space<hbm>>) dst(%arg12 : memref<80xi32, #tpu.memory_space<vmem>>)
    %dma_start3A_119 = arith.constant 0 : i32
    %dma_start3A_120 = arith.constant 0 : i32
    %dma_start3A_121 = tpu.memref_slice %arg2[%dma_start3A_119, %dma_start3A_120] : memref<10240x128xf32, #tpu.memory_space<hbm>> -> memref<10240x128xf32, #tpu.memory_space<hbm>>
    tpu.enqueue_indirect_dma source(%dma_start3A_121 : memref<10240x128xf32, #tpu.memory_space<hbm>>) target(%arg25 : memref<80x128xf32, #tpu.memory_space<vmem>>) offsets(%arg11 : memref<80xi32, #tpu.memory_space<vmem>>) semaphore(%arg30 : memref<!tpu.dma_semaphore, #tpu.memory_space<semaphore_mem>>)
    %add3A_122 = arith.constant 240 : i32
    %add3A_123 = arith.addi %multiple_of3A, %add3A_122 : i32
    %multiple_of3A_124 = tpu.assume_multiple %add3A_123, 16 : i32
    %dma_wait3A_125 = tpu.memref_slice %arg3[%multiple_of3A_124] : memref<320000xi32, #tpu.memory_space<hbm>> -> memref<80xi32, #tpu.memory_space<hbm>>
    %dma_wait3A_126 = tpu.memref_slice %arg3[%multiple_of3A_124] : memref<320000xi32, #tpu.memory_space<hbm>> -> memref<80xi32, #tpu.memory_space<hbm>>
    tpu.wait_dma2 semaphore(%arg35 : memref<!tpu.dma_semaphore, #tpu.memory_space<semaphore_mem>>) src(%dma_wait3A_126 : memref<80xi32, #tpu.memory_space<hbm>>) dst(%arg13 : memref<80xi32, #tpu.memory_space<vmem>>)
    %add3A_127 = arith.constant 240 : i32
    %add3A_128 = arith.addi %multiple_of3A, %add3A_127 : i32
    %multiple_of3A_129 = tpu.assume_multiple %add3A_128, 16 : i32
    %dma_wait3A_130 = tpu.memref_slice %arg4[%multiple_of3A_129] : memref<320000xi32, #tpu.memory_space<hbm>> -> memref<80xi32, #tpu.memory_space<hbm>>
    %dma_wait3A_131 = tpu.memref_slice %arg4[%multiple_of3A_129] : memref<320000xi32, #tpu.memory_space<hbm>> -> memref<80xi32, #tpu.memory_space<hbm>>
    tpu.wait_dma2 semaphore(%arg35 : memref<!tpu.dma_semaphore, #tpu.memory_space<semaphore_mem>>) src(%dma_wait3A_131 : memref<80xi32, #tpu.memory_space<hbm>>) dst(%arg14 : memref<80xi32, #tpu.memory_space<vmem>>)
    %dma_start3A_132 = arith.constant 0 : i32
    %dma_start3A_133 = arith.constant 0 : i32
    %dma_start3A_134 = tpu.memref_slice %arg2[%dma_start3A_132, %dma_start3A_133] : memref<10240x128xf32, #tpu.memory_space<hbm>> -> memref<10240x128xf32, #tpu.memory_space<hbm>>
    tpu.enqueue_indirect_dma source(%dma_start3A_134 : memref<10240x128xf32, #tpu.memory_space<hbm>>) target(%arg26 : memref<80x128xf32, #tpu.memory_space<vmem>>) offsets(%arg13 : memref<80xi32, #tpu.memory_space<vmem>>) semaphore(%arg31 : memref<!tpu.dma_semaphore, #tpu.memory_space<semaphore_mem>>)
    %scan3A = arith.constant 0 : i32
    %scan3A_135 = arith.constant 0 : i32
    %scan3A_136 = arith.constant 125 : i32
    %scan3A_137 = arith.addi %scan3A_135, %scan3A_136 : i32
    %scan3A_138 = arith.constant 1 : i32
    scf.for %scan3A_145 = %scan3A_135 to %scan3A_137 step %scan3A_138  : i32 {
      %rem3A = arith.constant 8 : i32
      %rem3A_146 = arith.remsi %scan3A_145, %rem3A : i32
      %eq3A = arith.constant 0 : i32
      %eq3A_147 = arith.cmpi eq, %rem3A_146, %eq3A : i32
      %convert_element_type3A = arith.extui %eq3A_147 : i1 to i32
      %cond3A = arith.constant 0 : i32
      %cond3A_148 = arith.cmpi ne, %convert_element_type3A, %cond3A : i32
      scf.if %cond3A_148 {
        %dma_wait3A_198 = arith.constant 0 : i32
        %dma_wait3A_199 = arith.constant 0 : i32
        %dma_wait3A_200 = tpu.memref_slice %arg2[%dma_wait3A_198, %dma_wait3A_199] : memref<10240x128xf32, #tpu.memory_space<hbm>> -> memref<10240x128xf32, #tpu.memory_space<hbm>>
        tpu.wait_indirect_dma semaphore(%arg28 : memref<!tpu.dma_semaphore, #tpu.memory_space<semaphore_mem>>) src(%dma_wait3A_200 : memref<10240x128xf32, #tpu.memory_space<hbm>>) dst(%arg23 : memref<80x128xf32, #tpu.memory_space<vmem>>)
        "tpu.region"() ({
          %run_scoped3A = tpu.sem_alloc : memref<!tpu.dma_semaphore, #tpu.memory_space<semaphore_mem>>
          %dma_start3A_210 = arith.constant 0 : i32
          %dma_start3A_211 = arith.constant 0 : i32
          %dma_start3A_212 = tpu.memref_slice %arg27[%dma_start3A_210, %dma_start3A_211] : memref<10240x128xf32, #tpu.memory_space<vmem_shared>> -> memref<10240x128xf32, #tpu.memory_space<vmem_shared>>
          tpu.enqueue_indirect_dma source(%arg23 : memref<80x128xf32, #tpu.memory_space<vmem>>) target(%dma_start3A_212 : memref<10240x128xf32, #tpu.memory_space<vmem_shared>>) offsets(%arg8 : memref<80xi32, #tpu.memory_space<vmem>>) semaphore(%run_scoped3A : memref<!tpu.dma_semaphore, #tpu.memory_space<semaphore_mem>>) {add = true}
          %dma_wait3A_213 = arith.constant 0 : i32
          %dma_wait3A_214 = arith.constant 0 : i32
          %dma_wait3A_215 = tpu.memref_slice %arg27[%dma_wait3A_213, %dma_wait3A_214] : memref<10240x128xf32, #tpu.memory_space<vmem_shared>> -> memref<10240x128xf32, #tpu.memory_space<vmem_shared>>
          tpu.wait_indirect_dma semaphore(%run_scoped3A : memref<!tpu.dma_semaphore, #tpu.memory_space<semaphore_mem>>) src(%arg23 : memref<80x128xf32, #tpu.memory_space<vmem>>) dst(%dma_wait3A_215 : memref<10240x128xf32, #tpu.memory_space<vmem_shared>>)
          tpu.yield
        }) : () -> ()
        %lt3A = arith.constant 121 : i32
        %lt3A_201 = arith.cmpi slt, %scan3A_145, %lt3A : i32
        %convert_element_type3A_202 = arith.extui %lt3A_201 : i1 to i32
        %cond3A_203 = arith.constant 0 : i32
        %cond3A_204 = arith.cmpi ne, %convert_element_type3A_202, %cond3A_203 : i32
        scf.if %cond3A_204 {
          %add3A_210 = arith.constant 4 : i32
          %add3A_211 = arith.addi %scan3A_145, %add3A_210 : i32
          %mul3A_212 = arith.constant 80 : i32
          %mul3A_213 = arith.muli %add3A_211, %mul3A_212 : i32
          %add3A_214 = arith.addi %multiple_of3A, %mul3A_213 : i32
          %multiple_of3A_215 = tpu.assume_multiple %add3A_214, 16 : i32
          %dma_wait3A_216 = tpu.memref_slice %arg3[%multiple_of3A_215] : memref<320000xi32, #tpu.memory_space<hbm>> -> memref<80xi32, #tpu.memory_space<hbm>>
          %dma_wait3A_217 = tpu.memref_slice %arg3[%multiple_of3A_215] : memref<320000xi32, #tpu.memory_space<hbm>> -> memref<80xi32, #tpu.memory_space<hbm>>
          tpu.wait_dma2 semaphore(%arg36 : memref<!tpu.dma_semaphore, #tpu.memory_space<semaphore_mem>>) src(%dma_wait3A_217 : memref<80xi32, #tpu.memory_space<hbm>>) dst(%arg15 : memref<80xi32, #tpu.memory_space<vmem>>)
          %mul3A_218 = arith.constant 80 : i32
          %mul3A_219 = arith.muli %add3A_211, %mul3A_218 : i32
          %add3A_220 = arith.addi %multiple_of3A, %mul3A_219 : i32
          %multiple_of3A_221 = tpu.assume_multiple %add3A_220, 16 : i32
          %dma_wait3A_222 = tpu.memref_slice %arg4[%multiple_of3A_221] : memref<320000xi32, #tpu.memory_space<hbm>> -> memref<80xi32, #tpu.memory_space<hbm>>
          %dma_wait3A_223 = tpu.memref_slice %arg4[%multiple_of3A_221] : memref<320000xi32, #tpu.memory_space<hbm>> -> memref<80xi32, #tpu.memory_space<hbm>>
          tpu.wait_dma2 semaphore(%arg36 : memref<!tpu.dma_semaphore, #tpu.memory_space<semaphore_mem>>) src(%dma_wait3A_223 : memref<80xi32, #tpu.memory_space<hbm>>) dst(%arg16 : memref<80xi32, #tpu.memory_space<vmem>>)
          %dma_start3A_224 = arith.constant 0 : i32
          %dma_start3A_225 = arith.constant 0 : i32
          %dma_start3A_226 = tpu.memref_slice %arg2[%dma_start3A_224, %dma_start3A_225] : memref<10240x128xf32, #tpu.memory_space<hbm>> -> memref<10240x128xf32, #tpu.memory_space<hbm>>
          tpu.enqueue_indirect_dma source(%dma_start3A_226 : memref<10240x128xf32, #tpu.memory_space<hbm>>) target(%arg23 : memref<80x128xf32, #tpu.memory_space<vmem>>) offsets(%arg15 : memref<80xi32, #tpu.memory_space<vmem>>) semaphore(%arg28 : memref<!tpu.dma_semaphore, #tpu.memory_space<semaphore_mem>>)
        } else {
        }
        %lt3A_205 = arith.constant 117 : i32
        %lt3A_206 = arith.cmpi slt, %scan3A_145, %lt3A_205 : i32
        %convert_element_type3A_207 = arith.extui %lt3A_206 : i1 to i32
        %cond3A_208 = arith.constant 0 : i32
        %cond3A_209 = arith.cmpi ne, %convert_element_type3A_207, %cond3A_208 : i32
        scf.if %cond3A_209 {
          %add3A_210 = arith.constant 8 : i32
          %add3A_211 = arith.addi %scan3A_145, %add3A_210 : i32
          %mul3A_212 = arith.constant 80 : i32
          %mul3A_213 = arith.muli %add3A_211, %mul3A_212 : i32
          %add3A_214 = arith.addi %multiple_of3A, %mul3A_213 : i32
          %multiple_of3A_215 = tpu.assume_multiple %add3A_214, 16 : i32
          %dma_start3A_216 = tpu.memref_slice %arg3[%multiple_of3A_215] : memref<320000xi32, #tpu.memory_space<hbm>> -> memref<80xi32, #tpu.memory_space<hbm>>
          %dma_start3A_217 = tpu.memref_slice %arg3[%multiple_of3A_215] : memref<320000xi32, #tpu.memory_space<hbm>> -> memref<80xi32, #tpu.memory_space<hbm>>
          tpu.enqueue_dma source(%dma_start3A_217 : memref<80xi32, #tpu.memory_space<hbm>>) target(%arg7 : memref<80xi32, #tpu.memory_space<vmem>>) target_semaphore(%arg32 : memref<!tpu.dma_semaphore, #tpu.memory_space<semaphore_mem>>)
          %mul3A_218 = arith.constant 80 : i32
          %mul3A_219 = arith.muli %add3A_211, %mul3A_218 : i32
          %add3A_220 = arith.addi %multiple_of3A, %mul3A_219 : i32
          %multiple_of3A_221 = tpu.assume_multiple %add3A_220, 16 : i32
          %dma_start3A_222 = tpu.memref_slice %arg4[%multiple_of3A_221] : memref<320000xi32, #tpu.memory_space<hbm>> -> memref<80xi32, #tpu.memory_space<hbm>>
          %dma_start3A_223 = tpu.memref_slice %arg4[%multiple_of3A_221] : memref<320000xi32, #tpu.memory_space<hbm>> -> memref<80xi32, #tpu.memory_space<hbm>>
          tpu.enqueue_dma source(%dma_start3A_223 : memref<80xi32, #tpu.memory_space<hbm>>) target(%arg8 : memref<80xi32, #tpu.memory_space<vmem>>) target_semaphore(%arg32 : memref<!tpu.dma_semaphore, #tpu.memory_space<semaphore_mem>>)
        } else {
        }
      } else {
      }
      %rem3A_149 = arith.constant 8 : i32
      %rem3A_150 = arith.remsi %scan3A_145, %rem3A_149 : i32
      %eq3A_151 = arith.constant 1 : i32
      %eq3A_152 = arith.cmpi eq, %rem3A_150, %eq3A_151 : i32
      %convert_element_type3A_153 = arith.extui %eq3A_152 : i1 to i32
      %cond3A_154 = arith.constant 0 : i32
      %cond3A_155 = arith.cmpi ne, %convert_element_type3A_153, %cond3A_154 : i32
      scf.if %cond3A_155 {
        %dma_wait3A_198 = arith.constant 0 : i32
        %dma_wait3A_199 = arith.constant 0 : i32
        %dma_wait3A_200 = tpu.memref_slice %arg2[%dma_wait3A_198, %dma_wait3A_199] : memref<10240x128xf32, #tpu.memory_space<hbm>> -> memref<10240x128xf32, #tpu.memory_space<hbm>>
        tpu.wait_indirect_dma semaphore(%arg29 : memref<!tpu.dma_semaphore, #tpu.memory_space<semaphore_mem>>) src(%dma_wait3A_200 : memref<10240x128xf32, #tpu.memory_space<hbm>>) dst(%arg24 : memref<80x128xf32, #tpu.memory_space<vmem>>)
        "tpu.region"() ({
          %run_scoped3A = tpu.sem_alloc : memref<!tpu.dma_semaphore, #tpu.memory_space<semaphore_mem>>
          %dma_start3A_210 = arith.constant 0 : i32
          %dma_start3A_211 = arith.constant 0 : i32
          %dma_start3A_212 = tpu.memref_slice %arg27[%dma_start3A_210, %dma_start3A_211] : memref<10240x128xf32, #tpu.memory_space<vmem_shared>> -> memref<10240x128xf32, #tpu.memory_space<vmem_shared>>
          tpu.enqueue_indirect_dma source(%arg24 : memref<80x128xf32, #tpu.memory_space<vmem>>) target(%dma_start3A_212 : memref<10240x128xf32, #tpu.memory_space<vmem_shared>>) offsets(%arg10 : memref<80xi32, #tpu.memory_space<vmem>>) semaphore(%run_scoped3A : memref<!tpu.dma_semaphore, #tpu.memory_space<semaphore_mem>>) {add = true}
          %dma_wait3A_213 = arith.constant 0 : i32
          %dma_wait3A_214 = arith.constant 0 : i32
          %dma_wait3A_215 = tpu.memref_slice %arg27[%dma_wait3A_213, %dma_wait3A_214] : memref<10240x128xf32, #tpu.memory_space<vmem_shared>> -> memref<10240x128xf32, #tpu.memory_space<vmem_shared>>
          tpu.wait_indirect_dma semaphore(%run_scoped3A : memref<!tpu.dma_semaphore, #tpu.memory_space<semaphore_mem>>) src(%arg24 : memref<80x128xf32, #tpu.memory_space<vmem>>) dst(%dma_wait3A_215 : memref<10240x128xf32, #tpu.memory_space<vmem_shared>>)
          tpu.yield
        }) : () -> ()
        %lt3A = arith.constant 121 : i32
        %lt3A_201 = arith.cmpi slt, %scan3A_145, %lt3A : i32
        %convert_element_type3A_202 = arith.extui %lt3A_201 : i1 to i32
        %cond3A_203 = arith.constant 0 : i32
        %cond3A_204 = arith.cmpi ne, %convert_element_type3A_202, %cond3A_203 : i32
        scf.if %cond3A_204 {
          %add3A_210 = arith.constant 4 : i32
          %add3A_211 = arith.addi %scan3A_145, %add3A_210 : i32
          %mul3A_212 = arith.constant 80 : i32
          %mul3A_213 = arith.muli %add3A_211, %mul3A_212 : i32
          %add3A_214 = arith.addi %multiple_of3A, %mul3A_213 : i32
          %multiple_of3A_215 = tpu.assume_multiple %add3A_214, 16 : i32
          %dma_wait3A_216 = tpu.memref_slice %arg3[%multiple_of3A_215] : memref<320000xi32, #tpu.memory_space<hbm>> -> memref<80xi32, #tpu.memory_space<hbm>>
          %dma_wait3A_217 = tpu.memref_slice %arg3[%multiple_of3A_215] : memref<320000xi32, #tpu.memory_space<hbm>> -> memref<80xi32, #tpu.memory_space<hbm>>
          tpu.wait_dma2 semaphore(%arg37 : memref<!tpu.dma_semaphore, #tpu.memory_space<semaphore_mem>>) src(%dma_wait3A_217 : memref<80xi32, #tpu.memory_space<hbm>>) dst(%arg17 : memref<80xi32, #tpu.memory_space<vmem>>)
          %mul3A_218 = arith.constant 80 : i32
          %mul3A_219 = arith.muli %add3A_211, %mul3A_218 : i32
          %add3A_220 = arith.addi %multiple_of3A, %mul3A_219 : i32
          %multiple_of3A_221 = tpu.assume_multiple %add3A_220, 16 : i32
          %dma_wait3A_222 = tpu.memref_slice %arg4[%multiple_of3A_221] : memref<320000xi32, #tpu.memory_space<hbm>> -> memref<80xi32, #tpu.memory_space<hbm>>
          %dma_wait3A_223 = tpu.memref_slice %arg4[%multiple_of3A_221] : memref<320000xi32, #tpu.memory_space<hbm>> -> memref<80xi32, #tpu.memory_space<hbm>>
          tpu.wait_dma2 semaphore(%arg37 : memref<!tpu.dma_semaphore, #tpu.memory_space<semaphore_mem>>) src(%dma_wait3A_223 : memref<80xi32, #tpu.memory_space<hbm>>) dst(%arg18 : memref<80xi32, #tpu.memory_space<vmem>>)
          %dma_start3A_224 = arith.constant 0 : i32
          %dma_start3A_225 = arith.constant 0 : i32
          %dma_start3A_226 = tpu.memref_slice %arg2[%dma_start3A_224, %dma_start3A_225] : memref<10240x128xf32, #tpu.memory_space<hbm>> -> memref<10240x128xf32, #tpu.memory_space<hbm>>
          tpu.enqueue_indirect_dma source(%dma_start3A_226 : memref<10240x128xf32, #tpu.memory_space<hbm>>) target(%arg24 : memref<80x128xf32, #tpu.memory_space<vmem>>) offsets(%arg17 : memref<80xi32, #tpu.memory_space<vmem>>) semaphore(%arg29 : memref<!tpu.dma_semaphore, #tpu.memory_space<semaphore_mem>>)
        } else {
        }
        %lt3A_205 = arith.constant 117 : i32
        %lt3A_206 = arith.cmpi slt, %scan3A_145, %lt3A_205 : i32
        %convert_element_type3A_207 = arith.extui %lt3A_206 : i1 to i32
        %cond3A_208 = arith.constant 0 : i32
        %cond3A_209 = arith.cmpi ne, %convert_element_type3A_207, %cond3A_208 : i32
        scf.if %cond3A_209 {
          %add3A_210 = arith.constant 8 : i32
          %add3A_211 = arith.addi %scan3A_145, %add3A_210 : i32
          %mul3A_212 = arith.constant 80 : i32
          %mul3A_213 = arith.muli %add3A_211, %mul3A_212 : i32
          %add3A_214 = arith.addi %multiple_of3A, %mul3A_213 : i32
          %multiple_of3A_215 = tpu.assume_multiple %add3A_214, 16 : i32
          %dma_start3A_216 = tpu.memref_slice %arg3[%multiple_of3A_215] : memref<320000xi32, #tpu.memory_space<hbm>> -> memref<80xi32, #tpu.memory_space<hbm>>
          %dma_start3A_217 = tpu.memref_slice %arg3[%multiple_of3A_215] : memref<320000xi32, #tpu.memory_space<hbm>> -> memref<80xi32, #tpu.memory_space<hbm>>
          tpu.enqueue_dma source(%dma_start3A_217 : memref<80xi32, #tpu.memory_space<hbm>>) target(%arg9 : memref<80xi32, #tpu.memory_space<vmem>>) target_semaphore(%arg33 : memref<!tpu.dma_semaphore, #tpu.memory_space<semaphore_mem>>)
          %mul3A_218 = arith.constant 80 : i32
          %mul3A_219 = arith.muli %add3A_211, %mul3A_218 : i32
          %add3A_220 = arith.addi %multiple_of3A, %mul3A_219 : i32
          %multiple_of3A_221 = tpu.assume_multiple %add3A_220, 16 : i32
          %dma_start3A_222 = tpu.memref_slice %arg4[%multiple_of3A_221] : memref<320000xi32, #tpu.memory_space<hbm>> -> memref<80xi32, #tpu.memory_space<hbm>>
          %dma_start3A_223 = tpu.memref_slice %arg4[%multiple_of3A_221] : memref<320000xi32, #tpu.memory_space<hbm>> -> memref<80xi32, #tpu.memory_space<hbm>>
          tpu.enqueue_dma source(%dma_start3A_223 : memref<80xi32, #tpu.memory_space<hbm>>) target(%arg10 : memref<80xi32, #tpu.memory_space<vmem>>) target_semaphore(%arg33 : memref<!tpu.dma_semaphore, #tpu.memory_space<semaphore_mem>>)
        } else {
        }
      } else {
      }
      %rem3A_156 = arith.constant 8 : i32
      %rem3A_157 = arith.remsi %scan3A_145, %rem3A_156 : i32
      %eq3A_158 = arith.constant 2 : i32
      %eq3A_159 = arith.cmpi eq, %rem3A_157, %eq3A_158 : i32
      %convert_element_type3A_160 = arith.extui %eq3A_159 : i1 to i32
      %cond3A_161 = arith.constant 0 : i32
      %cond3A_162 = arith.cmpi ne, %convert_element_type3A_160, %cond3A_161 : i32
      scf.if %cond3A_162 {
        %dma_wait3A_198 = arith.constant 0 : i32
        %dma_wait3A_199 = arith.constant 0 : i32
        %dma_wait3A_200 = tpu.memref_slice %arg2[%dma_wait3A_198, %dma_wait3A_199] : memref<10240x128xf32, #tpu.memory_space<hbm>> -> memref<10240x128xf32, #tpu.memory_space<hbm>>
        tpu.wait_indirect_dma semaphore(%arg30 : memref<!tpu.dma_semaphore, #tpu.memory_space<semaphore_mem>>) src(%dma_wait3A_200 : memref<10240x128xf32, #tpu.memory_space<hbm>>) dst(%arg25 : memref<80x128xf32, #tpu.memory_space<vmem>>)
        "tpu.region"() ({
          %run_scoped3A = tpu.sem_alloc : memref<!tpu.dma_semaphore, #tpu.memory_space<semaphore_mem>>
          %dma_start3A_210 = arith.constant 0 : i32
          %dma_start3A_211 = arith.constant 0 : i32
          %dma_start3A_212 = tpu.memref_slice %arg27[%dma_start3A_210, %dma_start3A_211] : memref<10240x128xf32, #tpu.memory_space<vmem_shared>> -> memref<10240x128xf32, #tpu.memory_space<vmem_shared>>
          tpu.enqueue_indirect_dma source(%arg25 : memref<80x128xf32, #tpu.memory_space<vmem>>) target(%dma_start3A_212 : memref<10240x128xf32, #tpu.memory_space<vmem_shared>>) offsets(%arg12 : memref<80xi32, #tpu.memory_space<vmem>>) semaphore(%run_scoped3A : memref<!tpu.dma_semaphore, #tpu.memory_space<semaphore_mem>>) {add = true}
          %dma_wait3A_213 = arith.constant 0 : i32
          %dma_wait3A_214 = arith.constant 0 : i32
          %dma_wait3A_215 = tpu.memref_slice %arg27[%dma_wait3A_213, %dma_wait3A_214] : memref<10240x128xf32, #tpu.memory_space<vmem_shared>> -> memref<10240x128xf32, #tpu.memory_space<vmem_shared>>
          tpu.wait_indirect_dma semaphore(%run_scoped3A : memref<!tpu.dma_semaphore, #tpu.memory_space<semaphore_mem>>) src(%arg25 : memref<80x128xf32, #tpu.memory_space<vmem>>) dst(%dma_wait3A_215 : memref<10240x128xf32, #tpu.memory_space<vmem_shared>>)
          tpu.yield
        }) : () -> ()
        %lt3A = arith.constant 121 : i32
        %lt3A_201 = arith.cmpi slt, %scan3A_145, %lt3A : i32
        %convert_element_type3A_202 = arith.extui %lt3A_201 : i1 to i32
        %cond3A_203 = arith.constant 0 : i32
        %cond3A_204 = arith.cmpi ne, %convert_element_type3A_202, %cond3A_203 : i32
        scf.if %cond3A_204 {
          %add3A_210 = arith.constant 4 : i32
          %add3A_211 = arith.addi %scan3A_145, %add3A_210 : i32
          %mul3A_212 = arith.constant 80 : i32
          %mul3A_213 = arith.muli %add3A_211, %mul3A_212 : i32
          %add3A_214 = arith.addi %multiple_of3A, %mul3A_213 : i32
          %multiple_of3A_215 = tpu.assume_multiple %add3A_214, 16 : i32
          %dma_wait3A_216 = tpu.memref_slice %arg3[%multiple_of3A_215] : memref<320000xi32, #tpu.memory_space<hbm>> -> memref<80xi32, #tpu.memory_space<hbm>>
          %dma_wait3A_217 = tpu.memref_slice %arg3[%multiple_of3A_215] : memref<320000xi32, #tpu.memory_space<hbm>> -> memref<80xi32, #tpu.memory_space<hbm>>
          tpu.wait_dma2 semaphore(%arg38 : memref<!tpu.dma_semaphore, #tpu.memory_space<semaphore_mem>>) src(%dma_wait3A_217 : memref<80xi32, #tpu.memory_space<hbm>>) dst(%arg19 : memref<80xi32, #tpu.memory_space<vmem>>)
          %mul3A_218 = arith.constant 80 : i32
          %mul3A_219 = arith.muli %add3A_211, %mul3A_218 : i32
          %add3A_220 = arith.addi %multiple_of3A, %mul3A_219 : i32
          %multiple_of3A_221 = tpu.assume_multiple %add3A_220, 16 : i32
          %dma_wait3A_222 = tpu.memref_slice %arg4[%multiple_of3A_221] : memref<320000xi32, #tpu.memory_space<hbm>> -> memref<80xi32, #tpu.memory_space<hbm>>
          %dma_wait3A_223 = tpu.memref_slice %arg4[%multiple_of3A_221] : memref<320000xi32, #tpu.memory_space<hbm>> -> memref<80xi32, #tpu.memory_space<hbm>>
          tpu.wait_dma2 semaphore(%arg38 : memref<!tpu.dma_semaphore, #tpu.memory_space<semaphore_mem>>) src(%dma_wait3A_223 : memref<80xi32, #tpu.memory_space<hbm>>) dst(%arg20 : memref<80xi32, #tpu.memory_space<vmem>>)
          %dma_start3A_224 = arith.constant 0 : i32
          %dma_start3A_225 = arith.constant 0 : i32
          %dma_start3A_226 = tpu.memref_slice %arg2[%dma_start3A_224, %dma_start3A_225] : memref<10240x128xf32, #tpu.memory_space<hbm>> -> memref<10240x128xf32, #tpu.memory_space<hbm>>
          tpu.enqueue_indirect_dma source(%dma_start3A_226 : memref<10240x128xf32, #tpu.memory_space<hbm>>) target(%arg25 : memref<80x128xf32, #tpu.memory_space<vmem>>) offsets(%arg19 : memref<80xi32, #tpu.memory_space<vmem>>) semaphore(%arg30 : memref<!tpu.dma_semaphore, #tpu.memory_space<semaphore_mem>>)
        } else {
        }
        %lt3A_205 = arith.constant 117 : i32
        %lt3A_206 = arith.cmpi slt, %scan3A_145, %lt3A_205 : i32
        %convert_element_type3A_207 = arith.extui %lt3A_206 : i1 to i32
        %cond3A_208 = arith.constant 0 : i32
        %cond3A_209 = arith.cmpi ne, %convert_element_type3A_207, %cond3A_208 : i32
        scf.if %cond3A_209 {
          %add3A_210 = arith.constant 8 : i32
          %add3A_211 = arith.addi %scan3A_145, %add3A_210 : i32
          %mul3A_212 = arith.constant 80 : i32
          %mul3A_213 = arith.muli %add3A_211, %mul3A_212 : i32
          %add3A_214 = arith.addi %multiple_of3A, %mul3A_213 : i32
          %multiple_of3A_215 = tpu.assume_multiple %add3A_214, 16 : i32
          %dma_start3A_216 = tpu.memref_slice %arg3[%multiple_of3A_215] : memref<320000xi32, #tpu.memory_space<hbm>> -> memref<80xi32, #tpu.memory_space<hbm>>
          %dma_start3A_217 = tpu.memref_slice %arg3[%multiple_of3A_215] : memref<320000xi32, #tpu.memory_space<hbm>> -> memref<80xi32, #tpu.memory_space<hbm>>
          tpu.enqueue_dma source(%dma_start3A_217 : memref<80xi32, #tpu.memory_space<hbm>>) target(%arg11 : memref<80xi32, #tpu.memory_space<vmem>>) target_semaphore(%arg34 : memref<!tpu.dma_semaphore, #tpu.memory_space<semaphore_mem>>)
          %mul3A_218 = arith.constant 80 : i32
          %mul3A_219 = arith.muli %add3A_211, %mul3A_218 : i32
          %add3A_220 = arith.addi %multiple_of3A, %mul3A_219 : i32
          %multiple_of3A_221 = tpu.assume_multiple %add3A_220, 16 : i32
          %dma_start3A_222 = tpu.memref_slice %arg4[%multiple_of3A_221] : memref<320000xi32, #tpu.memory_space<hbm>> -> memref<80xi32, #tpu.memory_space<hbm>>
          %dma_start3A_223 = tpu.memref_slice %arg4[%multiple_of3A_221] : memref<320000xi32, #tpu.memory_space<hbm>> -> memref<80xi32, #tpu.memory_space<hbm>>
          tpu.enqueue_dma source(%dma_start3A_223 : memref<80xi32, #tpu.memory_space<hbm>>) target(%arg12 : memref<80xi32, #tpu.memory_space<vmem>>) target_semaphore(%arg34 : memref<!tpu.dma_semaphore, #tpu.memory_space<semaphore_mem>>)
        } else {
        }
      } else {
      }
      %rem3A_163 = arith.constant 8 : i32
      %rem3A_164 = arith.remsi %scan3A_145, %rem3A_163 : i32
      %eq3A_165 = arith.constant 3 : i32
      %eq3A_166 = arith.cmpi eq, %rem3A_164, %eq3A_165 : i32
      %convert_element_type3A_167 = arith.extui %eq3A_166 : i1 to i32
      %cond3A_168 = arith.constant 0 : i32
      %cond3A_169 = arith.cmpi ne, %convert_element_type3A_167, %cond3A_168 : i32
      scf.if %cond3A_169 {
        %dma_wait3A_198 = arith.constant 0 : i32
        %dma_wait3A_199 = arith.constant 0 : i32
        %dma_wait3A_200 = tpu.memref_slice %arg2[%dma_wait3A_198, %dma_wait3A_199] : memref<10240x128xf32, #tpu.memory_space<hbm>> -> memref<10240x128xf32, #tpu.memory_space<hbm>>
        tpu.wait_indirect_dma semaphore(%arg31 : memref<!tpu.dma_semaphore, #tpu.memory_space<semaphore_mem>>) src(%dma_wait3A_200 : memref<10240x128xf32, #tpu.memory_space<hbm>>) dst(%arg26 : memref<80x128xf32, #tpu.memory_space<vmem>>)
        "tpu.region"() ({
          %run_scoped3A = tpu.sem_alloc : memref<!tpu.dma_semaphore, #tpu.memory_space<semaphore_mem>>
          %dma_start3A_210 = arith.constant 0 : i32
          %dma_start3A_211 = arith.constant 0 : i32
          %dma_start3A_212 = tpu.memref_slice %arg27[%dma_start3A_210, %dma_start3A_211] : memref<10240x128xf32, #tpu.memory_space<vmem_shared>> -> memref<10240x128xf32, #tpu.memory_space<vmem_shared>>
          tpu.enqueue_indirect_dma source(%arg26 : memref<80x128xf32, #tpu.memory_space<vmem>>) target(%dma_start3A_212 : memref<10240x128xf32, #tpu.memory_space<vmem_shared>>) offsets(%arg14 : memref<80xi32, #tpu.memory_space<vmem>>) semaphore(%run_scoped3A : memref<!tpu.dma_semaphore, #tpu.memory_space<semaphore_mem>>) {add = true}
          %dma_wait3A_213 = arith.constant 0 : i32
          %dma_wait3A_214 = arith.constant 0 : i32
          %dma_wait3A_215 = tpu.memref_slice %arg27[%dma_wait3A_213, %dma_wait3A_214] : memref<10240x128xf32, #tpu.memory_space<vmem_shared>> -> memref<10240x128xf32, #tpu.memory_space<vmem_shared>>
          tpu.wait_indirect_dma semaphore(%run_scoped3A : memref<!tpu.dma_semaphore, #tpu.memory_space<semaphore_mem>>) src(%arg26 : memref<80x128xf32, #tpu.memory_space<vmem>>) dst(%dma_wait3A_215 : memref<10240x128xf32, #tpu.memory_space<vmem_shared>>)
          tpu.yield
        }) : () -> ()
        %lt3A = arith.constant 121 : i32
        %lt3A_201 = arith.cmpi slt, %scan3A_145, %lt3A : i32
        %convert_element_type3A_202 = arith.extui %lt3A_201 : i1 to i32
        %cond3A_203 = arith.constant 0 : i32
        %cond3A_204 = arith.cmpi ne, %convert_element_type3A_202, %cond3A_203 : i32
        scf.if %cond3A_204 {
          %add3A_210 = arith.constant 4 : i32
          %add3A_211 = arith.addi %scan3A_145, %add3A_210 : i32
          %mul3A_212 = arith.constant 80 : i32
          %mul3A_213 = arith.muli %add3A_211, %mul3A_212 : i32
          %add3A_214 = arith.addi %multiple_of3A, %mul3A_213 : i32
          %multiple_of3A_215 = tpu.assume_multiple %add3A_214, 16 : i32
          %dma_wait3A_216 = tpu.memref_slice %arg3[%multiple_of3A_215] : memref<320000xi32, #tpu.memory_space<hbm>> -> memref<80xi32, #tpu.memory_space<hbm>>
          %dma_wait3A_217 = tpu.memref_slice %arg3[%multiple_of3A_215] : memref<320000xi32, #tpu.memory_space<hbm>> -> memref<80xi32, #tpu.memory_space<hbm>>
          tpu.wait_dma2 semaphore(%arg39 : memref<!tpu.dma_semaphore, #tpu.memory_space<semaphore_mem>>) src(%dma_wait3A_217 : memref<80xi32, #tpu.memory_space<hbm>>) dst(%arg21 : memref<80xi32, #tpu.memory_space<vmem>>)
          %mul3A_218 = arith.constant 80 : i32
          %mul3A_219 = arith.muli %add3A_211, %mul3A_218 : i32
          %add3A_220 = arith.addi %multiple_of3A, %mul3A_219 : i32
          %multiple_of3A_221 = tpu.assume_multiple %add3A_220, 16 : i32
          %dma_wait3A_222 = tpu.memref_slice %arg4[%multiple_of3A_221] : memref<320000xi32, #tpu.memory_space<hbm>> -> memref<80xi32, #tpu.memory_space<hbm>>
          %dma_wait3A_223 = tpu.memref_slice %arg4[%multiple_of3A_221] : memref<320000xi32, #tpu.memory_space<hbm>> -> memref<80xi32, #tpu.memory_space<hbm>>
          tpu.wait_dma2 semaphore(%arg39 : memref<!tpu.dma_semaphore, #tpu.memory_space<semaphore_mem>>) src(%dma_wait3A_223 : memref<80xi32, #tpu.memory_space<hbm>>) dst(%arg22 : memref<80xi32, #tpu.memory_space<vmem>>)
          %dma_start3A_224 = arith.constant 0 : i32
          %dma_start3A_225 = arith.constant 0 : i32
          %dma_start3A_226 = tpu.memref_slice %arg2[%dma_start3A_224, %dma_start3A_225] : memref<10240x128xf32, #tpu.memory_space<hbm>> -> memref<10240x128xf32, #tpu.memory_space<hbm>>
          tpu.enqueue_indirect_dma source(%dma_start3A_226 : memref<10240x128xf32, #tpu.memory_space<hbm>>) target(%arg26 : memref<80x128xf32, #tpu.memory_space<vmem>>) offsets(%arg21 : memref<80xi32, #tpu.memory_space<vmem>>) semaphore(%arg31 : memref<!tpu.dma_semaphore, #tpu.memory_space<semaphore_mem>>)
        } else {
        }
        %lt3A_205 = arith.constant 117 : i32
        %lt3A_206 = arith.cmpi slt, %scan3A_145, %lt3A_205 : i32
        %convert_element_type3A_207 = arith.extui %lt3A_206 : i1 to i32
        %cond3A_208 = arith.constant 0 : i32
        %cond3A_209 = arith.cmpi ne, %convert_element_type3A_207, %cond3A_208 : i32
        scf.if %cond3A_209 {
          %add3A_210 = arith.constant 8 : i32
          %add3A_211 = arith.addi %scan3A_145, %add3A_210 : i32
          %mul3A_212 = arith.constant 80 : i32
          %mul3A_213 = arith.muli %add3A_211, %mul3A_212 : i32
          %add3A_214 = arith.addi %multiple_of3A, %mul3A_213 : i32
          %multiple_of3A_215 = tpu.assume_multiple %add3A_214, 16 : i32
          %dma_start3A_216 = tpu.memref_slice %arg3[%multiple_of3A_215] : memref<320000xi32, #tpu.memory_space<hbm>> -> memref<80xi32, #tpu.memory_space<hbm>>
          %dma_start3A_217 = tpu.memref_slice %arg3[%multiple_of3A_215] : memref<320000xi32, #tpu.memory_space<hbm>> -> memref<80xi32, #tpu.memory_space<hbm>>
          tpu.enqueue_dma source(%dma_start3A_217 : memref<80xi32, #tpu.memory_space<hbm>>) target(%arg13 : memref<80xi32, #tpu.memory_space<vmem>>) target_semaphore(%arg35 : memref<!tpu.dma_semaphore, #tpu.memory_space<semaphore_mem>>)
          %mul3A_218 = arith.constant 80 : i32
          %mul3A_219 = arith.muli %add3A_211, %mul3A_218 : i32
          %add3A_220 = arith.addi %multiple_of3A, %mul3A_219 : i32
          %multiple_of3A_221 = tpu.assume_multiple %add3A_220, 16 : i32
          %dma_start3A_222 = tpu.memref_slice %arg4[%multiple_of3A_221] : memref<320000xi32, #tpu.memory_space<hbm>> -> memref<80xi32, #tpu.memory_space<hbm>>
          %dma_start3A_223 = tpu.memref_slice %arg4[%multiple_of3A_221] : memref<320000xi32, #tpu.memory_space<hbm>> -> memref<80xi32, #tpu.memory_space<hbm>>
          tpu.enqueue_dma source(%dma_start3A_223 : memref<80xi32, #tpu.memory_space<hbm>>) target(%arg14 : memref<80xi32, #tpu.memory_space<vmem>>) target_semaphore(%arg35 : memref<!tpu.dma_semaphore, #tpu.memory_space<semaphore_mem>>)
        } else {
        }
      } else {
      }
      %rem3A_170 = arith.constant 8 : i32
      %rem3A_171 = arith.remsi %scan3A_145, %rem3A_170 : i32
      %eq3A_172 = arith.constant 4 : i32
      %eq3A_173 = arith.cmpi eq, %rem3A_171, %eq3A_172 : i32
      %convert_element_type3A_174 = arith.extui %eq3A_173 : i1 to i32
      %cond3A_175 = arith.constant 0 : i32
      %cond3A_176 = arith.cmpi ne, %convert_element_type3A_174, %cond3A_175 : i32
      scf.if %cond3A_176 {
        %dma_wait3A_198 = arith.constant 0 : i32
        %dma_wait3A_199 = arith.constant 0 : i32
        %dma_wait3A_200 = tpu.memref_slice %arg2[%dma_wait3A_198, %dma_wait3A_199] : memref<10240x128xf32, #tpu.memory_space<hbm>> -> memref<10240x128xf32, #tpu.memory_space<hbm>>
        tpu.wait_indirect_dma semaphore(%arg28 : memref<!tpu.dma_semaphore, #tpu.memory_space<semaphore_mem>>) src(%dma_wait3A_200 : memref<10240x128xf32, #tpu.memory_space<hbm>>) dst(%arg23 : memref<80x128xf32, #tpu.memory_space<vmem>>)
        "tpu.region"() ({
          %run_scoped3A = tpu.sem_alloc : memref<!tpu.dma_semaphore, #tpu.memory_space<semaphore_mem>>
          %dma_start3A_210 = arith.constant 0 : i32
          %dma_start3A_211 = arith.constant 0 : i32
          %dma_start3A_212 = tpu.memref_slice %arg27[%dma_start3A_210, %dma_start3A_211] : memref<10240x128xf32, #tpu.memory_space<vmem_shared>> -> memref<10240x128xf32, #tpu.memory_space<vmem_shared>>
          tpu.enqueue_indirect_dma source(%arg23 : memref<80x128xf32, #tpu.memory_space<vmem>>) target(%dma_start3A_212 : memref<10240x128xf32, #tpu.memory_space<vmem_shared>>) offsets(%arg16 : memref<80xi32, #tpu.memory_space<vmem>>) semaphore(%run_scoped3A : memref<!tpu.dma_semaphore, #tpu.memory_space<semaphore_mem>>) {add = true}
          %dma_wait3A_213 = arith.constant 0 : i32
          %dma_wait3A_214 = arith.constant 0 : i32
          %dma_wait3A_215 = tpu.memref_slice %arg27[%dma_wait3A_213, %dma_wait3A_214] : memref<10240x128xf32, #tpu.memory_space<vmem_shared>> -> memref<10240x128xf32, #tpu.memory_space<vmem_shared>>
          tpu.wait_indirect_dma semaphore(%run_scoped3A : memref<!tpu.dma_semaphore, #tpu.memory_space<semaphore_mem>>) src(%arg23 : memref<80x128xf32, #tpu.memory_space<vmem>>) dst(%dma_wait3A_215 : memref<10240x128xf32, #tpu.memory_space<vmem_shared>>)
          tpu.yield
        }) : () -> ()
        %lt3A = arith.constant 121 : i32
        %lt3A_201 = arith.cmpi slt, %scan3A_145, %lt3A : i32
        %convert_element_type3A_202 = arith.extui %lt3A_201 : i1 to i32
        %cond3A_203 = arith.constant 0 : i32
        %cond3A_204 = arith.cmpi ne, %convert_element_type3A_202, %cond3A_203 : i32
        scf.if %cond3A_204 {
          %add3A_210 = arith.constant 4 : i32
          %add3A_211 = arith.addi %scan3A_145, %add3A_210 : i32
          %mul3A_212 = arith.constant 80 : i32
          %mul3A_213 = arith.muli %add3A_211, %mul3A_212 : i32
          %add3A_214 = arith.addi %multiple_of3A, %mul3A_213 : i32
          %multiple_of3A_215 = tpu.assume_multiple %add3A_214, 16 : i32
          %dma_wait3A_216 = tpu.memref_slice %arg3[%multiple_of3A_215] : memref<320000xi32, #tpu.memory_space<hbm>> -> memref<80xi32, #tpu.memory_space<hbm>>
          %dma_wait3A_217 = tpu.memref_slice %arg3[%multiple_of3A_215] : memref<320000xi32, #tpu.memory_space<hbm>> -> memref<80xi32, #tpu.memory_space<hbm>>
          tpu.wait_dma2 semaphore(%arg32 : memref<!tpu.dma_semaphore, #tpu.memory_space<semaphore_mem>>) src(%dma_wait3A_217 : memref<80xi32, #tpu.memory_space<hbm>>) dst(%arg7 : memref<80xi32, #tpu.memory_space<vmem>>)
          %mul3A_218 = arith.constant 80 : i32
          %mul3A_219 = arith.muli %add3A_211, %mul3A_218 : i32
          %add3A_220 = arith.addi %multiple_of3A, %mul3A_219 : i32
          %multiple_of3A_221 = tpu.assume_multiple %add3A_220, 16 : i32
          %dma_wait3A_222 = tpu.memref_slice %arg4[%multiple_of3A_221] : memref<320000xi32, #tpu.memory_space<hbm>> -> memref<80xi32, #tpu.memory_space<hbm>>
          %dma_wait3A_223 = tpu.memref_slice %arg4[%multiple_of3A_221] : memref<320000xi32, #tpu.memory_space<hbm>> -> memref<80xi32, #tpu.memory_space<hbm>>
          tpu.wait_dma2 semaphore(%arg32 : memref<!tpu.dma_semaphore, #tpu.memory_space<semaphore_mem>>) src(%dma_wait3A_223 : memref<80xi32, #tpu.memory_space<hbm>>) dst(%arg8 : memref<80xi32, #tpu.memory_space<vmem>>)
          %dma_start3A_224 = arith.constant 0 : i32
          %dma_start3A_225 = arith.constant 0 : i32
          %dma_start3A_226 = tpu.memref_slice %arg2[%dma_start3A_224, %dma_start3A_225] : memref<10240x128xf32, #tpu.memory_space<hbm>> -> memref<10240x128xf32, #tpu.memory_space<hbm>>
          tpu.enqueue_indirect_dma source(%dma_start3A_226 : memref<10240x128xf32, #tpu.memory_space<hbm>>) target(%arg23 : memref<80x128xf32, #tpu.memory_space<vmem>>) offsets(%arg7 : memref<80xi32, #tpu.memory_space<vmem>>) semaphore(%arg28 : memref<!tpu.dma_semaphore, #tpu.memory_space<semaphore_mem>>)
        } else {
        }
        %lt3A_205 = arith.constant 117 : i32
        %lt3A_206 = arith.cmpi slt, %scan3A_145, %lt3A_205 : i32
        %convert_element_type3A_207 = arith.extui %lt3A_206 : i1 to i32
        %cond3A_208 = arith.constant 0 : i32
        %cond3A_209 = arith.cmpi ne, %convert_element_type3A_207, %cond3A_208 : i32
        scf.if %cond3A_209 {
          %add3A_210 = arith.constant 8 : i32
          %add3A_211 = arith.addi %scan3A_145, %add3A_210 : i32
          %mul3A_212 = arith.constant 80 : i32
          %mul3A_213 = arith.muli %add3A_211, %mul3A_212 : i32
          %add3A_214 = arith.addi %multiple_of3A, %mul3A_213 : i32
          %multiple_of3A_215 = tpu.assume_multiple %add3A_214, 16 : i32
          %dma_start3A_216 = tpu.memref_slice %arg3[%multiple_of3A_215] : memref<320000xi32, #tpu.memory_space<hbm>> -> memref<80xi32, #tpu.memory_space<hbm>>
          %dma_start3A_217 = tpu.memref_slice %arg3[%multiple_of3A_215] : memref<320000xi32, #tpu.memory_space<hbm>> -> memref<80xi32, #tpu.memory_space<hbm>>
          tpu.enqueue_dma source(%dma_start3A_217 : memref<80xi32, #tpu.memory_space<hbm>>) target(%arg15 : memref<80xi32, #tpu.memory_space<vmem>>) target_semaphore(%arg36 : memref<!tpu.dma_semaphore, #tpu.memory_space<semaphore_mem>>)
          %mul3A_218 = arith.constant 80 : i32
          %mul3A_219 = arith.muli %add3A_211, %mul3A_218 : i32
          %add3A_220 = arith.addi %multiple_of3A, %mul3A_219 : i32
          %multiple_of3A_221 = tpu.assume_multiple %add3A_220, 16 : i32
          %dma_start3A_222 = tpu.memref_slice %arg4[%multiple_of3A_221] : memref<320000xi32, #tpu.memory_space<hbm>> -> memref<80xi32, #tpu.memory_space<hbm>>
          %dma_start3A_223 = tpu.memref_slice %arg4[%multiple_of3A_221] : memref<320000xi32, #tpu.memory_space<hbm>> -> memref<80xi32, #tpu.memory_space<hbm>>
          tpu.enqueue_dma source(%dma_start3A_223 : memref<80xi32, #tpu.memory_space<hbm>>) target(%arg16 : memref<80xi32, #tpu.memory_space<vmem>>) target_semaphore(%arg36 : memref<!tpu.dma_semaphore, #tpu.memory_space<semaphore_mem>>)
        } else {
        }
      } else {
      }
      %rem3A_177 = arith.constant 8 : i32
      %rem3A_178 = arith.remsi %scan3A_145, %rem3A_177 : i32
      %eq3A_179 = arith.constant 5 : i32
      %eq3A_180 = arith.cmpi eq, %rem3A_178, %eq3A_179 : i32
      %convert_element_type3A_181 = arith.extui %eq3A_180 : i1 to i32
      %cond3A_182 = arith.constant 0 : i32
      %cond3A_183 = arith.cmpi ne, %convert_element_type3A_181, %cond3A_182 : i32
      scf.if %cond3A_183 {
        %dma_wait3A_198 = arith.constant 0 : i32
        %dma_wait3A_199 = arith.constant 0 : i32
        %dma_wait3A_200 = tpu.memref_slice %arg2[%dma_wait3A_198, %dma_wait3A_199] : memref<10240x128xf32, #tpu.memory_space<hbm>> -> memref<10240x128xf32, #tpu.memory_space<hbm>>
        tpu.wait_indirect_dma semaphore(%arg29 : memref<!tpu.dma_semaphore, #tpu.memory_space<semaphore_mem>>) src(%dma_wait3A_200 : memref<10240x128xf32, #tpu.memory_space<hbm>>) dst(%arg24 : memref<80x128xf32, #tpu.memory_space<vmem>>)
        "tpu.region"() ({
          %run_scoped3A = tpu.sem_alloc : memref<!tpu.dma_semaphore, #tpu.memory_space<semaphore_mem>>
          %dma_start3A_210 = arith.constant 0 : i32
          %dma_start3A_211 = arith.constant 0 : i32
          %dma_start3A_212 = tpu.memref_slice %arg27[%dma_start3A_210, %dma_start3A_211] : memref<10240x128xf32, #tpu.memory_space<vmem_shared>> -> memref<10240x128xf32, #tpu.memory_space<vmem_shared>>
          tpu.enqueue_indirect_dma source(%arg24 : memref<80x128xf32, #tpu.memory_space<vmem>>) target(%dma_start3A_212 : memref<10240x128xf32, #tpu.memory_space<vmem_shared>>) offsets(%arg18 : memref<80xi32, #tpu.memory_space<vmem>>) semaphore(%run_scoped3A : memref<!tpu.dma_semaphore, #tpu.memory_space<semaphore_mem>>) {add = true}
          %dma_wait3A_213 = arith.constant 0 : i32
          %dma_wait3A_214 = arith.constant 0 : i32
          %dma_wait3A_215 = tpu.memref_slice %arg27[%dma_wait3A_213, %dma_wait3A_214] : memref<10240x128xf32, #tpu.memory_space<vmem_shared>> -> memref<10240x128xf32, #tpu.memory_space<vmem_shared>>
          tpu.wait_indirect_dma semaphore(%run_scoped3A : memref<!tpu.dma_semaphore, #tpu.memory_space<semaphore_mem>>) src(%arg24 : memref<80x128xf32, #tpu.memory_space<vmem>>) dst(%dma_wait3A_215 : memref<10240x128xf32, #tpu.memory_space<vmem_shared>>)
          tpu.yield
        }) : () -> ()
        %lt3A = arith.constant 121 : i32
        %lt3A_201 = arith.cmpi slt, %scan3A_145, %lt3A : i32
        %convert_element_type3A_202 = arith.extui %lt3A_201 : i1 to i32
        %cond3A_203 = arith.constant 0 : i32
        %cond3A_204 = arith.cmpi ne, %convert_element_type3A_202, %cond3A_203 : i32
        scf.if %cond3A_204 {
          %add3A_210 = arith.constant 4 : i32
          %add3A_211 = arith.addi %scan3A_145, %add3A_210 : i32
          %mul3A_212 = arith.constant 80 : i32
          %mul3A_213 = arith.muli %add3A_211, %mul3A_212 : i32
          %add3A_214 = arith.addi %multiple_of3A, %mul3A_213 : i32
          %multiple_of3A_215 = tpu.assume_multiple %add3A_214, 16 : i32
          %dma_wait3A_216 = tpu.memref_slice %arg3[%multiple_of3A_215] : memref<320000xi32, #tpu.memory_space<hbm>> -> memref<80xi32, #tpu.memory_space<hbm>>
          %dma_wait3A_217 = tpu.memref_slice %arg3[%multiple_of3A_215] : memref<320000xi32, #tpu.memory_space<hbm>> -> memref<80xi32, #tpu.memory_space<hbm>>
          tpu.wait_dma2 semaphore(%arg33 : memref<!tpu.dma_semaphore, #tpu.memory_space<semaphore_mem>>) src(%dma_wait3A_217 : memref<80xi32, #tpu.memory_space<hbm>>) dst(%arg9 : memref<80xi32, #tpu.memory_space<vmem>>)
          %mul3A_218 = arith.constant 80 : i32
          %mul3A_219 = arith.muli %add3A_211, %mul3A_218 : i32
          %add3A_220 = arith.addi %multiple_of3A, %mul3A_219 : i32
          %multiple_of3A_221 = tpu.assume_multiple %add3A_220, 16 : i32
          %dma_wait3A_222 = tpu.memref_slice %arg4[%multiple_of3A_221] : memref<320000xi32, #tpu.memory_space<hbm>> -> memref<80xi32, #tpu.memory_space<hbm>>
          %dma_wait3A_223 = tpu.memref_slice %arg4[%multiple_of3A_221] : memref<320000xi32, #tpu.memory_space<hbm>> -> memref<80xi32, #tpu.memory_space<hbm>>
          tpu.wait_dma2 semaphore(%arg33 : memref<!tpu.dma_semaphore, #tpu.memory_space<semaphore_mem>>) src(%dma_wait3A_223 : memref<80xi32, #tpu.memory_space<hbm>>) dst(%arg10 : memref<80xi32, #tpu.memory_space<vmem>>)
          %dma_start3A_224 = arith.constant 0 : i32
          %dma_start3A_225 = arith.constant 0 : i32
          %dma_start3A_226 = tpu.memref_slice %arg2[%dma_start3A_224, %dma_start3A_225] : memref<10240x128xf32, #tpu.memory_space<hbm>> -> memref<10240x128xf32, #tpu.memory_space<hbm>>
          tpu.enqueue_indirect_dma source(%dma_start3A_226 : memref<10240x128xf32, #tpu.memory_space<hbm>>) target(%arg24 : memref<80x128xf32, #tpu.memory_space<vmem>>) offsets(%arg9 : memref<80xi32, #tpu.memory_space<vmem>>) semaphore(%arg29 : memref<!tpu.dma_semaphore, #tpu.memory_space<semaphore_mem>>)
        } else {
        }
        %lt3A_205 = arith.constant 117 : i32
        %lt3A_206 = arith.cmpi slt, %scan3A_145, %lt3A_205 : i32
        %convert_element_type3A_207 = arith.extui %lt3A_206 : i1 to i32
        %cond3A_208 = arith.constant 0 : i32
        %cond3A_209 = arith.cmpi ne, %convert_element_type3A_207, %cond3A_208 : i32
        scf.if %cond3A_209 {
          %add3A_210 = arith.constant 8 : i32
          %add3A_211 = arith.addi %scan3A_145, %add3A_210 : i32
          %mul3A_212 = arith.constant 80 : i32
          %mul3A_213 = arith.muli %add3A_211, %mul3A_212 : i32
          %add3A_214 = arith.addi %multiple_of3A, %mul3A_213 : i32
          %multiple_of3A_215 = tpu.assume_multiple %add3A_214, 16 : i32
          %dma_start3A_216 = tpu.memref_slice %arg3[%multiple_of3A_215] : memref<320000xi32, #tpu.memory_space<hbm>> -> memref<80xi32, #tpu.memory_space<hbm>>
          %dma_start3A_217 = tpu.memref_slice %arg3[%multiple_of3A_215] : memref<320000xi32, #tpu.memory_space<hbm>> -> memref<80xi32, #tpu.memory_space<hbm>>
          tpu.enqueue_dma source(%dma_start3A_217 : memref<80xi32, #tpu.memory_space<hbm>>) target(%arg17 : memref<80xi32, #tpu.memory_space<vmem>>) target_semaphore(%arg37 : memref<!tpu.dma_semaphore, #tpu.memory_space<semaphore_mem>>)
          %mul3A_218 = arith.constant 80 : i32
          %mul3A_219 = arith.muli %add3A_211, %mul3A_218 : i32
          %add3A_220 = arith.addi %multiple_of3A, %mul3A_219 : i32
          %multiple_of3A_221 = tpu.assume_multiple %add3A_220, 16 : i32
          %dma_start3A_222 = tpu.memref_slice %arg4[%multiple_of3A_221] : memref<320000xi32, #tpu.memory_space<hbm>> -> memref<80xi32, #tpu.memory_space<hbm>>
          %dma_start3A_223 = tpu.memref_slice %arg4[%multiple_of3A_221] : memref<320000xi32, #tpu.memory_space<hbm>> -> memref<80xi32, #tpu.memory_space<hbm>>
          tpu.enqueue_dma source(%dma_start3A_223 : memref<80xi32, #tpu.memory_space<hbm>>) target(%arg18 : memref<80xi32, #tpu.memory_space<vmem>>) target_semaphore(%arg37 : memref<!tpu.dma_semaphore, #tpu.memory_space<semaphore_mem>>)
        } else {
        }
      } else {
      }
      %rem3A_184 = arith.constant 8 : i32
      %rem3A_185 = arith.remsi %scan3A_145, %rem3A_184 : i32
      %eq3A_186 = arith.constant 6 : i32
      %eq3A_187 = arith.cmpi eq, %rem3A_185, %eq3A_186 : i32
      %convert_element_type3A_188 = arith.extui %eq3A_187 : i1 to i32
      %cond3A_189 = arith.constant 0 : i32
      %cond3A_190 = arith.cmpi ne, %convert_element_type3A_188, %cond3A_189 : i32
      scf.if %cond3A_190 {
        %dma_wait3A_198 = arith.constant 0 : i32
        %dma_wait3A_199 = arith.constant 0 : i32
        %dma_wait3A_200 = tpu.memref_slice %arg2[%dma_wait3A_198, %dma_wait3A_199] : memref<10240x128xf32, #tpu.memory_space<hbm>> -> memref<10240x128xf32, #tpu.memory_space<hbm>>
        tpu.wait_indirect_dma semaphore(%arg30 : memref<!tpu.dma_semaphore, #tpu.memory_space<semaphore_mem>>) src(%dma_wait3A_200 : memref<10240x128xf32, #tpu.memory_space<hbm>>) dst(%arg25 : memref<80x128xf32, #tpu.memory_space<vmem>>)
        "tpu.region"() ({
          %run_scoped3A = tpu.sem_alloc : memref<!tpu.dma_semaphore, #tpu.memory_space<semaphore_mem>>
          %dma_start3A_210 = arith.constant 0 : i32
          %dma_start3A_211 = arith.constant 0 : i32
          %dma_start3A_212 = tpu.memref_slice %arg27[%dma_start3A_210, %dma_start3A_211] : memref<10240x128xf32, #tpu.memory_space<vmem_shared>> -> memref<10240x128xf32, #tpu.memory_space<vmem_shared>>
          tpu.enqueue_indirect_dma source(%arg25 : memref<80x128xf32, #tpu.memory_space<vmem>>) target(%dma_start3A_212 : memref<10240x128xf32, #tpu.memory_space<vmem_shared>>) offsets(%arg20 : memref<80xi32, #tpu.memory_space<vmem>>) semaphore(%run_scoped3A : memref<!tpu.dma_semaphore, #tpu.memory_space<semaphore_mem>>) {add = true}
          %dma_wait3A_213 = arith.constant 0 : i32
          %dma_wait3A_214 = arith.constant 0 : i32
          %dma_wait3A_215 = tpu.memref_slice %arg27[%dma_wait3A_213, %dma_wait3A_214] : memref<10240x128xf32, #tpu.memory_space<vmem_shared>> -> memref<10240x128xf32, #tpu.memory_space<vmem_shared>>
          tpu.wait_indirect_dma semaphore(%run_scoped3A : memref<!tpu.dma_semaphore, #tpu.memory_space<semaphore_mem>>) src(%arg25 : memref<80x128xf32, #tpu.memory_space<vmem>>) dst(%dma_wait3A_215 : memref<10240x128xf32, #tpu.memory_space<vmem_shared>>)
          tpu.yield
        }) : () -> ()
        %lt3A = arith.constant 121 : i32
        %lt3A_201 = arith.cmpi slt, %scan3A_145, %lt3A : i32
        %convert_element_type3A_202 = arith.extui %lt3A_201 : i1 to i32
        %cond3A_203 = arith.constant 0 : i32
        %cond3A_204 = arith.cmpi ne, %convert_element_type3A_202, %cond3A_203 : i32
        scf.if %cond3A_204 {
          %add3A_210 = arith.constant 4 : i32
          %add3A_211 = arith.addi %scan3A_145, %add3A_210 : i32
          %mul3A_212 = arith.constant 80 : i32
          %mul3A_213 = arith.muli %add3A_211, %mul3A_212 : i32
          %add3A_214 = arith.addi %multiple_of3A, %mul3A_213 : i32
          %multiple_of3A_215 = tpu.assume_multiple %add3A_214, 16 : i32
          %dma_wait3A_216 = tpu.memref_slice %arg3[%multiple_of3A_215] : memref<320000xi32, #tpu.memory_space<hbm>> -> memref<80xi32, #tpu.memory_space<hbm>>
          %dma_wait3A_217 = tpu.memref_slice %arg3[%multiple_of3A_215] : memref<320000xi32, #tpu.memory_space<hbm>> -> memref<80xi32, #tpu.memory_space<hbm>>
          tpu.wait_dma2 semaphore(%arg34 : memref<!tpu.dma_semaphore, #tpu.memory_space<semaphore_mem>>) src(%dma_wait3A_217 : memref<80xi32, #tpu.memory_space<hbm>>) dst(%arg11 : memref<80xi32, #tpu.memory_space<vmem>>)
          %mul3A_218 = arith.constant 80 : i32
          %mul3A_219 = arith.muli %add3A_211, %mul3A_218 : i32
          %add3A_220 = arith.addi %multiple_of3A, %mul3A_219 : i32
          %multiple_of3A_221 = tpu.assume_multiple %add3A_220, 16 : i32
          %dma_wait3A_222 = tpu.memref_slice %arg4[%multiple_of3A_221] : memref<320000xi32, #tpu.memory_space<hbm>> -> memref<80xi32, #tpu.memory_space<hbm>>
          %dma_wait3A_223 = tpu.memref_slice %arg4[%multiple_of3A_221] : memref<320000xi32, #tpu.memory_space<hbm>> -> memref<80xi32, #tpu.memory_space<hbm>>
          tpu.wait_dma2 semaphore(%arg34 : memref<!tpu.dma_semaphore, #tpu.memory_space<semaphore_mem>>) src(%dma_wait3A_223 : memref<80xi32, #tpu.memory_space<hbm>>) dst(%arg12 : memref<80xi32, #tpu.memory_space<vmem>>)
          %dma_start3A_224 = arith.constant 0 : i32
          %dma_start3A_225 = arith.constant 0 : i32
          %dma_start3A_226 = tpu.memref_slice %arg2[%dma_start3A_224, %dma_start3A_225] : memref<10240x128xf32, #tpu.memory_space<hbm>> -> memref<10240x128xf32, #tpu.memory_space<hbm>>
          tpu.enqueue_indirect_dma source(%dma_start3A_226 : memref<10240x128xf32, #tpu.memory_space<hbm>>) target(%arg25 : memref<80x128xf32, #tpu.memory_space<vmem>>) offsets(%arg11 : memref<80xi32, #tpu.memory_space<vmem>>) semaphore(%arg30 : memref<!tpu.dma_semaphore, #tpu.memory_space<semaphore_mem>>)
        } else {
        }
        %lt3A_205 = arith.constant 117 : i32
        %lt3A_206 = arith.cmpi slt, %scan3A_145, %lt3A_205 : i32
        %convert_element_type3A_207 = arith.extui %lt3A_206 : i1 to i32
        %cond3A_208 = arith.constant 0 : i32
        %cond3A_209 = arith.cmpi ne, %convert_element_type3A_207, %cond3A_208 : i32
        scf.if %cond3A_209 {
          %add3A_210 = arith.constant 8 : i32
          %add3A_211 = arith.addi %scan3A_145, %add3A_210 : i32
          %mul3A_212 = arith.constant 80 : i32
          %mul3A_213 = arith.muli %add3A_211, %mul3A_212 : i32
          %add3A_214 = arith.addi %multiple_of3A, %mul3A_213 : i32
          %multiple_of3A_215 = tpu.assume_multiple %add3A_214, 16 : i32
          %dma_start3A_216 = tpu.memref_slice %arg3[%multiple_of3A_215] : memref<320000xi32, #tpu.memory_space<hbm>> -> memref<80xi32, #tpu.memory_space<hbm>>
          %dma_start3A_217 = tpu.memref_slice %arg3[%multiple_of3A_215] : memref<320000xi32, #tpu.memory_space<hbm>> -> memref<80xi32, #tpu.memory_space<hbm>>
          tpu.enqueue_dma source(%dma_start3A_217 : memref<80xi32, #tpu.memory_space<hbm>>) target(%arg19 : memref<80xi32, #tpu.memory_space<vmem>>) target_semaphore(%arg38 : memref<!tpu.dma_semaphore, #tpu.memory_space<semaphore_mem>>)
          %mul3A_218 = arith.constant 80 : i32
          %mul3A_219 = arith.muli %add3A_211, %mul3A_218 : i32
          %add3A_220 = arith.addi %multiple_of3A, %mul3A_219 : i32
          %multiple_of3A_221 = tpu.assume_multiple %add3A_220, 16 : i32
          %dma_start3A_222 = tpu.memref_slice %arg4[%multiple_of3A_221] : memref<320000xi32, #tpu.memory_space<hbm>> -> memref<80xi32, #tpu.memory_space<hbm>>
          %dma_start3A_223 = tpu.memref_slice %arg4[%multiple_of3A_221] : memref<320000xi32, #tpu.memory_space<hbm>> -> memref<80xi32, #tpu.memory_space<hbm>>
          tpu.enqueue_dma source(%dma_start3A_223 : memref<80xi32, #tpu.memory_space<hbm>>) target(%arg20 : memref<80xi32, #tpu.memory_space<vmem>>) target_semaphore(%arg38 : memref<!tpu.dma_semaphore, #tpu.memory_space<semaphore_mem>>)
        } else {
        }
      } else {
      }
      %rem3A_191 = arith.constant 8 : i32
      %rem3A_192 = arith.remsi %scan3A_145, %rem3A_191 : i32
      %eq3A_193 = arith.constant 7 : i32
      %eq3A_194 = arith.cmpi eq, %rem3A_192, %eq3A_193 : i32
      %convert_element_type3A_195 = arith.extui %eq3A_194 : i1 to i32
      %cond3A_196 = arith.constant 0 : i32
      %cond3A_197 = arith.cmpi ne, %convert_element_type3A_195, %cond3A_196 : i32
      scf.if %cond3A_197 {
        %dma_wait3A_198 = arith.constant 0 : i32
        %dma_wait3A_199 = arith.constant 0 : i32
        %dma_wait3A_200 = tpu.memref_slice %arg2[%dma_wait3A_198, %dma_wait3A_199] : memref<10240x128xf32, #tpu.memory_space<hbm>> -> memref<10240x128xf32, #tpu.memory_space<hbm>>
        tpu.wait_indirect_dma semaphore(%arg31 : memref<!tpu.dma_semaphore, #tpu.memory_space<semaphore_mem>>) src(%dma_wait3A_200 : memref<10240x128xf32, #tpu.memory_space<hbm>>) dst(%arg26 : memref<80x128xf32, #tpu.memory_space<vmem>>)
        "tpu.region"() ({
          %run_scoped3A = tpu.sem_alloc : memref<!tpu.dma_semaphore, #tpu.memory_space<semaphore_mem>>
          %dma_start3A_210 = arith.constant 0 : i32
          %dma_start3A_211 = arith.constant 0 : i32
          %dma_start3A_212 = tpu.memref_slice %arg27[%dma_start3A_210, %dma_start3A_211] : memref<10240x128xf32, #tpu.memory_space<vmem_shared>> -> memref<10240x128xf32, #tpu.memory_space<vmem_shared>>
          tpu.enqueue_indirect_dma source(%arg26 : memref<80x128xf32, #tpu.memory_space<vmem>>) target(%dma_start3A_212 : memref<10240x128xf32, #tpu.memory_space<vmem_shared>>) offsets(%arg22 : memref<80xi32, #tpu.memory_space<vmem>>) semaphore(%run_scoped3A : memref<!tpu.dma_semaphore, #tpu.memory_space<semaphore_mem>>) {add = true}
          %dma_wait3A_213 = arith.constant 0 : i32
          %dma_wait3A_214 = arith.constant 0 : i32
          %dma_wait3A_215 = tpu.memref_slice %arg27[%dma_wait3A_213, %dma_wait3A_214] : memref<10240x128xf32, #tpu.memory_space<vmem_shared>> -> memref<10240x128xf32, #tpu.memory_space<vmem_shared>>
          tpu.wait_indirect_dma semaphore(%run_scoped3A : memref<!tpu.dma_semaphore, #tpu.memory_space<semaphore_mem>>) src(%arg26 : memref<80x128xf32, #tpu.memory_space<vmem>>) dst(%dma_wait3A_215 : memref<10240x128xf32, #tpu.memory_space<vmem_shared>>)
          tpu.yield
        }) : () -> ()
        %lt3A = arith.constant 121 : i32
        %lt3A_201 = arith.cmpi slt, %scan3A_145, %lt3A : i32
        %convert_element_type3A_202 = arith.extui %lt3A_201 : i1 to i32
        %cond3A_203 = arith.constant 0 : i32
        %cond3A_204 = arith.cmpi ne, %convert_element_type3A_202, %cond3A_203 : i32
        scf.if %cond3A_204 {
          %add3A_210 = arith.constant 4 : i32
          %add3A_211 = arith.addi %scan3A_145, %add3A_210 : i32
          %mul3A_212 = arith.constant 80 : i32
          %mul3A_213 = arith.muli %add3A_211, %mul3A_212 : i32
          %add3A_214 = arith.addi %multiple_of3A, %mul3A_213 : i32
          %multiple_of3A_215 = tpu.assume_multiple %add3A_214, 16 : i32
          %dma_wait3A_216 = tpu.memref_slice %arg3[%multiple_of3A_215] : memref<320000xi32, #tpu.memory_space<hbm>> -> memref<80xi32, #tpu.memory_space<hbm>>
          %dma_wait3A_217 = tpu.memref_slice %arg3[%multiple_of3A_215] : memref<320000xi32, #tpu.memory_space<hbm>> -> memref<80xi32, #tpu.memory_space<hbm>>
          tpu.wait_dma2 semaphore(%arg35 : memref<!tpu.dma_semaphore, #tpu.memory_space<semaphore_mem>>) src(%dma_wait3A_217 : memref<80xi32, #tpu.memory_space<hbm>>) dst(%arg13 : memref<80xi32, #tpu.memory_space<vmem>>)
          %mul3A_218 = arith.constant 80 : i32
          %mul3A_219 = arith.muli %add3A_211, %mul3A_218 : i32
          %add3A_220 = arith.addi %multiple_of3A, %mul3A_219 : i32
          %multiple_of3A_221 = tpu.assume_multiple %add3A_220, 16 : i32
          %dma_wait3A_222 = tpu.memref_slice %arg4[%multiple_of3A_221] : memref<320000xi32, #tpu.memory_space<hbm>> -> memref<80xi32, #tpu.memory_space<hbm>>
          %dma_wait3A_223 = tpu.memref_slice %arg4[%multiple_of3A_221] : memref<320000xi32, #tpu.memory_space<hbm>> -> memref<80xi32, #tpu.memory_space<hbm>>
          tpu.wait_dma2 semaphore(%arg35 : memref<!tpu.dma_semaphore, #tpu.memory_space<semaphore_mem>>) src(%dma_wait3A_223 : memref<80xi32, #tpu.memory_space<hbm>>) dst(%arg14 : memref<80xi32, #tpu.memory_space<vmem>>)
          %dma_start3A_224 = arith.constant 0 : i32
          %dma_start3A_225 = arith.constant 0 : i32
          %dma_start3A_226 = tpu.memref_slice %arg2[%dma_start3A_224, %dma_start3A_225] : memref<10240x128xf32, #tpu.memory_space<hbm>> -> memref<10240x128xf32, #tpu.memory_space<hbm>>
          tpu.enqueue_indirect_dma source(%dma_start3A_226 : memref<10240x128xf32, #tpu.memory_space<hbm>>) target(%arg26 : memref<80x128xf32, #tpu.memory_space<vmem>>) offsets(%arg13 : memref<80xi32, #tpu.memory_space<vmem>>) semaphore(%arg31 : memref<!tpu.dma_semaphore, #tpu.memory_space<semaphore_mem>>)
        } else {
        }
        %lt3A_205 = arith.constant 117 : i32
        %lt3A_206 = arith.cmpi slt, %scan3A_145, %lt3A_205 : i32
        %convert_element_type3A_207 = arith.extui %lt3A_206 : i1 to i32
        %cond3A_208 = arith.constant 0 : i32
        %cond3A_209 = arith.cmpi ne, %convert_element_type3A_207, %cond3A_208 : i32
        scf.if %cond3A_209 {
          %add3A_210 = arith.constant 8 : i32
          %add3A_211 = arith.addi %scan3A_145, %add3A_210 : i32
          %mul3A_212 = arith.constant 80 : i32
          %mul3A_213 = arith.muli %add3A_211, %mul3A_212 : i32
          %add3A_214 = arith.addi %multiple_of3A, %mul3A_213 : i32
          %multiple_of3A_215 = tpu.assume_multiple %add3A_214, 16 : i32
          %dma_start3A_216 = tpu.memref_slice %arg3[%multiple_of3A_215] : memref<320000xi32, #tpu.memory_space<hbm>> -> memref<80xi32, #tpu.memory_space<hbm>>
          %dma_start3A_217 = tpu.memref_slice %arg3[%multiple_of3A_215] : memref<320000xi32, #tpu.memory_space<hbm>> -> memref<80xi32, #tpu.memory_space<hbm>>
          tpu.enqueue_dma source(%dma_start3A_217 : memref<80xi32, #tpu.memory_space<hbm>>) target(%arg21 : memref<80xi32, #tpu.memory_space<vmem>>) target_semaphore(%arg39 : memref<!tpu.dma_semaphore, #tpu.memory_space<semaphore_mem>>)
          %mul3A_218 = arith.constant 80 : i32
          %mul3A_219 = arith.muli %add3A_211, %mul3A_218 : i32
          %add3A_220 = arith.addi %multiple_of3A, %mul3A_219 : i32
          %multiple_of3A_221 = tpu.assume_multiple %add3A_220, 16 : i32
          %dma_start3A_222 = tpu.memref_slice %arg4[%multiple_of3A_221] : memref<320000xi32, #tpu.memory_space<hbm>> -> memref<80xi32, #tpu.memory_space<hbm>>
          %dma_start3A_223 = tpu.memref_slice %arg4[%multiple_of3A_221] : memref<320000xi32, #tpu.memory_space<hbm>> -> memref<80xi32, #tpu.memory_space<hbm>>
          tpu.enqueue_dma source(%dma_start3A_223 : memref<80xi32, #tpu.memory_space<hbm>>) target(%arg22 : memref<80xi32, #tpu.memory_space<vmem>>) target_semaphore(%arg39 : memref<!tpu.dma_semaphore, #tpu.memory_space<semaphore_mem>>)
        } else {
        }
      } else {
      }
    }
    %scan3A_139 = arith.constant 125 : i32
    %barrier3A_140 = arith.constant 0 : index
    tpu.barrier barrier_id(%barrier3A_140)
    %mul3A_141 = arith.constant 640 : i32
    %mul3A_142 = arith.muli %arg1, %mul3A_141 : i32
    %mul3A_143 = arith.constant 640 : i32
    %mul3A_144 = arith.muli %arg1, %mul3A_143 : i32
    "tpu.region"() ({
      %run_scoped3A = tpu.sem_alloc : memref<!tpu.dma_semaphore, #tpu.memory_space<semaphore_mem>>
      %dma_start3A_145 = arith.constant 0 : i32
      %dma_start3A_146 = tpu.memref_slice %arg6[%arg0, %mul3A_144, %dma_start3A_145] : memref<2x10240x128xf32, #tpu.memory_space<hbm>> -> memref<1x640x128xf32, #tpu.memory_space<hbm>>
      %dma_start3A_147 = tpu.memref_squeeze %dma_start3A_146 : memref<1x640x128xf32, #tpu.memory_space<hbm>> -> memref<640x128xf32, #tpu.memory_space<hbm>>
      %dma_start3A_148 = arith.constant 0 : i32
      %dma_start3A_149 = tpu.memref_slice %arg27[%mul3A_142, %dma_start3A_148] : memref<10240x128xf32, #tpu.memory_space<vmem_shared>> -> memref<640x128xf32, #tpu.memory_space<vmem_shared>>
      tpu.enqueue_dma source(%dma_start3A_149 : memref<640x128xf32, #tpu.memory_space<vmem_shared>>) target(%dma_start3A_147 : memref<640x128xf32, #tpu.memory_space<hbm>>) target_semaphore(%run_scoped3A : memref<!tpu.dma_semaphore, #tpu.memory_space<semaphore_mem>>)
      %dma_wait3A_150 = arith.constant 0 : i32
      %dma_wait3A_151 = tpu.memref_slice %arg6[%arg0, %mul3A_144, %dma_wait3A_150] : memref<2x10240x128xf32, #tpu.memory_space<hbm>> -> memref<1x640x128xf32, #tpu.memory_space<hbm>>
      %dma_wait3A_152 = tpu.memref_squeeze %dma_wait3A_151 : memref<1x640x128xf32, #tpu.memory_space<hbm>> -> memref<640x128xf32, #tpu.memory_space<hbm>>
      %dma_wait3A_153 = arith.constant 0 : i32
      %dma_wait3A_154 = tpu.memref_slice %arg27[%mul3A_142, %dma_wait3A_153] : memref<10240x128xf32, #tpu.memory_space<vmem_shared>> -> memref<640x128xf32, #tpu.memory_space<vmem_shared>>
      tpu.wait_dma2 semaphore(%run_scoped3A : memref<!tpu.dma_semaphore, #tpu.memory_space<semaphore_mem>>) src(%dma_wait3A_154 : memref<640x128xf32, #tpu.memory_space<vmem_shared>>) dst(%dma_wait3A_152 : memref<640x128xf32, #tpu.memory_space<hbm>>)
      tpu.yield
    }) : () -> ()
    return
  }
}

module attributes {stable_mosaic.version = 14 : i64} {
  func.func @body(%arg0: i32, %arg1: memref<1024x128xf32, #tpu.memory_space<vmem>>, %arg2: memref<128x128xf32, #tpu.memory_space<vmem>>, %arg3: memref<2x1024x128xf32, #tpu.memory_space<vmem>>, %arg4: memref<1024x128xf32, #tpu.memory_space<vmem>>, %arg5: memref<1024x128xf32, #tpu.memory_space<vmem>>) attributes {dimension_semantics = [#tpu.dimension_semantics<arbitrary>], iteration_bounds = array<i64: 10>, scalar_prefetch = 0 : i64, scratch_operands = 0 : i64, tpu.core_type = #tpu.core_type<tc>, window_params = [{transform_indices = @transform_0, window_bounds = array<i64: 1024, 128>}, {pipeline_mode = #tpu.pipeline_mode<synchronous>, transform_indices = @transform_1, window_bounds = array<i64: 128, 128>}, {transform_indices = @transform_2, window_bounds = array<i64: 2, 1024, 128>}, {transform_indices = @transform_3, window_bounds = array<i64: 1024, 128>}, {transform_indices = @transform_4, window_bounds = array<i64: 1024, 128>}]} {
    %get3A = arith.constant 0 : index
    %get3A_0 = arith.constant 0 : index
    %get3A_1 = arith.constant 0 : index
    %get3A_2 = vector.load %arg3[%get3A, %get3A_0, %get3A_1] : memref<2x1024x128xf32, #tpu.memory_space<vmem>>, vector<1x1024x1xf32>
    %get3A_3 = vector.shape_cast %get3A_2 : vector<1x1024x1xf32> to vector<1024xf32>
    %get3A_4 = arith.constant 1 : index
    %get3A_5 = arith.constant 0 : index
    %get3A_6 = arith.constant 0 : index
    %get3A_7 = vector.load %arg3[%get3A_4, %get3A_5, %get3A_6] : memref<2x1024x128xf32, #tpu.memory_space<vmem>>, vector<1x1024x1xf32>
    %get3A_8 = vector.shape_cast %get3A_7 : vector<1x1024x1xf32> to vector<1024xf32>
    %add3A = arith.addf %get3A_3, %get3A_8 : vector<1024xf32>
    %add3A_9 = arith.constant 1.000000e+00 : f32
    %add3A_10 = vector.broadcast %add3A_9 : f32 to vector<1024xf32>
    %add3A_11 = arith.addf %add3A, %add3A_10 : vector<1024xf32>
    %rsqrt3A = math.rsqrt %add3A_11 : vector<1024xf32>
    %broadcast_in_dim3A = vector.shape_cast %rsqrt3A : vector<1024xf32> to vector<1024x1xf32>
    %get3A_12 = arith.constant 0 : index
    %get3A_13 = arith.constant 0 : index
    %get3A_14 = vector.load %arg1[%get3A_12, %get3A_13] : memref<1024x128xf32, #tpu.memory_space<vmem>>, vector<1024x128xf32>
    %get3A_15 = arith.constant 0 : index
    %get3A_16 = arith.constant 0 : index
    %get3A_17 = vector.load %arg2[%get3A_15, %get3A_16] : memref<128x128xf32, #tpu.memory_space<vmem>>, vector<128x128xf32>
    %dot_general3A = arith.constant dense<0.000000e+00> : vector<1024x128xf32>
    %dot_general3A_18 = tpu.matmul %get3A_14, %get3A_17, %dot_general3A {dimension_numbers = #tpu.dot_dimension_numbers<[1], [0], [0], [1], [0, 0, 1, 1], [], []>, transpose_lhs_hint = false} : vector<1024x128xf32>, vector<128x128xf32>, vector<1024x128xf32> -> vector<1024x128xf32>
    %mul3A = vector.broadcast %broadcast_in_dim3A : vector<1024x1xf32> to vector<1024x128xf32>
    %mul3A_19 = arith.mulf %mul3A, %dot_general3A_18 : vector<1024x128xf32>
    %swap3A = arith.constant 0 : index
    %swap3A_20 = arith.constant 0 : index
    %swap3A_21 = vector.load %arg4[%swap3A, %swap3A_20] : memref<1024x128xf32, #tpu.memory_space<vmem>>, vector<1024x128xf32>
    tpu.vector_store %arg4[%swap3A, %swap3A_20], %mul3A_19 {strides = array<i32>} : memref<1024x128xf32, #tpu.memory_space<vmem>>, vector<1024x128xf32>,
    %broadcast_in_dim3A_22 = vector.shape_cast %broadcast_in_dim3A : vector<1024x1xf32> to vector<1024x1xf32>
    %broadcast_in_dim3A_23 = vector.broadcast %broadcast_in_dim3A_22 : vector<1024x1xf32> to vector<1024x128xf32>
    %swap3A_24 = arith.constant 0 : index
    %swap3A_25 = arith.constant 0 : index
    %swap3A_26 = vector.load %arg5[%swap3A_24, %swap3A_25] : memref<1024x128xf32, #tpu.memory_space<vmem>>, vector<1024x128xf32>
    tpu.vector_store %arg5[%swap3A_24, %swap3A_25], %broadcast_in_dim3A_23 {strides = array<i32>} : memref<1024x128xf32, #tpu.memory_space<vmem>>, vector<1024x128xf32>,
    return
  }
  func.func @transform_0(%arg0: i32) -> (i32, i32) {
    %c0_i32 = arith.constant 0 : i32
    %c0_i32_0 = arith.constant 0 : i32
    return %arg0, %c0_i32 : i32, i32
  }
  func.func @transform_1(%arg0: i32) -> (i32, i32) {
    %c0_i32 = arith.constant 0 : i32
    %c0_i32_0 = arith.constant 0 : i32
    %c0_i32_1 = arith.constant 0 : i32
    return %c0_i32, %c0_i32_0 : i32, i32
  }
  func.func @transform_2(%arg0: i32) -> (i32, i32, i32) {
    %c0_i32 = arith.constant 0 : i32
    %c0_i32_0 = arith.constant 0 : i32
    %c0_i32_1 = arith.constant 0 : i32
    return %c0_i32, %arg0, %c0_i32_0 : i32, i32, i32
  }
  func.func @transform_3(%arg0: i32) -> (i32, i32) {
    %c0_i32 = arith.constant 0 : i32
    %c0_i32_0 = arith.constant 0 : i32
    return %arg0, %c0_i32 : i32, i32
  }
  func.func @transform_4(%arg0: i32) -> (i32, i32) {
    %c0_i32 = arith.constant 0 : i32
    %c0_i32_0 = arith.constant 0 : i32
    return %arg0, %c0_i32 : i32, i32
  }
}

module attributes {stable_mosaic.version = 14 : i64} {
  func.func @body(%arg0: i32, %arg1: memref<2x1024x128xf32, #tpu.memory_space<vmem>>, %arg2: memref<1024x128xf32, #tpu.memory_space<vmem>>, %arg3: memref<1024x128xf32, #tpu.memory_space<vmem>>, %arg4: memref<128xf32, #tpu.memory_space<vmem>>, %arg5: memref<128x128xf32, #tpu.memory_space<vmem>>, %arg6: memref<1024x128xf32, #tpu.memory_space<vmem>>) attributes {dimension_semantics = [#tpu.dimension_semantics<arbitrary>], iteration_bounds = array<i64: 10>, scalar_prefetch = 0 : i64, scratch_operands = 0 : i64, tpu.core_type = #tpu.core_type<tc>, window_params = [{transform_indices = @transform_0, window_bounds = array<i64: 2, 1024, 128>}, {transform_indices = @transform_1, window_bounds = array<i64: 1024, 128>}, {transform_indices = @transform_2, window_bounds = array<i64: 1024, 128>}, {pipeline_mode = #tpu.pipeline_mode<synchronous>, transform_indices = @transform_3, window_bounds = array<i64: 128>}, {pipeline_mode = #tpu.pipeline_mode<synchronous>, transform_indices = @transform_4, window_bounds = array<i64: 128, 128>}, {transform_indices = @transform_5, window_bounds = array<i64: 1024, 128>}]} {
    %get3A = arith.constant 0 : index
    %get3A_0 = arith.constant 0 : index
    %get3A_1 = vector.load %arg3[%get3A, %get3A_0] : memref<1024x128xf32, #tpu.memory_space<vmem>>, vector<1024x128xf32>
    %get3A_2 = arith.constant 0 : index
    %get3A_3 = arith.constant 0 : index
    %get3A_4 = arith.constant 0 : index
    %get3A_5 = vector.load %arg1[%get3A_2, %get3A_3, %get3A_4] : memref<2x1024x128xf32, #tpu.memory_space<vmem>>, vector<1x1024x128xf32>
    %get3A_6 = vector.shape_cast %get3A_5 : vector<1x1024x128xf32> to vector<1024x128xf32>
    %get3A_7 = arith.constant 1 : index
    %get3A_8 = arith.constant 0 : index
    %get3A_9 = arith.constant 0 : index
    %get3A_10 = vector.load %arg1[%get3A_7, %get3A_8, %get3A_9] : memref<2x1024x128xf32, #tpu.memory_space<vmem>>, vector<1x1024x128xf32>
    %get3A_11 = vector.shape_cast %get3A_10 : vector<1x1024x128xf32> to vector<1024x128xf32>
    %add3A = arith.addf %get3A_6, %get3A_11 : vector<1024x128xf32>
    %get3A_12 = arith.constant 0 : index
    %get3A_13 = arith.constant 0 : index
    %get3A_14 = vector.load %arg2[%get3A_12, %get3A_13] : memref<1024x128xf32, #tpu.memory_space<vmem>>, vector<1024x128xf32>
    %add3A_15 = arith.addf %add3A, %get3A_14 : vector<1024x128xf32>
    %mul3A = arith.mulf %get3A_1, %add3A_15 : vector<1024x128xf32>
    %get3A_16 = arith.constant 0 : index
    %get3A_17 = vector.load %arg4[%get3A_16] : memref<128xf32, #tpu.memory_space<vmem>>, vector<128xf32>
    %broadcast_in_dim3A = vector.shape_cast %get3A_17 : vector<128xf32> to vector<1x128xf32>
    %add3A_18 = vector.broadcast %broadcast_in_dim3A : vector<1x128xf32> to vector<1024x128xf32>
    %add3A_19 = arith.addf %mul3A, %add3A_18 : vector<1024x128xf32>
    %max3A = arith.constant 0.000000e+00 : f32
    %max3A_20 = vector.broadcast %max3A : f32 to vector<1024x128xf32>
    %max3A_21 = arith.maximumf %add3A_19, %max3A_20 : vector<1024x128xf32>
    %get3A_22 = arith.constant 0 : index
    %get3A_23 = arith.constant 0 : index
    %get3A_24 = vector.load %arg5[%get3A_22, %get3A_23] : memref<128x128xf32, #tpu.memory_space<vmem>>, vector<128x128xf32>
    %dot_general3A = arith.constant dense<0.000000e+00> : vector<1024x128xf32>
    %dot_general3A_25 = tpu.matmul %max3A_21, %get3A_24, %dot_general3A {dimension_numbers = #tpu.dot_dimension_numbers<[1], [0], [0], [1], [0, 0, 1, 1], [], []>, transpose_lhs_hint = false} : vector<1024x128xf32>, vector<128x128xf32>, vector<1024x128xf32> -> vector<1024x128xf32>
    %mul3A_26 = arith.mulf %get3A_1, %dot_general3A_25 : vector<1024x128xf32>
    %swap3A = arith.constant 0 : index
    %swap3A_27 = arith.constant 0 : index
    %swap3A_28 = vector.load %arg6[%swap3A, %swap3A_27] : memref<1024x128xf32, #tpu.memory_space<vmem>>, vector<1024x128xf32>
    tpu.vector_store %arg6[%swap3A, %swap3A_27], %mul3A_26 {strides = array<i32>} : memref<1024x128xf32, #tpu.memory_space<vmem>>, vector<1024x128xf32>,
    return
  }
  func.func @transform_0(%arg0: i32) -> (i32, i32, i32) {
    %c0_i32 = arith.constant 0 : i32
    %c0_i32_0 = arith.constant 0 : i32
    %c0_i32_1 = arith.constant 0 : i32
    return %c0_i32, %arg0, %c0_i32_0 : i32, i32, i32
  }
  func.func @transform_1(%arg0: i32) -> (i32, i32) {
    %c0_i32 = arith.constant 0 : i32
    %c0_i32_0 = arith.constant 0 : i32
    return %arg0, %c0_i32 : i32, i32
  }
  func.func @transform_2(%arg0: i32) -> (i32, i32) {
    %c0_i32 = arith.constant 0 : i32
    %c0_i32_0 = arith.constant 0 : i32
    return %arg0, %c0_i32 : i32, i32
  }
  func.func @transform_3(%arg0: i32) -> i32 {
    %c0_i32 = arith.constant 0 : i32
    %c0_i32_0 = arith.constant 0 : i32
    return %c0_i32 : i32
  }
  func.func @transform_4(%arg0: i32) -> (i32, i32) {
    %c0_i32 = arith.constant 0 : i32
    %c0_i32_0 = arith.constant 0 : i32
    %c0_i32_1 = arith.constant 0 : i32
    return %c0_i32, %c0_i32_0 : i32, i32
  }
  func.func @transform_5(%arg0: i32) -> (i32, i32) {
    %c0_i32 = arith.constant 0 : i32
    %c0_i32_0 = arith.constant 0 : i32
    return %arg0, %c0_i32 : i32, i32
  }
}

module attributes {stable_mosaic.version = 14 : i64} {
  func.func @body(%arg0: i32, %arg1: memref<2x1024x128xf32, #tpu.memory_space<vmem>>, %arg2: memref<1024x128xf32, #tpu.memory_space<vmem>>, %arg3: memref<1024x128xf32, #tpu.memory_space<vmem>>, %arg4: memref<128xf32, #tpu.memory_space<vmem>>, %arg5: memref<1024x64xf32, #tpu.memory_space<vmem>>) attributes {dimension_semantics = [#tpu.dimension_semantics<arbitrary>], iteration_bounds = array<i64: 10>, scalar_prefetch = 0 : i64, scratch_operands = 0 : i64, tpu.core_type = #tpu.core_type<tc>, window_params = [{transform_indices = @transform_0, window_bounds = array<i64: 2, 1024, 128>}, {transform_indices = @transform_1, window_bounds = array<i64: 1024, 128>}, {transform_indices = @transform_2, window_bounds = array<i64: 1024, 128>}, {pipeline_mode = #tpu.pipeline_mode<synchronous>, transform_indices = @transform_3, window_bounds = array<i64: 128>}, {transform_indices = @transform_4, window_bounds = array<i64: 1024, 64>}]} {
    %get3A = arith.constant 0 : index
    %get3A_0 = arith.constant 0 : index
    %get3A_1 = vector.load %arg3[%get3A, %get3A_0] : memref<1024x128xf32, #tpu.memory_space<vmem>>, vector<1024x128xf32>
    %get3A_2 = arith.constant 0 : index
    %get3A_3 = arith.constant 0 : index
    %get3A_4 = arith.constant 0 : index
    %get3A_5 = vector.load %arg1[%get3A_2, %get3A_3, %get3A_4] : memref<2x1024x128xf32, #tpu.memory_space<vmem>>, vector<1x1024x128xf32>
    %get3A_6 = vector.shape_cast %get3A_5 : vector<1x1024x128xf32> to vector<1024x128xf32>
    %get3A_7 = arith.constant 1 : index
    %get3A_8 = arith.constant 0 : index
    %get3A_9 = arith.constant 0 : index
    %get3A_10 = vector.load %arg1[%get3A_7, %get3A_8, %get3A_9] : memref<2x1024x128xf32, #tpu.memory_space<vmem>>, vector<1x1024x128xf32>
    %get3A_11 = vector.shape_cast %get3A_10 : vector<1x1024x128xf32> to vector<1024x128xf32>
    %add3A = arith.addf %get3A_6, %get3A_11 : vector<1024x128xf32>
    %get3A_12 = arith.constant 0 : index
    %get3A_13 = arith.constant 0 : index
    %get3A_14 = vector.load %arg2[%get3A_12, %get3A_13] : memref<1024x128xf32, #tpu.memory_space<vmem>>, vector<1024x128xf32>
    %add3A_15 = arith.addf %add3A, %get3A_14 : vector<1024x128xf32>
    %mul3A = arith.mulf %get3A_1, %add3A_15 : vector<1024x128xf32>
    %get3A_16 = arith.constant 0 : index
    %get3A_17 = vector.load %arg4[%get3A_16] : memref<128xf32, #tpu.memory_space<vmem>>, vector<128xf32>
    %broadcast_in_dim3A = vector.shape_cast %get3A_17 : vector<128xf32> to vector<1x128xf32>
    %add3A_18 = vector.broadcast %broadcast_in_dim3A : vector<1x128xf32> to vector<1024x128xf32>
    %add3A_19 = arith.addf %mul3A, %add3A_18 : vector<1024x128xf32>
    %slice3A = vector.extract_strided_slice %add3A_19 {offsets = [0, 0], sizes = [1024, 64], strides = [1, 1]} : vector<1024x128xf32> to vector<1024x64xf32>
    %max3A = arith.constant 0.000000e+00 : f32
    %max3A_20 = vector.broadcast %max3A : f32 to vector<1024x64xf32>
    %max3A_21 = arith.maximumf %slice3A, %max3A_20 : vector<1024x64xf32>
    %swap3A = arith.constant 0 : index
    %swap3A_22 = arith.constant 0 : index
    %swap3A_23 = vector.load %arg5[%swap3A, %swap3A_22] : memref<1024x64xf32, #tpu.memory_space<vmem>>, vector<1024x64xf32>
    tpu.vector_store %arg5[%swap3A, %swap3A_22], %max3A_21 {strides = array<i32>} : memref<1024x64xf32, #tpu.memory_space<vmem>>, vector<1024x64xf32>,
    return
  }
  func.func @transform_0(%arg0: i32) -> (i32, i32, i32) {
    %c0_i32 = arith.constant 0 : i32
    %c0_i32_0 = arith.constant 0 : i32
    %c0_i32_1 = arith.constant 0 : i32
    return %c0_i32, %arg0, %c0_i32_0 : i32, i32, i32
  }
  func.func @transform_1(%arg0: i32) -> (i32, i32) {
    %c0_i32 = arith.constant 0 : i32
    %c0_i32_0 = arith.constant 0 : i32
    return %arg0, %c0_i32 : i32, i32
  }
  func.func @transform_2(%arg0: i32) -> (i32, i32) {
    %c0_i32 = arith.constant 0 : i32
    %c0_i32_0 = arith.constant 0 : i32
    return %arg0, %c0_i32 : i32, i32
  }
  func.func @transform_3(%arg0: i32) -> i32 {
    %c0_i32 = arith.constant 0 : i32
    %c0_i32_0 = arith.constant 0 : i32
    return %c0_i32 : i32
  }
  func.func @transform_4(%arg0: i32) -> (i32, i32) {
    %c0_i32 = arith.constant 0 : i32
    %c0_i32_0 = arith.constant 0 : i32
    return %arg0, %c0_i32 : i32, i32
  }
}

</mosaic_0001>

<sc_bundles>
// kernel: kernel.11.cloned.1.call-start
scs
__scs_entry_jumppad:
0x0: {  	(pc) =	sbr.rel $0x88, $3  }
0x1: {  	(tag) =	ssettag $0x0;
	lr =	simm.s32 $0x1  }
0x2: {  	[smem:$0x3F9B] =	sst lr;
	_ =	strace $0xD0000000  }
0x3: {  	_ = 	snop  }
0x4: {  	_ = 	snop  }
0x5: {  	_ = 	snop  }
0x6: {  	_ = 	snop  }
0x7: {  	_ = 	snop  }
__scs_overlays_trampoline_lowered:
0x8: {  	[smem:$0x3FAA] =	sst s0  }
0x9: {  	[smem:$0x3FAB] =	sst s1  }
0xa: {  	[smem:$0x3FAC] =	sst s2  }
0xb: {  	[smem:$0x3FAD] =	sst s3  }
0xc: {  	[smem:$0x3FAE] =	sst s4  }
0xd: {  	[smem:$0x3FAF] =	sst s5  }
0xe: {  	[smem:$0x3FB0] =	sst s6  }
0xf: {  	[smem:$0x3FB1] =	sst s7  }
0x10: {  	[smem:$0x3FB2] =	sst s8  }
0x11: {  	[smem:$0x3FB3] =	sst s9;
	s0 =	simm.s32 @!p0 $0x0  }
0x12: {  	s1 =	sld [smem:$0x3F99];
	s0 =	simm.s32 @p0 $0x1  }
0x13: {  	[smem:$0x3FB4] =	sst s0;
	s0 =	simm.s32 @!p1 $0x0  }
0x14: {  	s2 =	sld [smem:$0x3F98];
	s0 =	simm.s32 @p1 $0x1  }
0x15: {  	[smem:$0x3FB5] =	sst s0;
	s0 =	simm.s32 @!p2 $0x0  }
0x16: {  	s3 =	sld [smem:$0x3FDB];
	s0 =	simm.s32 @p2 $0x1  }
0x17: {  	s4 =	simm.s32 $0x1BF5;
	[smem:$0x3FB7] =	sst s0  }
0x18: {  	s0 =	sld [smem:$0x3F9A];
	_ =	swait.ge [sflag:s4], $0x0  }
0x19: {  	s7 =	sld [smem:$0x3F9B]  }
0x1a: {  	s8 =	sadd.s32 $0xFFFFE003, lr  }
0x1b: {  	s9 =	sadd.s32 $0xFFFFFEF7, lr;
	s5 =	simm.s32 $0xFFFFFFFF;
	p2 =	slt.u32 s8, $0xFFFFF086  }
0x1c: {  	p1 =	slt.u32 s9, $0xF7A;
	s5 =	simm.s32 @!p2 $0x0  }
0x1d: {  	s5 =	simm.s32 @p1 $0x1;
	p0 =	seq.s32 s7, s2  }
0x1e: {  	s7 =	smul.u32 @!p0 $0xF7A, s2;
	p2 =	seq.s32 @!p0 s5, $0x0  }
0x1f: {  	s9 =	smul.u32 $0xF7A, s1;
	s8 =	simm.s32 @!p0 $0x1BF5;
	p2 =	por !p2, p0  }
0x20: {  	[sflag:s8] =	ssyncset.s32 @!p0 $0xFFFFF086;
	s6 =	sadd.s32 @!p0 s3, s7;
	s7 =	simm.s32 @!p0 $0x108  }
0x21: {  	s3 =	sadd.s32 s3, s9;
	s6 =	sadd.s32 @!p0 $0x88, s6;
	s7 =	simm.s32 @p2 $0x1082  }
0x22: {  	[simem:s7], [sflag:s8] =	dma.local @!p0 [hbm:s6], $0xF7A  }
0x23: {  	s9 =	sor.u32 $0xD0000000, s2;
	s6 =	simm.s32 $0x108;
	_ =	swait.ge @!p0 [sflag:s8], $0x0  }
0x24: {  	s3 =	sadd.s32 $0x88, s3;
	s6 =	simm.s32 @!p1 $0x1082;
	[sflag:s4] =	ssyncset.s32 $0xFFFFF086  }
0x25: {  	[simem:s6], [sflag:s4] =	dma.local [hbm:s3], $0xF7A  }
0x26: {  	[smem:$0x3F9B] =	sst s1;
	(tag) =	ssettag s2;
	_ =	strace s9  }
0x27: {  	s1 =	sld [smem:$0x3FAB]  }
0x28: {  	s2 =	sld [smem:$0x3FAC]  }
0x29: {  	s4 =	sld [smem:$0x3FAE]  }
0x2a: {  	p0 =	seq.s32 s5, $0x0;
	s5 =	sld [smem:$0x3FAF]  }
0x2b: {  	s6 =	sld [smem:$0x3FB0]  }
0x2c: {  	s7 =	sld [smem:$0x3FB1]  }
0x2d: {  	s3 =	simm.s32 $0x108;
	s8 =	sld [smem:$0x3FB2]  }
0x2e: {  	s3 =	simm.s32 @!p0 $0x1082;
	s9 =	sld [smem:$0x3FB3]  }
0x2f: {  	lr =	sadd.s32 s0, s3;
	s0 =	sld [smem:$0x3FAA]  }
0x30: {  	s3 =	sld [smem:$0x3FAD]  }
0x31: {  	[smem:$0x3FB6] =	sst s10  }
0x32: {  	s10 =	sld [smem:$0x3FB4];
	_ =	sdelay $0x3  }
0x33: {  	p0 =	seq.s32 s10, $0x1;
	s10 =	sld [smem:$0x3FB6];
	_ =	sdelay $0x3  }
0x34: {  	[smem:$0x3FB6] =	sst s10  }
0x35: {  	s10 =	sld [smem:$0x3FB5];
	_ =	sdelay $0x3  }
0x36: {  	p1 =	seq.s32 s10, $0x1;
	s10 =	sld [smem:$0x3FB6];
	_ =	sdelay $0x3  }
0x37: {  	[smem:$0x3FB6] =	sst s10  }
0x38: {  	s10 =	sld [smem:$0x3FB7]  }
0x39: {  	_ = 	snop;
	(pc) =	sbr.ind lr, $3  }
0x3a: {  	_ = 	snop  }
0x3b: {  	_ = 	snop  }
0x3c: {  	p2 =	seq.s32 s10, $0x1;
	s10 =	sld [smem:$0x3FB6]  }
0x3d: {  	_ =	shalt  }
0x3e: {  	_ =	shalt  }
0x3f: {  	_ =	shalt  }
0x40: {  	_ =	shalt  }
0x41: {  	_ =	shalt  }
0x42: {  	_ =	shalt  }
0x43: {  	_ =	shalt  }
0x44: {  	_ =	shalt  }
0x45: {  	_ =	shalt  }
0x46: {  	_ =	shalt  }
0x47: {  	_ =	shalt  }
0x48: {  	_ =	shalt  }
0x49: {  	_ =	shalt  }
0x4a: {  	_ =	shalt  }
0x4b: {  	_ =	shalt  }
0x4c: {  	_ =	shalt  }
0x4d: {  	_ =	shalt  }
0x4e: {  	_ =	shalt  }
0x4f: {  	_ =	shalt  }
0x50: {  	_ =	shalt  }
0x51: {  	_ =	shalt  }
0x52: {  	_ =	shalt  }
0x53: {  	_ =	shalt  }
0x54: {  	_ =	shalt  }
0x55: {  	_ =	shalt  }
0x56: {  	_ =	shalt  }
0x57: {  	_ =	shalt  }
0x58: {  	_ =	shalt  }
0x59: {  	_ =	shalt  }
0x5a: {  	_ =	shalt  }
0x5b: {  	_ =	shalt  }
0x5c: {  	_ =	shalt  }
0x5d: {  	_ =	shalt  }
0x5e: {  	_ =	shalt  }
0x5f: {  	_ =	shalt  }
0x60: {  	_ =	shalt  }
0x61: {  	_ =	shalt  }
0x62: {  	_ =	shalt  }
0x63: {  	_ =	shalt  }
0x64: {  	_ =	shalt  }
0x65: {  	_ =	shalt  }
0x66: {  	_ =	shalt  }
0x67: {  	_ =	shalt  }
0x68: {  	_ =	shalt  }
0x69: {  	_ =	shalt  }
0x6a: {  	_ =	shalt  }
0x6b: {  	_ =	shalt  }
0x6c: {  	_ =	shalt  }
0x6d: {  	_ =	shalt  }
0x6e: {  	_ =	shalt  }
0x6f: {  	_ =	shalt  }
0x70: {  	_ =	shalt  }
0x71: {  	_ =	shalt  }
0x72: {  	_ =	shalt  }
0x73: {  	_ =	shalt  }
0x74: {  	_ =	shalt  }
0x75: {  	_ =	shalt  }
0x76: {  	_ =	shalt  }
0x77: {  	_ =	shalt  }
0x78: {  	_ =	shalt  }
0x79: {  	_ =	shalt  }
0x7a: {  	_ =	shalt  }
0x7b: {  	_ =	shalt  }
0x7c: {  	_ =	shalt  }
0x7d: {  	_ =	shalt  }
0x7e: {  	_ =	shalt  }
0x7f: {  	_ =	shalt  }
0x80: {  	_ =	shalt  }
0x81: {  	_ =	shalt  }
0x82: {  	_ =	shalt  }
0x83: {  	_ =	shalt  }
0x84: {  	_ =	shalt  }
0x85: {  	_ =	shalt  }
0x86: {  	_ =	shalt  }
0x87: {  	_ =	shalt  }
.Lfunc_end0:
.L_simem_size_0:
called_computation.1_lowered:
.L_overlay_start_0:
0x88: {  	s2 =	sld [smem:$0x3FD9]  }
0x89: {  	s3 =	sld [smem:$0x3FFE];
	_ =	sdelay $0x1  }
0x8a: {  	s1 =	srdreg.scid  }
0x8b: {  	s0 =	sand.u32 $0x1, s1  }
0x8c: {  	s17 =	sshll.u32 s0, $0xA;
	s2 =	sadd.s32 s3, s2  }
0x8d: {  	s2 =	sadd.s32 s2, s17  }
0x8e: {  	[smem:$0x3FC2] =	sst s2  }
0x8f: {  	_ = 	snop  }
0x90: {  	s2 =	sld [smem:$0x3FD0];
	(tm) =	ssettm $0x1  }
0x91: {  	s18 =	sld [smem:$0x3FFB];
	_ =	sdelay $0x3  }
0x92: {  	_ =	strace s18  }
0x93: {  	s3 =	sld [smem:$0x3FFC];
	_ =	sdelay $0x3  }
0x94: {  	_ =	strace s3  }
0x95: {  	s3 =	sld [smem:$0x3FFD];
	_ =	sdelay $0x3  }
0x96: {  	_ =	strace s3  }
0x97: {  	_ =	strace $0x8FFFFFFF  }
0x98: {  	s19 =	sld [smem:$0x3FDB];
	_ =	sdelay $0x1  }
0x99: {  	s4 =	simm.s32 $_scs_section_size  }
0x9a: {  	s5 =	simm.s32 $_size__tile_overlayer_lowered;
	s6 =	simm.s32 $_tile_overlayer_lowered  }
0x9b: {  	s22 =	simm.s32 $0x1BFF;
	s21 =	sshll.u32 s6, $0x1;
	s3 =	sadd.s32 s4, s19  }
0x9c: {  	s7 =	simm.s32 $0x0;
	s20 =	sshll.u32 s5, $0x1;
	s5 =	sadd.s32 s21, s3  }
0x9d: {  	[timem:s7], [sflag:s22] =	dma.local [hbm:s5], s20  }
0x9e: {  	_ =	swait.ge [sflag:s22], s20  }
0x9f: {  	s4 =	ssub.s32 $0x0, s20;
	[sflag:s22] =	ssyncset.done $0x0  }
0xa0: {  	[sflag:s22] =	ssyncadd.s32 s4;
	_ =	sdelay $0x1  }
0xa1: {  	s23 =	simm.s32 $0x1B8B  }
0xa2: {  	_ =	swait.ge [sflag:s23], $0x1  }
0xa3: {  	[sflag:s23] =	ssyncset.done $0x0  }
0xa4: {  	s25 =	simm.s32 $0x1B8E;
	s24 =	sld [smem:$0x3FFE];
	[sflag:s23] =	ssyncadd.s32 $0xFFFFFFFF  }
0xa5: {  	s26 =	simm.s32 $execute0_lowered;
	[smem:$0x3FD2] =	sst s25  }
0xa6: {  	s5 =	sshll.u32 s26, $0x1;
	_ =	strace $0x80000049;
	[dreg:$0x1] =	wrdreg $0xFFFFFFFF  }
0xa7: {  	s28 =	simm.s32 $_size_execute0_lowered;
	s3 =	sadd.s32 s3, s5;
	[dreg:$0x0] =	wrdreg $0x0  }
0xa8: {  	s5 =	sshll.u32 s28, $0x1;
	[dreg:$0x2] =	wrdreg s3  }
0xa9: {  	[dreg:$0x3] =	wrdreg s5  }
0xaa: {  	[dreg:$0x4] =	wrdreg $0xC0  }
0xab: {  	_ =	task [dreg:s7], $0x5FFFF  }
0xac: {  	[dreg:$0x1] =	wrdreg $0xFFFFFFFF  }
0xad: {  	[dreg:$0x0] =	wrdreg $0x60  }
0xae: {  	[dreg:$0x2] =	wrdreg s24  }
0xaf: {  	[dreg:$0x3] =	wrdreg s2  }
0xb0: {  	[dreg:$0x4] =	wrdreg $0xA8000  }
0xb1: {  	[dreg:$0x5] =	wrdreg $0x9  }
0xb2: {  	_ =	task.clear_ibuf [dreg:s7], $0x6FFFF;
	_ =	strace $0x90000049  }
0xb3: {  	s29 =	simm.s32 $0x9;
	_ =	strace $0x8000004B  }
0xb4: {  	_ =	swait.ge [sflag:s29], $0x1  }
0xb5: {  	[sflag:s29] =	ssyncadd.s32 $0xFFFFFFFF  }
0xb6: {  	_ =	strace $0x9000004B  }
0xb7: {  	_ =	sfence  }
0xb8: {  	s30 =	sld [smem:$0x0];
	_ =	sdelay $0x2  }
0xb9: {  	s31 =	sshll.u32 s1, $0xD;
	s1 =	sshrl.u32 s1, $0x2  }
0xba: {  	s3 =	sand.u32 $0x4000, s31;
	s1 =	sadd.s32 s1, s30  }
0xbb: {  	s0 =	sor.u32 s3, s0;
	s1 =	sshll.u32 s1, $0x11  }
0xbc: {  	s0 =	sor.u32 s1, s0  }
0xbd: {  	s0 =	sadd.s32 $0x8F2B, s0  }
0xbe: {  	[sflag:s0] =	ssyncadd.remote.s32 $0x1  }
0xbf: {  	_ =	sfence.sel $0xFFFF  }
0xc0: {  	[dreg:$0x0] =	wrdreg $0xFFFFFFFF;
	(pc) =	sbr.abs _section_cstart, $3  }
0xc1: {  	[dreg:$0x1] =	wrdreg $0xFFFFFFFF  }
0xc2: {  	_ =	task.clear_ibuf [dreg:s7], $0x2FFFF;
	_ =	strace $0x9FFFFFFF  }
0xc3: {  	(tm) =	ssettm $0x7FFFFFFF  }
tec
execute0_lowered:
.L_overlay_start_1:
0x0: {  	(tag) =	ssettag $0x1  }
0x1: {  	s0 =	rddreg [dreg:$0x0];
	s1 =	srdreg.scid  }
0x2: {  	s4 =	rddreg [dreg:$0x1];
	s12 =	stileid.u32  }
0x3: {  	s2 =	rddreg [dreg:$0x2];
	s6 =	smul.u32 $0x14000, s12  }
0x4: {  	s29 =	simm.s32 $0xD;
	s31 =	simm.s32 $0x100;
	s17 =	smul.u32 $0x2710, s12  }
0x5: {  	s30 =	simm.s32 $0x5;
	s1 =	sand.u32 $0x1, s1;
	s20 =	smul.u32 $0x50000, s12  }
0x6: {  	s8 =	sadd.s32 $0x1800, s0;
	s5 =	smul.u32 $0x140000, s1;
	s3 =	sshll.u32 s1, $0x4  }
0x7: {  	s9 =	ssub.s32 $0x2, s1;
	s1 =	smul.u32 $0x27100, s1;
	s7 =	sor.u32 s12, s3  }
0x8: {  	s3 =	simm.s32 $0x0;
	s21 =	sshrl.u32 s9, $0x1;
	s7 =	smul.u32 $0x2710, s7  }
0x9: {  	[smem:$0x7FF] =	sst s3;
	s5 =	sadd.s32 s6, s5;
	s1 =	sadd.s32 s17, s1  }
0xa: {  	s6 =	ssub.s32 s9, s21;
	s5 =	sshrl.u32 s5, $0x3;
	s1 =	sadd.s32 $0x280, s1  }
0xb: {  	s28 =	smax.u32 s6, $0x1;
	s6 =	simm.s32 $0x7;
	s7 =	sshrl.u32 s7, $0x3  }
0xc: {  	s1 =	sshrl.u32 s1, $0x3;
	s21 =	sadd.s32 s5, s0;
	s5 =	simm.s32 $0x6  }
0xd: {  	s22 =	sadd.s32 $0xA, s7;
	s10 =	sadd.s32 s4, s7;
	s23 =	sadd.s32 s8, s7  }
0xe: {  	s25 =	sadd.s32 $0x14, s7;
	s26 =	sadd.s32 $0x1E, s7;
	s14 =	sadd.s32 $0x28, s7  }
0xf: {  	s16 =	sadd.s32 $0x32, s7;
	s19 =	sadd.s32 $0x3C, s7;
	[dreg:$0x4] =	wrdreg s10  }
0x10: {  	s7 =	sadd.s32 $0x46, s7;
	[dreg:$0x5] =	wrdreg s23;
	s24 =	sadd.s32 s4, s22  }
0x11: {  	s9 =	sadd.s32 s8, s22;
	s11 =	sadd.s32 s4, s25;
	[dreg:$0x6] =	wrdreg s24  }
0x12: {  	s13 =	sadd.s32 s8, s26;
	s15 =	sadd.s32 s4, s14;
	[dreg:$0x7] =	wrdreg s9  }
0x13: {  	s18 =	sadd.s32 s4, s16;
	s10 =	sadd.s32 s8, s16;
	[dreg:$0x8] =	wrdreg s11  }
0x14: {  	s16 =	sadd.s32 s4, s19;
	s17 =	sadd.s32 s8, s19;
	[dreg:$0xb] =	wrdreg s13  }
0x15: {  	s19 =	sadd.s32 s8, s7;
	s22 =	sadd.s32 $0xDE00, s0;
	[dreg:$0xc] =	wrdreg s15  }
0x16: {  	s23 =	sadd.s32 $0xB600, s0;
	s0 =	simm.s32 $0x200;
	[dreg:$0xe] =	wrdreg s18  }
0x17: {  	s9 =	sadd.s32 s8, s25;
	s11 =	sadd.s32 s4, s26;
	[dreg:$0xf] =	wrdreg s10  }
0x18: {  	s18 =	sadd.s32 s4, s7;
	s10 =	sadd.s32 s1, s4;
	s25 =	sshrl.u32 s20, $0x2  }
.Ltmp0:
0x19: {  	s26 =	sshll.u32 s12, $0x6;
	[dreg:$0x9] =	wrdreg s9;
	(pc) =	sbr.rel .LBB2_1-.Ltmp0, $4  }
0x1a: {  	s4 =	simm.s32 $0x50;
	s7 =	simm.s32 $0x8;
	[dreg:$0xa] =	wrdreg s11  }
0x1b: {  	s9 =	sadd.s32 s8, s14;
	s11 =	sadd.s32 s1, s8;
	s24 =	sadd.s32 s25, s2  }
0x1c: {  	s25 =	sor.u32 $0x1C0D, s26;
	s26 =	sadd.s32 $0x35E00, s21;
	[dreg:$0xd] =	wrdreg s9  }
0x1d: {  	s1 =	simm.s32 $0x300;
	s8 =	simm.s32 $0x0;
	_ =	strace $0x8000004A  }
.LBB2_10:
0x1e: {  	s8 =	sadd.s32 $0x1, s8  }
0x1f: {  	p0 =	sne.s32 s8, s28  }
.Ltmp1:
0x20: {  	[bflag:$0x0] =	sbarrier.arrive $0xFFFF;
	(pc) =	sbr.rel @!p0 .LBB2_11-.Ltmp1, $4  }
0x21: {  	[hbm:s26], [sflag:s25] =	dma.local [spmem:s9], $0x2800  }
0x22: {  	_ =	swait.ge [sflag:s29], $0x2800  }
0x23: {  	[sflag:s29] =	ssyncset.done $0x0  }
0x24: {  	[sflag:s29] =	ssyncadd.s32 $0xFFFFD800  }
.LBB2_1:
0x25: {  	s9 =	sshrl.u32 s24, $0x3  }
0x26: {  	[spmem:s9], [sflag:s25] =	dma.local [hbm:s23], $0x2800  }
0x27: {  	_ =	swait.ge [sflag:s29], $0x2800  }
0x28: {  	[sflag:s29] =	ssyncset.done $0x0  }
0x29: {  	[sflag:s29] =	ssyncadd.s32 $0xFFFFD800  }
0x2a: {  	[bflag:$0x0] =	sbarrier.arrive $0xFFFF  }
0x2b: {  	s12 =	rddreg [dreg:$0x4]  }
0x2c: {  	[tilespmem:s3], [sflag:$0x5] =	stream.linear.gather [hbm4b:s12+s3], $0x50, $0x38;
	[tilespmem:$0x1E800] =	vst v63  }
0x2d: {  	s13 =	simm.s32 $0x80;
	s20 =	rddreg [dreg:$0x5]  }
0x2e: {  	[tilespmem:s13], [sflag:$0x5] =	stream.linear.gather [hbm4b:s20+s3], $0x50, $0x38;
	[tilespmem:$0x1E800] =	vst v63  }
0x2f: {  	s21 =	rddreg [dreg:$0x6]  }
0x30: {  	[tilespmem:s31], [sflag:$0x6] =	stream.linear.gather [hbm4b:s21+s3], $0x50, $0x38;
	[tilespmem:$0x1E800] =	vst v63  }
0x31: {  	s14 =	simm.s32 $0x180;
	s13 =	rddreg [dreg:$0x7]  }
0x32: {  	[tilespmem:s14], [sflag:$0x6] =	stream.linear.gather [hbm4b:s13+s3], $0x50, $0x38;
	[tilespmem:$0x1E800] =	vst v63  }
0x33: {  	s15 =	rddreg [dreg:$0x8]  }
0x34: {  	[tilespmem:s0], [sflag:$0x7] =	stream.linear.gather [hbm4b:s15+s3], $0x50, $0x38;
	[tilespmem:$0x1E800] =	vst v63  }
0x35: {  	s20 =	rddreg [dreg:$0x9];
	s21 =	simm.s32 $0x280  }
0x36: {  	[tilespmem:s21], [sflag:$0x7] =	stream.linear.gather [hbm4b:s20+s3], $0x50, $0x38;
	[tilespmem:$0x1E800] =	vst v63  }
0x37: {  	s13 =	rddreg [dreg:$0xa]  }
0x38: {  	[tilespmem:s1], [sflag:$0x8] =	stream.linear.gather [hbm4b:s13+s3], $0x50, $0x38;
	[tilespmem:$0x1E800] =	vst v63  }
0x39: {  	s14 =	rddreg [dreg:$0xb];
	s15 =	simm.s32 $0x380  }
0x3a: {  	[tilespmem:s15], [sflag:$0x8] =	stream.linear.gather [hbm4b:s14+s3], $0x50, $0x38;
	[tilespmem:$0x1E800] =	vst v63  }
0x3b: {  	s20 =	rddreg [dreg:$0xc];
	s21 =	simm.s32 $0x400  }
0x3c: {  	[tilespmem:s21], [sflag:$0x9] =	stream.linear.gather [hbm4b:s20+s3], $0x50, $0x38;
	[tilespmem:$0x1E800] =	vst v63  }
0x3d: {  	s14 =	rddreg [dreg:$0xd];
	s15 =	simm.s32 $0x480  }
0x3e: {  	[tilespmem:s15], [sflag:$0x9] =	stream.linear.gather [hbm4b:s14+s3], $0x50, $0x38;
	[tilespmem:$0x1E800] =	vst v63  }
0x3f: {  	s20 =	rddreg [dreg:$0xe];
	s21 =	simm.s32 $0x500  }
0x40: {  	[tilespmem:s21], [sflag:$0xA] =	stream.linear.gather [hbm4b:s20+s3], $0x50, $0x38;
	[tilespmem:$0x1E800] =	vst v63  }
0x41: {  	s13 =	rddreg [dreg:$0xf];
	s14 =	simm.s32 $0x580  }
0x42: {  	[tilespmem:s14], [sflag:$0xA] =	stream.linear.gather [hbm4b:s13+s3], $0x50, $0x38;
	[tilespmem:$0x1E800] =	vst v63  }
0x43: {  	s15 =	simm.s32 $0x600  }
0x44: {  	[tilespmem:s15], [sflag:$0xB] =	stream.linear.gather [hbm4b:s16+s3], $0x50, $0x38;
	[tilespmem:$0x1E800] =	vst v63  }
0x45: {  	s20 =	simm.s32 $0x680  }
0x46: {  	[tilespmem:s20], [sflag:$0xB] =	stream.linear.gather [hbm4b:s17+s3], $0x50, $0x38;
	[tilespmem:$0x1E800] =	vst v63  }
0x47: {  	s21 =	simm.s32 $0x700  }
0x48: {  	[tilespmem:s21], [sflag:$0xC] =	stream.linear.gather [hbm4b:s18+s3], $0x50, $0x38;
	[tilespmem:$0x1E800] =	vst v63  }
0x49: {  	s13 =	simm.s32 $0x780  }
0x4a: {  	[tilespmem:s13], [sflag:$0xC] =	stream.linear.gather [hbm4b:s19+s3], $0x50, $0x38;
	[tilespmem:$0x1E800] =	vst v63  }
0x4b: {  	_ =	swait.ge [sflag:s30], $0x50  }
0x4c: {  	[sflag:s30] =	ssyncset.done $0x0  }
0x4d: {  	[sflag:s30] =	ssyncadd.s32 $0xFFFFFFB0  }
0x4e: {  	_ =	swait.ge [sflag:s30], $0x50  }
0x4f: {  	[sflag:s30] =	ssyncset.done $0x0  }
0x50: {  	s14 =	simm.s32 $0x800;
	[sflag:s30] =	ssyncadd.s32 $0xFFFFFFB0  }
0x51: {  	[tilespmem:s14], [sflag:$0x1] =	stream.indirect.gather [hbm4b:s22+s4], $0x80, s3, s4, $0xb8;
	[tilespmem:$0x1E800] =	vst v63  }
0x52: {  	_ =	swait.ge [sflag:s5], $0x50  }
0x53: {  	[sflag:s5] =	ssyncset.done $0x0  }
0x54: {  	[sflag:s5] =	ssyncadd.s32 $0xFFFFFFB0  }
0x55: {  	_ =	swait.ge [sflag:s5], $0x50  }
0x56: {  	[sflag:s5] =	ssyncset.done $0x0  }
0x57: {  	s15 =	simm.s32 $0x3000;
	[sflag:s5] =	ssyncadd.s32 $0xFFFFFFB0  }
0x58: {  	[tilespmem:s15], [sflag:$0x2] =	stream.indirect.gather [hbm4b:s22+s4], $0x80, s31, s4, $0xb8;
	[tilespmem:$0x1E800] =	vst v63  }
0x59: {  	_ =	swait.ge [sflag:s6], $0x50  }
0x5a: {  	[sflag:s6] =	ssyncset.done $0x0  }
0x5b: {  	[sflag:s6] =	ssyncadd.s32 $0xFFFFFFB0  }
0x5c: {  	_ =	swait.ge [sflag:s6], $0x50  }
0x5d: {  	[sflag:s6] =	ssyncset.done $0x0  }
0x5e: {  	s20 =	simm.s32 $0x5800;
	[sflag:s6] =	ssyncadd.s32 $0xFFFFFFB0  }
0x5f: {  	[tilespmem:s20], [sflag:$0x3] =	stream.indirect.gather [hbm4b:s22+s4], $0x80, s0, s4, $0xb8;
	[tilespmem:$0x1E800] =	vst v63  }
0x60: {  	_ =	swait.ge [sflag:s7], $0x50  }
0x61: {  	[sflag:s7] =	ssyncset.done $0x0  }
0x62: {  	[sflag:s7] =	ssyncadd.s32 $0xFFFFFFB0  }
.Ltmp2:
0x63: {  	_ =	swait.ge [sflag:s7], $0x50;
	(pc) =	sbr.rel .LBB2_2-.Ltmp2, $4  }
0x64: {  	[sflag:s7] =	ssyncset.done $0x0  }
0x65: {  	s21 =	simm.s32 $0x8000;
	[sflag:s7] =	ssyncadd.s32 $0xFFFFFFB0  }
0x66: {  	[tilespmem:s21], [sflag:$0x4] =	stream.indirect.gather [hbm4b:s22+s4], $0x80, s1, s4, $0xb8;
	[tilespmem:$0x1E800] =	vst v63  }
0x67: {  	s12 =	simm.s32 $0x0;
	s20 =	smov.u32 s11;
	s21 =	smov.u32 s10  }
.LBB2_8:
0x68: {  	p0 =	seq.s32 s13, $0x6  }
0x69: {  	s13 =	simm.s32 @p0 $0x3  }
0x6a: {  	_ =	swait.ge @p0 [sflag:s13], $0x2800  }
0x6b: {  	s14 =	simm.s32 @p0 $0x680;
	[sflag:s13] =	ssyncset.done @p0 $0x0  }
0x6c: {  	s15 =	simm.s32 @p0 $0x5800;
	[sflag:s13] =	ssyncadd.s32 @p0 $0xFFFFD800;
	s13 =	simm.s32 @p0 $0x50  }
0x6d: {  	[spmem:s2] =	stream.indirect.scatter.add.f32 @p0 [tilespmem:s15], [sflag:$0xD], $0x80, s14, s13, $0xb8;
	[tilespmem:$0x1E800] =	vst v63  }
0x6e: {  	s13 =	simm.s32 @p0 $0xD  }
0x6f: {  	p1 =	sgt.u32 @p0 s12, $0x78;
	_ =	swait.ge @p0 [sflag:s13], $0x2800  }
0x70: {  	p2 =	por p1, !p0;
	[sflag:s13] =	ssyncset.done @p0 $0x0  }
0x71: {  	[sflag:s13] =	ssyncadd.s32 @p0 $0xFFFFD800;
	s13 =	simm.s32 @!p2 $0x7  }
0x72: {  	_ =	swait.ge @!p2 [sflag:s13], $0x50  }
0x73: {  	[sflag:s13] =	ssyncset.done @!p2 $0x0  }
0x74: {  	[sflag:s13] =	ssyncadd.s32 @!p2 $0xFFFFFFB0  }
0x75: {  	_ =	swait.ge @!p2 [sflag:s13], $0x50  }
0x76: {  	s14 =	simm.s32 @!p2 $0x200;
	[sflag:s13] =	ssyncset.done @!p2 $0x0  }
0x77: {  	s15 =	simm.s32 @!p2 $0x5800;
	[sflag:s13] =	ssyncadd.s32 @!p2 $0xFFFFFFB0;
	s13 =	simm.s32 @!p2 $0x50  }
0x78: {  	[tilespmem:s15], [sflag:$0x3] =	stream.indirect.gather @!p2 [hbm4b:s22+s13], $0x80, s14, s13, $0xb8;
	[tilespmem:$0x1E800] =	vst v63  }
0x79: {  	p2 =	sgt.u32 @!p2 s12, $0x74  }
0x7a: {  	p1 =	por @p0 p2, p1  }
0x7b: {  	p1 =	por p1, !p0  }
0x7c: {  	s13 =	simm.s32 @!p1 $0x0;
	s14 =	simm.s32 @!p1 $0x600  }
0x7d: {  	[tilespmem:s14], [sflag:$0xB] =	stream.linear.gather @!p1 [hbm4b:s21+s13], $0x50, $0x38;
	[tilespmem:$0x1E800] =	vst v63  }
0x7e: {  	s14 =	simm.s32 @!p1 $0x680  }
0x7f: {  	[tilespmem:s14], [sflag:$0xB] =	stream.linear.gather @!p1 [hbm4b:s20+s13], $0x50, $0x38;
	[tilespmem:$0x1E800] =	vst v63  }
0x80: {  	s13 =	simm.s32 @!p0 $0x4  }
0x81: {  	_ =	swait.ge @!p0 [sflag:s13], $0x2800  }
0x82: {  	s15 =	simm.s32 @!p0 $0x8000;
	[sflag:s13] =	ssyncset.done @!p0 $0x0  }
0x83: {  	s14 =	simm.s32 @!p0 $0x780;
	[sflag:s13] =	ssyncadd.s32 @!p0 $0xFFFFD800;
	s13 =	simm.s32 @!p0 $0x50  }
0x84: {  	[spmem:s2] =	stream.indirect.scatter.add.f32 @!p0 [tilespmem:s15], [sflag:$0xD], $0x80, s14, s13, $0xb8;
	[tilespmem:$0x1E800] =	vst v63  }
0x85: {  	s13 =	simm.s32 @!p0 $0xD  }
0x86: {  	p1 =	sgt.u32 @!p0 s12, $0x78;
	_ =	swait.ge @!p0 [sflag:s13], $0x2800  }
0x87: {  	p2 =	por p1, p0;
	[sflag:s13] =	ssyncset.done @!p0 $0x0  }
0x88: {  	[sflag:s13] =	ssyncadd.s32 @!p0 $0xFFFFD800;
	s13 =	simm.s32 @!p2 $0x8  }
0x89: {  	_ =	swait.ge @!p2 [sflag:s13], $0x50  }
0x8a: {  	[sflag:s13] =	ssyncset.done @!p2 $0x0  }
0x8b: {  	[sflag:s13] =	ssyncadd.s32 @!p2 $0xFFFFFFB0  }
0x8c: {  	_ =	swait.ge @!p2 [sflag:s13], $0x50  }
0x8d: {  	s14 =	simm.s32 @!p2 $0x300;
	[sflag:s13] =	ssyncset.done @!p2 $0x0  }
0x8e: {  	s15 =	simm.s32 @!p2 $0x8000;
	[sflag:s13] =	ssyncadd.s32 @!p2 $0xFFFFFFB0;
	s13 =	simm.s32 @!p2 $0x50  }
0x8f: {  	[tilespmem:s15], [sflag:$0x4] =	stream.indirect.gather @!p2 [hbm4b:s22+s13], $0x80, s14, s13, $0xb8;
	[tilespmem:$0x1E800] =	vst v63  }
0x90: {  	p2 =	sgt.u32 @!p2 s12, $0x74  }
0x91: {  	p1 =	por @!p0 p2, p1  }
0x92: {  	p0 =	por p1, p0  }
0x93: {  	s13 =	simm.s32 @!p0 $0x0;
	s14 =	simm.s32 @!p0 $0x700  }
0x94: {  	[tilespmem:s14], [sflag:$0xC] =	stream.linear.gather @!p0 [hbm4b:s21+s13], $0x50, $0x38;
	[tilespmem:$0x1E800] =	vst v63  }
0x95: {  	s14 =	simm.s32 @!p0 $0x780  }
0x96: {  	[tilespmem:s14], [sflag:$0xC] =	stream.linear.gather @!p0 [hbm4b:s20+s13], $0x50, $0x38;
	[tilespmem:$0x1E800] =	vst v63  }
.LBB2_9:
0x97: {  	s12 =	sadd.s32 $0x1, s12  }
0x98: {  	p0 =	sne.s32 s12, $0x7D  }
.Ltmp3:
0x99: {  	_ = 	snop;
	(pc) =	sbr.rel @!p0 .LBB2_10-.Ltmp3, $2  }
0x9a: {  	_ =	sdelay $0x2  }
0x9b: {  	s20 =	sadd.s32 $0xA, s20;
	s21 =	sadd.s32 $0xA, s21  }
.LBB2_2:
0x9c: {  	s13 =	sand.u32 $0x7, s12  }
0x9d: {  	p0 =	sgt.s32 s13, $0x3  }
.Ltmp4:
0x9e: {  	_ = 	snop;
	(pc) =	sbr.rel @p0 .LBB2_6-.Ltmp4, $1  }
0x9f: {  	_ =	sdelay $0x3  }
0xa0: {  	p0 =	sgt.s32 s13, $0x1  }
.Ltmp5:
0xa1: {  	_ = 	snop;
	(pc) =	sbr.rel @p0 .LBB2_5-.Ltmp5, $1  }
0xa2: {  	_ =	sdelay $0x3  }
0xa3: {  	p0 =	seq.s32 s13, $0x0  }
0xa4: {  	s13 =	simm.s32 @p0 $0x1  }
0xa5: {  	_ =	swait.ge @p0 [sflag:s13], $0x2800  }
0xa6: {  	s14 =	simm.s32 @p0 $0x80;
	[sflag:s13] =	ssyncset.done @p0 $0x0  }
0xa7: {  	s15 =	simm.s32 @p0 $0x800;
	[sflag:s13] =	ssyncadd.s32 @p0 $0xFFFFD800;
	s13 =	simm.s32 @p0 $0x50  }
0xa8: {  	[spmem:s2] =	stream.indirect.scatter.add.f32 @p0 [tilespmem:s15], [sflag:$0xD], $0x80, s14, s13, $0xb8;
	[tilespmem:$0x1E800] =	vst v63  }
0xa9: {  	s13 =	simm.s32 @p0 $0xD  }
0xaa: {  	p1 =	sgt.u32 @p0 s12, $0x78;
	_ =	swait.ge @p0 [sflag:s13], $0x2800  }
0xab: {  	p2 =	por p1, !p0;
	[sflag:s13] =	ssyncset.done @p0 $0x0  }
0xac: {  	[sflag:s13] =	ssyncadd.s32 @p0 $0xFFFFD800;
	s13 =	simm.s32 @!p2 $0x9  }
0xad: {  	_ =	swait.ge @!p2 [sflag:s13], $0x50  }
0xae: {  	[sflag:s13] =	ssyncset.done @!p2 $0x0  }
0xaf: {  	[sflag:s13] =	ssyncadd.s32 @!p2 $0xFFFFFFB0  }
0xb0: {  	_ =	swait.ge @!p2 [sflag:s13], $0x50  }
0xb1: {  	s14 =	simm.s32 @!p2 $0x400;
	[sflag:s13] =	ssyncset.done @!p2 $0x0  }
0xb2: {  	s15 =	simm.s32 @!p2 $0x800;
	[sflag:s13] =	ssyncadd.s32 @!p2 $0xFFFFFFB0;
	s13 =	simm.s32 @!p2 $0x50  }
0xb3: {  	[tilespmem:s15], [sflag:$0x1] =	stream.indirect.gather @!p2 [hbm4b:s22+s13], $0x80, s14, s13, $0xb8;
	[tilespmem:$0x1E800] =	vst v63  }
0xb4: {  	p2 =	sgt.u32 @!p2 s12, $0x74  }
0xb5: {  	p1 =	por @p0 p2, p1  }
0xb6: {  	p1 =	por p1, !p0  }
0xb7: {  	s13 =	simm.s32 @!p1 $0x0  }
0xb8: {  	[tilespmem:s13], [sflag:$0x5] =	stream.linear.gather @!p1 [hbm4b:s21+s13], $0x50, $0x38;
	[tilespmem:$0x1E800] =	vst v63  }
0xb9: {  	s14 =	simm.s32 @!p1 $0x80  }
0xba: {  	[tilespmem:s14], [sflag:$0x5] =	stream.linear.gather @!p1 [hbm4b:s20+s13], $0x50, $0x38;
	[tilespmem:$0x1E800] =	vst v63  }
0xbb: {  	s13 =	simm.s32 @!p0 $0x2  }
0xbc: {  	_ =	swait.ge @!p0 [sflag:s13], $0x2800  }
0xbd: {  	s15 =	simm.s32 @!p0 $0x3000;
	[sflag:s13] =	ssyncset.done @!p0 $0x0  }
0xbe: {  	s14 =	simm.s32 @!p0 $0x180;
	[sflag:s13] =	ssyncadd.s32 @!p0 $0xFFFFD800;
	s13 =	simm.s32 @!p0 $0x50  }
0xbf: {  	[spmem:s2] =	stream.indirect.scatter.add.f32 @!p0 [tilespmem:s15], [sflag:$0xD], $0x80, s14, s13, $0xb8;
	[tilespmem:$0x1E800] =	vst v63  }
0xc0: {  	s13 =	simm.s32 @!p0 $0xD  }
0xc1: {  	p1 =	sgt.u32 @!p0 s12, $0x78;
	_ =	swait.ge @!p0 [sflag:s13], $0x2800  }
0xc2: {  	p2 =	por p1, p0;
	[sflag:s13] =	ssyncset.done @!p0 $0x0  }
0xc3: {  	[sflag:s13] =	ssyncadd.s32 @!p0 $0xFFFFD800;
	s13 =	simm.s32 @!p2 $0xA  }
0xc4: {  	_ =	swait.ge @!p2 [sflag:s13], $0x50  }
0xc5: {  	[sflag:s13] =	ssyncset.done @!p2 $0x0  }
0xc6: {  	[sflag:s13] =	ssyncadd.s32 @!p2 $0xFFFFFFB0  }
0xc7: {  	_ =	swait.ge @!p2 [sflag:s13], $0x50  }
0xc8: {  	s14 =	simm.s32 @!p2 $0x500;
	[sflag:s13] =	ssyncset.done @!p2 $0x0  }
0xc9: {  	s15 =	simm.s32 @!p2 $0x3000;
	[sflag:s13] =	ssyncadd.s32 @!p2 $0xFFFFFFB0;
	s13 =	simm.s32 @!p2 $0x50  }
0xca: {  	[tilespmem:s15], [sflag:$0x2] =	stream.indirect.gather @!p2 [hbm4b:s22+s13], $0x80, s14, s13, $0xb8;
	[tilespmem:$0x1E800] =	vst v63  }
0xcb: {  	p2 =	sgt.u32 @!p2 s12, $0x74  }
0xcc: {  	p1 =	por @!p0 p2, p1  }
.Ltmp6:
0xcd: {  	p0 =	por p1, p0;
	(pc) =	sbr.rel .LBB2_9-.Ltmp6, $4  }
0xce: {  	s13 =	simm.s32 @!p0 $0x0;
	s14 =	simm.s32 @!p0 $0x100  }
0xcf: {  	[tilespmem:s14], [sflag:$0x6] =	stream.linear.gather @!p0 [hbm4b:s21+s13], $0x50, $0x38;
	[tilespmem:$0x1E800] =	vst v63  }
0xd0: {  	s14 =	simm.s32 @!p0 $0x180  }
0xd1: {  	[tilespmem:s14], [sflag:$0x6] =	stream.linear.gather @!p0 [hbm4b:s20+s13], $0x50, $0x38;
	[tilespmem:$0x1E800] =	vst v63  }
.LBB2_6:
0xd2: {  	p0 =	sgt.s32 s13, $0x5  }
.Ltmp7:
0xd3: {  	_ = 	snop;
	(pc) =	sbr.rel @p0 .LBB2_8-.Ltmp7, $1  }
0xd4: {  	_ =	sdelay $0x3  }
0xd5: {  	p0 =	seq.s32 s13, $0x4  }
0xd6: {  	s13 =	simm.s32 @p0 $0x1  }
0xd7: {  	_ =	swait.ge @p0 [sflag:s13], $0x2800  }
0xd8: {  	s14 =	simm.s32 @p0 $0x480;
	[sflag:s13] =	ssyncset.done @p0 $0x0  }
0xd9: {  	s15 =	simm.s32 @p0 $0x800;
	[sflag:s13] =	ssyncadd.s32 @p0 $0xFFFFD800;
	s13 =	simm.s32 @p0 $0x50  }
0xda: {  	[spmem:s2] =	stream.indirect.scatter.add.f32 @p0 [tilespmem:s15], [sflag:$0xD], $0x80, s14, s13, $0xb8;
	[tilespmem:$0x1E800] =	vst v63  }
0xdb: {  	s13 =	simm.s32 @p0 $0xD  }
0xdc: {  	p1 =	sgt.u32 @p0 s12, $0x78;
	_ =	swait.ge @p0 [sflag:s13], $0x2800  }
0xdd: {  	p2 =	por p1, !p0;
	[sflag:s13] =	ssyncset.done @p0 $0x0  }
0xde: {  	[sflag:s13] =	ssyncadd.s32 @p0 $0xFFFFD800;
	s13 =	simm.s32 @!p2 $0x5  }
0xdf: {  	_ =	swait.ge @!p2 [sflag:s13], $0x50  }
0xe0: {  	[sflag:s13] =	ssyncset.done @!p2 $0x0  }
0xe1: {  	[sflag:s13] =	ssyncadd.s32 @!p2 $0xFFFFFFB0  }
0xe2: {  	_ =	swait.ge @!p2 [sflag:s13], $0x50  }
0xe3: {  	s14 =	simm.s32 @!p2 $0x0;
	[sflag:s13] =	ssyncset.done @!p2 $0x0  }
0xe4: {  	s15 =	simm.s32 @!p2 $0x800;
	[sflag:s13] =	ssyncadd.s32 @!p2 $0xFFFFFFB0;
	s13 =	simm.s32 @!p2 $0x50  }
0xe5: {  	[tilespmem:s15], [sflag:$0x1] =	stream.indirect.gather @!p2 [hbm4b:s22+s13], $0x80, s14, s13, $0xb8;
	[tilespmem:$0x1E800] =	vst v63  }
0xe6: {  	p2 =	sgt.u32 @!p2 s12, $0x74  }
0xe7: {  	p1 =	por @p0 p2, p1  }
0xe8: {  	p1 =	por p1, !p0  }
0xe9: {  	s13 =	simm.s32 @!p1 $0x0;
	s14 =	simm.s32 @!p1 $0x400  }
0xea: {  	[tilespmem:s14], [sflag:$0x9] =	stream.linear.gather @!p1 [hbm4b:s21+s13], $0x50, $0x38;
	[tilespmem:$0x1E800] =	vst v63  }
0xeb: {  	s14 =	simm.s32 @!p1 $0x480  }
0xec: {  	[tilespmem:s14], [sflag:$0x9] =	stream.linear.gather @!p1 [hbm4b:s20+s13], $0x50, $0x38;
	[tilespmem:$0x1E800] =	vst v63  }
0xed: {  	s13 =	simm.s32 @!p0 $0x2  }
0xee: {  	_ =	swait.ge @!p0 [sflag:s13], $0x2800  }
0xef: {  	s15 =	simm.s32 @!p0 $0x3000;
	[sflag:s13] =	ssyncset.done @!p0 $0x0  }
0xf0: {  	s14 =	simm.s32 @!p0 $0x580;
	[sflag:s13] =	ssyncadd.s32 @!p0 $0xFFFFD800;
	s13 =	simm.s32 @!p0 $0x50  }
0xf1: {  	[spmem:s2] =	stream.indirect.scatter.add.f32 @!p0 [tilespmem:s15], [sflag:$0xD], $0x80, s14, s13, $0xb8;
	[tilespmem:$0x1E800] =	vst v63  }
0xf2: {  	s13 =	simm.s32 @!p0 $0xD  }
0xf3: {  	p1 =	sgt.u32 @!p0 s12, $0x78;
	_ =	swait.ge @!p0 [sflag:s13], $0x2800  }
0xf4: {  	p2 =	por p1, p0;
	[sflag:s13] =	ssyncset.done @!p0 $0x0  }
0xf5: {  	[sflag:s13] =	ssyncadd.s32 @!p0 $0xFFFFD800;
	s13 =	simm.s32 @!p2 $0x6  }
0xf6: {  	_ =	swait.ge @!p2 [sflag:s13], $0x50  }
0xf7: {  	[sflag:s13] =	ssyncset.done @!p2 $0x0  }
0xf8: {  	[sflag:s13] =	ssyncadd.s32 @!p2 $0xFFFFFFB0  }
0xf9: {  	_ =	swait.ge @!p2 [sflag:s13], $0x50  }
0xfa: {  	s14 =	simm.s32 @!p2 $0x100;
	[sflag:s13] =	ssyncset.done @!p2 $0x0  }
0xfb: {  	s15 =	simm.s32 @!p2 $0x3000;
	[sflag:s13] =	ssyncadd.s32 @!p2 $0xFFFFFFB0;
	s13 =	simm.s32 @!p2 $0x50  }
0xfc: {  	[tilespmem:s15], [sflag:$0x2] =	stream.indirect.gather @!p2 [hbm4b:s22+s13], $0x80, s14, s13, $0xb8;
	[tilespmem:$0x1E800] =	vst v63  }
0xfd: {  	p2 =	sgt.u32 @!p2 s12, $0x74  }
0xfe: {  	p1 =	por @!p0 p2, p1  }
.Ltmp8:
0xff: {  	p0 =	por p1, p0;
	(pc) =	sbr.rel .LBB2_9-.Ltmp8, $4  }
0x100: {  	s13 =	simm.s32 @!p0 $0x0;
	s14 =	simm.s32 @!p0 $0x500  }
0x101: {  	[tilespmem:s14], [sflag:$0xA] =	stream.linear.gather @!p0 [hbm4b:s21+s13], $0x50, $0x38;
	[tilespmem:$0x1E800] =	vst v63  }
0x102: {  	s14 =	simm.s32 @!p0 $0x580  }
0x103: {  	[tilespmem:s14], [sflag:$0xA] =	stream.linear.gather @!p0 [hbm4b:s20+s13], $0x50, $0x38;
	[tilespmem:$0x1E800] =	vst v63  }
.LBB2_5:
0x104: {  	p0 =	seq.s32 s13, $0x2  }
0x105: {  	s13 =	simm.s32 @p0 $0x3  }
0x106: {  	_ =	swait.ge @p0 [sflag:s13], $0x2800  }
0x107: {  	s14 =	simm.s32 @p0 $0x280;
	[sflag:s13] =	ssyncset.done @p0 $0x0  }
0x108: {  	s15 =	simm.s32 @p0 $0x5800;
	[sflag:s13] =	ssyncadd.s32 @p0 $0xFFFFD800;
	s13 =	simm.s32 @p0 $0x50  }
0x109: {  	[spmem:s2] =	stream.indirect.scatter.add.f32 @p0 [tilespmem:s15], [sflag:$0xD], $0x80, s14, s13, $0xb8;
	[tilespmem:$0x1E800] =	vst v63  }
0x10a: {  	s13 =	simm.s32 @p0 $0xD  }
0x10b: {  	p1 =	sgt.u32 @p0 s12, $0x78;
	_ =	swait.ge @p0 [sflag:s13], $0x2800  }
0x10c: {  	p2 =	por p1, !p0;
	[sflag:s13] =	ssyncset.done @p0 $0x0  }
0x10d: {  	[sflag:s13] =	ssyncadd.s32 @p0 $0xFFFFD800;
	s13 =	simm.s32 @!p2 $0xB  }
0x10e: {  	_ =	swait.ge @!p2 [sflag:s13], $0x50  }
0x10f: {  	[sflag:s13] =	ssyncset.done @!p2 $0x0  }
0x110: {  	[sflag:s13] =	ssyncadd.s32 @!p2 $0xFFFFFFB0  }
0x111: {  	_ =	swait.ge @!p2 [sflag:s13], $0x50  }
0x112: {  	s14 =	simm.s32 @!p2 $0x600;
	[sflag:s13] =	ssyncset.done @!p2 $0x0  }
0x113: {  	s15 =	simm.s32 @!p2 $0x5800;
	[sflag:s13] =	ssyncadd.s32 @!p2 $0xFFFFFFB0;
	s13 =	simm.s32 @!p2 $0x50  }
0x114: {  	[tilespmem:s15], [sflag:$0x3] =	stream.indirect.gather @!p2 [hbm4b:s22+s13], $0x80, s14, s13, $0xb8;
	[tilespmem:$0x1E800] =	vst v63  }
0x115: {  	p2 =	sgt.u32 @!p2 s12, $0x74  }
0x116: {  	p1 =	por @p0 p2, p1  }
0x117: {  	p1 =	por p1, !p0  }
0x118: {  	s13 =	simm.s32 @!p1 $0x0;
	s14 =	simm.s32 @!p1 $0x200  }
0x119: {  	[tilespmem:s14], [sflag:$0x7] =	stream.linear.gather @!p1 [hbm4b:s21+s13], $0x50, $0x38;
	[tilespmem:$0x1E800] =	vst v63  }
0x11a: {  	s14 =	simm.s32 @!p1 $0x280  }
0x11b: {  	[tilespmem:s14], [sflag:$0x7] =	stream.linear.gather @!p1 [hbm4b:s20+s13], $0x50, $0x38;
	[tilespmem:$0x1E800] =	vst v63  }
0x11c: {  	s13 =	simm.s32 @!p0 $0x4  }
0x11d: {  	_ =	swait.ge @!p0 [sflag:s13], $0x2800  }
0x11e: {  	s15 =	simm.s32 @!p0 $0x8000;
	[sflag:s13] =	ssyncset.done @!p0 $0x0  }
0x11f: {  	s14 =	simm.s32 @!p0 $0x380;
	[sflag:s13] =	ssyncadd.s32 @!p0 $0xFFFFD800;
	s13 =	simm.s32 @!p0 $0x50  }
0x120: {  	[spmem:s2] =	stream.indirect.scatter.add.f32 @!p0 [tilespmem:s15], [sflag:$0xD], $0x80, s14, s13, $0xb8;
	[tilespmem:$0x1E800] =	vst v63  }
0x121: {  	s13 =	simm.s32 @!p0 $0xD  }
0x122: {  	p1 =	sgt.u32 @!p0 s12, $0x78;
	_ =	swait.ge @!p0 [sflag:s13], $0x2800  }
0x123: {  	p2 =	por p1, p0;
	[sflag:s13] =	ssyncset.done @!p0 $0x0  }
0x124: {  	[sflag:s13] =	ssyncadd.s32 @!p0 $0xFFFFD800;
	s13 =	simm.s32 @!p2 $0xC  }
0x125: {  	_ =	swait.ge @!p2 [sflag:s13], $0x50  }
0x126: {  	[sflag:s13] =	ssyncset.done @!p2 $0x0  }
0x127: {  	[sflag:s13] =	ssyncadd.s32 @!p2 $0xFFFFFFB0  }
0x128: {  	_ =	swait.ge @!p2 [sflag:s13], $0x50  }
0x129: {  	s14 =	simm.s32 @!p2 $0x700;
	[sflag:s13] =	ssyncset.done @!p2 $0x0  }
0x12a: {  	s15 =	simm.s32 @!p2 $0x8000;
	[sflag:s13] =	ssyncadd.s32 @!p2 $0xFFFFFFB0;
	s13 =	simm.s32 @!p2 $0x50  }
0x12b: {  	[tilespmem:s15], [sflag:$0x4] =	stream.indirect.gather @!p2 [hbm4b:s22+s13], $0x80, s14, s13, $0xb8;
	[tilespmem:$0x1E800] =	vst v63  }
0x12c: {  	p2 =	sgt.u32 @!p2 s12, $0x74  }
0x12d: {  	p1 =	por @!p0 p2, p1  }
.Ltmp9:
0x12e: {  	p0 =	por p1, p0;
	(pc) =	sbr.rel .LBB2_9-.Ltmp9, $4  }
0x12f: {  	s13 =	simm.s32 @!p0 $0x0;
	s14 =	simm.s32 @!p0 $0x300  }
0x130: {  	[tilespmem:s14], [sflag:$0x8] =	stream.linear.gather @!p0 [hbm4b:s21+s13], $0x50, $0x38;
	[tilespmem:$0x1E800] =	vst v63  }
0x131: {  	s14 =	simm.s32 @!p0 $0x380  }
0x132: {  	[tilespmem:s14], [sflag:$0x8] =	stream.linear.gather @!p0 [hbm4b:s20+s13], $0x50, $0x38;
	[tilespmem:$0x1E800] =	vst v63  }
.LBB2_11:
0x133: {  	_ =	sfence.sel $0x180000  }
0x134: {  	[bflag:$0x0] =	sbarrier.arrive $0xFFFF  }
0x135: {  	_ =	strace $0x9000004A  }
0x136: {  	s0 =	stileid.u32;
	[bflag:$0x2] =	sbarrier.arrive $0xFFFF  }
0x137: {  	p0 =	sne.s32 s0, $0x0;
	s0 =	rddreg [dreg:$0x3]  }
0x138: {  	s0 =	sadd.s32 @!p0 $0x100000, s0  }
0x139: {  	[sflag:s0] =	ssyncadd.tile.s32 @!p0 $0x1;
	_ =	shalt  }
.Lfunc_end2:
_tile_overlayer_lowered:
.L_overlay_start_2:
0x13a: {  	(tag) =	ssettag $0x2  }
0x13b: {  	s0 =	rddreg [dreg:$0x0];
	s2 =	stileid.u32  }
0x13c: {  	s1 =	rddreg [dreg:$0x1];
	p0 =	sne.s32 s2, $0x0  }
0x13d: {  	s3 =	rddreg [dreg:$0x2];
	[bflag:$0x3] =	sbarrier.arrive $0xFFFF;
	s2 =	simm.s32 @!p0 $0x1C0D  }
0x13e: {  	[timem:s3], [sflag:s2] =	dma.local @!p0 [hbm:s0], s1  }
0x13f: {  	s0 =	simm.s32 @!p0 $0xD  }
0x140: {  	_ =	swait.ge @!p0 [sflag:s0], s1  }
0x141: {  	s1 =	ssub.s32 @!p0 $0x0, s1;
	[sflag:s0] =	ssyncset.done @!p0 $0x0  }
0x142: {  	[sflag:s0] =	ssyncadd.s32 @!p0 s1  }
0x143: {  	[bflag:$0x3] =	sbarrier.arrive $0xFFFF  }
0x144: {  	_ =	shalt  }

// kernel: kernel.14.cloned.1.call-start
scs
__scs_entry_jumppad:
0x0: {  	(pc) =	sbr.rel $0x88, $3  }
0x1: {  	(tag) =	ssettag $0x0;
	lr =	simm.s32 $0x1  }
0x2: {  	[smem:$0x3F9B] =	sst lr;
	_ =	strace $0xD0000000  }
0x3: {  	_ = 	snop  }
0x4: {  	_ = 	snop  }
0x5: {  	_ = 	snop  }
0x6: {  	_ = 	snop  }
0x7: {  	_ = 	snop  }
__scs_overlays_trampoline_lowered:
0x8: {  	[smem:$0x3FAA] =	sst s0  }
0x9: {  	[smem:$0x3FAB] =	sst s1  }
0xa: {  	[smem:$0x3FAC] =	sst s2  }
0xb: {  	[smem:$0x3FAD] =	sst s3  }
0xc: {  	[smem:$0x3FAE] =	sst s4  }
0xd: {  	[smem:$0x3FAF] =	sst s5  }
0xe: {  	[smem:$0x3FB0] =	sst s6  }
0xf: {  	[smem:$0x3FB1] =	sst s7  }
0x10: {  	[smem:$0x3FB2] =	sst s8  }
0x11: {  	[smem:$0x3FB3] =	sst s9;
	s0 =	simm.s32 @!p0 $0x0  }
0x12: {  	s1 =	sld [smem:$0x3F99];
	s0 =	simm.s32 @p0 $0x1  }
0x13: {  	[smem:$0x3FB4] =	sst s0;
	s0 =	simm.s32 @!p1 $0x0  }
0x14: {  	s2 =	sld [smem:$0x3F98];
	s0 =	simm.s32 @p1 $0x1  }
0x15: {  	[smem:$0x3FB5] =	sst s0;
	s0 =	simm.s32 @!p2 $0x0  }
0x16: {  	s3 =	sld [smem:$0x3FDB];
	s0 =	simm.s32 @p2 $0x1  }
0x17: {  	s4 =	simm.s32 $0x1BF5;
	[smem:$0x3FB7] =	sst s0  }
0x18: {  	s0 =	sld [smem:$0x3F9A];
	_ =	swait.ge [sflag:s4], $0x0  }
0x19: {  	s7 =	sld [smem:$0x3F9B]  }
0x1a: {  	s8 =	sadd.s32 $0xFFFFE003, lr  }
0x1b: {  	s9 =	sadd.s32 $0xFFFFFEF7, lr;
	s5 =	simm.s32 $0xFFFFFFFF;
	p2 =	slt.u32 s8, $0xFFFFF086  }
0x1c: {  	p1 =	slt.u32 s9, $0xF7A;
	s5 =	simm.s32 @!p2 $0x0  }
0x1d: {  	s5 =	simm.s32 @p1 $0x1;
	p0 =	seq.s32 s7, s2  }
0x1e: {  	s7 =	smul.u32 @!p0 $0xF7A, s2;
	p2 =	seq.s32 @!p0 s5, $0x0  }
0x1f: {  	s9 =	smul.u32 $0xF7A, s1;
	s8 =	simm.s32 @!p0 $0x1BF5;
	p2 =	por !p2, p0  }
0x20: {  	[sflag:s8] =	ssyncset.s32 @!p0 $0xFFFFF086;
	s6 =	sadd.s32 @!p0 s3, s7;
	s7 =	simm.s32 @!p0 $0x108  }
0x21: {  	s3 =	sadd.s32 s3, s9;
	s6 =	sadd.s32 @!p0 $0x88, s6;
	s7 =	simm.s32 @p2 $0x1082  }
0x22: {  	[simem:s7], [sflag:s8] =	dma.local @!p0 [hbm:s6], $0xF7A  }
0x23: {  	s9 =	sor.u32 $0xD0000000, s2;
	s6 =	simm.s32 $0x108;
	_ =	swait.ge @!p0 [sflag:s8], $0x0  }
0x24: {  	s3 =	sadd.s32 $0x88, s3;
	s6 =	simm.s32 @!p1 $0x1082;
	[sflag:s4] =	ssyncset.s32 $0xFFFFF086  }
0x25: {  	[simem:s6], [sflag:s4] =	dma.local [hbm:s3], $0xF7A  }
0x26: {  	[smem:$0x3F9B] =	sst s1;
	(tag) =	ssettag s2;
	_ =	strace s9  }
0x27: {  	s1 =	sld [smem:$0x3FAB]  }
0x28: {  	s2 =	sld [smem:$0x3FAC]  }
0x29: {  	s4 =	sld [smem:$0x3FAE]  }
0x2a: {  	p0 =	seq.s32 s5, $0x0;
	s5 =	sld [smem:$0x3FAF]  }
0x2b: {  	s6 =	sld [smem:$0x3FB0]  }
0x2c: {  	s7 =	sld [smem:$0x3FB1]  }
0x2d: {  	s3 =	simm.s32 $0x108;
	s8 =	sld [smem:$0x3FB2]  }
0x2e: {  	s3 =	simm.s32 @!p0 $0x1082;
	s9 =	sld [smem:$0x3FB3]  }
0x2f: {  	lr =	sadd.s32 s0, s3;
	s0 =	sld [smem:$0x3FAA]  }
0x30: {  	s3 =	sld [smem:$0x3FAD]  }
0x31: {  	[smem:$0x3FB6] =	sst s10  }
0x32: {  	s10 =	sld [smem:$0x3FB4];
	_ =	sdelay $0x3  }
0x33: {  	p0 =	seq.s32 s10, $0x1;
	s10 =	sld [smem:$0x3FB6];
	_ =	sdelay $0x3  }
0x34: {  	[smem:$0x3FB6] =	sst s10  }
0x35: {  	s10 =	sld [smem:$0x3FB5];
	_ =	sdelay $0x3  }
0x36: {  	p1 =	seq.s32 s10, $0x1;
	s10 =	sld [smem:$0x3FB6];
	_ =	sdelay $0x3  }
0x37: {  	[smem:$0x3FB6] =	sst s10  }
0x38: {  	s10 =	sld [smem:$0x3FB7]  }
0x39: {  	_ = 	snop;
	(pc) =	sbr.ind lr, $3  }
0x3a: {  	_ = 	snop  }
0x3b: {  	_ = 	snop  }
0x3c: {  	p2 =	seq.s32 s10, $0x1;
	s10 =	sld [smem:$0x3FB6]  }
0x3d: {  	_ =	shalt  }
0x3e: {  	_ =	shalt  }
0x3f: {  	_ =	shalt  }
0x40: {  	_ =	shalt  }
0x41: {  	_ =	shalt  }
0x42: {  	_ =	shalt  }
0x43: {  	_ =	shalt  }
0x44: {  	_ =	shalt  }
0x45: {  	_ =	shalt  }
0x46: {  	_ =	shalt  }
0x47: {  	_ =	shalt  }
0x48: {  	_ =	shalt  }
0x49: {  	_ =	shalt  }
0x4a: {  	_ =	shalt  }
0x4b: {  	_ =	shalt  }
0x4c: {  	_ =	shalt  }
0x4d: {  	_ =	shalt  }
0x4e: {  	_ =	shalt  }
0x4f: {  	_ =	shalt  }
0x50: {  	_ =	shalt  }
0x51: {  	_ =	shalt  }
0x52: {  	_ =	shalt  }
0x53: {  	_ =	shalt  }
0x54: {  	_ =	shalt  }
0x55: {  	_ =	shalt  }
0x56: {  	_ =	shalt  }
0x57: {  	_ =	shalt  }
0x58: {  	_ =	shalt  }
0x59: {  	_ =	shalt  }
0x5a: {  	_ =	shalt  }
0x5b: {  	_ =	shalt  }
0x5c: {  	_ =	shalt  }
0x5d: {  	_ =	shalt  }
0x5e: {  	_ =	shalt  }
0x5f: {  	_ =	shalt  }
0x60: {  	_ =	shalt  }
0x61: {  	_ =	shalt  }
0x62: {  	_ =	shalt  }
0x63: {  	_ =	shalt  }
0x64: {  	_ =	shalt  }
0x65: {  	_ =	shalt  }
0x66: {  	_ =	shalt  }
0x67: {  	_ =	shalt  }
0x68: {  	_ =	shalt  }
0x69: {  	_ =	shalt  }
0x6a: {  	_ =	shalt  }
0x6b: {  	_ =	shalt  }
0x6c: {  	_ =	shalt  }
0x6d: {  	_ =	shalt  }
0x6e: {  	_ =	shalt  }
0x6f: {  	_ =	shalt  }
0x70: {  	_ =	shalt  }
0x71: {  	_ =	shalt  }
0x72: {  	_ =	shalt  }
0x73: {  	_ =	shalt  }
0x74: {  	_ =	shalt  }
0x75: {  	_ =	shalt  }
0x76: {  	_ =	shalt  }
0x77: {  	_ =	shalt  }
0x78: {  	_ =	shalt  }
0x79: {  	_ =	shalt  }
0x7a: {  	_ =	shalt  }
0x7b: {  	_ =	shalt  }
0x7c: {  	_ =	shalt  }
0x7d: {  	_ =	shalt  }
0x7e: {  	_ =	shalt  }
0x7f: {  	_ =	shalt  }
0x80: {  	_ =	shalt  }
0x81: {  	_ =	shalt  }
0x82: {  	_ =	shalt  }
0x83: {  	_ =	shalt  }
0x84: {  	_ =	shalt  }
0x85: {  	_ =	shalt  }
0x86: {  	_ =	shalt  }
0x87: {  	_ =	shalt  }
.Lfunc_end0:
.L_simem_size_0:
called_computation.2_lowered:
.L_overlay_start_0:
0x88: {  	s2 =	sld [smem:$0x3FD9]  }
0x89: {  	s3 =	sld [smem:$0x3FFE];
	_ =	sdelay $0x1  }
0x8a: {  	s1 =	srdreg.scid  }
0x8b: {  	s0 =	sand.u32 $0x1, s1  }
0x8c: {  	s17 =	sshll.u32 s0, $0xA;
	s2 =	sadd.s32 s3, s2  }
0x8d: {  	s2 =	sadd.s32 s2, s17  }
0x8e: {  	[smem:$0x3FC2] =	sst s2  }
0x8f: {  	_ = 	snop  }
0x90: {  	s2 =	sld [smem:$0x3FD0];
	(tm) =	ssettm $0x1  }
0x91: {  	s18 =	sld [smem:$0x3FFB];
	_ =	sdelay $0x3  }
0x92: {  	_ =	strace s18  }
0x93: {  	s3 =	sld [smem:$0x3FFC];
	_ =	sdelay $0x3  }
0x94: {  	_ =	strace s3  }
0x95: {  	s3 =	sld [smem:$0x3FFD];
	_ =	sdelay $0x3  }
0x96: {  	_ =	strace s3  }
0x97: {  	_ =	strace $0x8FFFFFFF  }
0x98: {  	s19 =	sld [smem:$0x3FDB];
	_ =	sdelay $0x1  }
0x99: {  	s4 =	simm.s32 $_scs_section_size  }
0x9a: {  	s5 =	simm.s32 $_size__tile_overlayer_lowered;
	s6 =	simm.s32 $_tile_overlayer_lowered  }
0x9b: {  	s22 =	simm.s32 $0x1BFF;
	s21 =	sshll.u32 s6, $0x1;
	s3 =	sadd.s32 s4, s19  }
0x9c: {  	s7 =	simm.s32 $0x0;
	s20 =	sshll.u32 s5, $0x1;
	s5 =	sadd.s32 s21, s3  }
0x9d: {  	[timem:s7], [sflag:s22] =	dma.local [hbm:s5], s20  }
0x9e: {  	_ =	swait.ge [sflag:s22], s20  }
0x9f: {  	s4 =	ssub.s32 $0x0, s20;
	[sflag:s22] =	ssyncset.done $0x0  }
0xa0: {  	[sflag:s22] =	ssyncadd.s32 s4;
	_ =	sdelay $0x1  }
0xa1: {  	s23 =	simm.s32 $0x1B8B  }
0xa2: {  	_ =	swait.ge [sflag:s23], $0x1  }
0xa3: {  	[sflag:s23] =	ssyncset.done $0x0  }
0xa4: {  	s25 =	simm.s32 $0x1B8E;
	s24 =	sld [smem:$0x3FFE];
	[sflag:s23] =	ssyncadd.s32 $0xFFFFFFFF  }
0xa5: {  	s26 =	simm.s32 $execute0_lowered;
	[smem:$0x3FD2] =	sst s25  }
0xa6: {  	s5 =	sshll.u32 s26, $0x1;
	_ =	strace $0x8000004C;
	[dreg:$0x1] =	wrdreg $0xFFFFFFFF  }
0xa7: {  	s28 =	simm.s32 $_size_execute0_lowered;
	s3 =	sadd.s32 s3, s5;
	[dreg:$0x0] =	wrdreg $0x0  }
0xa8: {  	s5 =	sshll.u32 s28, $0x1;
	[dreg:$0x2] =	wrdreg s3  }
0xa9: {  	[dreg:$0x3] =	wrdreg s5  }
0xaa: {  	[dreg:$0x4] =	wrdreg $0xC0  }
0xab: {  	_ =	task [dreg:s7], $0x5FFFF  }
0xac: {  	[dreg:$0x1] =	wrdreg $0xFFFFFFFF  }
0xad: {  	[dreg:$0x0] =	wrdreg $0x60  }
0xae: {  	[dreg:$0x2] =	wrdreg s24  }
0xaf: {  	[dreg:$0x3] =	wrdreg s2  }
0xb0: {  	[dreg:$0x4] =	wrdreg $0xA8000  }
0xb1: {  	[dreg:$0x5] =	wrdreg $0x9  }
0xb2: {  	_ =	task.clear_ibuf [dreg:s7], $0x6FFFF;
	_ =	strace $0x9000004C  }
0xb3: {  	s29 =	simm.s32 $0x9;
	_ =	strace $0x8000004E  }
0xb4: {  	_ =	swait.ge [sflag:s29], $0x1  }
0xb5: {  	[sflag:s29] =	ssyncadd.s32 $0xFFFFFFFF  }
0xb6: {  	_ =	strace $0x9000004E  }
0xb7: {  	_ =	sfence  }
0xb8: {  	s30 =	sld [smem:$0x0];
	_ =	sdelay $0x2  }
0xb9: {  	s31 =	sshll.u32 s1, $0xD;
	s1 =	sshrl.u32 s1, $0x2  }
0xba: {  	s3 =	sand.u32 $0x4000, s31;
	s1 =	sadd.s32 s1, s30  }
0xbb: {  	s0 =	sor.u32 s3, s0;
	s1 =	sshll.u32 s1, $0x11  }
0xbc: {  	s0 =	sor.u32 s1, s0  }
0xbd: {  	s0 =	sadd.s32 $0x8F2B, s0  }
0xbe: {  	[sflag:s0] =	ssyncadd.remote.s32 $0x1  }
0xbf: {  	_ =	sfence.sel $0xFFFF  }
0xc0: {  	[dreg:$0x0] =	wrdreg $0xFFFFFFFF;
	(pc) =	sbr.abs _section_cstart, $3  }
0xc1: {  	[dreg:$0x1] =	wrdreg $0xFFFFFFFF  }
0xc2: {  	_ =	task.clear_ibuf [dreg:s7], $0x2FFFF;
	_ =	strace $0x9FFFFFFF  }
0xc3: {  	(tm) =	ssettm $0x7FFFFFFF  }
tec
execute0_lowered:
.L_overlay_start_1:
0x0: {  	(tag) =	ssettag $0x1  }
0x1: {  	s0 =	rddreg [dreg:$0x0];
	s1 =	srdreg.scid  }
0x2: {  	s4 =	rddreg [dreg:$0x1];
	s12 =	stileid.u32  }
0x3: {  	s2 =	rddreg [dreg:$0x2];
	s6 =	smul.u32 $0x14000, s12  }
0x4: {  	s29 =	simm.s32 $0xD;
	s31 =	simm.s32 $0x100;
	s17 =	smul.u32 $0x2710, s12  }
0x5: {  	s30 =	simm.s32 $0x5;
	s1 =	sand.u32 $0x1, s1;
	s20 =	smul.u32 $0x50000, s12  }
0x6: {  	s8 =	sadd.s32 $0x1800, s0;
	s5 =	smul.u32 $0x140000, s1;
	s3 =	sshll.u32 s1, $0x4  }
0x7: {  	s9 =	ssub.s32 $0x2, s1;
	s1 =	smul.u32 $0x27100, s1;
	s7 =	sor.u32 s12, s3  }
0x8: {  	s3 =	simm.s32 $0x0;
	s21 =	sshrl.u32 s9, $0x1;
	s7 =	smul.u32 $0x2710, s7  }
0x9: {  	[smem:$0x7FF] =	sst s3;
	s5 =	sadd.s32 s6, s5;
	s1 =	sadd.s32 s17, s1  }
0xa: {  	s6 =	ssub.s32 s9, s21;
	s5 =	sshrl.u32 s5, $0x3;
	s1 =	sadd.s32 $0x280, s1  }
0xb: {  	s28 =	smax.u32 s6, $0x1;
	s6 =	simm.s32 $0x7;
	s7 =	sshrl.u32 s7, $0x3  }
0xc: {  	s1 =	sshrl.u32 s1, $0x3;
	s21 =	sadd.s32 s5, s0;
	s5 =	simm.s32 $0x6  }
0xd: {  	s22 =	sadd.s32 $0xA, s7;
	s10 =	sadd.s32 s4, s7;
	s23 =	sadd.s32 s8, s7  }
0xe: {  	s25 =	sadd.s32 $0x14, s7;
	s26 =	sadd.s32 $0x1E, s7;
	s14 =	sadd.s32 $0x28, s7  }
0xf: {  	s16 =	sadd.s32 $0x32, s7;
	s19 =	sadd.s32 $0x3C, s7;
	[dreg:$0x4] =	wrdreg s10  }
0x10: {  	s7 =	sadd.s32 $0x46, s7;
	[dreg:$0x5] =	wrdreg s23;
	s24 =	sadd.s32 s4, s22  }
0x11: {  	s9 =	sadd.s32 s8, s22;
	s11 =	sadd.s32 s4, s25;
	[dreg:$0x6] =	wrdreg s24  }
0x12: {  	s13 =	sadd.s32 s8, s26;
	s15 =	sadd.s32 s4, s14;
	[dreg:$0x7] =	wrdreg s9  }
0x13: {  	s18 =	sadd.s32 s4, s16;
	s10 =	sadd.s32 s8, s16;
	[dreg:$0x8] =	wrdreg s11  }
0x14: {  	s16 =	sadd.s32 s4, s19;
	s17 =	sadd.s32 s8, s19;
	[dreg:$0xb] =	wrdreg s13  }
0x15: {  	s19 =	sadd.s32 s8, s7;
	s22 =	sadd.s32 $0xDE00, s0;
	[dreg:$0xc] =	wrdreg s15  }
0x16: {  	s23 =	sadd.s32 $0xB600, s0;
	s0 =	simm.s32 $0x200;
	[dreg:$0xe] =	wrdreg s18  }
0x17: {  	s9 =	sadd.s32 s8, s25;
	s11 =	sadd.s32 s4, s26;
	[dreg:$0xf] =	wrdreg s10  }
0x18: {  	s18 =	sadd.s32 s4, s7;
	s10 =	sadd.s32 s1, s4;
	s25 =	sshrl.u32 s20, $0x2  }
.Ltmp0:
0x19: {  	s26 =	sshll.u32 s12, $0x6;
	[dreg:$0x9] =	wrdreg s9;
	(pc) =	sbr.rel .LBB2_1-.Ltmp0, $4  }
0x1a: {  	s4 =	simm.s32 $0x50;
	s7 =	simm.s32 $0x8;
	[dreg:$0xa] =	wrdreg s11  }
0x1b: {  	s9 =	sadd.s32 s8, s14;
	s11 =	sadd.s32 s1, s8;
	s24 =	sadd.s32 s25, s2  }
0x1c: {  	s25 =	sor.u32 $0x1C0D, s26;
	s26 =	sadd.s32 $0x35E00, s21;
	[dreg:$0xd] =	wrdreg s9  }
0x1d: {  	s1 =	simm.s32 $0x300;
	s8 =	simm.s32 $0x0;
	_ =	strace $0x8000004D  }
.LBB2_10:
0x1e: {  	s8 =	sadd.s32 $0x1, s8  }
0x1f: {  	p0 =	sne.s32 s8, s28  }
.Ltmp1:
0x20: {  	[bflag:$0x0] =	sbarrier.arrive $0xFFFF;
	(pc) =	sbr.rel @!p0 .LBB2_11-.Ltmp1, $4  }
0x21: {  	[hbm:s26], [sflag:s25] =	dma.local [spmem:s9], $0x2800  }
0x22: {  	_ =	swait.ge [sflag:s29], $0x2800  }
0x23: {  	[sflag:s29] =	ssyncset.done $0x0  }
0x24: {  	[sflag:s29] =	ssyncadd.s32 $0xFFFFD800  }
.LBB2_1:
0x25: {  	s9 =	sshrl.u32 s24, $0x3  }
0x26: {  	[spmem:s9], [sflag:s25] =	dma.local [hbm:s23], $0x2800  }
0x27: {  	_ =	swait.ge [sflag:s29], $0x2800  }
0x28: {  	[sflag:s29] =	ssyncset.done $0x0  }
0x29: {  	[sflag:s29] =	ssyncadd.s32 $0xFFFFD800  }
0x2a: {  	[bflag:$0x0] =	sbarrier.arrive $0xFFFF  }
0x2b: {  	s12 =	rddreg [dreg:$0x4]  }
0x2c: {  	[tilespmem:s3], [sflag:$0x5] =	stream.linear.gather [hbm4b:s12+s3], $0x50, $0x38;
	[tilespmem:$0x1E800] =	vst v63  }
0x2d: {  	s13 =	simm.s32 $0x80;
	s20 =	rddreg [dreg:$0x5]  }
0x2e: {  	[tilespmem:s13], [sflag:$0x5] =	stream.linear.gather [hbm4b:s20+s3], $0x50, $0x38;
	[tilespmem:$0x1E800] =	vst v63  }
0x2f: {  	s21 =	rddreg [dreg:$0x6]  }
0x30: {  	[tilespmem:s31], [sflag:$0x6] =	stream.linear.gather [hbm4b:s21+s3], $0x50, $0x38;
	[tilespmem:$0x1E800] =	vst v63  }
0x31: {  	s14 =	simm.s32 $0x180;
	s13 =	rddreg [dreg:$0x7]  }
0x32: {  	[tilespmem:s14], [sflag:$0x6] =	stream.linear.gather [hbm4b:s13+s3], $0x50, $0x38;
	[tilespmem:$0x1E800] =	vst v63  }
0x33: {  	s15 =	rddreg [dreg:$0x8]  }
0x34: {  	[tilespmem:s0], [sflag:$0x7] =	stream.linear.gather [hbm4b:s15+s3], $0x50, $0x38;
	[tilespmem:$0x1E800] =	vst v63  }
0x35: {  	s20 =	rddreg [dreg:$0x9];
	s21 =	simm.s32 $0x280  }
0x36: {  	[tilespmem:s21], [sflag:$0x7] =	stream.linear.gather [hbm4b:s20+s3], $0x50, $0x38;
	[tilespmem:$0x1E800] =	vst v63  }
0x37: {  	s13 =	rddreg [dreg:$0xa]  }
0x38: {  	[tilespmem:s1], [sflag:$0x8] =	stream.linear.gather [hbm4b:s13+s3], $0x50, $0x38;
	[tilespmem:$0x1E800] =	vst v63  }
0x39: {  	s14 =	rddreg [dreg:$0xb];
	s15 =	simm.s32 $0x380  }
0x3a: {  	[tilespmem:s15], [sflag:$0x8] =	stream.linear.gather [hbm4b:s14+s3], $0x50, $0x38;
	[tilespmem:$0x1E800] =	vst v63  }
0x3b: {  	s20 =	rddreg [dreg:$0xc];
	s21 =	simm.s32 $0x400  }
0x3c: {  	[tilespmem:s21], [sflag:$0x9] =	stream.linear.gather [hbm4b:s20+s3], $0x50, $0x38;
	[tilespmem:$0x1E800] =	vst v63  }
0x3d: {  	s14 =	rddreg [dreg:$0xd];
	s15 =	simm.s32 $0x480  }
0x3e: {  	[tilespmem:s15], [sflag:$0x9] =	stream.linear.gather [hbm4b:s14+s3], $0x50, $0x38;
	[tilespmem:$0x1E800] =	vst v63  }
0x3f: {  	s20 =	rddreg [dreg:$0xe];
	s21 =	simm.s32 $0x500  }
0x40: {  	[tilespmem:s21], [sflag:$0xA] =	stream.linear.gather [hbm4b:s20+s3], $0x50, $0x38;
	[tilespmem:$0x1E800] =	vst v63  }
0x41: {  	s13 =	rddreg [dreg:$0xf];
	s14 =	simm.s32 $0x580  }
0x42: {  	[tilespmem:s14], [sflag:$0xA] =	stream.linear.gather [hbm4b:s13+s3], $0x50, $0x38;
	[tilespmem:$0x1E800] =	vst v63  }
0x43: {  	s15 =	simm.s32 $0x600  }
0x44: {  	[tilespmem:s15], [sflag:$0xB] =	stream.linear.gather [hbm4b:s16+s3], $0x50, $0x38;
	[tilespmem:$0x1E800] =	vst v63  }
0x45: {  	s20 =	simm.s32 $0x680  }
0x46: {  	[tilespmem:s20], [sflag:$0xB] =	stream.linear.gather [hbm4b:s17+s3], $0x50, $0x38;
	[tilespmem:$0x1E800] =	vst v63  }
0x47: {  	s21 =	simm.s32 $0x700  }
0x48: {  	[tilespmem:s21], [sflag:$0xC] =	stream.linear.gather [hbm4b:s18+s3], $0x50, $0x38;
	[tilespmem:$0x1E800] =	vst v63  }
0x49: {  	s13 =	simm.s32 $0x780  }
0x4a: {  	[tilespmem:s13], [sflag:$0xC] =	stream.linear.gather [hbm4b:s19+s3], $0x50, $0x38;
	[tilespmem:$0x1E800] =	vst v63  }
0x4b: {  	_ =	swait.ge [sflag:s30], $0x50  }
0x4c: {  	[sflag:s30] =	ssyncset.done $0x0  }
0x4d: {  	[sflag:s30] =	ssyncadd.s32 $0xFFFFFFB0  }
0x4e: {  	_ =	swait.ge [sflag:s30], $0x50  }
0x4f: {  	[sflag:s30] =	ssyncset.done $0x0  }
0x50: {  	s14 =	simm.s32 $0x800;
	[sflag:s30] =	ssyncadd.s32 $0xFFFFFFB0  }
0x51: {  	[tilespmem:s14], [sflag:$0x1] =	stream.indirect.gather [hbm4b:s22+s4], $0x80, s3, s4, $0xb8;
	[tilespmem:$0x1E800] =	vst v63  }
0x52: {  	_ =	swait.ge [sflag:s5], $0x50  }
0x53: {  	[sflag:s5] =	ssyncset.done $0x0  }
0x54: {  	[sflag:s5] =	ssyncadd.s32 $0xFFFFFFB0  }
0x55: {  	_ =	swait.ge [sflag:s5], $0x50  }
0x56: {  	[sflag:s5] =	ssyncset.done $0x0  }
0x57: {  	s15 =	simm.s32 $0x3000;
	[sflag:s5] =	ssyncadd.s32 $0xFFFFFFB0  }
0x58: {  	[tilespmem:s15], [sflag:$0x2] =	stream.indirect.gather [hbm4b:s22+s4], $0x80, s31, s4, $0xb8;
	[tilespmem:$0x1E800] =	vst v63  }
0x59: {  	_ =	swait.ge [sflag:s6], $0x50  }
0x5a: {  	[sflag:s6] =	ssyncset.done $0x0  }
0x5b: {  	[sflag:s6] =	ssyncadd.s32 $0xFFFFFFB0  }
0x5c: {  	_ =	swait.ge [sflag:s6], $0x50  }
0x5d: {  	[sflag:s6] =	ssyncset.done $0x0  }
0x5e: {  	s20 =	simm.s32 $0x5800;
	[sflag:s6] =	ssyncadd.s32 $0xFFFFFFB0  }
0x5f: {  	[tilespmem:s20], [sflag:$0x3] =	stream.indirect.gather [hbm4b:s22+s4], $0x80, s0, s4, $0xb8;
	[tilespmem:$0x1E800] =	vst v63  }
0x60: {  	_ =	swait.ge [sflag:s7], $0x50  }
0x61: {  	[sflag:s7] =	ssyncset.done $0x0  }
0x62: {  	[sflag:s7] =	ssyncadd.s32 $0xFFFFFFB0  }
.Ltmp2:
0x63: {  	_ =	swait.ge [sflag:s7], $0x50;
	(pc) =	sbr.rel .LBB2_2-.Ltmp2, $4  }
0x64: {  	[sflag:s7] =	ssyncset.done $0x0  }
0x65: {  	s21 =	simm.s32 $0x8000;
	[sflag:s7] =	ssyncadd.s32 $0xFFFFFFB0  }
0x66: {  	[tilespmem:s21], [sflag:$0x4] =	stream.indirect.gather [hbm4b:s22+s4], $0x80, s1, s4, $0xb8;
	[tilespmem:$0x1E800] =	vst v63  }
0x67: {  	s12 =	simm.s32 $0x0;
	s20 =	smov.u32 s11;
	s21 =	smov.u32 s10  }
.LBB2_8:
0x68: {  	p0 =	seq.s32 s13, $0x6  }
0x69: {  	s13 =	simm.s32 @p0 $0x3  }
0x6a: {  	_ =	swait.ge @p0 [sflag:s13], $0x2800  }
0x6b: {  	s14 =	simm.s32 @p0 $0x680;
	[sflag:s13] =	ssyncset.done @p0 $0x0  }
0x6c: {  	s15 =	simm.s32 @p0 $0x5800;
	[sflag:s13] =	ssyncadd.s32 @p0 $0xFFFFD800;
	s13 =	simm.s32 @p0 $0x50  }
0x6d: {  	[spmem:s2] =	stream.indirect.scatter.add.f32 @p0 [tilespmem:s15], [sflag:$0xD], $0x80, s14, s13, $0xb8;
	[tilespmem:$0x1E800] =	vst v63  }
0x6e: {  	s13 =	simm.s32 @p0 $0xD  }
0x6f: {  	p1 =	sgt.u32 @p0 s12, $0x78;
	_ =	swait.ge @p0 [sflag:s13], $0x2800  }
0x70: {  	p2 =	por p1, !p0;
	[sflag:s13] =	ssyncset.done @p0 $0x0  }
0x71: {  	[sflag:s13] =	ssyncadd.s32 @p0 $0xFFFFD800;
	s13 =	simm.s32 @!p2 $0x7  }
0x72: {  	_ =	swait.ge @!p2 [sflag:s13], $0x50  }
0x73: {  	[sflag:s13] =	ssyncset.done @!p2 $0x0  }
0x74: {  	[sflag:s13] =	ssyncadd.s32 @!p2 $0xFFFFFFB0  }
0x75: {  	_ =	swait.ge @!p2 [sflag:s13], $0x50  }
0x76: {  	s14 =	simm.s32 @!p2 $0x200;
	[sflag:s13] =	ssyncset.done @!p2 $0x0  }
0x77: {  	s15 =	simm.s32 @!p2 $0x5800;
	[sflag:s13] =	ssyncadd.s32 @!p2 $0xFFFFFFB0;
	s13 =	simm.s32 @!p2 $0x50  }
0x78: {  	[tilespmem:s15], [sflag:$0x3] =	stream.indirect.gather @!p2 [hbm4b:s22+s13], $0x80, s14, s13, $0xb8;
	[tilespmem:$0x1E800] =	vst v63  }
0x79: {  	p2 =	sgt.u32 @!p2 s12, $0x74  }
0x7a: {  	p1 =	por @p0 p2, p1  }
0x7b: {  	p1 =	por p1, !p0  }
0x7c: {  	s13 =	simm.s32 @!p1 $0x0;
	s14 =	simm.s32 @!p1 $0x600  }
0x7d: {  	[tilespmem:s14], [sflag:$0xB] =	stream.linear.gather @!p1 [hbm4b:s21+s13], $0x50, $0x38;
	[tilespmem:$0x1E800] =	vst v63  }
0x7e: {  	s14 =	simm.s32 @!p1 $0x680  }
0x7f: {  	[tilespmem:s14], [sflag:$0xB] =	stream.linear.gather @!p1 [hbm4b:s20+s13], $0x50, $0x38;
	[tilespmem:$0x1E800] =	vst v63  }
0x80: {  	s13 =	simm.s32 @!p0 $0x4  }
0x81: {  	_ =	swait.ge @!p0 [sflag:s13], $0x2800  }
0x82: {  	s15 =	simm.s32 @!p0 $0x8000;
	[sflag:s13] =	ssyncset.done @!p0 $0x0  }
0x83: {  	s14 =	simm.s32 @!p0 $0x780;
	[sflag:s13] =	ssyncadd.s32 @!p0 $0xFFFFD800;
	s13 =	simm.s32 @!p0 $0x50  }
0x84: {  	[spmem:s2] =	stream.indirect.scatter.add.f32 @!p0 [tilespmem:s15], [sflag:$0xD], $0x80, s14, s13, $0xb8;
	[tilespmem:$0x1E800] =	vst v63  }
0x85: {  	s13 =	simm.s32 @!p0 $0xD  }
0x86: {  	p1 =	sgt.u32 @!p0 s12, $0x78;
	_ =	swait.ge @!p0 [sflag:s13], $0x2800  }
0x87: {  	p2 =	por p1, p0;
	[sflag:s13] =	ssyncset.done @!p0 $0x0  }
0x88: {  	[sflag:s13] =	ssyncadd.s32 @!p0 $0xFFFFD800;
	s13 =	simm.s32 @!p2 $0x8  }
0x89: {  	_ =	swait.ge @!p2 [sflag:s13], $0x50  }
0x8a: {  	[sflag:s13] =	ssyncset.done @!p2 $0x0  }
0x8b: {  	[sflag:s13] =	ssyncadd.s32 @!p2 $0xFFFFFFB0  }
0x8c: {  	_ =	swait.ge @!p2 [sflag:s13], $0x50  }
0x8d: {  	s14 =	simm.s32 @!p2 $0x300;
	[sflag:s13] =	ssyncset.done @!p2 $0x0  }
0x8e: {  	s15 =	simm.s32 @!p2 $0x8000;
	[sflag:s13] =	ssyncadd.s32 @!p2 $0xFFFFFFB0;
	s13 =	simm.s32 @!p2 $0x50  }
0x8f: {  	[tilespmem:s15], [sflag:$0x4] =	stream.indirect.gather @!p2 [hbm4b:s22+s13], $0x80, s14, s13, $0xb8;
	[tilespmem:$0x1E800] =	vst v63  }
0x90: {  	p2 =	sgt.u32 @!p2 s12, $0x74  }
0x91: {  	p1 =	por @!p0 p2, p1  }
0x92: {  	p0 =	por p1, p0  }
0x93: {  	s13 =	simm.s32 @!p0 $0x0;
	s14 =	simm.s32 @!p0 $0x700  }
0x94: {  	[tilespmem:s14], [sflag:$0xC] =	stream.linear.gather @!p0 [hbm4b:s21+s13], $0x50, $0x38;
	[tilespmem:$0x1E800] =	vst v63  }
0x95: {  	s14 =	simm.s32 @!p0 $0x780  }
0x96: {  	[tilespmem:s14], [sflag:$0xC] =	stream.linear.gather @!p0 [hbm4b:s20+s13], $0x50, $0x38;
	[tilespmem:$0x1E800] =	vst v63  }
.LBB2_9:
0x97: {  	s12 =	sadd.s32 $0x1, s12  }
0x98: {  	p0 =	sne.s32 s12, $0x7D  }
.Ltmp3:
0x99: {  	_ = 	snop;
	(pc) =	sbr.rel @!p0 .LBB2_10-.Ltmp3, $2  }
0x9a: {  	_ =	sdelay $0x2  }
0x9b: {  	s20 =	sadd.s32 $0xA, s20;
	s21 =	sadd.s32 $0xA, s21  }
.LBB2_2:
0x9c: {  	s13 =	sand.u32 $0x7, s12  }
0x9d: {  	p0 =	sgt.s32 s13, $0x3  }
.Ltmp4:
0x9e: {  	_ = 	snop;
	(pc) =	sbr.rel @p0 .LBB2_6-.Ltmp4, $1  }
0x9f: {  	_ =	sdelay $0x3  }
0xa0: {  	p0 =	sgt.s32 s13, $0x1  }
.Ltmp5:
0xa1: {  	_ = 	snop;
	(pc) =	sbr.rel @p0 .LBB2_5-.Ltmp5, $1  }
0xa2: {  	_ =	sdelay $0x3  }
0xa3: {  	p0 =	seq.s32 s13, $0x0  }
0xa4: {  	s13 =	simm.s32 @p0 $0x1  }
0xa5: {  	_ =	swait.ge @p0 [sflag:s13], $0x2800  }
0xa6: {  	s14 =	simm.s32 @p0 $0x80;
	[sflag:s13] =	ssyncset.done @p0 $0x0  }
0xa7: {  	s15 =	simm.s32 @p0 $0x800;
	[sflag:s13] =	ssyncadd.s32 @p0 $0xFFFFD800;
	s13 =	simm.s32 @p0 $0x50  }
0xa8: {  	[spmem:s2] =	stream.indirect.scatter.add.f32 @p0 [tilespmem:s15], [sflag:$0xD], $0x80, s14, s13, $0xb8;
	[tilespmem:$0x1E800] =	vst v63  }
0xa9: {  	s13 =	simm.s32 @p0 $0xD  }
0xaa: {  	p1 =	sgt.u32 @p0 s12, $0x78;
	_ =	swait.ge @p0 [sflag:s13], $0x2800  }
0xab: {  	p2 =	por p1, !p0;
	[sflag:s13] =	ssyncset.done @p0 $0x0  }
0xac: {  	[sflag:s13] =	ssyncadd.s32 @p0 $0xFFFFD800;
	s13 =	simm.s32 @!p2 $0x9  }
0xad: {  	_ =	swait.ge @!p2 [sflag:s13], $0x50  }
0xae: {  	[sflag:s13] =	ssyncset.done @!p2 $0x0  }
0xaf: {  	[sflag:s13] =	ssyncadd.s32 @!p2 $0xFFFFFFB0  }
0xb0: {  	_ =	swait.ge @!p2 [sflag:s13], $0x50  }
0xb1: {  	s14 =	simm.s32 @!p2 $0x400;
	[sflag:s13] =	ssyncset.done @!p2 $0x0  }
0xb2: {  	s15 =	simm.s32 @!p2 $0x800;
	[sflag:s13] =	ssyncadd.s32 @!p2 $0xFFFFFFB0;
	s13 =	simm.s32 @!p2 $0x50  }
0xb3: {  	[tilespmem:s15], [sflag:$0x1] =	stream.indirect.gather @!p2 [hbm4b:s22+s13], $0x80, s14, s13, $0xb8;
	[tilespmem:$0x1E800] =	vst v63  }
0xb4: {  	p2 =	sgt.u32 @!p2 s12, $0x74  }
0xb5: {  	p1 =	por @p0 p2, p1  }
0xb6: {  	p1 =	por p1, !p0  }
0xb7: {  	s13 =	simm.s32 @!p1 $0x0  }
0xb8: {  	[tilespmem:s13], [sflag:$0x5] =	stream.linear.gather @!p1 [hbm4b:s21+s13], $0x50, $0x38;
	[tilespmem:$0x1E800] =	vst v63  }
0xb9: {  	s14 =	simm.s32 @!p1 $0x80  }
0xba: {  	[tilespmem:s14], [sflag:$0x5] =	stream.linear.gather @!p1 [hbm4b:s20+s13], $0x50, $0x38;
	[tilespmem:$0x1E800] =	vst v63  }
0xbb: {  	s13 =	simm.s32 @!p0 $0x2  }
0xbc: {  	_ =	swait.ge @!p0 [sflag:s13], $0x2800  }
0xbd: {  	s15 =	simm.s32 @!p0 $0x3000;
	[sflag:s13] =	ssyncset.done @!p0 $0x0  }
0xbe: {  	s14 =	simm.s32 @!p0 $0x180;
	[sflag:s13] =	ssyncadd.s32 @!p0 $0xFFFFD800;
	s13 =	simm.s32 @!p0 $0x50  }
0xbf: {  	[spmem:s2] =	stream.indirect.scatter.add.f32 @!p0 [tilespmem:s15], [sflag:$0xD], $0x80, s14, s13, $0xb8;
	[tilespmem:$0x1E800] =	vst v63  }
0xc0: {  	s13 =	simm.s32 @!p0 $0xD  }
0xc1: {  	p1 =	sgt.u32 @!p0 s12, $0x78;
	_ =	swait.ge @!p0 [sflag:s13], $0x2800  }
0xc2: {  	p2 =	por p1, p0;
	[sflag:s13] =	ssyncset.done @!p0 $0x0  }
0xc3: {  	[sflag:s13] =	ssyncadd.s32 @!p0 $0xFFFFD800;
	s13 =	simm.s32 @!p2 $0xA  }
0xc4: {  	_ =	swait.ge @!p2 [sflag:s13], $0x50  }
0xc5: {  	[sflag:s13] =	ssyncset.done @!p2 $0x0  }
0xc6: {  	[sflag:s13] =	ssyncadd.s32 @!p2 $0xFFFFFFB0  }
0xc7: {  	_ =	swait.ge @!p2 [sflag:s13], $0x50  }
0xc8: {  	s14 =	simm.s32 @!p2 $0x500;
	[sflag:s13] =	ssyncset.done @!p2 $0x0  }
0xc9: {  	s15 =	simm.s32 @!p2 $0x3000;
	[sflag:s13] =	ssyncadd.s32 @!p2 $0xFFFFFFB0;
	s13 =	simm.s32 @!p2 $0x50  }
0xca: {  	[tilespmem:s15], [sflag:$0x2] =	stream.indirect.gather @!p2 [hbm4b:s22+s13], $0x80, s14, s13, $0xb8;
	[tilespmem:$0x1E800] =	vst v63  }
0xcb: {  	p2 =	sgt.u32 @!p2 s12, $0x74  }
0xcc: {  	p1 =	por @!p0 p2, p1  }
.Ltmp6:
0xcd: {  	p0 =	por p1, p0;
	(pc) =	sbr.rel .LBB2_9-.Ltmp6, $4  }
0xce: {  	s13 =	simm.s32 @!p0 $0x0;
	s14 =	simm.s32 @!p0 $0x100  }
0xcf: {  	[tilespmem:s14], [sflag:$0x6] =	stream.linear.gather @!p0 [hbm4b:s21+s13], $0x50, $0x38;
	[tilespmem:$0x1E800] =	vst v63  }
0xd0: {  	s14 =	simm.s32 @!p0 $0x180  }
0xd1: {  	[tilespmem:s14], [sflag:$0x6] =	stream.linear.gather @!p0 [hbm4b:s20+s13], $0x50, $0x38;
	[tilespmem:$0x1E800] =	vst v63  }
.LBB2_6:
0xd2: {  	p0 =	sgt.s32 s13, $0x5  }
.Ltmp7:
0xd3: {  	_ = 	snop;
	(pc) =	sbr.rel @p0 .LBB2_8-.Ltmp7, $1  }
0xd4: {  	_ =	sdelay $0x3  }
0xd5: {  	p0 =	seq.s32 s13, $0x4  }
0xd6: {  	s13 =	simm.s32 @p0 $0x1  }
0xd7: {  	_ =	swait.ge @p0 [sflag:s13], $0x2800  }
0xd8: {  	s14 =	simm.s32 @p0 $0x480;
	[sflag:s13] =	ssyncset.done @p0 $0x0  }
0xd9: {  	s15 =	simm.s32 @p0 $0x800;
	[sflag:s13] =	ssyncadd.s32 @p0 $0xFFFFD800;
	s13 =	simm.s32 @p0 $0x50  }
0xda: {  	[spmem:s2] =	stream.indirect.scatter.add.f32 @p0 [tilespmem:s15], [sflag:$0xD], $0x80, s14, s13, $0xb8;
	[tilespmem:$0x1E800] =	vst v63  }
0xdb: {  	s13 =	simm.s32 @p0 $0xD  }
0xdc: {  	p1 =	sgt.u32 @p0 s12, $0x78;
	_ =	swait.ge @p0 [sflag:s13], $0x2800  }
0xdd: {  	p2 =	por p1, !p0;
	[sflag:s13] =	ssyncset.done @p0 $0x0  }
0xde: {  	[sflag:s13] =	ssyncadd.s32 @p0 $0xFFFFD800;
	s13 =	simm.s32 @!p2 $0x5  }
0xdf: {  	_ =	swait.ge @!p2 [sflag:s13], $0x50  }
0xe0: {  	[sflag:s13] =	ssyncset.done @!p2 $0x0  }
0xe1: {  	[sflag:s13] =	ssyncadd.s32 @!p2 $0xFFFFFFB0  }
0xe2: {  	_ =	swait.ge @!p2 [sflag:s13], $0x50  }
0xe3: {  	s14 =	simm.s32 @!p2 $0x0;
	[sflag:s13] =	ssyncset.done @!p2 $0x0  }
0xe4: {  	s15 =	simm.s32 @!p2 $0x800;
	[sflag:s13] =	ssyncadd.s32 @!p2 $0xFFFFFFB0;
	s13 =	simm.s32 @!p2 $0x50  }
0xe5: {  	[tilespmem:s15], [sflag:$0x1] =	stream.indirect.gather @!p2 [hbm4b:s22+s13], $0x80, s14, s13, $0xb8;
	[tilespmem:$0x1E800] =	vst v63  }
0xe6: {  	p2 =	sgt.u32 @!p2 s12, $0x74  }
0xe7: {  	p1 =	por @p0 p2, p1  }
0xe8: {  	p1 =	por p1, !p0  }
0xe9: {  	s13 =	simm.s32 @!p1 $0x0;
	s14 =	simm.s32 @!p1 $0x400  }
0xea: {  	[tilespmem:s14], [sflag:$0x9] =	stream.linear.gather @!p1 [hbm4b:s21+s13], $0x50, $0x38;
	[tilespmem:$0x1E800] =	vst v63  }
0xeb: {  	s14 =	simm.s32 @!p1 $0x480  }
0xec: {  	[tilespmem:s14], [sflag:$0x9] =	stream.linear.gather @!p1 [hbm4b:s20+s13], $0x50, $0x38;
	[tilespmem:$0x1E800] =	vst v63  }
0xed: {  	s13 =	simm.s32 @!p0 $0x2  }
0xee: {  	_ =	swait.ge @!p0 [sflag:s13], $0x2800  }
0xef: {  	s15 =	simm.s32 @!p0 $0x3000;
	[sflag:s13] =	ssyncset.done @!p0 $0x0  }
0xf0: {  	s14 =	simm.s32 @!p0 $0x580;
	[sflag:s13] =	ssyncadd.s32 @!p0 $0xFFFFD800;
	s13 =	simm.s32 @!p0 $0x50  }
0xf1: {  	[spmem:s2] =	stream.indirect.scatter.add.f32 @!p0 [tilespmem:s15], [sflag:$0xD], $0x80, s14, s13, $0xb8;
	[tilespmem:$0x1E800] =	vst v63  }
0xf2: {  	s13 =	simm.s32 @!p0 $0xD  }
0xf3: {  	p1 =	sgt.u32 @!p0 s12, $0x78;
	_ =	swait.ge @!p0 [sflag:s13], $0x2800  }
0xf4: {  	p2 =	por p1, p0;
	[sflag:s13] =	ssyncset.done @!p0 $0x0  }
0xf5: {  	[sflag:s13] =	ssyncadd.s32 @!p0 $0xFFFFD800;
	s13 =	simm.s32 @!p2 $0x6  }
0xf6: {  	_ =	swait.ge @!p2 [sflag:s13], $0x50  }
0xf7: {  	[sflag:s13] =	ssyncset.done @!p2 $0x0  }
0xf8: {  	[sflag:s13] =	ssyncadd.s32 @!p2 $0xFFFFFFB0  }
0xf9: {  	_ =	swait.ge @!p2 [sflag:s13], $0x50  }
0xfa: {  	s14 =	simm.s32 @!p2 $0x100;
	[sflag:s13] =	ssyncset.done @!p2 $0x0  }
0xfb: {  	s15 =	simm.s32 @!p2 $0x3000;
	[sflag:s13] =	ssyncadd.s32 @!p2 $0xFFFFFFB0;
	s13 =	simm.s32 @!p2 $0x50  }
0xfc: {  	[tilespmem:s15], [sflag:$0x2] =	stream.indirect.gather @!p2 [hbm4b:s22+s13], $0x80, s14, s13, $0xb8;
	[tilespmem:$0x1E800] =	vst v63  }
0xfd: {  	p2 =	sgt.u32 @!p2 s12, $0x74  }
0xfe: {  	p1 =	por @!p0 p2, p1  }
.Ltmp8:
0xff: {  	p0 =	por p1, p0;
	(pc) =	sbr.rel .LBB2_9-.Ltmp8, $4  }
0x100: {  	s13 =	simm.s32 @!p0 $0x0;
	s14 =	simm.s32 @!p0 $0x500  }
0x101: {  	[tilespmem:s14], [sflag:$0xA] =	stream.linear.gather @!p0 [hbm4b:s21+s13], $0x50, $0x38;
	[tilespmem:$0x1E800] =	vst v63  }
0x102: {  	s14 =	simm.s32 @!p0 $0x580  }
0x103: {  	[tilespmem:s14], [sflag:$0xA] =	stream.linear.gather @!p0 [hbm4b:s20+s13], $0x50, $0x38;
	[tilespmem:$0x1E800] =	vst v63  }
.LBB2_5:
0x104: {  	p0 =	seq.s32 s13, $0x2  }
0x105: {  	s13 =	simm.s32 @p0 $0x3  }
0x106: {  	_ =	swait.ge @p0 [sflag:s13], $0x2800  }
0x107: {  	s14 =	simm.s32 @p0 $0x280;
	[sflag:s13] =	ssyncset.done @p0 $0x0  }
0x108: {  	s15 =	simm.s32 @p0 $0x5800;
	[sflag:s13] =	ssyncadd.s32 @p0 $0xFFFFD800;
	s13 =	simm.s32 @p0 $0x50  }
0x109: {  	[spmem:s2] =	stream.indirect.scatter.add.f32 @p0 [tilespmem:s15], [sflag:$0xD], $0x80, s14, s13, $0xb8;
	[tilespmem:$0x1E800] =	vst v63  }
0x10a: {  	s13 =	simm.s32 @p0 $0xD  }
0x10b: {  	p1 =	sgt.u32 @p0 s12, $0x78;
	_ =	swait.ge @p0 [sflag:s13], $0x2800  }
0x10c: {  	p2 =	por p1, !p0;
	[sflag:s13] =	ssyncset.done @p0 $0x0  }
0x10d: {  	[sflag:s13] =	ssyncadd.s32 @p0 $0xFFFFD800;
	s13 =	simm.s32 @!p2 $0xB  }
0x10e: {  	_ =	swait.ge @!p2 [sflag:s13], $0x50  }
0x10f: {  	[sflag:s13] =	ssyncset.done @!p2 $0x0  }
0x110: {  	[sflag:s13] =	ssyncadd.s32 @!p2 $0xFFFFFFB0  }
0x111: {  	_ =	swait.ge @!p2 [sflag:s13], $0x50  }
0x112: {  	s14 =	simm.s32 @!p2 $0x600;
	[sflag:s13] =	ssyncset.done @!p2 $0x0  }
0x113: {  	s15 =	simm.s32 @!p2 $0x5800;
	[sflag:s13] =	ssyncadd.s32 @!p2 $0xFFFFFFB0;
	s13 =	simm.s32 @!p2 $0x50  }
0x114: {  	[tilespmem:s15], [sflag:$0x3] =	stream.indirect.gather @!p2 [hbm4b:s22+s13], $0x80, s14, s13, $0xb8;
	[tilespmem:$0x1E800] =	vst v63  }
0x115: {  	p2 =	sgt.u32 @!p2 s12, $0x74  }
0x116: {  	p1 =	por @p0 p2, p1  }
0x117: {  	p1 =	por p1, !p0  }
0x118: {  	s13 =	simm.s32 @!p1 $0x0;
	s14 =	simm.s32 @!p1 $0x200  }
0x119: {  	[tilespmem:s14], [sflag:$0x7] =	stream.linear.gather @!p1 [hbm4b:s21+s13], $0x50, $0x38;
	[tilespmem:$0x1E800] =	vst v63  }
0x11a: {  	s14 =	simm.s32 @!p1 $0x280  }
0x11b: {  	[tilespmem:s14], [sflag:$0x7] =	stream.linear.gather @!p1 [hbm4b:s20+s13], $0x50, $0x38;
	[tilespmem:$0x1E800] =	vst v63  }
0x11c: {  	s13 =	simm.s32 @!p0 $0x4  }
0x11d: {  	_ =	swait.ge @!p0 [sflag:s13], $0x2800  }
0x11e: {  	s15 =	simm.s32 @!p0 $0x8000;
	[sflag:s13] =	ssyncset.done @!p0 $0x0  }
0x11f: {  	s14 =	simm.s32 @!p0 $0x380;
	[sflag:s13] =	ssyncadd.s32 @!p0 $0xFFFFD800;
	s13 =	simm.s32 @!p0 $0x50  }
0x120: {  	[spmem:s2] =	stream.indirect.scatter.add.f32 @!p0 [tilespmem:s15], [sflag:$0xD], $0x80, s14, s13, $0xb8;
	[tilespmem:$0x1E800] =	vst v63  }
0x121: {  	s13 =	simm.s32 @!p0 $0xD  }
0x122: {  	p1 =	sgt.u32 @!p0 s12, $0x78;
	_ =	swait.ge @!p0 [sflag:s13], $0x2800  }
0x123: {  	p2 =	por p1, p0;
	[sflag:s13] =	ssyncset.done @!p0 $0x0  }
0x124: {  	[sflag:s13] =	ssyncadd.s32 @!p0 $0xFFFFD800;
	s13 =	simm.s32 @!p2 $0xC  }
0x125: {  	_ =	swait.ge @!p2 [sflag:s13], $0x50  }
0x126: {  	[sflag:s13] =	ssyncset.done @!p2 $0x0  }
0x127: {  	[sflag:s13] =	ssyncadd.s32 @!p2 $0xFFFFFFB0  }
0x128: {  	_ =	swait.ge @!p2 [sflag:s13], $0x50  }
0x129: {  	s14 =	simm.s32 @!p2 $0x700;
	[sflag:s13] =	ssyncset.done @!p2 $0x0  }
0x12a: {  	s15 =	simm.s32 @!p2 $0x8000;
	[sflag:s13] =	ssyncadd.s32 @!p2 $0xFFFFFFB0;
	s13 =	simm.s32 @!p2 $0x50  }
0x12b: {  	[tilespmem:s15], [sflag:$0x4] =	stream.indirect.gather @!p2 [hbm4b:s22+s13], $0x80, s14, s13, $0xb8;
	[tilespmem:$0x1E800] =	vst v63  }
0x12c: {  	p2 =	sgt.u32 @!p2 s12, $0x74  }
0x12d: {  	p1 =	por @!p0 p2, p1  }
.Ltmp9:
0x12e: {  	p0 =	por p1, p0;
	(pc) =	sbr.rel .LBB2_9-.Ltmp9, $4  }
0x12f: {  	s13 =	simm.s32 @!p0 $0x0;
	s14 =	simm.s32 @!p0 $0x300  }
0x130: {  	[tilespmem:s14], [sflag:$0x8] =	stream.linear.gather @!p0 [hbm4b:s21+s13], $0x50, $0x38;
	[tilespmem:$0x1E800] =	vst v63  }
0x131: {  	s14 =	simm.s32 @!p0 $0x380  }
0x132: {  	[tilespmem:s14], [sflag:$0x8] =	stream.linear.gather @!p0 [hbm4b:s20+s13], $0x50, $0x38;
	[tilespmem:$0x1E800] =	vst v63  }
.LBB2_11:
0x133: {  	_ =	sfence.sel $0x180000  }
0x134: {  	[bflag:$0x0] =	sbarrier.arrive $0xFFFF  }
0x135: {  	_ =	strace $0x9000004D  }
0x136: {  	s0 =	stileid.u32;
	[bflag:$0x2] =	sbarrier.arrive $0xFFFF  }
0x137: {  	p0 =	sne.s32 s0, $0x0;
	s0 =	rddreg [dreg:$0x3]  }
0x138: {  	s0 =	sadd.s32 @!p0 $0x100000, s0  }
0x139: {  	[sflag:s0] =	ssyncadd.tile.s32 @!p0 $0x1;
	_ =	shalt  }
.Lfunc_end2:
_tile_overlayer_lowered:
.L_overlay_start_2:
0x13a: {  	(tag) =	ssettag $0x2  }
0x13b: {  	s0 =	rddreg [dreg:$0x0];
	s2 =	stileid.u32  }
0x13c: {  	s1 =	rddreg [dreg:$0x1];
	p0 =	sne.s32 s2, $0x0  }
0x13d: {  	s3 =	rddreg [dreg:$0x2];
	[bflag:$0x3] =	sbarrier.arrive $0xFFFF;
	s2 =	simm.s32 @!p0 $0x1C0D  }
0x13e: {  	[timem:s3], [sflag:s2] =	dma.local @!p0 [hbm:s0], s1  }
0x13f: {  	s0 =	simm.s32 @!p0 $0xD  }
0x140: {  	_ =	swait.ge @!p0 [sflag:s0], s1  }
0x141: {  	s1 =	ssub.s32 @!p0 $0x0, s1;
	[sflag:s0] =	ssyncset.done @!p0 $0x0  }
0x142: {  	[sflag:s0] =	ssyncadd.s32 @!p0 s1  }
0x143: {  	[bflag:$0x3] =	sbarrier.arrive $0xFFFF  }
0x144: {  	_ =	shalt  }

// kernel: kernel.8.cloned.1.call-start
scs
__scs_entry_jumppad:
0x0: {  	(pc) =	sbr.rel $0x88, $3  }
0x1: {  	(tag) =	ssettag $0x0;
	lr =	simm.s32 $0x1  }
0x2: {  	[smem:$0x3F9B] =	sst lr;
	_ =	strace $0xD0000000  }
0x3: {  	_ = 	snop  }
0x4: {  	_ = 	snop  }
0x5: {  	_ = 	snop  }
0x6: {  	_ = 	snop  }
0x7: {  	_ = 	snop  }
__scs_overlays_trampoline_lowered:
0x8: {  	[smem:$0x3FAA] =	sst s0  }
0x9: {  	[smem:$0x3FAB] =	sst s1  }
0xa: {  	[smem:$0x3FAC] =	sst s2  }
0xb: {  	[smem:$0x3FAD] =	sst s3  }
0xc: {  	[smem:$0x3FAE] =	sst s4  }
0xd: {  	[smem:$0x3FAF] =	sst s5  }
0xe: {  	[smem:$0x3FB0] =	sst s6  }
0xf: {  	[smem:$0x3FB1] =	sst s7  }
0x10: {  	[smem:$0x3FB2] =	sst s8  }
0x11: {  	[smem:$0x3FB3] =	sst s9;
	s0 =	simm.s32 @!p0 $0x0  }
0x12: {  	s1 =	sld [smem:$0x3F99];
	s0 =	simm.s32 @p0 $0x1  }
0x13: {  	[smem:$0x3FB4] =	sst s0;
	s0 =	simm.s32 @!p1 $0x0  }
0x14: {  	s2 =	sld [smem:$0x3F98];
	s0 =	simm.s32 @p1 $0x1  }
0x15: {  	[smem:$0x3FB5] =	sst s0;
	s0 =	simm.s32 @!p2 $0x0  }
0x16: {  	s3 =	sld [smem:$0x3FDB];
	s0 =	simm.s32 @p2 $0x1  }
0x17: {  	s4 =	simm.s32 $0x1BF5;
	[smem:$0x3FB7] =	sst s0  }
0x18: {  	s0 =	sld [smem:$0x3F9A];
	_ =	swait.ge [sflag:s4], $0x0  }
0x19: {  	s7 =	sld [smem:$0x3F9B]  }
0x1a: {  	s8 =	sadd.s32 $0xFFFFE003, lr  }
0x1b: {  	s9 =	sadd.s32 $0xFFFFFEF7, lr;
	s5 =	simm.s32 $0xFFFFFFFF;
	p2 =	slt.u32 s8, $0xFFFFF086  }
0x1c: {  	p1 =	slt.u32 s9, $0xF7A;
	s5 =	simm.s32 @!p2 $0x0  }
0x1d: {  	s5 =	simm.s32 @p1 $0x1;
	p0 =	seq.s32 s7, s2  }
0x1e: {  	s7 =	smul.u32 @!p0 $0xF7A, s2;
	p2 =	seq.s32 @!p0 s5, $0x0  }
0x1f: {  	s9 =	smul.u32 $0xF7A, s1;
	s8 =	simm.s32 @!p0 $0x1BF5;
	p2 =	por !p2, p0  }
0x20: {  	[sflag:s8] =	ssyncset.s32 @!p0 $0xFFFFF086;
	s6 =	sadd.s32 @!p0 s3, s7;
	s7 =	simm.s32 @!p0 $0x108  }
0x21: {  	s3 =	sadd.s32 s3, s9;
	s6 =	sadd.s32 @!p0 $0x88, s6;
	s7 =	simm.s32 @p2 $0x1082  }
0x22: {  	[simem:s7], [sflag:s8] =	dma.local @!p0 [hbm:s6], $0xF7A  }
0x23: {  	s9 =	sor.u32 $0xD0000000, s2;
	s6 =	simm.s32 $0x108;
	_ =	swait.ge @!p0 [sflag:s8], $0x0  }
0x24: {  	s3 =	sadd.s32 $0x88, s3;
	s6 =	simm.s32 @!p1 $0x1082;
	[sflag:s4] =	ssyncset.s32 $0xFFFFF086  }
0x25: {  	[simem:s6], [sflag:s4] =	dma.local [hbm:s3], $0xF7A  }
0x26: {  	[smem:$0x3F9B] =	sst s1;
	(tag) =	ssettag s2;
	_ =	strace s9  }
0x27: {  	s1 =	sld [smem:$0x3FAB]  }
0x28: {  	s2 =	sld [smem:$0x3FAC]  }
0x29: {  	s4 =	sld [smem:$0x3FAE]  }
0x2a: {  	p0 =	seq.s32 s5, $0x0;
	s5 =	sld [smem:$0x3FAF]  }
0x2b: {  	s6 =	sld [smem:$0x3FB0]  }
0x2c: {  	s7 =	sld [smem:$0x3FB1]  }
0x2d: {  	s3 =	simm.s32 $0x108;
	s8 =	sld [smem:$0x3FB2]  }
0x2e: {  	s3 =	simm.s32 @!p0 $0x1082;
	s9 =	sld [smem:$0x3FB3]  }
0x2f: {  	lr =	sadd.s32 s0, s3;
	s0 =	sld [smem:$0x3FAA]  }
0x30: {  	s3 =	sld [smem:$0x3FAD]  }
0x31: {  	[smem:$0x3FB6] =	sst s10  }
0x32: {  	s10 =	sld [smem:$0x3FB4];
	_ =	sdelay $0x3  }
0x33: {  	p0 =	seq.s32 s10, $0x1;
	s10 =	sld [smem:$0x3FB6];
	_ =	sdelay $0x3  }
0x34: {  	[smem:$0x3FB6] =	sst s10  }
0x35: {  	s10 =	sld [smem:$0x3FB5];
	_ =	sdelay $0x3  }
0x36: {  	p1 =	seq.s32 s10, $0x1;
	s10 =	sld [smem:$0x3FB6];
	_ =	sdelay $0x3  }
0x37: {  	[smem:$0x3FB6] =	sst s10  }
0x38: {  	s10 =	sld [smem:$0x3FB7]  }
0x39: {  	_ = 	snop;
	(pc) =	sbr.ind lr, $3  }
0x3a: {  	_ = 	snop  }
0x3b: {  	_ = 	snop  }
0x3c: {  	p2 =	seq.s32 s10, $0x1;
	s10 =	sld [smem:$0x3FB6]  }
0x3d: {  	_ =	shalt  }
0x3e: {  	_ =	shalt  }
0x3f: {  	_ =	shalt  }
0x40: {  	_ =	shalt  }
0x41: {  	_ =	shalt  }
0x42: {  	_ =	shalt  }
0x43: {  	_ =	shalt  }
0x44: {  	_ =	shalt  }
0x45: {  	_ =	shalt  }
0x46: {  	_ =	shalt  }
0x47: {  	_ =	shalt  }
0x48: {  	_ =	shalt  }
0x49: {  	_ =	shalt  }
0x4a: {  	_ =	shalt  }
0x4b: {  	_ =	shalt  }
0x4c: {  	_ =	shalt  }
0x4d: {  	_ =	shalt  }
0x4e: {  	_ =	shalt  }
0x4f: {  	_ =	shalt  }
0x50: {  	_ =	shalt  }
0x51: {  	_ =	shalt  }
0x52: {  	_ =	shalt  }
0x53: {  	_ =	shalt  }
0x54: {  	_ =	shalt  }
0x55: {  	_ =	shalt  }
0x56: {  	_ =	shalt  }
0x57: {  	_ =	shalt  }
0x58: {  	_ =	shalt  }
0x59: {  	_ =	shalt  }
0x5a: {  	_ =	shalt  }
0x5b: {  	_ =	shalt  }
0x5c: {  	_ =	shalt  }
0x5d: {  	_ =	shalt  }
0x5e: {  	_ =	shalt  }
0x5f: {  	_ =	shalt  }
0x60: {  	_ =	shalt  }
0x61: {  	_ =	shalt  }
0x62: {  	_ =	shalt  }
0x63: {  	_ =	shalt  }
0x64: {  	_ =	shalt  }
0x65: {  	_ =	shalt  }
0x66: {  	_ =	shalt  }
0x67: {  	_ =	shalt  }
0x68: {  	_ =	shalt  }
0x69: {  	_ =	shalt  }
0x6a: {  	_ =	shalt  }
0x6b: {  	_ =	shalt  }
0x6c: {  	_ =	shalt  }
0x6d: {  	_ =	shalt  }
0x6e: {  	_ =	shalt  }
0x6f: {  	_ =	shalt  }
0x70: {  	_ =	shalt  }
0x71: {  	_ =	shalt  }
0x72: {  	_ =	shalt  }
0x73: {  	_ =	shalt  }
0x74: {  	_ =	shalt  }
0x75: {  	_ =	shalt  }
0x76: {  	_ =	shalt  }
0x77: {  	_ =	shalt  }
0x78: {  	_ =	shalt  }
0x79: {  	_ =	shalt  }
0x7a: {  	_ =	shalt  }
0x7b: {  	_ =	shalt  }
0x7c: {  	_ =	shalt  }
0x7d: {  	_ =	shalt  }
0x7e: {  	_ =	shalt  }
0x7f: {  	_ =	shalt  }
0x80: {  	_ =	shalt  }
0x81: {  	_ =	shalt  }
0x82: {  	_ =	shalt  }
0x83: {  	_ =	shalt  }
0x84: {  	_ =	shalt  }
0x85: {  	_ =	shalt  }
0x86: {  	_ =	shalt  }
0x87: {  	_ =	shalt  }
.Lfunc_end0:
.L_simem_size_0:
called_computation_lowered:
.L_overlay_start_0:
0x88: {  	s2 =	sld [smem:$0x3FD9]  }
0x89: {  	s3 =	sld [smem:$0x3FFE];
	_ =	sdelay $0x1  }
0x8a: {  	s1 =	srdreg.scid  }
0x8b: {  	s0 =	sand.u32 $0x1, s1  }
0x8c: {  	s16 =	sshll.u32 s0, $0xA;
	s2 =	sadd.s32 s3, s2  }
0x8d: {  	s2 =	sadd.s32 s2, s16  }
0x8e: {  	[smem:$0x3FC2] =	sst s2  }
0x8f: {  	_ = 	snop  }
0x90: {  	(tm) =	ssettm $0x1  }
0x91: {  	s17 =	sld [smem:$0x3FFB];
	_ =	sdelay $0x3  }
0x92: {  	_ =	strace s17  }
0x93: {  	s2 =	sld [smem:$0x3FFC];
	_ =	sdelay $0x3  }
0x94: {  	_ =	strace s2  }
0x95: {  	s2 =	sld [smem:$0x3FFD];
	_ =	sdelay $0x3  }
0x96: {  	_ =	strace s2  }
0x97: {  	_ =	strace $0x8FFFFFFF  }
0x98: {  	s18 =	sld [smem:$0x3FDB];
	_ =	sdelay $0x1  }
0x99: {  	s19 =	simm.s32 $_scs_section_size  }
0x9a: {  	s4 =	simm.s32 $_size__tile_overlayer_lowered;
	s5 =	simm.s32 $_tile_overlayer_lowered  }
0x9b: {  	s22 =	simm.s32 $0x1BFF;
	s21 =	sshll.u32 s5, $0x1;
	s2 =	sadd.s32 s19, s18  }
0x9c: {  	s6 =	simm.s32 $0x0;
	s20 =	sshll.u32 s4, $0x1;
	s4 =	sadd.s32 s21, s2  }
0x9d: {  	[timem:s6], [sflag:s22] =	dma.local [hbm:s4], s20  }
0x9e: {  	_ =	swait.ge [sflag:s22], s20  }
0x9f: {  	s3 =	ssub.s32 $0x0, s20;
	[sflag:s22] =	ssyncset.done $0x0  }
0xa0: {  	[sflag:s22] =	ssyncadd.s32 s3;
	_ =	sdelay $0x1  }
0xa1: {  	s23 =	simm.s32 $0x1B8B  }
0xa2: {  	_ =	swait.ge [sflag:s23], $0x1  }
0xa3: {  	[sflag:s23] =	ssyncset.done $0x0  }
0xa4: {  	s25 =	simm.s32 $0x1B8E;
	s24 =	sld [smem:$0x3FFE];
	[sflag:s23] =	ssyncadd.s32 $0xFFFFFFFF  }
0xa5: {  	s26 =	simm.s32 $execute0_lowered;
	[smem:$0x3FD2] =	sst s25  }
0xa6: {  	s4 =	sshll.u32 s26, $0x1;
	_ =	strace $0x80000046;
	[dreg:$0x1] =	wrdreg $0xFFFFFFFF  }
0xa7: {  	s28 =	simm.s32 $_size_execute0_lowered;
	s2 =	sadd.s32 s2, s4;
	[dreg:$0x0] =	wrdreg $0x0  }
0xa8: {  	s4 =	sshll.u32 s28, $0x1;
	[dreg:$0x2] =	wrdreg s2  }
0xa9: {  	[dreg:$0x3] =	wrdreg s4  }
0xaa: {  	[dreg:$0x4] =	wrdreg $0xC0  }
0xab: {  	_ =	task [dreg:s6], $0x5FFFF  }
0xac: {  	[dreg:$0x1] =	wrdreg $0xFFFFFFFF  }
0xad: {  	[dreg:$0x0] =	wrdreg $0x60  }
0xae: {  	[dreg:$0x2] =	wrdreg s24  }
0xaf: {  	[dreg:$0x3] =	wrdreg $0x2C000  }
0xb0: {  	[dreg:$0x4] =	wrdreg $0x9  }
0xb1: {  	_ =	task.clear_ibuf [dreg:s6], $0x5FFFF;
	_ =	strace $0x90000046  }
0xb2: {  	s29 =	simm.s32 $0x9;
	_ =	strace $0x80000048  }
0xb3: {  	_ =	swait.ge [sflag:s29], $0x1  }
0xb4: {  	[sflag:s29] =	ssyncadd.s32 $0xFFFFFFFF  }
0xb5: {  	_ =	strace $0x90000048  }
0xb6: {  	_ =	sfence  }
0xb7: {  	s30 =	sld [smem:$0x0];
	_ =	sdelay $0x2  }
0xb8: {  	s31 =	sshll.u32 s1, $0xD;
	s1 =	sshrl.u32 s1, $0x2  }
0xb9: {  	s3 =	sand.u32 $0x4000, s31;
	s1 =	sadd.s32 s1, s30  }
0xba: {  	s0 =	sor.u32 s3, s0;
	s1 =	sshll.u32 s1, $0x11  }
0xbb: {  	s0 =	sor.u32 s1, s0  }
0xbc: {  	s0 =	sadd.s32 $0x8F2B, s0  }
0xbd: {  	[sflag:s0] =	ssyncadd.remote.s32 $0x1  }
0xbe: {  	_ =	sfence.sel $0xFFFF  }
0xbf: {  	[dreg:$0x0] =	wrdreg $0xFFFFFFFF;
	(pc) =	sbr.abs _section_cstart, $3  }
0xc0: {  	[dreg:$0x1] =	wrdreg $0xFFFFFFFF  }
0xc1: {  	_ =	task.clear_ibuf [dreg:s6], $0x2FFFF;
	_ =	strace $0x9FFFFFFF  }
0xc2: {  	(tm) =	ssettm $0x7FFFFFFF  }
0xc3: {  	_ =	shalt  }
tec
execute0_lowered:
.L_overlay_start_1:
0x0: {  	(tag) =	ssettag $0x1  }
0x1: {  	s0 =	rddreg [dreg:$0x0]  }
0x2: {  	s1 =	rddreg [dreg:$0x1];
	s3 =	simm.s32 $0x0  }
0x3: {  	s2 =	srdreg.scid;
	s25 =	stileid.u32;
	s22 =	simm.s32 $0x100  }
0x4: {  	s23 =	simm.s32 $0x180;
	s24 =	simm.s32 $0x200;
	s28 =	simm.s32 $0x380  }
0x5: {  	s29 =	simm.s32 $0x0;
	[smem:$0x7FF] =	sst s3;
	s8 =	smul.u32 $0x14000, s25  }
0x6: {  	s6 =	sand.u32 $0x1, s2;
	s17 =	sadd.s32 $0x1800, s0;
	s9 =	smul.u32 $0x50000, s25  }
0x7: {  	s4 =	sadd.s32 $0xDE00, s0;
	s5 =	sadd.s32 $0xB600, s0;
	s14 =	smul.u32 $0x2710, s25  }
0x8: {  	s30 =	sshll.u32 s25, $0x6;
	s7 =	smul.u32 $0x140000, s6;
	_ =	strace $0x80000047  }
0x9: {  	s26 =	sshll.u32 s6, $0x4;
	s10 =	ssub.s32 $0x2, s6;
	s13 =	smul.u32 $0x27100, s6  }
0xa: {  	s6 =	sor.u32 $0x1C09, s30;
	s11 =	sshrl.u32 s10, $0x1;
	s9 =	sshrl.u32 s9, $0x2  }
0xb: {  	s7 =	sadd.s32 s8, s7;
	s8 =	sor.u32 s25, s26;
	s16 =	ssub.s32 s10, s11  }
0xc: {  	s18 =	sadd.s32 s9, s1;
	s15 =	sadd.s32 s14, s13;
	s25 =	simm.s32 $0x280  }
0xd: {  	s26 =	simm.s32 $0x300;
	s7 =	sshrl.u32 s7, $0x3;
	s8 =	smul.u32 $0x2710, s8  }
0xe: {  	s19 =	sadd.s32 $0x280, s15;
	s16 =	smax.u32 s16, $0x1;
	s18 =	sshrl.u32 s18, $0x3  }
.Ltmp0:
0xf: {  	s0 =	sadd.s32 s7, s0;
	s8 =	sshrl.u32 s8, $0x3;
	(pc) =	sbr.rel .LBB2_1-.Ltmp0, $4  }
0x10: {  	s31 =	sshrl.u32 s19, $0x3;
	s19 =	simm.s32 $0x9;
	s7 =	sadd.s32 s17, s8  }
0x11: {  	s15 =	sadd.s32 $0xE400, s0;
	s17 =	sadd.s32 s31, s17;
	s8 =	sadd.s32 $0xA, s7  }
0x12: {  	s9 =	sadd.s32 $0x14, s7;
	s10 =	sadd.s32 $0x1E, s7;
	s11 =	sadd.s32 $0x28, s7  }
0x13: {  	s12 =	sadd.s32 $0x32, s7;
	s13 =	sadd.s32 $0x3C, s7;
	s14 =	sadd.s32 $0x46, s7  }
.LBB2_6:
0x14: {  	s29 =	sadd.s32 $0x1, s29  }
0x15: {  	p0 =	sne.s32 s29, s16  }
.Ltmp1:
0x16: {  	[bflag:$0x0] =	sbarrier.arrive $0xFFFF;
	(pc) =	sbr.rel @!p0 .LBB2_7-.Ltmp1, $4  }
0x17: {  	[hbm:s15], [sflag:s6] =	dma.local [spmem:s18], $0x2800  }
0x18: {  	_ =	swait.ge [sflag:s19], $0x2800  }
0x19: {  	[sflag:s19] =	ssyncset.done $0x0  }
0x1a: {  	[sflag:s19] =	ssyncadd.s32 $0xFFFFD800  }
.LBB2_1:
0x1b: {  	[spmem:s18], [sflag:s6] =	dma.local [hbm:s5], $0x2800  }
0x1c: {  	_ =	swait.ge [sflag:s19], $0x2800  }
0x1d: {  	[sflag:s19] =	ssyncset.done $0x0  }
0x1e: {  	s0 =	simm.s32 $0x400;
	[sflag:s19] =	ssyncadd.s32 $0xFFFFD800  }
0x1f: {  	[tilespmem:s0], [sflag:$0x9] =	stream.linear.gather [hbm4b:s4+s3], $0x2800, $0x38;
	[tilespmem:$0x16C00] =	vst v63  }
0x20: {  	_ =	swait.ge [sflag:s19], $0x2800  }
0x21: {  	[sflag:s19] =	ssyncset.done $0x0  }
0x22: {  	[sflag:s19] =	ssyncadd.s32 $0xFFFFD800  }
0x23: {  	[bflag:$0x0] =	sbarrier.arrive $0xFFFF  }
0x24: {  	[tilespmem:s3], [sflag:$0x1] =	stream.linear.gather [hbm4b:s7+s3], $0x50, $0x38;
	[tilespmem:$0x16C00] =	vst v63  }
0x25: {  	s21 =	simm.s32 $0x80  }
0x26: {  	[tilespmem:s21], [sflag:$0x2] =	stream.linear.gather [hbm4b:s8+s3], $0x50, $0x38;
	[tilespmem:$0x16C00] =	vst v63  }
0x27: {  	_ = 	snop  }
0x28: {  	[tilespmem:s22], [sflag:$0x3] =	stream.linear.gather [hbm4b:s9+s3], $0x50, $0x38;
	[tilespmem:$0x16C00] =	vst v63  }
0x29: {  	_ = 	snop  }
0x2a: {  	[tilespmem:s23], [sflag:$0x4] =	stream.linear.gather [hbm4b:s10+s3], $0x50, $0x38;
	[tilespmem:$0x16C00] =	vst v63  }
0x2b: {  	_ = 	snop  }
0x2c: {  	[tilespmem:s24], [sflag:$0x5] =	stream.linear.gather [hbm4b:s11+s3], $0x50, $0x38;
	[tilespmem:$0x16C00] =	vst v63  }
0x2d: {  	_ = 	snop  }
0x2e: {  	[tilespmem:s25], [sflag:$0x6] =	stream.linear.gather [hbm4b:s12+s3], $0x50, $0x38;
	[tilespmem:$0x16C00] =	vst v63  }
.Ltmp2:
0x2f: {  	_ = 	snop;
	(pc) =	sbr.rel .LBB2_2-.Ltmp2, $4  }
0x30: {  	_ = 	snop  }
0x31: {  	[tilespmem:s26], [sflag:$0x7] =	stream.linear.gather [hbm4b:s13+s3], $0x50, $0x38;
	[tilespmem:$0x16C00] =	vst v63  }
0x32: {  	s30 =	smov.u32 s17;
	s31 =	simm.s32 $0x0  }
0x33: {  	[tilespmem:s28], [sflag:$0x8] =	stream.linear.gather [hbm4b:s14+s3], $0x50, $0x38;
	[tilespmem:$0x16C00] =	vst v63  }
.LBB2_4:
0x34: {  	p0 =	sgt.s32 s0, $0x5  }
0x35: {  	p1 =	seq.s32 @p0 s0, $0x6  }
0x36: {  	p2 =	por !p1, !p0  }
0x37: {  	s2 =	simm.s32 @!p2 $0x7  }
0x38: {  	_ =	swait.ge @!p2 [sflag:s2], $0x50  }
0x39: {  	s20 =	simm.s32 @!p2 $0x300;
	s21 =	simm.s32 @!p2 $0x400;
	[sflag:s2] =	ssyncset.done @!p2 $0x0  }
0x3a: {  	p3 =	sgt.u32 @!p2 s31, $0x74;
	[sflag:s2] =	ssyncadd.s32 @!p2 $0xFFFFFFB0;
	s2 =	simm.s32 @!p2 $0x50  }
0x3b: {  	[spmem:s1] =	stream.indirect.scatter.add.f32 @!p2 [tilespmem:s21], [sflag:$0x9], $0x80, s20, s2, $0xb8;
	[tilespmem:$0x16C00] =	vst v63  }
0x3c: {  	p3 =	por @p0 p3, !p1;
	s2 =	simm.s32 @!p2 $0x9  }
0x3d: {  	p3 =	por p3, !p0;
	_ =	swait.ge @!p2 [sflag:s2], $0x2800  }
0x3e: {  	s20 =	simm.s32 @!p3 $0x300;
	[sflag:s2] =	ssyncset.done @!p2 $0x0  }
0x3f: {  	[sflag:s2] =	ssyncadd.s32 @!p2 $0xFFFFD800;
	s2 =	simm.s32 @!p3 $0x0;
	p2 =	por p1, !p0  }
0x40: {  	[tilespmem:s20], [sflag:$0x7] =	stream.linear.gather @!p3 [hbm4b:s30+s2], $0x50, $0x38;
	[tilespmem:$0x16C00] =	vst v63  }
0x41: {  	s2 =	simm.s32 @!p2 $0x8  }
0x42: {  	_ =	swait.ge @!p2 [sflag:s2], $0x50  }
0x43: {  	s20 =	simm.s32 @!p2 $0x380;
	[sflag:s2] =	ssyncset.done @!p2 $0x0  }
0x44: {  	s21 =	simm.s32 @!p2 $0x400;
	[sflag:s2] =	ssyncadd.s32 @!p2 $0xFFFFFFB0;
	s2 =	simm.s32 @!p2 $0x50  }
0x45: {  	[spmem:s1] =	stream.indirect.scatter.add.f32 @!p2 [tilespmem:s21], [sflag:$0x9], $0x80, s20, s2, $0xb8;
	[tilespmem:$0x16C00] =	vst v63  }
0x46: {  	p3 =	sgt.u32 @!p2 s31, $0x74;
	s2 =	simm.s32 @!p2 $0x9  }
0x47: {  	p1 =	por @p0 p3, p1;
	_ =	swait.ge @!p2 [sflag:s2], $0x2800  }
0x48: {  	p1 =	por p1, !p0;
	[sflag:s2] =	ssyncset.done @!p2 $0x0  }
0x49: {  	s20 =	simm.s32 @!p1 $0x380;
	[sflag:s2] =	ssyncadd.s32 @!p2 $0xFFFFD800;
	s2 =	simm.s32 @!p1 $0x0  }
0x4a: {  	[tilespmem:s20], [sflag:$0x8] =	stream.linear.gather @!p1 [hbm4b:s30+s2], $0x50, $0x38;
	[tilespmem:$0x16C00] =	vst v63  }
0x4b: {  	p1 =	seq.s32 @!p0 s0, $0x4  }
0x4c: {  	p2 =	por !p1, p0  }
0x4d: {  	s0 =	simm.s32 @!p2 $0x5  }
0x4e: {  	_ =	swait.ge @!p2 [sflag:s0], $0x50  }
0x4f: {  	s2 =	simm.s32 @!p2 $0x200;
	s20 =	simm.s32 @!p2 $0x400;
	[sflag:s0] =	ssyncset.done @!p2 $0x0  }
0x50: {  	p3 =	sgt.u32 @!p2 s31, $0x74;
	[sflag:s0] =	ssyncadd.s32 @!p2 $0xFFFFFFB0;
	s0 =	simm.s32 @!p2 $0x50  }
0x51: {  	[spmem:s1] =	stream.indirect.scatter.add.f32 @!p2 [tilespmem:s20], [sflag:$0x9], $0x80, s2, s0, $0xb8;
	[tilespmem:$0x16C00] =	vst v63  }
0x52: {  	p3 =	por @!p0 p3, !p1;
	s0 =	simm.s32 @!p2 $0x9  }
0x53: {  	p3 =	por p3, p0;
	_ =	swait.ge @!p2 [sflag:s0], $0x2800  }
0x54: {  	s2 =	simm.s32 @!p3 $0x200;
	[sflag:s0] =	ssyncset.done @!p2 $0x0  }
0x55: {  	[sflag:s0] =	ssyncadd.s32 @!p2 $0xFFFFD800;
	s0 =	simm.s32 @!p3 $0x0;
	p2 =	por p1, p0  }
0x56: {  	[tilespmem:s2], [sflag:$0x5] =	stream.linear.gather @!p3 [hbm4b:s30+s0], $0x50, $0x38;
	[tilespmem:$0x16C00] =	vst v63  }
0x57: {  	s0 =	simm.s32 @!p2 $0x6  }
0x58: {  	_ =	swait.ge @!p2 [sflag:s0], $0x50  }
0x59: {  	s2 =	simm.s32 @!p2 $0x280;
	[sflag:s0] =	ssyncset.done @!p2 $0x0  }
0x5a: {  	s20 =	simm.s32 @!p2 $0x400;
	[sflag:s0] =	ssyncadd.s32 @!p2 $0xFFFFFFB0;
	s0 =	simm.s32 @!p2 $0x50  }
0x5b: {  	[spmem:s1] =	stream.indirect.scatter.add.f32 @!p2 [tilespmem:s20], [sflag:$0x9], $0x80, s2, s0, $0xb8;
	[tilespmem:$0x16C00] =	vst v63  }
0x5c: {  	p3 =	sgt.u32 @!p2 s31, $0x74;
	s0 =	simm.s32 @!p2 $0x9  }
0x5d: {  	p1 =	por @!p0 p3, p1;
	_ =	swait.ge @!p2 [sflag:s0], $0x2800  }
0x5e: {  	p0 =	por p1, p0;
	[sflag:s0] =	ssyncset.done @!p2 $0x0  }
0x5f: {  	s2 =	simm.s32 @!p0 $0x280;
	[sflag:s0] =	ssyncadd.s32 @!p2 $0xFFFFD800;
	s0 =	simm.s32 @!p0 $0x0  }
0x60: {  	[tilespmem:s2], [sflag:$0x6] =	stream.linear.gather @!p0 [hbm4b:s30+s0], $0x50, $0x38;
	[tilespmem:$0x16C00] =	vst v63  }
.LBB2_5:
0x61: {  	s31 =	sadd.s32 $0x1, s31  }
0x62: {  	p0 =	sne.s32 s31, $0x7D  }
.Ltmp3:
0x63: {  	_ = 	snop;
	(pc) =	sbr.rel @!p0 .LBB2_6-.Ltmp3, $2  }
0x64: {  	_ =	sdelay $0x2  }
0x65: {  	s30 =	sadd.s32 $0xA, s30  }
.LBB2_2:
0x66: {  	s0 =	sand.u32 $0x7, s31  }
0x67: {  	p0 =	sgt.s32 s0, $0x3  }
.Ltmp4:
0x68: {  	_ = 	snop;
	(pc) =	sbr.rel @p0 .LBB2_4-.Ltmp4, $1  }
0x69: {  	_ =	sdelay $0x3  }
0x6a: {  	p0 =	sgt.s32 s0, $0x1  }
0x6b: {  	p1 =	seq.s32 @p0 s0, $0x2  }
0x6c: {  	p2 =	por !p1, !p0  }
0x6d: {  	s2 =	simm.s32 @!p2 $0x3  }
0x6e: {  	_ =	swait.ge @!p2 [sflag:s2], $0x50  }
0x6f: {  	s20 =	simm.s32 @!p2 $0x100;
	s21 =	simm.s32 @!p2 $0x400;
	[sflag:s2] =	ssyncset.done @!p2 $0x0  }
0x70: {  	p3 =	sgt.u32 @!p2 s31, $0x74;
	[sflag:s2] =	ssyncadd.s32 @!p2 $0xFFFFFFB0;
	s2 =	simm.s32 @!p2 $0x50  }
0x71: {  	[spmem:s1] =	stream.indirect.scatter.add.f32 @!p2 [tilespmem:s21], [sflag:$0x9], $0x80, s20, s2, $0xb8;
	[tilespmem:$0x16C00] =	vst v63  }
0x72: {  	p3 =	por @p0 p3, !p1;
	s2 =	simm.s32 @!p2 $0x9  }
0x73: {  	p3 =	por p3, !p0;
	_ =	swait.ge @!p2 [sflag:s2], $0x2800  }
0x74: {  	s20 =	simm.s32 @!p3 $0x100;
	[sflag:s2] =	ssyncset.done @!p2 $0x0  }
0x75: {  	[sflag:s2] =	ssyncadd.s32 @!p2 $0xFFFFD800;
	s2 =	simm.s32 @!p3 $0x0;
	p2 =	por p1, !p0  }
0x76: {  	[tilespmem:s20], [sflag:$0x3] =	stream.linear.gather @!p3 [hbm4b:s30+s2], $0x50, $0x38;
	[tilespmem:$0x16C00] =	vst v63  }
0x77: {  	s2 =	simm.s32 @!p2 $0x4  }
0x78: {  	_ =	swait.ge @!p2 [sflag:s2], $0x50  }
0x79: {  	s20 =	simm.s32 @!p2 $0x180;
	[sflag:s2] =	ssyncset.done @!p2 $0x0  }
0x7a: {  	s21 =	simm.s32 @!p2 $0x400;
	[sflag:s2] =	ssyncadd.s32 @!p2 $0xFFFFFFB0;
	s2 =	simm.s32 @!p2 $0x50  }
0x7b: {  	[spmem:s1] =	stream.indirect.scatter.add.f32 @!p2 [tilespmem:s21], [sflag:$0x9], $0x80, s20, s2, $0xb8;
	[tilespmem:$0x16C00] =	vst v63  }
0x7c: {  	p3 =	sgt.u32 @!p2 s31, $0x74;
	s2 =	simm.s32 @!p2 $0x9  }
0x7d: {  	p1 =	por @p0 p3, p1;
	_ =	swait.ge @!p2 [sflag:s2], $0x2800  }
0x7e: {  	p1 =	por p1, !p0;
	[sflag:s2] =	ssyncset.done @!p2 $0x0  }
0x7f: {  	s20 =	simm.s32 @!p1 $0x180;
	[sflag:s2] =	ssyncadd.s32 @!p2 $0xFFFFD800;
	s2 =	simm.s32 @!p1 $0x0  }
0x80: {  	[tilespmem:s20], [sflag:$0x4] =	stream.linear.gather @!p1 [hbm4b:s30+s2], $0x50, $0x38;
	[tilespmem:$0x16C00] =	vst v63  }
0x81: {  	p1 =	seq.s32 @!p0 s0, $0x0  }
0x82: {  	p2 =	por !p1, p0  }
0x83: {  	s0 =	simm.s32 @!p2 $0x1  }
0x84: {  	_ =	swait.ge @!p2 [sflag:s0], $0x50  }
0x85: {  	s2 =	simm.s32 @!p2 $0x0;
	[sflag:s0] =	ssyncset.done @!p2 $0x0  }
0x86: {  	s20 =	simm.s32 @!p2 $0x400;
	[sflag:s0] =	ssyncadd.s32 @!p2 $0xFFFFFFB0;
	s0 =	simm.s32 @!p2 $0x50  }
0x87: {  	[spmem:s1] =	stream.indirect.scatter.add.f32 @!p2 [tilespmem:s20], [sflag:$0x9], $0x80, s2, s0, $0xb8;
	[tilespmem:$0x16C00] =	vst v63  }
0x88: {  	p3 =	sgt.u32 @!p2 s31, $0x74;
	s0 =	simm.s32 @!p2 $0x9  }
0x89: {  	p3 =	por @!p0 p3, !p1;
	_ =	swait.ge @!p2 [sflag:s0], $0x2800  }
0x8a: {  	p3 =	por p3, p0;
	[sflag:s0] =	ssyncset.done @!p2 $0x0  }
0x8b: {  	[sflag:s0] =	ssyncadd.s32 @!p2 $0xFFFFD800;
	s0 =	simm.s32 @!p3 $0x0;
	p2 =	por p1, p0  }
0x8c: {  	[tilespmem:s0], [sflag:$0x1] =	stream.linear.gather @!p3 [hbm4b:s30+s0], $0x50, $0x38;
	[tilespmem:$0x16C00] =	vst v63  }
0x8d: {  	s0 =	simm.s32 @!p2 $0x2  }
0x8e: {  	_ =	swait.ge @!p2 [sflag:s0], $0x50  }
0x8f: {  	s2 =	simm.s32 @!p2 $0x80;
	[sflag:s0] =	ssyncset.done @!p2 $0x0  }
0x90: {  	s20 =	simm.s32 @!p2 $0x400;
	[sflag:s0] =	ssyncadd.s32 @!p2 $0xFFFFFFB0;
	s0 =	simm.s32 @!p2 $0x50  }
0x91: {  	[spmem:s1] =	stream.indirect.scatter.add.f32 @!p2 [tilespmem:s20], [sflag:$0x9], $0x80, s2, s0, $0xb8;
	[tilespmem:$0x16C00] =	vst v63  }
.Ltmp5:
0x92: {  	p3 =	sgt.u32 @!p2 s31, $0x74;
	s0 =	simm.s32 @!p2 $0x9;
	(pc) =	sbr.rel .LBB2_5-.Ltmp5, $4  }
0x93: {  	p1 =	por @!p0 p3, p1;
	_ =	swait.ge @!p2 [sflag:s0], $0x2800  }
0x94: {  	p0 =	por p1, p0;
	[sflag:s0] =	ssyncset.done @!p2 $0x0  }
0x95: {  	s2 =	simm.s32 @!p0 $0x80;
	[sflag:s0] =	ssyncadd.s32 @!p2 $0xFFFFD800;
	s0 =	simm.s32 @!p0 $0x0  }
0x96: {  	[tilespmem:s2], [sflag:$0x2] =	stream.linear.gather @!p0 [hbm4b:s30+s0], $0x50, $0x38;
	[tilespmem:$0x16C00] =	vst v63  }
.LBB2_7:
0x97: {  	_ =	sfence.sel $0x180000  }
0x98: {  	[bflag:$0x0] =	sbarrier.arrive $0xFFFF  }
0x99: {  	_ =	strace $0x90000047  }
0x9a: {  	s0 =	stileid.u32;
	[bflag:$0x2] =	sbarrier.arrive $0xFFFF  }
0x9b: {  	p0 =	sne.s32 s0, $0x0;
	s0 =	rddreg [dreg:$0x2]  }
0x9c: {  	s0 =	sadd.s32 @!p0 $0x100000, s0  }
0x9d: {  	[sflag:s0] =	ssyncadd.tile.s32 @!p0 $0x1;
	_ =	shalt  }
.Lfunc_end2:
_tile_overlayer_lowered:
.L_overlay_start_2:
0x9e: {  	(tag) =	ssettag $0x2  }
0x9f: {  	s0 =	rddreg [dreg:$0x0];
	s2 =	stileid.u32  }
0xa0: {  	s1 =	rddreg [dreg:$0x1];
	p0 =	sne.s32 s2, $0x0  }
0xa1: {  	s3 =	rddreg [dreg:$0x2];
	[bflag:$0x3] =	sbarrier.arrive $0xFFFF;
	s2 =	simm.s32 @!p0 $0x1C09  }
0xa2: {  	[timem:s3], [sflag:s2] =	dma.local @!p0 [hbm:s0], s1  }
0xa3: {  	s0 =	simm.s32 @!p0 $0x9  }
0xa4: {  	_ =	swait.ge @!p0 [sflag:s0], s1  }
0xa5: {  	s1 =	ssub.s32 @!p0 $0x0, s1;
	[sflag:s0] =	ssyncset.done @!p0 $0x0  }
0xa6: {  	[sflag:s0] =	ssyncadd.s32 @!p0 s1  }
0xa7: {  	[bflag:$0x3] =	sbarrier.arrive $0xFFFF  }
0xa8: {  	_ =	shalt  }

</sc_bundles>
